<compile_context>
chip_gen: v7x
topology: tpu7x:2x2x1
jax: 0.10.2.dev20260603
libtpu: 0.0.44.dev20260713+nightly
codegen_flags: <defaults>
</compile_context>

<pallas_src>
import functools

import jax
import jax.numpy as jnp
from jax import lax
from jax.experimental import pallas as pl
from jax.experimental.pallas import tpu as pltpu
from jax.experimental.pallas import tpu_sc as plsc

N = 10000
E = 320000
D_IN = 128
D_H = 128

NC = 2
NS = 16
NW = NC * NS
CHUNK = 128
KC = 80
KCC = 160
EPAD = NW * KC * CHUNK
NACC = 16 * 632
DDEG = 16

_MESH = plsc.VectorSubcoreMesh(core_axis_name="c", subcore_axis_name="s")


def _fill_2d(ref, rows, cols, value):
    vec = jnp.full((16,), value, dtype=jnp.float32)

    def body(r, _):
        for k in range(cols // 16):
            ref[r, pl.ds(k * 16, 16)] = vec
        return 0

    lax.fori_loop(0, rows, body, 0)


def _msg_ring(feat_hbm, acc, src_v, dst_v, bufs, gsems, ssems, n_chunks):
    nb = len(bufs)
    for b in range(nb):
        pltpu.async_copy(feat_hbm.at[src_v.at[b]], bufs[b], gsems[b])

    def body(t, _):
        for b in range(nb):
            j = nb * t + b
            pltpu.make_async_copy(feat_hbm.at[src_v.at[j]], bufs[b], gsems[b]).wait()
            pltpu.async_copy(bufs[b], acc.at[dst_v.at[j]], ssems[b], add=True)

            @pl.when(j + nb < n_chunks)
            def _():
                pltpu.make_async_copy(bufs[b], acc.at[dst_v.at[j]], ssems[b]).wait()
                pltpu.async_copy(feat_hbm.at[src_v.at[j + nb]], bufs[b], gsems[b])

        return 0

    lax.fori_loop(0, n_chunks // nb, body, 0)
    for b in range(nb):
        j = n_chunks - nb + b
        pltpu.make_async_copy(bufs[b], acc.at[dst_v.at[j]], ssems[b]).wait()


def _zero_acc_slice(zeros_ref, acc, base):
    for k in range(4):
        pltpu.sync_copy(zeros_ref, acc.at[pl.ds(base + k * 128, 128), :])
    pltpu.sync_copy(zeros_ref.at[pl.ds(0, 120), :],
                    acc.at[pl.ds(base + 512, 120), :])


def _write_acc_slice(acc, out_slice, base):
    for k in range(4):
        pltpu.sync_copy(acc.at[pl.ds(base + k * 128, 128), :],
                        out_slice.at[pl.ds(base + k * 128, 128), :])
    pltpu.sync_copy(acc.at[pl.ds(base + 512, 120), :],
                    out_slice.at[pl.ds(base + 512, 120), :])


NCH = 2500
B16 = NCH // 16
X16 = NCH % 16
B32 = NCH // 32
X32 = NCH % 32


def _load_idx_16(edge_hbm, which, s, idx_v):
    begin = s * B16 + jnp.minimum(s, X16)
    pltpu.sync_copy(edge_hbm.at[which, pl.ds(begin, B16), :],
                    idx_v.at[pl.ds(0, B16), :])

    @pl.when(s < X16)
    def _():
        pltpu.sync_copy(edge_hbm.at[which, pl.ds(begin + B16, 1), :],
                        idx_v.at[pl.ds(B16, 1), :])


def _load_idx_32(edge_hbm, which, wid, idx_v):
    begin = wid * B32 + jnp.minimum(wid, X32)
    pltpu.sync_copy(edge_hbm.at[which, pl.ds(begin, B32), :],
                    idx_v.at[pl.ds(0, B32), :])

    @pl.when(wid < X32)
    def _():
        pltpu.sync_copy(edge_hbm.at[which, pl.ds(begin + B32, 1), :],
                        idx_v.at[pl.ds(B32, 1), :])


def _msg_tail(feat_hbm, acc, src_v, dst_v, buf, gsem, j):
    pltpu.async_copy(feat_hbm.at[src_v.at[j]], buf, gsem).wait()
    pltpu.sync_copy(buf, acc.at[dst_v.at[j]], add=True)


@functools.partial(
    pl.kernel,
    out_type=jax.ShapeDtypeStruct((NC, NACC, DDEG), jnp.float32),
    mesh=_MESH,
    compiler_params=pltpu.CompilerParams(use_tc_tiling_on_sc=False),
    scratch_types=[
        pltpu.VMEM((B32 + 1, CHUNK), jnp.int32),
        pltpu.VMEM((CHUNK, DDEG), jnp.float32),
        pltpu.VMEM((CHUNK, DDEG), jnp.float32),
        [pltpu.SemaphoreType.DMA for _ in range(4)],
        pltpu.VMEM_SHARED((NACC, DDEG), jnp.float32),
    ],
)
def _deg_kernel(edge_hbm, out_hbm, dst_v, ones_v, zeros_v, ssems, acc):
    c = lax.axis_index("c")
    s = lax.axis_index("s")
    wid = s * NC + c
    base = s * 632

    _fill_2d(ones_v, CHUNK, DDEG, 1.0)
    _fill_2d(zeros_v, CHUNK, DDEG, 0.0)
    _zero_acc_slice(zeros_v, acc, base)
    plsc.subcore_barrier()

    _load_idx_32(edge_hbm, 1, wid, dst_v)

    for b in range(4):
        pltpu.async_copy(ones_v, acc.at[dst_v.at[b]], ssems[b], add=True)

    def body(t, _):
        for b in range(4):
            j = 4 * t + b
            pltpu.make_async_copy(ones_v, acc.at[dst_v.at[j]], ssems[b]).wait()

            @pl.when(j + 4 < 76)
            def _():
                pltpu.async_copy(ones_v, acc.at[dst_v.at[j + 4]], ssems[b], add=True)

        return 0

    lax.fori_loop(0, 76 // 4, body, 0)
    for j in (76, 77):
        pltpu.sync_copy(ones_v, acc.at[dst_v.at[j]], add=True)

    @pl.when(wid < X32)
    def _():
        pltpu.sync_copy(ones_v, acc.at[dst_v.at[B32]], add=True)

    plsc.subcore_barrier()
    _write_acc_slice(acc, out_hbm.at[c], base)


_DH2 = 64


@functools.partial(
    pl.kernel,
    out_type=jax.ShapeDtypeStruct((NC, NACC, _DH2), jnp.float32),
    mesh=_MESH,
    compiler_params=pltpu.CompilerParams(use_tc_tiling_on_sc=False),
    scratch_types=[
        pltpu.VMEM((B16 + 1, CHUNK), jnp.int32),
        pltpu.VMEM((B16 + 1, CHUNK), jnp.int32),
        [pltpu.VMEM((CHUNK, _DH2), jnp.float32) for _ in range(4)],
        [pltpu.SemaphoreType.DMA for _ in range(4)],
        [pltpu.SemaphoreType.DMA for _ in range(4)],
        pltpu.VMEM_SHARED((NACC, _DH2), jnp.float32),
    ],
)
def _msg128_kernel(edge_hbm, f0_hbm, f1_hbm, out_hbm,
                   src_v, dst_v, bufs, gsems, ssems, acc):
    c = lax.axis_index("c")
    s = lax.axis_index("s")
    base = s * 632

    _fill_2d(bufs[0], CHUNK, _DH2, 0.0)
    _zero_acc_slice(bufs[0], acc, base)
    plsc.subcore_barrier()

    _load_idx_16(edge_hbm, 0, s, src_v)
    _load_idx_16(edge_hbm, 1, s, dst_v)

    def run(feat_hbm):
        _msg_ring(feat_hbm, acc, src_v, dst_v, bufs, gsems, ssems, B16)

        @pl.when(s < X16)
        def _():
            _msg_tail(feat_hbm, acc, src_v, dst_v, bufs[0], gsems[0], B16)

    @pl.when(c == 0)
    def _():
        run(f0_hbm)

    @pl.when(c == 1)
    def _():
        run(f1_hbm)

    plsc.subcore_barrier()
    _write_acc_slice(acc, out_hbm.at[c], base)


_D2 = 16


@functools.partial(
    pl.kernel,
    out_type=jax.ShapeDtypeStruct((NC, NACC, _D2), jnp.float32),
    mesh=_MESH,
    compiler_params=pltpu.CompilerParams(use_tc_tiling_on_sc=False),
    scratch_types=[
        pltpu.VMEM((B32 + 1, CHUNK), jnp.int32),
        pltpu.VMEM((B32 + 1, CHUNK), jnp.int32),
        [pltpu.VMEM((CHUNK, _D2), jnp.float32) for _ in range(4)],
        [pltpu.SemaphoreType.DMA for _ in range(4)],
        [pltpu.SemaphoreType.DMA for _ in range(4)],
        pltpu.VMEM_SHARED((NACC, _D2), jnp.float32),
        pltpu.VMEM_SHARED((N, _D2), jnp.float32),
    ],
)
def _msg16_kernel(edge_hbm, feat_hbm, out_hbm,
                  src_v, dst_v, bufs, gsems, ssems, acc, feat_spm):
    c = lax.axis_index("c")
    s = lax.axis_index("s")
    wid = s * NC + c
    base = s * 632

    _fill_2d(bufs[0], CHUNK, _D2, 0.0)
    _zero_acc_slice(bufs[0], acc, base)
    for k in range(4):
        off = base + k * 128

        @pl.when(off + 128 <= N)
        def _(off=off):
            pltpu.sync_copy(feat_hbm.at[pl.ds(off, 128), :],
                            feat_spm.at[pl.ds(off, 128), :])

    @pl.when(base + 512 + 120 <= N)
    def _():
        pltpu.sync_copy(feat_hbm.at[pl.ds(base + 512, 120), :],
                        feat_spm.at[pl.ds(base + 512, 120), :])

    @pl.when(s == 15)
    def _():
        pltpu.sync_copy(feat_hbm.at[pl.ds(9984, 16), :],
                        feat_spm.at[pl.ds(9984, 16), :])

    plsc.subcore_barrier()

    _load_idx_32(edge_hbm, 0, wid, src_v)
    _load_idx_32(edge_hbm, 1, wid, dst_v)

    _msg_ring(feat_spm, acc, src_v, dst_v, bufs, gsems, ssems, 76)
    for j in (76, 77):
        _msg_tail(feat_spm, acc, src_v, dst_v, bufs[0], gsems[0], j)

    @pl.when(wid < X32)
    def _():
        _msg_tail(feat_spm, acc, src_v, dst_v, bufs[0], gsems[0], B32)

    plsc.subcore_barrier()
    _write_acc_slice(acc, out_hbm.at[c], base)


_RB = 2000
_GRID = N // _RB


def _dinv_of(degp_ref):
    deg = degp_ref[0, :, 0:1] + degp_ref[1, :, 0:1] + 1.0
    return lax.rsqrt(deg)


def _tc_pre_body(x_ref, w1_ref, degp_ref, f0_ref, f1_ref):
    dinv = _dinv_of(degp_ref)
    xw = dinv * jnp.dot(x_ref[...], w1_ref[...], preferred_element_type=jnp.float32)
    f0_ref[...] = xw[:, :_DH2]
    f1_ref[...] = xw[:, _DH2:]


def _tc_mid_body(a0_ref, a1_ref, f0_ref, f1_ref, degp_ref, b1_ref, w2_ref, out_ref):
    dinv = _dinv_of(degp_ref)
    h0 = jnp.tanh(dinv * (a0_ref[0] + f0_ref[...]) + b1_ref[:_DH2])
    h1 = jnp.tanh(dinv * (a1_ref[0] + f1_ref[...]) + b1_ref[_DH2:])
    hw2 = dinv * (
        jnp.dot(h0, w2_ref[:_DH2], preferred_element_type=jnp.float32)
        + jnp.dot(h1, w2_ref[_DH2:], preferred_element_type=jnp.float32))
    out_ref[...] = jnp.concatenate(
        [hw2, jnp.zeros((hw2.shape[0], _D2 - hw2.shape[1]), jnp.float32)], axis=1)


def _tc_post_body(c0_ref, c1_ref, hw_ref, degp_ref, b2_ref, wc_ref, bc_ref, out_ref):
    dinv = _dinv_of(degp_ref)
    nd = b2_ref.shape[0]
    emb = jnp.tanh(
        dinv * (c0_ref[0, :, :nd] + c1_ref[0, :, :nd] + hw_ref[:, :nd]) + b2_ref[...])
    out_ref[...] = jax.nn.sigmoid(
        jnp.dot(emb, wc_ref[...], preferred_element_type=jnp.float32) + bc_ref[...])


def _row_block(d):
    return pl.BlockSpec((_RB, d), lambda i: (i, 0))


def _acc_block(part, d):
    return pl.BlockSpec((1, _RB, d), lambda i, p=part: (p, i, 0))


def _deg_block():
    return pl.BlockSpec((2, _RB, DDEG), lambda i: (0, i, 0))


def _full(shape):
    return pl.BlockSpec(shape, lambda i: tuple(0 for _ in shape))


def kernel(x, edge_index, W1, b1, W2, b2, Wc, bc):
    f32 = jnp.float32
    edge3d = edge_index.reshape(2, NCH, CHUNK)

    degp = _deg_kernel(edge3d)

    f0, f1 = pl.pallas_call(
        _tc_pre_body,
        grid=(_GRID,),
        in_specs=[_row_block(D_IN), _full((D_IN, D_H)), _deg_block()],
        out_specs=[_row_block(_DH2), _row_block(_DH2)],
        out_shape=[jax.ShapeDtypeStruct((N, _DH2), f32),
                   jax.ShapeDtypeStruct((N, _DH2), f32)],
    )(x, W1, degp)

    acc1 = _msg128_kernel(edge3d, f0, f1)

    hw2s = pl.pallas_call(
        _tc_mid_body,
        grid=(_GRID,),
        in_specs=[_acc_block(0, _DH2), _acc_block(1, _DH2),
                  _row_block(_DH2), _row_block(_DH2),
                  _deg_block(), _full((D_H,)), _full((D_H, W2.shape[1]))],
        out_specs=_row_block(_D2),
        out_shape=jax.ShapeDtypeStruct((N, _D2), f32),
    )(acc1, acc1, f0, f1, degp, b1, W2)

    acc2 = _msg16_kernel(edge3d, hw2s)

    out = pl.pallas_call(
        _tc_post_body,
        grid=(_GRID,),
        in_specs=[_acc_block(0, _D2), _acc_block(1, _D2), _row_block(_D2),
                  _deg_block(), _full((W2.shape[1],)),
                  _full((Wc.shape[0], Wc.shape[1])), _full((Wc.shape[1],))],
        out_specs=_row_block(Wc.shape[1]),
        out_shape=jax.ShapeDtypeStruct((N, Wc.shape[1]), f32),
    )(acc2, acc2, hw2s, degp, b2, Wc, bc)

    return out

# --- scband reference (transcript-rebuilt; emitter-appended) ---
"""Pipeline reference for scband-gcn-32607391711761 (READ-ONLY COPY).

The authoritative reference and input builder live on the scoring server;
editing this copy changes nothing except your own understanding.
"""

import jax, jax.numpy as jnp
import numpy as np

N = 10000
E = 320000
D_IN = 128
D_H = 128
D_OUT = 4


def setup_inputs(seed: int = 0) -> dict:
    key = jax.random.key(seed)
    ks = jax.random.split(key, 8)
    x = jax.random.normal(ks[0], (N, D_IN), dtype=jnp.float32)
    edge_index = jax.random.randint(ks[1], (2, E), 0, N, dtype=jnp.int32)
    W1 = jax.random.normal(ks[2], (D_IN, D_H), dtype=jnp.float32) * (1.0 / np.sqrt(D_IN))
    b1 = jnp.zeros((D_H,), dtype=jnp.float32)
    W2 = jax.random.normal(ks[3], (D_H, 2), dtype=jnp.float32) * (1.0 / np.sqrt(D_H))
    b2 = jnp.zeros((2,), dtype=jnp.float32)
    Wc = jax.random.normal(ks[4], (2, D_OUT), dtype=jnp.float32) * (1.0 / np.sqrt(2.0))
    bc = jnp.zeros((D_OUT,), dtype=jnp.float32)
    return {"x": x, "edge_index": edge_index, "W1": W1, "b1": b1, "W2": W2, "b2": b2, "Wc": Wc, "bc": bc}


def gcn_conv(x, edge_index, W, b):
    # PyG-style GCNConv: add self-loops, symmetric normalization, scatter-add aggregation
    n = x.shape[0]
    loops = jnp.arange(n, dtype=edge_index.dtype)
    src = jnp.concatenate([edge_index[0], loops])
    dst = jnp.concatenate([edge_index[1], loops])
    xw = x @ W
    deg = jnp.zeros((n,), dtype=x.dtype).at[dst].add(1.0)
    dinv = jnp.where(deg > 0, jax.lax.rsqrt(jnp.maximum(deg, 1e-12)), 0.0)
    norm = dinv[src] * dinv[dst]
    msg = xw[src] * norm[:, None]
    out = jnp.zeros((n, W.shape[1]), dtype=x.dtype).at[dst].add(msg)
    return out + b


def reference(x, edge_index, W1, b1, W2, b2, Wc, bc):
    h = jnp.tanh(gcn_conv(x, edge_index, W1, b1))
    emb = jnp.tanh(gcn_conv(h, edge_index, W2, b2))
    out = emb @ Wc + bc
    return jax.nn.sigmoid(out)

if __name__ == "__main__":
    import jax
    _d = setup_inputs()
    print(jax.jit(kernel)(*tuple(_d.values())))

</pallas_src>

<mosaic_0001>
#map = affine_map<(d0, d1) -> (0, 0, 0)>
#map1 = affine_map<(d0, d1) -> (0, 0)>
module attributes {stable_mosaic.version = 14 : i64} {
  func.func @_msg128_kernel(%arg0: i32, %arg1: i32, %arg2: memref<2x2500x128xi32, #tpu.memory_space<hbm>>, %arg3: memref<10000x64xf32, #tpu.memory_space<hbm>>, %arg4: memref<10000x64xf32, #tpu.memory_space<hbm>>, %arg5: memref<2x10112x64xf32, #tpu.memory_space<hbm>>, %arg6: memref<157x128xi32, #tpu.memory_space<vmem>>, %arg7: memref<157x128xi32, #tpu.memory_space<vmem>>, %arg8: memref<128x64xf32, #tpu.memory_space<vmem>>, %arg9: memref<128x64xf32, #tpu.memory_space<vmem>>, %arg10: memref<128x64xf32, #tpu.memory_space<vmem>>, %arg11: memref<128x64xf32, #tpu.memory_space<vmem>>, %arg12: memref<!tpu.dma_semaphore, #tpu.memory_space<semaphore_mem>>, %arg13: memref<!tpu.dma_semaphore, #tpu.memory_space<semaphore_mem>>, %arg14: memref<!tpu.dma_semaphore, #tpu.memory_space<semaphore_mem>>, %arg15: memref<!tpu.dma_semaphore, #tpu.memory_space<semaphore_mem>>, %arg16: memref<!tpu.dma_semaphore, #tpu.memory_space<semaphore_mem>>, %arg17: memref<!tpu.dma_semaphore, #tpu.memory_space<semaphore_mem>>, %arg18: memref<!tpu.dma_semaphore, #tpu.memory_space<semaphore_mem>>, %arg19: memref<!tpu.dma_semaphore, #tpu.memory_space<semaphore_mem>>, %arg20: memref<10112x64xf32, #tpu.memory_space<vmem_shared>>) attributes {dimension_semantics = [#tpu.dimension_semantics<core_parallel>, #tpu.dimension_semantics<subcore_parallel>], iteration_bounds = array<i64: 2, 16>, scalar_prefetch = 0 : i64, scratch_operands = 15 : i64, tpu.core_type = #tpu.core_type<sc_vector_subcore>, window_params = [{transform_indices = #map}, {transform_indices = #map1}, {transform_indices = #map1}, {transform_indices = #map}]} {
    %mul3A = arith.constant 632 : i32
    %mul3A_0 = arith.muli %arg1, %mul3A : i32
    %broadcast_in_dim3A = arith.constant 0.000000e+00 : f32
    %broadcast_in_dim3A_1 = vector.broadcast %broadcast_in_dim3A : f32 to vector<16xf32>
    %scan3A = arith.constant 0 : i32
    %scan3A_2 = arith.constant 0 : i32
    %scan3A_3 = arith.constant 128 : i32
    %scan3A_4 = arith.addi %scan3A_2, %scan3A_3 : i32
    %scan3A_5 = arith.constant 1 : i32
    %scan3A_6 = scf.for %scan3A_64 = %scan3A_2 to %scan3A_4 step %scan3A_5 iter_args(%scan3A_65 = %scan3A) -> (i32)  : i32 {
      %swap3A = arith.index_cast %scan3A_64 : i32 to index
      %swap3A_66 = arith.constant 0 : index
      %swap3A_67 = tpu.vector_load %arg8[%swap3A, %swap3A_66] {strides = array<i32>} : memref<128x64xf32, #tpu.memory_space<vmem>>, vector<1x16xf32>,
      %swap3A_68 = vector.shape_cast %swap3A_67 : vector<1x16xf32> to vector<16xf32>
      %swap3A_69 = vector.shape_cast %broadcast_in_dim3A_1 : vector<16xf32> to vector<1x16xf32>
      tpu.vector_store %arg8[%swap3A, %swap3A_66], %swap3A_69 {strides = array<i32>} : memref<128x64xf32, #tpu.memory_space<vmem>>, vector<1x16xf32>,
      %swap3A_70 = arith.index_cast %scan3A_64 : i32 to index
      %swap3A_71 = arith.constant 16 : index
      %swap3A_72 = tpu.vector_load %arg8[%swap3A_70, %swap3A_71] {strides = array<i32>} : memref<128x64xf32, #tpu.memory_space<vmem>>, vector<1x16xf32>,
      %swap3A_73 = vector.shape_cast %swap3A_72 : vector<1x16xf32> to vector<16xf32>
      %swap3A_74 = vector.shape_cast %broadcast_in_dim3A_1 : vector<16xf32> to vector<1x16xf32>
      tpu.vector_store %arg8[%swap3A_70, %swap3A_71], %swap3A_74 {strides = array<i32>} : memref<128x64xf32, #tpu.memory_space<vmem>>, vector<1x16xf32>,
      %swap3A_75 = arith.index_cast %scan3A_64 : i32 to index
      %swap3A_76 = arith.constant 32 : index
      %swap3A_77 = tpu.vector_load %arg8[%swap3A_75, %swap3A_76] {strides = array<i32>} : memref<128x64xf32, #tpu.memory_space<vmem>>, vector<1x16xf32>,
      %swap3A_78 = vector.shape_cast %swap3A_77 : vector<1x16xf32> to vector<16xf32>
      %swap3A_79 = vector.shape_cast %broadcast_in_dim3A_1 : vector<16xf32> to vector<1x16xf32>
      tpu.vector_store %arg8[%swap3A_75, %swap3A_76], %swap3A_79 {strides = array<i32>} : memref<128x64xf32, #tpu.memory_space<vmem>>, vector<1x16xf32>,
      %swap3A_80 = arith.index_cast %scan3A_64 : i32 to index
      %swap3A_81 = arith.constant 48 : index
      %swap3A_82 = tpu.vector_load %arg8[%swap3A_80, %swap3A_81] {strides = array<i32>} : memref<128x64xf32, #tpu.memory_space<vmem>>, vector<1x16xf32>,
      %swap3A_83 = vector.shape_cast %swap3A_82 : vector<1x16xf32> to vector<16xf32>
      %swap3A_84 = vector.shape_cast %broadcast_in_dim3A_1 : vector<16xf32> to vector<1x16xf32>
      tpu.vector_store %arg8[%swap3A_80, %swap3A_81], %swap3A_84 {strides = array<i32>} : memref<128x64xf32, #tpu.memory_space<vmem>>, vector<1x16xf32>,
      %scan3A_85 = arith.constant 0 : i32
      scf.yield %scan3A_85 : i32
    }
    %scan3A_7 = arith.constant 128 : i32
    %add3A = arith.constant 0 : i32
    %add3A_8 = arith.addi %mul3A_0, %add3A : i32
    "tpu.region"() ({
      %run_scoped3A_64 = tpu.sem_alloc : memref<!tpu.dma_semaphore, #tpu.memory_space<semaphore_mem>>
      %dma_start3A = arith.constant 0 : i32
      %dma_start3A_65 = tpu.memref_slice %arg20[%add3A_8, %dma_start3A] : memref<10112x64xf32, #tpu.memory_space<vmem_shared>> -> memref<128x64xf32, #tpu.memory_space<vmem_shared>>
      %dma_start3A_66 = arith.constant 0 : i32
      %dma_start3A_67 = tpu.memref_slice %arg20[%add3A_8, %dma_start3A_66] : memref<10112x64xf32, #tpu.memory_space<vmem_shared>> -> memref<128x64xf32, #tpu.memory_space<vmem_shared>>
      tpu.enqueue_dma source(%arg8 : memref<128x64xf32, #tpu.memory_space<vmem>>) target(%dma_start3A_67 : memref<128x64xf32, #tpu.memory_space<vmem_shared>>) target_semaphore(%run_scoped3A_64 : memref<!tpu.dma_semaphore, #tpu.memory_space<semaphore_mem>>)
      %dma_wait3A = arith.constant 0 : i32
      %dma_wait3A_68 = tpu.memref_slice %arg20[%add3A_8, %dma_wait3A] : memref<10112x64xf32, #tpu.memory_space<vmem_shared>> -> memref<128x64xf32, #tpu.memory_space<vmem_shared>>
      %dma_wait3A_69 = arith.constant 0 : i32
      %dma_wait3A_70 = tpu.memref_slice %arg20[%add3A_8, %dma_wait3A_69] : memref<10112x64xf32, #tpu.memory_space<vmem_shared>> -> memref<128x64xf32, #tpu.memory_space<vmem_shared>>
      tpu.wait_dma2 semaphore(%run_scoped3A_64 : memref<!tpu.dma_semaphore, #tpu.memory_space<semaphore_mem>>) src(%arg8 : memref<128x64xf32, #tpu.memory_space<vmem>>) dst(%dma_wait3A_70 : memref<128x64xf32, #tpu.memory_space<vmem_shared>>)
      tpu.yield
    }) : () -> ()
    %add3A_9 = arith.constant 128 : i32
    %add3A_10 = arith.addi %mul3A_0, %add3A_9 : i32
    "tpu.region"() ({
      %run_scoped3A_64 = tpu.sem_alloc : memref<!tpu.dma_semaphore, #tpu.memory_space<semaphore_mem>>
      %dma_start3A = arith.constant 0 : i32
      %dma_start3A_65 = tpu.memref_slice %arg20[%add3A_10, %dma_start3A] : memref<10112x64xf32, #tpu.memory_space<vmem_shared>> -> memref<128x64xf32, #tpu.memory_space<vmem_shared>>
      %dma_start3A_66 = arith.constant 0 : i32
      %dma_start3A_67 = tpu.memref_slice %arg20[%add3A_10, %dma_start3A_66] : memref<10112x64xf32, #tpu.memory_space<vmem_shared>> -> memref<128x64xf32, #tpu.memory_space<vmem_shared>>
      tpu.enqueue_dma source(%arg8 : memref<128x64xf32, #tpu.memory_space<vmem>>) target(%dma_start3A_67 : memref<128x64xf32, #tpu.memory_space<vmem_shared>>) target_semaphore(%run_scoped3A_64 : memref<!tpu.dma_semaphore, #tpu.memory_space<semaphore_mem>>)
      %dma_wait3A = arith.constant 0 : i32
      %dma_wait3A_68 = tpu.memref_slice %arg20[%add3A_10, %dma_wait3A] : memref<10112x64xf32, #tpu.memory_space<vmem_shared>> -> memref<128x64xf32, #tpu.memory_space<vmem_shared>>
      %dma_wait3A_69 = arith.constant 0 : i32
      %dma_wait3A_70 = tpu.memref_slice %arg20[%add3A_10, %dma_wait3A_69] : memref<10112x64xf32, #tpu.memory_space<vmem_shared>> -> memref<128x64xf32, #tpu.memory_space<vmem_shared>>
      tpu.wait_dma2 semaphore(%run_scoped3A_64 : memref<!tpu.dma_semaphore, #tpu.memory_space<semaphore_mem>>) src(%arg8 : memref<128x64xf32, #tpu.memory_space<vmem>>) dst(%dma_wait3A_70 : memref<128x64xf32, #tpu.memory_space<vmem_shared>>)
      tpu.yield
    }) : () -> ()
    %add3A_11 = arith.constant 256 : i32
    %add3A_12 = arith.addi %mul3A_0, %add3A_11 : i32
    "tpu.region"() ({
      %run_scoped3A_64 = tpu.sem_alloc : memref<!tpu.dma_semaphore, #tpu.memory_space<semaphore_mem>>
      %dma_start3A = arith.constant 0 : i32
      %dma_start3A_65 = tpu.memref_slice %arg20[%add3A_12, %dma_start3A] : memref<10112x64xf32, #tpu.memory_space<vmem_shared>> -> memref<128x64xf32, #tpu.memory_space<vmem_shared>>
      %dma_start3A_66 = arith.constant 0 : i32
      %dma_start3A_67 = tpu.memref_slice %arg20[%add3A_12, %dma_start3A_66] : memref<10112x64xf32, #tpu.memory_space<vmem_shared>> -> memref<128x64xf32, #tpu.memory_space<vmem_shared>>
      tpu.enqueue_dma source(%arg8 : memref<128x64xf32, #tpu.memory_space<vmem>>) target(%dma_start3A_67 : memref<128x64xf32, #tpu.memory_space<vmem_shared>>) target_semaphore(%run_scoped3A_64 : memref<!tpu.dma_semaphore, #tpu.memory_space<semaphore_mem>>)
      %dma_wait3A = arith.constant 0 : i32
      %dma_wait3A_68 = tpu.memref_slice %arg20[%add3A_12, %dma_wait3A] : memref<10112x64xf32, #tpu.memory_space<vmem_shared>> -> memref<128x64xf32, #tpu.memory_space<vmem_shared>>
      %dma_wait3A_69 = arith.constant 0 : i32
      %dma_wait3A_70 = tpu.memref_slice %arg20[%add3A_12, %dma_wait3A_69] : memref<10112x64xf32, #tpu.memory_space<vmem_shared>> -> memref<128x64xf32, #tpu.memory_space<vmem_shared>>
      tpu.wait_dma2 semaphore(%run_scoped3A_64 : memref<!tpu.dma_semaphore, #tpu.memory_space<semaphore_mem>>) src(%arg8 : memref<128x64xf32, #tpu.memory_space<vmem>>) dst(%dma_wait3A_70 : memref<128x64xf32, #tpu.memory_space<vmem_shared>>)
      tpu.yield
    }) : () -> ()
    %add3A_13 = arith.constant 384 : i32
    %add3A_14 = arith.addi %mul3A_0, %add3A_13 : i32
    "tpu.region"() ({
      %run_scoped3A_64 = tpu.sem_alloc : memref<!tpu.dma_semaphore, #tpu.memory_space<semaphore_mem>>
      %dma_start3A = arith.constant 0 : i32
      %dma_start3A_65 = tpu.memref_slice %arg20[%add3A_14, %dma_start3A] : memref<10112x64xf32, #tpu.memory_space<vmem_shared>> -> memref<128x64xf32, #tpu.memory_space<vmem_shared>>
      %dma_start3A_66 = arith.constant 0 : i32
      %dma_start3A_67 = tpu.memref_slice %arg20[%add3A_14, %dma_start3A_66] : memref<10112x64xf32, #tpu.memory_space<vmem_shared>> -> memref<128x64xf32, #tpu.memory_space<vmem_shared>>
      tpu.enqueue_dma source(%arg8 : memref<128x64xf32, #tpu.memory_space<vmem>>) target(%dma_start3A_67 : memref<128x64xf32, #tpu.memory_space<vmem_shared>>) target_semaphore(%run_scoped3A_64 : memref<!tpu.dma_semaphore, #tpu.memory_space<semaphore_mem>>)
      %dma_wait3A = arith.constant 0 : i32
      %dma_wait3A_68 = tpu.memref_slice %arg20[%add3A_14, %dma_wait3A] : memref<10112x64xf32, #tpu.memory_space<vmem_shared>> -> memref<128x64xf32, #tpu.memory_space<vmem_shared>>
      %dma_wait3A_69 = arith.constant 0 : i32
      %dma_wait3A_70 = tpu.memref_slice %arg20[%add3A_14, %dma_wait3A_69] : memref<10112x64xf32, #tpu.memory_space<vmem_shared>> -> memref<128x64xf32, #tpu.memory_space<vmem_shared>>
      tpu.wait_dma2 semaphore(%run_scoped3A_64 : memref<!tpu.dma_semaphore, #tpu.memory_space<semaphore_mem>>) src(%arg8 : memref<128x64xf32, #tpu.memory_space<vmem>>) dst(%dma_wait3A_70 : memref<128x64xf32, #tpu.memory_space<vmem_shared>>)
      tpu.yield
    }) : () -> ()
    %add3A_15 = arith.constant 512 : i32
    %add3A_16 = arith.addi %mul3A_0, %add3A_15 : i32
    "tpu.region"() ({
      %run_scoped3A_64 = tpu.sem_alloc : memref<!tpu.dma_semaphore, #tpu.memory_space<semaphore_mem>>
      %dma_start3A = arith.constant 0 : i32
      %dma_start3A_65 = arith.constant 0 : i32
      %dma_start3A_66 = tpu.memref_slice %arg8[%dma_start3A, %dma_start3A_65] : memref<128x64xf32, #tpu.memory_space<vmem>> -> memref<120x64xf32, #tpu.memory_space<vmem>>
      %dma_start3A_67 = arith.constant 0 : i32
      %dma_start3A_68 = tpu.memref_slice %arg20[%add3A_16, %dma_start3A_67] : memref<10112x64xf32, #tpu.memory_space<vmem_shared>> -> memref<120x64xf32, #tpu.memory_space<vmem_shared>>
      %dma_start3A_69 = arith.constant 0 : i32
      %dma_start3A_70 = tpu.memref_slice %arg20[%add3A_16, %dma_start3A_69] : memref<10112x64xf32, #tpu.memory_space<vmem_shared>> -> memref<120x64xf32, #tpu.memory_space<vmem_shared>>
      %dma_start3A_71 = arith.constant 0 : i32
      %dma_start3A_72 = arith.constant 0 : i32
      %dma_start3A_73 = tpu.memref_slice %arg8[%dma_start3A_71, %dma_start3A_72] : memref<128x64xf32, #tpu.memory_space<vmem>> -> memref<120x64xf32, #tpu.memory_space<vmem>>
      tpu.enqueue_dma source(%dma_start3A_73 : memref<120x64xf32, #tpu.memory_space<vmem>>) target(%dma_start3A_70 : memref<120x64xf32, #tpu.memory_space<vmem_shared>>) target_semaphore(%run_scoped3A_64 : memref<!tpu.dma_semaphore, #tpu.memory_space<semaphore_mem>>)
      %dma_wait3A = arith.constant 0 : i32
      %dma_wait3A_74 = arith.constant 0 : i32
      %dma_wait3A_75 = tpu.memref_slice %arg8[%dma_wait3A, %dma_wait3A_74] : memref<128x64xf32, #tpu.memory_space<vmem>> -> memref<120x64xf32, #tpu.memory_space<vmem>>
      %dma_wait3A_76 = arith.constant 0 : i32
      %dma_wait3A_77 = tpu.memref_slice %arg20[%add3A_16, %dma_wait3A_76] : memref<10112x64xf32, #tpu.memory_space<vmem_shared>> -> memref<120x64xf32, #tpu.memory_space<vmem_shared>>
      %dma_wait3A_78 = arith.constant 0 : i32
      %dma_wait3A_79 = tpu.memref_slice %arg20[%add3A_16, %dma_wait3A_78] : memref<10112x64xf32, #tpu.memory_space<vmem_shared>> -> memref<120x64xf32, #tpu.memory_space<vmem_shared>>
      %dma_wait3A_80 = arith.constant 0 : i32
      %dma_wait3A_81 = arith.constant 0 : i32
      %dma_wait3A_82 = tpu.memref_slice %arg8[%dma_wait3A_80, %dma_wait3A_81] : memref<128x64xf32, #tpu.memory_space<vmem>> -> memref<120x64xf32, #tpu.memory_space<vmem>>
      tpu.wait_dma2 semaphore(%run_scoped3A_64 : memref<!tpu.dma_semaphore, #tpu.memory_space<semaphore_mem>>) src(%dma_wait3A_82 : memref<120x64xf32, #tpu.memory_space<vmem>>) dst(%dma_wait3A_79 : memref<120x64xf32, #tpu.memory_space<vmem_shared>>)
      tpu.yield
    }) : () -> ()
    %barrier3A = arith.constant 0 : index
    tpu.barrier barrier_id(%barrier3A)
    %mul3A_17 = arith.constant 156 : i32
    %mul3A_18 = arith.muli %arg1, %mul3A_17 : i32
    %min3A = arith.constant 4 : i32
    %min3A_19 = arith.minsi %arg1, %min3A : i32
    %add3A_20 = arith.addi %mul3A_18, %min3A_19 : i32
    %run_scoped3A = arith.constant 0 : i32
    "tpu.region"() ({
      %run_scoped3A_64 = tpu.sem_alloc : memref<!tpu.dma_semaphore, #tpu.memory_space<semaphore_mem>>
      %dma_start3A = arith.constant 0 : i32
      %dma_start3A_65 = arith.constant 0 : i32
      %dma_start3A_66 = tpu.memref_slice %arg6[%dma_start3A, %dma_start3A_65] : memref<157x128xi32, #tpu.memory_space<vmem>> -> memref<156x128xi32, #tpu.memory_space<vmem>>
      %dma_start3A_67 = arith.constant 0 : i32
      %dma_start3A_68 = tpu.memref_slice %arg2[%run_scoped3A, %add3A_20, %dma_start3A_67] : memref<2x2500x128xi32, #tpu.memory_space<hbm>> -> memref<1x156x128xi32, #tpu.memory_space<hbm>>
      %dma_start3A_69 = tpu.memref_squeeze %dma_start3A_68 : memref<1x156x128xi32, #tpu.memory_space<hbm>> -> memref<156x128xi32, #tpu.memory_space<hbm>>
      %dma_start3A_70 = arith.constant 0 : i32
      %dma_start3A_71 = arith.constant 0 : i32
      %dma_start3A_72 = tpu.memref_slice %arg6[%dma_start3A_70, %dma_start3A_71] : memref<157x128xi32, #tpu.memory_space<vmem>> -> memref<156x128xi32, #tpu.memory_space<vmem>>
      %dma_start3A_73 = arith.constant 0 : i32
      %dma_start3A_74 = tpu.memref_slice %arg2[%run_scoped3A, %add3A_20, %dma_start3A_73] : memref<2x2500x128xi32, #tpu.memory_space<hbm>> -> memref<1x156x128xi32, #tpu.memory_space<hbm>>
      %dma_start3A_75 = tpu.memref_squeeze %dma_start3A_74 : memref<1x156x128xi32, #tpu.memory_space<hbm>> -> memref<156x128xi32, #tpu.memory_space<hbm>>
      tpu.enqueue_dma source(%dma_start3A_75 : memref<156x128xi32, #tpu.memory_space<hbm>>) target(%dma_start3A_72 : memref<156x128xi32, #tpu.memory_space<vmem>>) target_semaphore(%run_scoped3A_64 : memref<!tpu.dma_semaphore, #tpu.memory_space<semaphore_mem>>)
      %dma_wait3A = arith.constant 0 : i32
      %dma_wait3A_76 = arith.constant 0 : i32
      %dma_wait3A_77 = tpu.memref_slice %arg6[%dma_wait3A, %dma_wait3A_76] : memref<157x128xi32, #tpu.memory_space<vmem>> -> memref<156x128xi32, #tpu.memory_space<vmem>>
      %dma_wait3A_78 = arith.constant 0 : i32
      %dma_wait3A_79 = tpu.memref_slice %arg2[%run_scoped3A, %add3A_20, %dma_wait3A_78] : memref<2x2500x128xi32, #tpu.memory_space<hbm>> -> memref<1x156x128xi32, #tpu.memory_space<hbm>>
      %dma_wait3A_80 = tpu.memref_squeeze %dma_wait3A_79 : memref<1x156x128xi32, #tpu.memory_space<hbm>> -> memref<156x128xi32, #tpu.memory_space<hbm>>
      %dma_wait3A_81 = arith.constant 0 : i32
      %dma_wait3A_82 = arith.constant 0 : i32
      %dma_wait3A_83 = tpu.memref_slice %arg6[%dma_wait3A_81, %dma_wait3A_82] : memref<157x128xi32, #tpu.memory_space<vmem>> -> memref<156x128xi32, #tpu.memory_space<vmem>>
      %dma_wait3A_84 = arith.constant 0 : i32
      %dma_wait3A_85 = tpu.memref_slice %arg2[%run_scoped3A, %add3A_20, %dma_wait3A_84] : memref<2x2500x128xi32, #tpu.memory_space<hbm>> -> memref<1x156x128xi32, #tpu.memory_space<hbm>>
      %dma_wait3A_86 = tpu.memref_squeeze %dma_wait3A_85 : memref<1x156x128xi32, #tpu.memory_space<hbm>> -> memref<156x128xi32, #tpu.memory_space<hbm>>
      tpu.wait_dma2 semaphore(%run_scoped3A_64 : memref<!tpu.dma_semaphore, #tpu.memory_space<semaphore_mem>>) src(%dma_wait3A_86 : memref<156x128xi32, #tpu.memory_space<hbm>>) dst(%dma_wait3A_83 : memref<156x128xi32, #tpu.memory_space<vmem>>)
      tpu.yield
    }) : () -> ()
    %lt3A = arith.constant 4 : i32
    %lt3A_21 = arith.cmpi slt, %arg1, %lt3A : i32
    %convert_element_type3A = arith.extui %lt3A_21 : i1 to i32
    %cond3A = arith.constant 0 : i32
    %cond3A_22 = arith.cmpi ne, %convert_element_type3A, %cond3A : i32
    scf.if %cond3A_22 {
      %add3A_64 = arith.constant 156 : i32
      %add3A_65 = arith.addi %add3A_20, %add3A_64 : i32
      %run_scoped3A_66 = arith.constant 0 : i32
      "tpu.region"() ({
        %run_scoped3A_67 = tpu.sem_alloc : memref<!tpu.dma_semaphore, #tpu.memory_space<semaphore_mem>>
        %dma_start3A = arith.constant 156 : i32
        %dma_start3A_68 = arith.constant 0 : i32
        %dma_start3A_69 = tpu.memref_slice %arg6[%dma_start3A, %dma_start3A_68] : memref<157x128xi32, #tpu.memory_space<vmem>> -> memref<1x128xi32, #tpu.memory_space<vmem>>
        %dma_start3A_70 = arith.constant 0 : i32
        %dma_start3A_71 = tpu.memref_slice %arg2[%run_scoped3A_66, %add3A_65, %dma_start3A_70] : memref<2x2500x128xi32, #tpu.memory_space<hbm>> -> memref<1x1x128xi32, #tpu.memory_space<hbm>>
        %dma_start3A_72 = tpu.memref_squeeze %dma_start3A_71 : memref<1x1x128xi32, #tpu.memory_space<hbm>> -> memref<1x128xi32, #tpu.memory_space<hbm>>
        %dma_start3A_73 = arith.constant 156 : i32
        %dma_start3A_74 = arith.constant 0 : i32
        %dma_start3A_75 = tpu.memref_slice %arg6[%dma_start3A_73, %dma_start3A_74] : memref<157x128xi32, #tpu.memory_space<vmem>> -> memref<1x128xi32, #tpu.memory_space<vmem>>
        %dma_start3A_76 = arith.constant 0 : i32
        %dma_start3A_77 = tpu.memref_slice %arg2[%run_scoped3A_66, %add3A_65, %dma_start3A_76] : memref<2x2500x128xi32, #tpu.memory_space<hbm>> -> memref<1x1x128xi32, #tpu.memory_space<hbm>>
        %dma_start3A_78 = tpu.memref_squeeze %dma_start3A_77 : memref<1x1x128xi32, #tpu.memory_space<hbm>> -> memref<1x128xi32, #tpu.memory_space<hbm>>
        tpu.enqueue_dma source(%dma_start3A_78 : memref<1x128xi32, #tpu.memory_space<hbm>>) target(%dma_start3A_75 : memref<1x128xi32, #tpu.memory_space<vmem>>) target_semaphore(%run_scoped3A_67 : memref<!tpu.dma_semaphore, #tpu.memory_space<semaphore_mem>>)
        %dma_wait3A = arith.constant 156 : i32
        %dma_wait3A_79 = arith.constant 0 : i32
        %dma_wait3A_80 = tpu.memref_slice %arg6[%dma_wait3A, %dma_wait3A_79] : memref<157x128xi32, #tpu.memory_space<vmem>> -> memref<1x128xi32, #tpu.memory_space<vmem>>
        %dma_wait3A_81 = arith.constant 0 : i32
        %dma_wait3A_82 = tpu.memref_slice %arg2[%run_scoped3A_66, %add3A_65, %dma_wait3A_81] : memref<2x2500x128xi32, #tpu.memory_space<hbm>> -> memref<1x1x128xi32, #tpu.memory_space<hbm>>
        %dma_wait3A_83 = tpu.memref_squeeze %dma_wait3A_82 : memref<1x1x128xi32, #tpu.memory_space<hbm>> -> memref<1x128xi32, #tpu.memory_space<hbm>>
        %dma_wait3A_84 = arith.constant 156 : i32
        %dma_wait3A_85 = arith.constant 0 : i32
        %dma_wait3A_86 = tpu.memref_slice %arg6[%dma_wait3A_84, %dma_wait3A_85] : memref<157x128xi32, #tpu.memory_space<vmem>> -> memref<1x128xi32, #tpu.memory_space<vmem>>
        %dma_wait3A_87 = arith.constant 0 : i32
        %dma_wait3A_88 = tpu.memref_slice %arg2[%run_scoped3A_66, %add3A_65, %dma_wait3A_87] : memref<2x2500x128xi32, #tpu.memory_space<hbm>> -> memref<1x1x128xi32, #tpu.memory_space<hbm>>
        %dma_wait3A_89 = tpu.memref_squeeze %dma_wait3A_88 : memref<1x1x128xi32, #tpu.memory_space<hbm>> -> memref<1x128xi32, #tpu.memory_space<hbm>>
        tpu.wait_dma2 semaphore(%run_scoped3A_67 : memref<!tpu.dma_semaphore, #tpu.memory_space<semaphore_mem>>) src(%dma_wait3A_89 : memref<1x128xi32, #tpu.memory_space<hbm>>) dst(%dma_wait3A_86 : memref<1x128xi32, #tpu.memory_space<vmem>>)
        tpu.yield
      }) : () -> ()
    } else {
    }
    %mul3A_23 = arith.constant 156 : i32
    %mul3A_24 = arith.muli %arg1, %mul3A_23 : i32
    %min3A_25 = arith.constant 4 : i32
    %min3A_26 = arith.minsi %arg1, %min3A_25 : i32
    %add3A_27 = arith.addi %mul3A_24, %min3A_26 : i32
    %run_scoped3A_28 = arith.constant 1 : i32
    "tpu.region"() ({
      %run_scoped3A_64 = tpu.sem_alloc : memref<!tpu.dma_semaphore, #tpu.memory_space<semaphore_mem>>
      %dma_start3A = arith.constant 0 : i32
      %dma_start3A_65 = arith.constant 0 : i32
      %dma_start3A_66 = tpu.memref_slice %arg7[%dma_start3A, %dma_start3A_65] : memref<157x128xi32, #tpu.memory_space<vmem>> -> memref<156x128xi32, #tpu.memory_space<vmem>>
      %dma_start3A_67 = arith.constant 0 : i32
      %dma_start3A_68 = tpu.memref_slice %arg2[%run_scoped3A_28, %add3A_27, %dma_start3A_67] : memref<2x2500x128xi32, #tpu.memory_space<hbm>> -> memref<1x156x128xi32, #tpu.memory_space<hbm>>
      %dma_start3A_69 = tpu.memref_squeeze %dma_start3A_68 : memref<1x156x128xi32, #tpu.memory_space<hbm>> -> memref<156x128xi32, #tpu.memory_space<hbm>>
      %dma_start3A_70 = arith.constant 0 : i32
      %dma_start3A_71 = arith.constant 0 : i32
      %dma_start3A_72 = tpu.memref_slice %arg7[%dma_start3A_70, %dma_start3A_71] : memref<157x128xi32, #tpu.memory_space<vmem>> -> memref<156x128xi32, #tpu.memory_space<vmem>>
      %dma_start3A_73 = arith.constant 0 : i32
      %dma_start3A_74 = tpu.memref_slice %arg2[%run_scoped3A_28, %add3A_27, %dma_start3A_73] : memref<2x2500x128xi32, #tpu.memory_space<hbm>> -> memref<1x156x128xi32, #tpu.memory_space<hbm>>
      %dma_start3A_75 = tpu.memref_squeeze %dma_start3A_74 : memref<1x156x128xi32, #tpu.memory_space<hbm>> -> memref<156x128xi32, #tpu.memory_space<hbm>>
      tpu.enqueue_dma source(%dma_start3A_75 : memref<156x128xi32, #tpu.memory_space<hbm>>) target(%dma_start3A_72 : memref<156x128xi32, #tpu.memory_space<vmem>>) target_semaphore(%run_scoped3A_64 : memref<!tpu.dma_semaphore, #tpu.memory_space<semaphore_mem>>)
      %dma_wait3A = arith.constant 0 : i32
      %dma_wait3A_76 = arith.constant 0 : i32
      %dma_wait3A_77 = tpu.memref_slice %arg7[%dma_wait3A, %dma_wait3A_76] : memref<157x128xi32, #tpu.memory_space<vmem>> -> memref<156x128xi32, #tpu.memory_space<vmem>>
      %dma_wait3A_78 = arith.constant 0 : i32
      %dma_wait3A_79 = tpu.memref_slice %arg2[%run_scoped3A_28, %add3A_27, %dma_wait3A_78] : memref<2x2500x128xi32, #tpu.memory_space<hbm>> -> memref<1x156x128xi32, #tpu.memory_space<hbm>>
      %dma_wait3A_80 = tpu.memref_squeeze %dma_wait3A_79 : memref<1x156x128xi32, #tpu.memory_space<hbm>> -> memref<156x128xi32, #tpu.memory_space<hbm>>
      %dma_wait3A_81 = arith.constant 0 : i32
      %dma_wait3A_82 = arith.constant 0 : i32
      %dma_wait3A_83 = tpu.memref_slice %arg7[%dma_wait3A_81, %dma_wait3A_82] : memref<157x128xi32, #tpu.memory_space<vmem>> -> memref<156x128xi32, #tpu.memory_space<vmem>>
      %dma_wait3A_84 = arith.constant 0 : i32
      %dma_wait3A_85 = tpu.memref_slice %arg2[%run_scoped3A_28, %add3A_27, %dma_wait3A_84] : memref<2x2500x128xi32, #tpu.memory_space<hbm>> -> memref<1x156x128xi32, #tpu.memory_space<hbm>>
      %dma_wait3A_86 = tpu.memref_squeeze %dma_wait3A_85 : memref<1x156x128xi32, #tpu.memory_space<hbm>> -> memref<156x128xi32, #tpu.memory_space<hbm>>
      tpu.wait_dma2 semaphore(%run_scoped3A_64 : memref<!tpu.dma_semaphore, #tpu.memory_space<semaphore_mem>>) src(%dma_wait3A_86 : memref<156x128xi32, #tpu.memory_space<hbm>>) dst(%dma_wait3A_83 : memref<156x128xi32, #tpu.memory_space<vmem>>)
      tpu.yield
    }) : () -> ()
    %lt3A_29 = arith.constant 4 : i32
    %lt3A_30 = arith.cmpi slt, %arg1, %lt3A_29 : i32
    %convert_element_type3A_31 = arith.extui %lt3A_30 : i1 to i32
    %cond3A_32 = arith.constant 0 : i32
    %cond3A_33 = arith.cmpi ne, %convert_element_type3A_31, %cond3A_32 : i32
    scf.if %cond3A_33 {
      %add3A_64 = arith.constant 156 : i32
      %add3A_65 = arith.addi %add3A_27, %add3A_64 : i32
      %run_scoped3A_66 = arith.constant 1 : i32
      "tpu.region"() ({
        %run_scoped3A_67 = tpu.sem_alloc : memref<!tpu.dma_semaphore, #tpu.memory_space<semaphore_mem>>
        %dma_start3A = arith.constant 156 : i32
        %dma_start3A_68 = arith.constant 0 : i32
        %dma_start3A_69 = tpu.memref_slice %arg7[%dma_start3A, %dma_start3A_68] : memref<157x128xi32, #tpu.memory_space<vmem>> -> memref<1x128xi32, #tpu.memory_space<vmem>>
        %dma_start3A_70 = arith.constant 0 : i32
        %dma_start3A_71 = tpu.memref_slice %arg2[%run_scoped3A_66, %add3A_65, %dma_start3A_70] : memref<2x2500x128xi32, #tpu.memory_space<hbm>> -> memref<1x1x128xi32, #tpu.memory_space<hbm>>
        %dma_start3A_72 = tpu.memref_squeeze %dma_start3A_71 : memref<1x1x128xi32, #tpu.memory_space<hbm>> -> memref<1x128xi32, #tpu.memory_space<hbm>>
        %dma_start3A_73 = arith.constant 156 : i32
        %dma_start3A_74 = arith.constant 0 : i32
        %dma_start3A_75 = tpu.memref_slice %arg7[%dma_start3A_73, %dma_start3A_74] : memref<157x128xi32, #tpu.memory_space<vmem>> -> memref<1x128xi32, #tpu.memory_space<vmem>>
        %dma_start3A_76 = arith.constant 0 : i32
        %dma_start3A_77 = tpu.memref_slice %arg2[%run_scoped3A_66, %add3A_65, %dma_start3A_76] : memref<2x2500x128xi32, #tpu.memory_space<hbm>> -> memref<1x1x128xi32, #tpu.memory_space<hbm>>
        %dma_start3A_78 = tpu.memref_squeeze %dma_start3A_77 : memref<1x1x128xi32, #tpu.memory_space<hbm>> -> memref<1x128xi32, #tpu.memory_space<hbm>>
        tpu.enqueue_dma source(%dma_start3A_78 : memref<1x128xi32, #tpu.memory_space<hbm>>) target(%dma_start3A_75 : memref<1x128xi32, #tpu.memory_space<vmem>>) target_semaphore(%run_scoped3A_67 : memref<!tpu.dma_semaphore, #tpu.memory_space<semaphore_mem>>)
        %dma_wait3A = arith.constant 156 : i32
        %dma_wait3A_79 = arith.constant 0 : i32
        %dma_wait3A_80 = tpu.memref_slice %arg7[%dma_wait3A, %dma_wait3A_79] : memref<157x128xi32, #tpu.memory_space<vmem>> -> memref<1x128xi32, #tpu.memory_space<vmem>>
        %dma_wait3A_81 = arith.constant 0 : i32
        %dma_wait3A_82 = tpu.memref_slice %arg2[%run_scoped3A_66, %add3A_65, %dma_wait3A_81] : memref<2x2500x128xi32, #tpu.memory_space<hbm>> -> memref<1x1x128xi32, #tpu.memory_space<hbm>>
        %dma_wait3A_83 = tpu.memref_squeeze %dma_wait3A_82 : memref<1x1x128xi32, #tpu.memory_space<hbm>> -> memref<1x128xi32, #tpu.memory_space<hbm>>
        %dma_wait3A_84 = arith.constant 156 : i32
        %dma_wait3A_85 = arith.constant 0 : i32
        %dma_wait3A_86 = tpu.memref_slice %arg7[%dma_wait3A_84, %dma_wait3A_85] : memref<157x128xi32, #tpu.memory_space<vmem>> -> memref<1x128xi32, #tpu.memory_space<vmem>>
        %dma_wait3A_87 = arith.constant 0 : i32
        %dma_wait3A_88 = tpu.memref_slice %arg2[%run_scoped3A_66, %add3A_65, %dma_wait3A_87] : memref<2x2500x128xi32, #tpu.memory_space<hbm>> -> memref<1x1x128xi32, #tpu.memory_space<hbm>>
        %dma_wait3A_89 = tpu.memref_squeeze %dma_wait3A_88 : memref<1x1x128xi32, #tpu.memory_space<hbm>> -> memref<1x128xi32, #tpu.memory_space<hbm>>
        tpu.wait_dma2 semaphore(%run_scoped3A_67 : memref<!tpu.dma_semaphore, #tpu.memory_space<semaphore_mem>>) src(%dma_wait3A_89 : memref<1x128xi32, #tpu.memory_space<hbm>>) dst(%dma_wait3A_86 : memref<1x128xi32, #tpu.memory_space<vmem>>)
        tpu.yield
      }) : () -> ()
    } else {
    }
    %eq3A = arith.constant 0 : i32
    %eq3A_34 = arith.cmpi eq, %arg0, %eq3A : i32
    %convert_element_type3A_35 = arith.extui %eq3A_34 : i1 to i32
    %cond3A_36 = arith.constant 0 : i32
    %cond3A_37 = arith.cmpi ne, %convert_element_type3A_35, %cond3A_36 : i32
    scf.if %cond3A_37 {
      %dma_start3A = arith.constant 0 : i32
      %dma_start3A_64 = arith.constant 0 : i32
      %dma_start3A_65 = tpu.memref_slice %arg6[%dma_start3A, %dma_start3A_64] : memref<157x128xi32, #tpu.memory_space<vmem>> -> memref<1x128xi32, #tpu.memory_space<vmem>>
      %dma_start3A_66 = tpu.memref_squeeze %dma_start3A_65 : memref<1x128xi32, #tpu.memory_space<vmem>> -> memref<128xi32, #tpu.memory_space<vmem>>
      %dma_start3A_67 = arith.constant 0 : i32
      %dma_start3A_68 = arith.constant 0 : i32
      %dma_start3A_69 = tpu.memref_slice %arg3[%dma_start3A_67, %dma_start3A_68] : memref<10000x64xf32, #tpu.memory_space<hbm>> -> memref<10000x64xf32, #tpu.memory_space<hbm>>
      tpu.enqueue_indirect_dma source(%dma_start3A_69 : memref<10000x64xf32, #tpu.memory_space<hbm>>) target(%arg8 : memref<128x64xf32, #tpu.memory_space<vmem>>) offsets(%dma_start3A_66 : memref<128xi32, #tpu.memory_space<vmem>>) semaphore(%arg12 : memref<!tpu.dma_semaphore, #tpu.memory_space<semaphore_mem>>)
      %dma_start3A_70 = arith.constant 1 : i32
      %dma_start3A_71 = arith.constant 0 : i32
      %dma_start3A_72 = tpu.memref_slice %arg6[%dma_start3A_70, %dma_start3A_71] : memref<157x128xi32, #tpu.memory_space<vmem>> -> memref<1x128xi32, #tpu.memory_space<vmem>>
      %dma_start3A_73 = tpu.memref_squeeze %dma_start3A_72 : memref<1x128xi32, #tpu.memory_space<vmem>> -> memref<128xi32, #tpu.memory_space<vmem>>
      %dma_start3A_74 = arith.constant 0 : i32
      %dma_start3A_75 = arith.constant 0 : i32
      %dma_start3A_76 = tpu.memref_slice %arg3[%dma_start3A_74, %dma_start3A_75] : memref<10000x64xf32, #tpu.memory_space<hbm>> -> memref<10000x64xf32, #tpu.memory_space<hbm>>
      tpu.enqueue_indirect_dma source(%dma_start3A_76 : memref<10000x64xf32, #tpu.memory_space<hbm>>) target(%arg9 : memref<128x64xf32, #tpu.memory_space<vmem>>) offsets(%dma_start3A_73 : memref<128xi32, #tpu.memory_space<vmem>>) semaphore(%arg13 : memref<!tpu.dma_semaphore, #tpu.memory_space<semaphore_mem>>)
      %dma_start3A_77 = arith.constant 2 : i32
      %dma_start3A_78 = arith.constant 0 : i32
      %dma_start3A_79 = tpu.memref_slice %arg6[%dma_start3A_77, %dma_start3A_78] : memref<157x128xi32, #tpu.memory_space<vmem>> -> memref<1x128xi32, #tpu.memory_space<vmem>>
      %dma_start3A_80 = tpu.memref_squeeze %dma_start3A_79 : memref<1x128xi32, #tpu.memory_space<vmem>> -> memref<128xi32, #tpu.memory_space<vmem>>
      %dma_start3A_81 = arith.constant 0 : i32
      %dma_start3A_82 = arith.constant 0 : i32
      %dma_start3A_83 = tpu.memref_slice %arg3[%dma_start3A_81, %dma_start3A_82] : memref<10000x64xf32, #tpu.memory_space<hbm>> -> memref<10000x64xf32, #tpu.memory_space<hbm>>
      tpu.enqueue_indirect_dma source(%dma_start3A_83 : memref<10000x64xf32, #tpu.memory_space<hbm>>) target(%arg10 : memref<128x64xf32, #tpu.memory_space<vmem>>) offsets(%dma_start3A_80 : memref<128xi32, #tpu.memory_space<vmem>>) semaphore(%arg14 : memref<!tpu.dma_semaphore, #tpu.memory_space<semaphore_mem>>)
      %dma_start3A_84 = arith.constant 3 : i32
      %dma_start3A_85 = arith.constant 0 : i32
      %dma_start3A_86 = tpu.memref_slice %arg6[%dma_start3A_84, %dma_start3A_85] : memref<157x128xi32, #tpu.memory_space<vmem>> -> memref<1x128xi32, #tpu.memory_space<vmem>>
      %dma_start3A_87 = tpu.memref_squeeze %dma_start3A_86 : memref<1x128xi32, #tpu.memory_space<vmem>> -> memref<128xi32, #tpu.memory_space<vmem>>
      %dma_start3A_88 = arith.constant 0 : i32
      %dma_start3A_89 = arith.constant 0 : i32
      %dma_start3A_90 = tpu.memref_slice %arg3[%dma_start3A_88, %dma_start3A_89] : memref<10000x64xf32, #tpu.memory_space<hbm>> -> memref<10000x64xf32, #tpu.memory_space<hbm>>
      tpu.enqueue_indirect_dma source(%dma_start3A_90 : memref<10000x64xf32, #tpu.memory_space<hbm>>) target(%arg11 : memref<128x64xf32, #tpu.memory_space<vmem>>) offsets(%dma_start3A_87 : memref<128xi32, #tpu.memory_space<vmem>>) semaphore(%arg15 : memref<!tpu.dma_semaphore, #tpu.memory_space<semaphore_mem>>)
      %scan3A_91 = arith.constant 0 : i32
      %scan3A_92 = arith.constant 0 : i32
      %scan3A_93 = arith.constant 39 : i32
      %scan3A_94 = arith.addi %scan3A_92, %scan3A_93 : i32
      %scan3A_95 = arith.constant 1 : i32
      %scan3A_96 = scf.for %scan3A_130 = %scan3A_92 to %scan3A_94 step %scan3A_95 iter_args(%scan3A_131 = %scan3A_91) -> (i32)  : i32 {
        %mul3A_132 = arith.constant 4 : i32
        %mul3A_133 = arith.muli %mul3A_132, %scan3A_130 : i32
        %add3A_134 = arith.constant 0 : i32
        %add3A_135 = arith.addi %mul3A_133, %add3A_134 : i32
        %dma_wait3A_136 = arith.constant 0 : i32
        %dma_wait3A_137 = tpu.memref_slice %arg6[%add3A_135, %dma_wait3A_136] : memref<157x128xi32, #tpu.memory_space<vmem>> -> memref<1x128xi32, #tpu.memory_space<vmem>>
        %dma_wait3A_138 = tpu.memref_squeeze %dma_wait3A_137 : memref<1x128xi32, #tpu.memory_space<vmem>> -> memref<128xi32, #tpu.memory_space<vmem>>
        %dma_wait3A_139 = arith.constant 0 : i32
        %dma_wait3A_140 = arith.constant 0 : i32
        %dma_wait3A_141 = tpu.memref_slice %arg3[%dma_wait3A_139, %dma_wait3A_140] : memref<10000x64xf32, #tpu.memory_space<hbm>> -> memref<10000x64xf32, #tpu.memory_space<hbm>>
        tpu.wait_indirect_dma semaphore(%arg12 : memref<!tpu.dma_semaphore, #tpu.memory_space<semaphore_mem>>) src(%dma_wait3A_141 : memref<10000x64xf32, #tpu.memory_space<hbm>>) dst(%arg8 : memref<128x64xf32, #tpu.memory_space<vmem>>)
        %dma_start3A_142 = arith.constant 0 : i32
        %dma_start3A_143 = tpu.memref_slice %arg7[%add3A_135, %dma_start3A_142] : memref<157x128xi32, #tpu.memory_space<vmem>> -> memref<1x128xi32, #tpu.memory_space<vmem>>
        %dma_start3A_144 = tpu.memref_squeeze %dma_start3A_143 : memref<1x128xi32, #tpu.memory_space<vmem>> -> memref<128xi32, #tpu.memory_space<vmem>>
        %dma_start3A_145 = arith.constant 0 : i32
        %dma_start3A_146 = arith.constant 0 : i32
        %dma_start3A_147 = tpu.memref_slice %arg20[%dma_start3A_145, %dma_start3A_146] : memref<10112x64xf32, #tpu.memory_space<vmem_shared>> -> memref<10112x64xf32, #tpu.memory_space<vmem_shared>>
        tpu.enqueue_indirect_dma source(%arg8 : memref<128x64xf32, #tpu.memory_space<vmem>>) target(%dma_start3A_147 : memref<10112x64xf32, #tpu.memory_space<vmem_shared>>) offsets(%dma_start3A_144 : memref<128xi32, #tpu.memory_space<vmem>>) semaphore(%arg16 : memref<!tpu.dma_semaphore, #tpu.memory_space<semaphore_mem>>) {add = true}
        %add3A_148 = arith.constant 4 : i32
        %add3A_149 = arith.addi %add3A_135, %add3A_148 : i32
        %lt3A_150 = arith.constant 156 : i32
        %lt3A_151 = arith.cmpi slt, %add3A_149, %lt3A_150 : i32
        %convert_element_type3A_152 = arith.extui %lt3A_151 : i1 to i32
        %cond3A_153 = arith.constant 0 : i32
        %cond3A_154 = arith.cmpi ne, %convert_element_type3A_152, %cond3A_153 : i32
        scf.if %cond3A_154 {
          %dma_wait3A_225 = arith.constant 0 : i32
          %dma_wait3A_226 = tpu.memref_slice %arg7[%add3A_135, %dma_wait3A_225] : memref<157x128xi32, #tpu.memory_space<vmem>> -> memref<1x128xi32, #tpu.memory_space<vmem>>
          %dma_wait3A_227 = tpu.memref_squeeze %dma_wait3A_226 : memref<1x128xi32, #tpu.memory_space<vmem>> -> memref<128xi32, #tpu.memory_space<vmem>>
          %dma_wait3A_228 = arith.constant 0 : i32
          %dma_wait3A_229 = arith.constant 0 : i32
          %dma_wait3A_230 = tpu.memref_slice %arg20[%dma_wait3A_228, %dma_wait3A_229] : memref<10112x64xf32, #tpu.memory_space<vmem_shared>> -> memref<10112x64xf32, #tpu.memory_space<vmem_shared>>
          tpu.wait_indirect_dma semaphore(%arg16 : memref<!tpu.dma_semaphore, #tpu.memory_space<semaphore_mem>>) src(%arg8 : memref<128x64xf32, #tpu.memory_space<vmem>>) dst(%dma_wait3A_230 : memref<10112x64xf32, #tpu.memory_space<vmem_shared>>)
          %add3A_231 = arith.constant 4 : i32
          %add3A_232 = arith.addi %add3A_135, %add3A_231 : i32
          %dma_start3A_233 = arith.constant 0 : i32
          %dma_start3A_234 = tpu.memref_slice %arg6[%add3A_232, %dma_start3A_233] : memref<157x128xi32, #tpu.memory_space<vmem>> -> memref<1x128xi32, #tpu.memory_space<vmem>>
          %dma_start3A_235 = tpu.memref_squeeze %dma_start3A_234 : memref<1x128xi32, #tpu.memory_space<vmem>> -> memref<128xi32, #tpu.memory_space<vmem>>
          %dma_start3A_236 = arith.constant 0 : i32
          %dma_start3A_237 = arith.constant 0 : i32
          %dma_start3A_238 = tpu.memref_slice %arg3[%dma_start3A_236, %dma_start3A_237] : memref<10000x64xf32, #tpu.memory_space<hbm>> -> memref<10000x64xf32, #tpu.memory_space<hbm>>
          tpu.enqueue_indirect_dma source(%dma_start3A_238 : memref<10000x64xf32, #tpu.memory_space<hbm>>) target(%arg8 : memref<128x64xf32, #tpu.memory_space<vmem>>) offsets(%dma_start3A_235 : memref<128xi32, #tpu.memory_space<vmem>>) semaphore(%arg12 : memref<!tpu.dma_semaphore, #tpu.memory_space<semaphore_mem>>)
        } else {
        }
        %mul3A_155 = arith.constant 4 : i32
        %mul3A_156 = arith.muli %mul3A_155, %scan3A_130 : i32
        %add3A_157 = arith.constant 1 : i32
        %add3A_158 = arith.addi %mul3A_156, %add3A_157 : i32
        %dma_wait3A_159 = arith.constant 0 : i32
        %dma_wait3A_160 = tpu.memref_slice %arg6[%add3A_158, %dma_wait3A_159] : memref<157x128xi32, #tpu.memory_space<vmem>> -> memref<1x128xi32, #tpu.memory_space<vmem>>
        %dma_wait3A_161 = tpu.memref_squeeze %dma_wait3A_160 : memref<1x128xi32, #tpu.memory_space<vmem>> -> memref<128xi32, #tpu.memory_space<vmem>>
        %dma_wait3A_162 = arith.constant 0 : i32
        %dma_wait3A_163 = arith.constant 0 : i32
        %dma_wait3A_164 = tpu.memref_slice %arg3[%dma_wait3A_162, %dma_wait3A_163] : memref<10000x64xf32, #tpu.memory_space<hbm>> -> memref<10000x64xf32, #tpu.memory_space<hbm>>
        tpu.wait_indirect_dma semaphore(%arg13 : memref<!tpu.dma_semaphore, #tpu.memory_space<semaphore_mem>>) src(%dma_wait3A_164 : memref<10000x64xf32, #tpu.memory_space<hbm>>) dst(%arg9 : memref<128x64xf32, #tpu.memory_space<vmem>>)
        %dma_start3A_165 = arith.constant 0 : i32
        %dma_start3A_166 = tpu.memref_slice %arg7[%add3A_158, %dma_start3A_165] : memref<157x128xi32, #tpu.memory_space<vmem>> -> memref<1x128xi32, #tpu.memory_space<vmem>>
        %dma_start3A_167 = tpu.memref_squeeze %dma_start3A_166 : memref<1x128xi32, #tpu.memory_space<vmem>> -> memref<128xi32, #tpu.memory_space<vmem>>
        %dma_start3A_168 = arith.constant 0 : i32
        %dma_start3A_169 = arith.constant 0 : i32
        %dma_start3A_170 = tpu.memref_slice %arg20[%dma_start3A_168, %dma_start3A_169] : memref<10112x64xf32, #tpu.memory_space<vmem_shared>> -> memref<10112x64xf32, #tpu.memory_space<vmem_shared>>
        tpu.enqueue_indirect_dma source(%arg9 : memref<128x64xf32, #tpu.memory_space<vmem>>) target(%dma_start3A_170 : memref<10112x64xf32, #tpu.memory_space<vmem_shared>>) offsets(%dma_start3A_167 : memref<128xi32, #tpu.memory_space<vmem>>) semaphore(%arg17 : memref<!tpu.dma_semaphore, #tpu.memory_space<semaphore_mem>>) {add = true}
        %add3A_171 = arith.constant 4 : i32
        %add3A_172 = arith.addi %add3A_158, %add3A_171 : i32
        %lt3A_173 = arith.constant 156 : i32
        %lt3A_174 = arith.cmpi slt, %add3A_172, %lt3A_173 : i32
        %convert_element_type3A_175 = arith.extui %lt3A_174 : i1 to i32
        %cond3A_176 = arith.constant 0 : i32
        %cond3A_177 = arith.cmpi ne, %convert_element_type3A_175, %cond3A_176 : i32
        scf.if %cond3A_177 {
          %dma_wait3A_225 = arith.constant 0 : i32
          %dma_wait3A_226 = tpu.memref_slice %arg7[%add3A_158, %dma_wait3A_225] : memref<157x128xi32, #tpu.memory_space<vmem>> -> memref<1x128xi32, #tpu.memory_space<vmem>>
          %dma_wait3A_227 = tpu.memref_squeeze %dma_wait3A_226 : memref<1x128xi32, #tpu.memory_space<vmem>> -> memref<128xi32, #tpu.memory_space<vmem>>
          %dma_wait3A_228 = arith.constant 0 : i32
          %dma_wait3A_229 = arith.constant 0 : i32
          %dma_wait3A_230 = tpu.memref_slice %arg20[%dma_wait3A_228, %dma_wait3A_229] : memref<10112x64xf32, #tpu.memory_space<vmem_shared>> -> memref<10112x64xf32, #tpu.memory_space<vmem_shared>>
          tpu.wait_indirect_dma semaphore(%arg17 : memref<!tpu.dma_semaphore, #tpu.memory_space<semaphore_mem>>) src(%arg9 : memref<128x64xf32, #tpu.memory_space<vmem>>) dst(%dma_wait3A_230 : memref<10112x64xf32, #tpu.memory_space<vmem_shared>>)
          %add3A_231 = arith.constant 4 : i32
          %add3A_232 = arith.addi %add3A_158, %add3A_231 : i32
          %dma_start3A_233 = arith.constant 0 : i32
          %dma_start3A_234 = tpu.memref_slice %arg6[%add3A_232, %dma_start3A_233] : memref<157x128xi32, #tpu.memory_space<vmem>> -> memref<1x128xi32, #tpu.memory_space<vmem>>
          %dma_start3A_235 = tpu.memref_squeeze %dma_start3A_234 : memref<1x128xi32, #tpu.memory_space<vmem>> -> memref<128xi32, #tpu.memory_space<vmem>>
          %dma_start3A_236 = arith.constant 0 : i32
          %dma_start3A_237 = arith.constant 0 : i32
          %dma_start3A_238 = tpu.memref_slice %arg3[%dma_start3A_236, %dma_start3A_237] : memref<10000x64xf32, #tpu.memory_space<hbm>> -> memref<10000x64xf32, #tpu.memory_space<hbm>>
          tpu.enqueue_indirect_dma source(%dma_start3A_238 : memref<10000x64xf32, #tpu.memory_space<hbm>>) target(%arg9 : memref<128x64xf32, #tpu.memory_space<vmem>>) offsets(%dma_start3A_235 : memref<128xi32, #tpu.memory_space<vmem>>) semaphore(%arg13 : memref<!tpu.dma_semaphore, #tpu.memory_space<semaphore_mem>>)
        } else {
        }
        %mul3A_178 = arith.constant 4 : i32
        %mul3A_179 = arith.muli %mul3A_178, %scan3A_130 : i32
        %add3A_180 = arith.constant 2 : i32
        %add3A_181 = arith.addi %mul3A_179, %add3A_180 : i32
        %dma_wait3A_182 = arith.constant 0 : i32
        %dma_wait3A_183 = tpu.memref_slice %arg6[%add3A_181, %dma_wait3A_182] : memref<157x128xi32, #tpu.memory_space<vmem>> -> memref<1x128xi32, #tpu.memory_space<vmem>>
        %dma_wait3A_184 = tpu.memref_squeeze %dma_wait3A_183 : memref<1x128xi32, #tpu.memory_space<vmem>> -> memref<128xi32, #tpu.memory_space<vmem>>
        %dma_wait3A_185 = arith.constant 0 : i32
        %dma_wait3A_186 = arith.constant 0 : i32
        %dma_wait3A_187 = tpu.memref_slice %arg3[%dma_wait3A_185, %dma_wait3A_186] : memref<10000x64xf32, #tpu.memory_space<hbm>> -> memref<10000x64xf32, #tpu.memory_space<hbm>>
        tpu.wait_indirect_dma semaphore(%arg14 : memref<!tpu.dma_semaphore, #tpu.memory_space<semaphore_mem>>) src(%dma_wait3A_187 : memref<10000x64xf32, #tpu.memory_space<hbm>>) dst(%arg10 : memref<128x64xf32, #tpu.memory_space<vmem>>)
        %dma_start3A_188 = arith.constant 0 : i32
        %dma_start3A_189 = tpu.memref_slice %arg7[%add3A_181, %dma_start3A_188] : memref<157x128xi32, #tpu.memory_space<vmem>> -> memref<1x128xi32, #tpu.memory_space<vmem>>
        %dma_start3A_190 = tpu.memref_squeeze %dma_start3A_189 : memref<1x128xi32, #tpu.memory_space<vmem>> -> memref<128xi32, #tpu.memory_space<vmem>>
        %dma_start3A_191 = arith.constant 0 : i32
        %dma_start3A_192 = arith.constant 0 : i32
        %dma_start3A_193 = tpu.memref_slice %arg20[%dma_start3A_191, %dma_start3A_192] : memref<10112x64xf32, #tpu.memory_space<vmem_shared>> -> memref<10112x64xf32, #tpu.memory_space<vmem_shared>>
        tpu.enqueue_indirect_dma source(%arg10 : memref<128x64xf32, #tpu.memory_space<vmem>>) target(%dma_start3A_193 : memref<10112x64xf32, #tpu.memory_space<vmem_shared>>) offsets(%dma_start3A_190 : memref<128xi32, #tpu.memory_space<vmem>>) semaphore(%arg18 : memref<!tpu.dma_semaphore, #tpu.memory_space<semaphore_mem>>) {add = true}
        %add3A_194 = arith.constant 4 : i32
        %add3A_195 = arith.addi %add3A_181, %add3A_194 : i32
        %lt3A_196 = arith.constant 156 : i32
        %lt3A_197 = arith.cmpi slt, %add3A_195, %lt3A_196 : i32
        %convert_element_type3A_198 = arith.extui %lt3A_197 : i1 to i32
        %cond3A_199 = arith.constant 0 : i32
        %cond3A_200 = arith.cmpi ne, %convert_element_type3A_198, %cond3A_199 : i32
        scf.if %cond3A_200 {
          %dma_wait3A_225 = arith.constant 0 : i32
          %dma_wait3A_226 = tpu.memref_slice %arg7[%add3A_181, %dma_wait3A_225] : memref<157x128xi32, #tpu.memory_space<vmem>> -> memref<1x128xi32, #tpu.memory_space<vmem>>
          %dma_wait3A_227 = tpu.memref_squeeze %dma_wait3A_226 : memref<1x128xi32, #tpu.memory_space<vmem>> -> memref<128xi32, #tpu.memory_space<vmem>>
          %dma_wait3A_228 = arith.constant 0 : i32
          %dma_wait3A_229 = arith.constant 0 : i32
          %dma_wait3A_230 = tpu.memref_slice %arg20[%dma_wait3A_228, %dma_wait3A_229] : memref<10112x64xf32, #tpu.memory_space<vmem_shared>> -> memref<10112x64xf32, #tpu.memory_space<vmem_shared>>
          tpu.wait_indirect_dma semaphore(%arg18 : memref<!tpu.dma_semaphore, #tpu.memory_space<semaphore_mem>>) src(%arg10 : memref<128x64xf32, #tpu.memory_space<vmem>>) dst(%dma_wait3A_230 : memref<10112x64xf32, #tpu.memory_space<vmem_shared>>)
          %add3A_231 = arith.constant 4 : i32
          %add3A_232 = arith.addi %add3A_181, %add3A_231 : i32
          %dma_start3A_233 = arith.constant 0 : i32
          %dma_start3A_234 = tpu.memref_slice %arg6[%add3A_232, %dma_start3A_233] : memref<157x128xi32, #tpu.memory_space<vmem>> -> memref<1x128xi32, #tpu.memory_space<vmem>>
          %dma_start3A_235 = tpu.memref_squeeze %dma_start3A_234 : memref<1x128xi32, #tpu.memory_space<vmem>> -> memref<128xi32, #tpu.memory_space<vmem>>
          %dma_start3A_236 = arith.constant 0 : i32
          %dma_start3A_237 = arith.constant 0 : i32
          %dma_start3A_238 = tpu.memref_slice %arg3[%dma_start3A_236, %dma_start3A_237] : memref<10000x64xf32, #tpu.memory_space<hbm>> -> memref<10000x64xf32, #tpu.memory_space<hbm>>
          tpu.enqueue_indirect_dma source(%dma_start3A_238 : memref<10000x64xf32, #tpu.memory_space<hbm>>) target(%arg10 : memref<128x64xf32, #tpu.memory_space<vmem>>) offsets(%dma_start3A_235 : memref<128xi32, #tpu.memory_space<vmem>>) semaphore(%arg14 : memref<!tpu.dma_semaphore, #tpu.memory_space<semaphore_mem>>)
        } else {
        }
        %mul3A_201 = arith.constant 4 : i32
        %mul3A_202 = arith.muli %mul3A_201, %scan3A_130 : i32
        %add3A_203 = arith.constant 3 : i32
        %add3A_204 = arith.addi %mul3A_202, %add3A_203 : i32
        %dma_wait3A_205 = arith.constant 0 : i32
        %dma_wait3A_206 = tpu.memref_slice %arg6[%add3A_204, %dma_wait3A_205] : memref<157x128xi32, #tpu.memory_space<vmem>> -> memref<1x128xi32, #tpu.memory_space<vmem>>
        %dma_wait3A_207 = tpu.memref_squeeze %dma_wait3A_206 : memref<1x128xi32, #tpu.memory_space<vmem>> -> memref<128xi32, #tpu.memory_space<vmem>>
        %dma_wait3A_208 = arith.constant 0 : i32
        %dma_wait3A_209 = arith.constant 0 : i32
        %dma_wait3A_210 = tpu.memref_slice %arg3[%dma_wait3A_208, %dma_wait3A_209] : memref<10000x64xf32, #tpu.memory_space<hbm>> -> memref<10000x64xf32, #tpu.memory_space<hbm>>
        tpu.wait_indirect_dma semaphore(%arg15 : memref<!tpu.dma_semaphore, #tpu.memory_space<semaphore_mem>>) src(%dma_wait3A_210 : memref<10000x64xf32, #tpu.memory_space<hbm>>) dst(%arg11 : memref<128x64xf32, #tpu.memory_space<vmem>>)
        %dma_start3A_211 = arith.constant 0 : i32
        %dma_start3A_212 = tpu.memref_slice %arg7[%add3A_204, %dma_start3A_211] : memref<157x128xi32, #tpu.memory_space<vmem>> -> memref<1x128xi32, #tpu.memory_space<vmem>>
        %dma_start3A_213 = tpu.memref_squeeze %dma_start3A_212 : memref<1x128xi32, #tpu.memory_space<vmem>> -> memref<128xi32, #tpu.memory_space<vmem>>
        %dma_start3A_214 = arith.constant 0 : i32
        %dma_start3A_215 = arith.constant 0 : i32
        %dma_start3A_216 = tpu.memref_slice %arg20[%dma_start3A_214, %dma_start3A_215] : memref<10112x64xf32, #tpu.memory_space<vmem_shared>> -> memref<10112x64xf32, #tpu.memory_space<vmem_shared>>
        tpu.enqueue_indirect_dma source(%arg11 : memref<128x64xf32, #tpu.memory_space<vmem>>) target(%dma_start3A_216 : memref<10112x64xf32, #tpu.memory_space<vmem_shared>>) offsets(%dma_start3A_213 : memref<128xi32, #tpu.memory_space<vmem>>) semaphore(%arg19 : memref<!tpu.dma_semaphore, #tpu.memory_space<semaphore_mem>>) {add = true}
        %add3A_217 = arith.constant 4 : i32
        %add3A_218 = arith.addi %add3A_204, %add3A_217 : i32
        %lt3A_219 = arith.constant 156 : i32
        %lt3A_220 = arith.cmpi slt, %add3A_218, %lt3A_219 : i32
        %convert_element_type3A_221 = arith.extui %lt3A_220 : i1 to i32
        %cond3A_222 = arith.constant 0 : i32
        %cond3A_223 = arith.cmpi ne, %convert_element_type3A_221, %cond3A_222 : i32
        scf.if %cond3A_223 {
          %dma_wait3A_225 = arith.constant 0 : i32
          %dma_wait3A_226 = tpu.memref_slice %arg7[%add3A_204, %dma_wait3A_225] : memref<157x128xi32, #tpu.memory_space<vmem>> -> memref<1x128xi32, #tpu.memory_space<vmem>>
          %dma_wait3A_227 = tpu.memref_squeeze %dma_wait3A_226 : memref<1x128xi32, #tpu.memory_space<vmem>> -> memref<128xi32, #tpu.memory_space<vmem>>
          %dma_wait3A_228 = arith.constant 0 : i32
          %dma_wait3A_229 = arith.constant 0 : i32
          %dma_wait3A_230 = tpu.memref_slice %arg20[%dma_wait3A_228, %dma_wait3A_229] : memref<10112x64xf32, #tpu.memory_space<vmem_shared>> -> memref<10112x64xf32, #tpu.memory_space<vmem_shared>>
          tpu.wait_indirect_dma semaphore(%arg19 : memref<!tpu.dma_semaphore, #tpu.memory_space<semaphore_mem>>) src(%arg11 : memref<128x64xf32, #tpu.memory_space<vmem>>) dst(%dma_wait3A_230 : memref<10112x64xf32, #tpu.memory_space<vmem_shared>>)
          %add3A_231 = arith.constant 4 : i32
          %add3A_232 = arith.addi %add3A_204, %add3A_231 : i32
          %dma_start3A_233 = arith.constant 0 : i32
          %dma_start3A_234 = tpu.memref_slice %arg6[%add3A_232, %dma_start3A_233] : memref<157x128xi32, #tpu.memory_space<vmem>> -> memref<1x128xi32, #tpu.memory_space<vmem>>
          %dma_start3A_235 = tpu.memref_squeeze %dma_start3A_234 : memref<1x128xi32, #tpu.memory_space<vmem>> -> memref<128xi32, #tpu.memory_space<vmem>>
          %dma_start3A_236 = arith.constant 0 : i32
          %dma_start3A_237 = arith.constant 0 : i32
          %dma_start3A_238 = tpu.memref_slice %arg3[%dma_start3A_236, %dma_start3A_237] : memref<10000x64xf32, #tpu.memory_space<hbm>> -> memref<10000x64xf32, #tpu.memory_space<hbm>>
          tpu.enqueue_indirect_dma source(%dma_start3A_238 : memref<10000x64xf32, #tpu.memory_space<hbm>>) target(%arg11 : memref<128x64xf32, #tpu.memory_space<vmem>>) offsets(%dma_start3A_235 : memref<128xi32, #tpu.memory_space<vmem>>) semaphore(%arg15 : memref<!tpu.dma_semaphore, #tpu.memory_space<semaphore_mem>>)
        } else {
        }
        %scan3A_224 = arith.constant 0 : i32
        scf.yield %scan3A_224 : i32
      }
      %scan3A_97 = arith.constant 39 : i32
      %dma_wait3A = arith.constant 152 : i32
      %dma_wait3A_98 = arith.constant 0 : i32
      %dma_wait3A_99 = tpu.memref_slice %arg7[%dma_wait3A, %dma_wait3A_98] : memref<157x128xi32, #tpu.memory_space<vmem>> -> memref<1x128xi32, #tpu.memory_space<vmem>>
      %dma_wait3A_100 = tpu.memref_squeeze %dma_wait3A_99 : memref<1x128xi32, #tpu.memory_space<vmem>> -> memref<128xi32, #tpu.memory_space<vmem>>
      %dma_wait3A_101 = arith.constant 0 : i32
      %dma_wait3A_102 = arith.constant 0 : i32
      %dma_wait3A_103 = tpu.memref_slice %arg20[%dma_wait3A_101, %dma_wait3A_102] : memref<10112x64xf32, #tpu.memory_space<vmem_shared>> -> memref<10112x64xf32, #tpu.memory_space<vmem_shared>>
      tpu.wait_indirect_dma semaphore(%arg16 : memref<!tpu.dma_semaphore, #tpu.memory_space<semaphore_mem>>) src(%arg8 : memref<128x64xf32, #tpu.memory_space<vmem>>) dst(%dma_wait3A_103 : memref<10112x64xf32, #tpu.memory_space<vmem_shared>>)
      %dma_wait3A_104 = arith.constant 153 : i32
      %dma_wait3A_105 = arith.constant 0 : i32
      %dma_wait3A_106 = tpu.memref_slice %arg7[%dma_wait3A_104, %dma_wait3A_105] : memref<157x128xi32, #tpu.memory_space<vmem>> -> memref<1x128xi32, #tpu.memory_space<vmem>>
      %dma_wait3A_107 = tpu.memref_squeeze %dma_wait3A_106 : memref<1x128xi32, #tpu.memory_space<vmem>> -> memref<128xi32, #tpu.memory_space<vmem>>
      %dma_wait3A_108 = arith.constant 0 : i32
      %dma_wait3A_109 = arith.constant 0 : i32
      %dma_wait3A_110 = tpu.memref_slice %arg20[%dma_wait3A_108, %dma_wait3A_109] : memref<10112x64xf32, #tpu.memory_space<vmem_shared>> -> memref<10112x64xf32, #tpu.memory_space<vmem_shared>>
      tpu.wait_indirect_dma semaphore(%arg17 : memref<!tpu.dma_semaphore, #tpu.memory_space<semaphore_mem>>) src(%arg9 : memref<128x64xf32, #tpu.memory_space<vmem>>) dst(%dma_wait3A_110 : memref<10112x64xf32, #tpu.memory_space<vmem_shared>>)
      %dma_wait3A_111 = arith.constant 154 : i32
      %dma_wait3A_112 = arith.constant 0 : i32
      %dma_wait3A_113 = tpu.memref_slice %arg7[%dma_wait3A_111, %dma_wait3A_112] : memref<157x128xi32, #tpu.memory_space<vmem>> -> memref<1x128xi32, #tpu.memory_space<vmem>>
      %dma_wait3A_114 = tpu.memref_squeeze %dma_wait3A_113 : memref<1x128xi32, #tpu.memory_space<vmem>> -> memref<128xi32, #tpu.memory_space<vmem>>
      %dma_wait3A_115 = arith.constant 0 : i32
      %dma_wait3A_116 = arith.constant 0 : i32
      %dma_wait3A_117 = tpu.memref_slice %arg20[%dma_wait3A_115, %dma_wait3A_116] : memref<10112x64xf32, #tpu.memory_space<vmem_shared>> -> memref<10112x64xf32, #tpu.memory_space<vmem_shared>>
      tpu.wait_indirect_dma semaphore(%arg18 : memref<!tpu.dma_semaphore, #tpu.memory_space<semaphore_mem>>) src(%arg10 : memref<128x64xf32, #tpu.memory_space<vmem>>) dst(%dma_wait3A_117 : memref<10112x64xf32, #tpu.memory_space<vmem_shared>>)
      %dma_wait3A_118 = arith.constant 155 : i32
      %dma_wait3A_119 = arith.constant 0 : i32
      %dma_wait3A_120 = tpu.memref_slice %arg7[%dma_wait3A_118, %dma_wait3A_119] : memref<157x128xi32, #tpu.memory_space<vmem>> -> memref<1x128xi32, #tpu.memory_space<vmem>>
      %dma_wait3A_121 = tpu.memref_squeeze %dma_wait3A_120 : memref<1x128xi32, #tpu.memory_space<vmem>> -> memref<128xi32, #tpu.memory_space<vmem>>
      %dma_wait3A_122 = arith.constant 0 : i32
      %dma_wait3A_123 = arith.constant 0 : i32
      %dma_wait3A_124 = tpu.memref_slice %arg20[%dma_wait3A_122, %dma_wait3A_123] : memref<10112x64xf32, #tpu.memory_space<vmem_shared>> -> memref<10112x64xf32, #tpu.memory_space<vmem_shared>>
      tpu.wait_indirect_dma semaphore(%arg19 : memref<!tpu.dma_semaphore, #tpu.memory_space<semaphore_mem>>) src(%arg11 : memref<128x64xf32, #tpu.memory_space<vmem>>) dst(%dma_wait3A_124 : memref<10112x64xf32, #tpu.memory_space<vmem_shared>>)
      %lt3A_125 = arith.constant 4 : i32
      %lt3A_126 = arith.cmpi slt, %arg1, %lt3A_125 : i32
      %convert_element_type3A_127 = arith.extui %lt3A_126 : i1 to i32
      %cond3A_128 = arith.constant 0 : i32
      %cond3A_129 = arith.cmpi ne, %convert_element_type3A_127, %cond3A_128 : i32
      scf.if %cond3A_129 {
        %dma_start3A_130 = arith.constant 156 : i32
        %dma_start3A_131 = arith.constant 0 : i32
        %dma_start3A_132 = tpu.memref_slice %arg6[%dma_start3A_130, %dma_start3A_131] : memref<157x128xi32, #tpu.memory_space<vmem>> -> memref<1x128xi32, #tpu.memory_space<vmem>>
        %dma_start3A_133 = tpu.memref_squeeze %dma_start3A_132 : memref<1x128xi32, #tpu.memory_space<vmem>> -> memref<128xi32, #tpu.memory_space<vmem>>
        %dma_start3A_134 = arith.constant 0 : i32
        %dma_start3A_135 = arith.constant 0 : i32
        %dma_start3A_136 = tpu.memref_slice %arg3[%dma_start3A_134, %dma_start3A_135] : memref<10000x64xf32, #tpu.memory_space<hbm>> -> memref<10000x64xf32, #tpu.memory_space<hbm>>
        tpu.enqueue_indirect_dma source(%dma_start3A_136 : memref<10000x64xf32, #tpu.memory_space<hbm>>) target(%arg8 : memref<128x64xf32, #tpu.memory_space<vmem>>) offsets(%dma_start3A_133 : memref<128xi32, #tpu.memory_space<vmem>>) semaphore(%arg12 : memref<!tpu.dma_semaphore, #tpu.memory_space<semaphore_mem>>)
        %dma_wait3A_137 = arith.constant 156 : i32
        %dma_wait3A_138 = arith.constant 0 : i32
        %dma_wait3A_139 = tpu.memref_slice %arg6[%dma_wait3A_137, %dma_wait3A_138] : memref<157x128xi32, #tpu.memory_space<vmem>> -> memref<1x128xi32, #tpu.memory_space<vmem>>
        %dma_wait3A_140 = tpu.memref_squeeze %dma_wait3A_139 : memref<1x128xi32, #tpu.memory_space<vmem>> -> memref<128xi32, #tpu.memory_space<vmem>>
        %dma_wait3A_141 = arith.constant 0 : i32
        %dma_wait3A_142 = arith.constant 0 : i32
        %dma_wait3A_143 = tpu.memref_slice %arg3[%dma_wait3A_141, %dma_wait3A_142] : memref<10000x64xf32, #tpu.memory_space<hbm>> -> memref<10000x64xf32, #tpu.memory_space<hbm>>
        tpu.wait_indirect_dma semaphore(%arg12 : memref<!tpu.dma_semaphore, #tpu.memory_space<semaphore_mem>>) src(%dma_wait3A_143 : memref<10000x64xf32, #tpu.memory_space<hbm>>) dst(%arg8 : memref<128x64xf32, #tpu.memory_space<vmem>>)
        %run_scoped3A_144 = arith.constant 156 : i32
        "tpu.region"() ({
          %run_scoped3A_145 = tpu.sem_alloc : memref<!tpu.dma_semaphore, #tpu.memory_space<semaphore_mem>>
          %dma_start3A_146 = arith.constant 0 : i32
          %dma_start3A_147 = tpu.memref_slice %arg7[%run_scoped3A_144, %dma_start3A_146] : memref<157x128xi32, #tpu.memory_space<vmem>> -> memref<1x128xi32, #tpu.memory_space<vmem>>
          %dma_start3A_148 = tpu.memref_squeeze %dma_start3A_147 : memref<1x128xi32, #tpu.memory_space<vmem>> -> memref<128xi32, #tpu.memory_space<vmem>>
          %dma_start3A_149 = arith.constant 0 : i32
          %dma_start3A_150 = arith.constant 0 : i32
          %dma_start3A_151 = tpu.memref_slice %arg20[%dma_start3A_149, %dma_start3A_150] : memref<10112x64xf32, #tpu.memory_space<vmem_shared>> -> memref<10112x64xf32, #tpu.memory_space<vmem_shared>>
          tpu.enqueue_indirect_dma source(%arg8 : memref<128x64xf32, #tpu.memory_space<vmem>>) target(%dma_start3A_151 : memref<10112x64xf32, #tpu.memory_space<vmem_shared>>) offsets(%dma_start3A_148 : memref<128xi32, #tpu.memory_space<vmem>>) semaphore(%run_scoped3A_145 : memref<!tpu.dma_semaphore, #tpu.memory_space<semaphore_mem>>) {add = true}
          %dma_wait3A_152 = arith.constant 0 : i32
          %dma_wait3A_153 = tpu.memref_slice %arg7[%run_scoped3A_144, %dma_wait3A_152] : memref<157x128xi32, #tpu.memory_space<vmem>> -> memref<1x128xi32, #tpu.memory_space<vmem>>
          %dma_wait3A_154 = tpu.memref_squeeze %dma_wait3A_153 : memref<1x128xi32, #tpu.memory_space<vmem>> -> memref<128xi32, #tpu.memory_space<vmem>>
          %dma_wait3A_155 = arith.constant 0 : i32
          %dma_wait3A_156 = arith.constant 0 : i32
          %dma_wait3A_157 = tpu.memref_slice %arg20[%dma_wait3A_155, %dma_wait3A_156] : memref<10112x64xf32, #tpu.memory_space<vmem_shared>> -> memref<10112x64xf32, #tpu.memory_space<vmem_shared>>
          tpu.wait_indirect_dma semaphore(%run_scoped3A_145 : memref<!tpu.dma_semaphore, #tpu.memory_space<semaphore_mem>>) src(%arg8 : memref<128x64xf32, #tpu.memory_space<vmem>>) dst(%dma_wait3A_157 : memref<10112x64xf32, #tpu.memory_space<vmem_shared>>)
          tpu.yield
        }) : () -> ()
      } else {
      }
    } else {
    }
    %eq3A_38 = arith.constant 1 : i32
    %eq3A_39 = arith.cmpi eq, %arg0, %eq3A_38 : i32
    %convert_element_type3A_40 = arith.extui %eq3A_39 : i1 to i32
    %cond3A_41 = arith.constant 0 : i32
    %cond3A_42 = arith.cmpi ne, %convert_element_type3A_40, %cond3A_41 : i32
    scf.if %cond3A_42 {
      %dma_start3A = arith.constant 0 : i32
      %dma_start3A_64 = arith.constant 0 : i32
      %dma_start3A_65 = tpu.memref_slice %arg6[%dma_start3A, %dma_start3A_64] : memref<157x128xi32, #tpu.memory_space<vmem>> -> memref<1x128xi32, #tpu.memory_space<vmem>>
      %dma_start3A_66 = tpu.memref_squeeze %dma_start3A_65 : memref<1x128xi32, #tpu.memory_space<vmem>> -> memref<128xi32, #tpu.memory_space<vmem>>
      %dma_start3A_67 = arith.constant 0 : i32
      %dma_start3A_68 = arith.constant 0 : i32
      %dma_start3A_69 = tpu.memref_slice %arg4[%dma_start3A_67, %dma_start3A_68] : memref<10000x64xf32, #tpu.memory_space<hbm>> -> memref<10000x64xf32, #tpu.memory_space<hbm>>
      tpu.enqueue_indirect_dma source(%dma_start3A_69 : memref<10000x64xf32, #tpu.memory_space<hbm>>) target(%arg8 : memref<128x64xf32, #tpu.memory_space<vmem>>) offsets(%dma_start3A_66 : memref<128xi32, #tpu.memory_space<vmem>>) semaphore(%arg12 : memref<!tpu.dma_semaphore, #tpu.memory_space<semaphore_mem>>)
      %dma_start3A_70 = arith.constant 1 : i32
      %dma_start3A_71 = arith.constant 0 : i32
      %dma_start3A_72 = tpu.memref_slice %arg6[%dma_start3A_70, %dma_start3A_71] : memref<157x128xi32, #tpu.memory_space<vmem>> -> memref<1x128xi32, #tpu.memory_space<vmem>>
      %dma_start3A_73 = tpu.memref_squeeze %dma_start3A_72 : memref<1x128xi32, #tpu.memory_space<vmem>> -> memref<128xi32, #tpu.memory_space<vmem>>
      %dma_start3A_74 = arith.constant 0 : i32
      %dma_start3A_75 = arith.constant 0 : i32
      %dma_start3A_76 = tpu.memref_slice %arg4[%dma_start3A_74, %dma_start3A_75] : memref<10000x64xf32, #tpu.memory_space<hbm>> -> memref<10000x64xf32, #tpu.memory_space<hbm>>
      tpu.enqueue_indirect_dma source(%dma_start3A_76 : memref<10000x64xf32, #tpu.memory_space<hbm>>) target(%arg9 : memref<128x64xf32, #tpu.memory_space<vmem>>) offsets(%dma_start3A_73 : memref<128xi32, #tpu.memory_space<vmem>>) semaphore(%arg13 : memref<!tpu.dma_semaphore, #tpu.memory_space<semaphore_mem>>)
      %dma_start3A_77 = arith.constant 2 : i32
      %dma_start3A_78 = arith.constant 0 : i32
      %dma_start3A_79 = tpu.memref_slice %arg6[%dma_start3A_77, %dma_start3A_78] : memref<157x128xi32, #tpu.memory_space<vmem>> -> memref<1x128xi32, #tpu.memory_space<vmem>>
      %dma_start3A_80 = tpu.memref_squeeze %dma_start3A_79 : memref<1x128xi32, #tpu.memory_space<vmem>> -> memref<128xi32, #tpu.memory_space<vmem>>
      %dma_start3A_81 = arith.constant 0 : i32
      %dma_start3A_82 = arith.constant 0 : i32
      %dma_start3A_83 = tpu.memref_slice %arg4[%dma_start3A_81, %dma_start3A_82] : memref<10000x64xf32, #tpu.memory_space<hbm>> -> memref<10000x64xf32, #tpu.memory_space<hbm>>
      tpu.enqueue_indirect_dma source(%dma_start3A_83 : memref<10000x64xf32, #tpu.memory_space<hbm>>) target(%arg10 : memref<128x64xf32, #tpu.memory_space<vmem>>) offsets(%dma_start3A_80 : memref<128xi32, #tpu.memory_space<vmem>>) semaphore(%arg14 : memref<!tpu.dma_semaphore, #tpu.memory_space<semaphore_mem>>)
      %dma_start3A_84 = arith.constant 3 : i32
      %dma_start3A_85 = arith.constant 0 : i32
      %dma_start3A_86 = tpu.memref_slice %arg6[%dma_start3A_84, %dma_start3A_85] : memref<157x128xi32, #tpu.memory_space<vmem>> -> memref<1x128xi32, #tpu.memory_space<vmem>>
      %dma_start3A_87 = tpu.memref_squeeze %dma_start3A_86 : memref<1x128xi32, #tpu.memory_space<vmem>> -> memref<128xi32, #tpu.memory_space<vmem>>
      %dma_start3A_88 = arith.constant 0 : i32
      %dma_start3A_89 = arith.constant 0 : i32
      %dma_start3A_90 = tpu.memref_slice %arg4[%dma_start3A_88, %dma_start3A_89] : memref<10000x64xf32, #tpu.memory_space<hbm>> -> memref<10000x64xf32, #tpu.memory_space<hbm>>
      tpu.enqueue_indirect_dma source(%dma_start3A_90 : memref<10000x64xf32, #tpu.memory_space<hbm>>) target(%arg11 : memref<128x64xf32, #tpu.memory_space<vmem>>) offsets(%dma_start3A_87 : memref<128xi32, #tpu.memory_space<vmem>>) semaphore(%arg15 : memref<!tpu.dma_semaphore, #tpu.memory_space<semaphore_mem>>)
      %scan3A_91 = arith.constant 0 : i32
      %scan3A_92 = arith.constant 0 : i32
      %scan3A_93 = arith.constant 39 : i32
      %scan3A_94 = arith.addi %scan3A_92, %scan3A_93 : i32
      %scan3A_95 = arith.constant 1 : i32
      %scan3A_96 = scf.for %scan3A_130 = %scan3A_92 to %scan3A_94 step %scan3A_95 iter_args(%scan3A_131 = %scan3A_91) -> (i32)  : i32 {
        %mul3A_132 = arith.constant 4 : i32
        %mul3A_133 = arith.muli %mul3A_132, %scan3A_130 : i32
        %add3A_134 = arith.constant 0 : i32
        %add3A_135 = arith.addi %mul3A_133, %add3A_134 : i32
        %dma_wait3A_136 = arith.constant 0 : i32
        %dma_wait3A_137 = tpu.memref_slice %arg6[%add3A_135, %dma_wait3A_136] : memref<157x128xi32, #tpu.memory_space<vmem>> -> memref<1x128xi32, #tpu.memory_space<vmem>>
        %dma_wait3A_138 = tpu.memref_squeeze %dma_wait3A_137 : memref<1x128xi32, #tpu.memory_space<vmem>> -> memref<128xi32, #tpu.memory_space<vmem>>
        %dma_wait3A_139 = arith.constant 0 : i32
        %dma_wait3A_140 = arith.constant 0 : i32
        %dma_wait3A_141 = tpu.memref_slice %arg4[%dma_wait3A_139, %dma_wait3A_140] : memref<10000x64xf32, #tpu.memory_space<hbm>> -> memref<10000x64xf32, #tpu.memory_space<hbm>>
        tpu.wait_indirect_dma semaphore(%arg12 : memref<!tpu.dma_semaphore, #tpu.memory_space<semaphore_mem>>) src(%dma_wait3A_141 : memref<10000x64xf32, #tpu.memory_space<hbm>>) dst(%arg8 : memref<128x64xf32, #tpu.memory_space<vmem>>)
        %dma_start3A_142 = arith.constant 0 : i32
        %dma_start3A_143 = tpu.memref_slice %arg7[%add3A_135, %dma_start3A_142] : memref<157x128xi32, #tpu.memory_space<vmem>> -> memref<1x128xi32, #tpu.memory_space<vmem>>
        %dma_start3A_144 = tpu.memref_squeeze %dma_start3A_143 : memref<1x128xi32, #tpu.memory_space<vmem>> -> memref<128xi32, #tpu.memory_space<vmem>>
        %dma_start3A_145 = arith.constant 0 : i32
        %dma_start3A_146 = arith.constant 0 : i32
        %dma_start3A_147 = tpu.memref_slice %arg20[%dma_start3A_145, %dma_start3A_146] : memref<10112x64xf32, #tpu.memory_space<vmem_shared>> -> memref<10112x64xf32, #tpu.memory_space<vmem_shared>>
        tpu.enqueue_indirect_dma source(%arg8 : memref<128x64xf32, #tpu.memory_space<vmem>>) target(%dma_start3A_147 : memref<10112x64xf32, #tpu.memory_space<vmem_shared>>) offsets(%dma_start3A_144 : memref<128xi32, #tpu.memory_space<vmem>>) semaphore(%arg16 : memref<!tpu.dma_semaphore, #tpu.memory_space<semaphore_mem>>) {add = true}
        %add3A_148 = arith.constant 4 : i32
        %add3A_149 = arith.addi %add3A_135, %add3A_148 : i32
        %lt3A_150 = arith.constant 156 : i32
        %lt3A_151 = arith.cmpi slt, %add3A_149, %lt3A_150 : i32
        %convert_element_type3A_152 = arith.extui %lt3A_151 : i1 to i32
        %cond3A_153 = arith.constant 0 : i32
        %cond3A_154 = arith.cmpi ne, %convert_element_type3A_152, %cond3A_153 : i32
        scf.if %cond3A_154 {
          %dma_wait3A_225 = arith.constant 0 : i32
          %dma_wait3A_226 = tpu.memref_slice %arg7[%add3A_135, %dma_wait3A_225] : memref<157x128xi32, #tpu.memory_space<vmem>> -> memref<1x128xi32, #tpu.memory_space<vmem>>
          %dma_wait3A_227 = tpu.memref_squeeze %dma_wait3A_226 : memref<1x128xi32, #tpu.memory_space<vmem>> -> memref<128xi32, #tpu.memory_space<vmem>>
          %dma_wait3A_228 = arith.constant 0 : i32
          %dma_wait3A_229 = arith.constant 0 : i32
          %dma_wait3A_230 = tpu.memref_slice %arg20[%dma_wait3A_228, %dma_wait3A_229] : memref<10112x64xf32, #tpu.memory_space<vmem_shared>> -> memref<10112x64xf32, #tpu.memory_space<vmem_shared>>
          tpu.wait_indirect_dma semaphore(%arg16 : memref<!tpu.dma_semaphore, #tpu.memory_space<semaphore_mem>>) src(%arg8 : memref<128x64xf32, #tpu.memory_space<vmem>>) dst(%dma_wait3A_230 : memref<10112x64xf32, #tpu.memory_space<vmem_shared>>)
          %add3A_231 = arith.constant 4 : i32
          %add3A_232 = arith.addi %add3A_135, %add3A_231 : i32
          %dma_start3A_233 = arith.constant 0 : i32
          %dma_start3A_234 = tpu.memref_slice %arg6[%add3A_232, %dma_start3A_233] : memref<157x128xi32, #tpu.memory_space<vmem>> -> memref<1x128xi32, #tpu.memory_space<vmem>>
          %dma_start3A_235 = tpu.memref_squeeze %dma_start3A_234 : memref<1x128xi32, #tpu.memory_space<vmem>> -> memref<128xi32, #tpu.memory_space<vmem>>
          %dma_start3A_236 = arith.constant 0 : i32
          %dma_start3A_237 = arith.constant 0 : i32
          %dma_start3A_238 = tpu.memref_slice %arg4[%dma_start3A_236, %dma_start3A_237] : memref<10000x64xf32, #tpu.memory_space<hbm>> -> memref<10000x64xf32, #tpu.memory_space<hbm>>
          tpu.enqueue_indirect_dma source(%dma_start3A_238 : memref<10000x64xf32, #tpu.memory_space<hbm>>) target(%arg8 : memref<128x64xf32, #tpu.memory_space<vmem>>) offsets(%dma_start3A_235 : memref<128xi32, #tpu.memory_space<vmem>>) semaphore(%arg12 : memref<!tpu.dma_semaphore, #tpu.memory_space<semaphore_mem>>)
        } else {
        }
        %mul3A_155 = arith.constant 4 : i32
        %mul3A_156 = arith.muli %mul3A_155, %scan3A_130 : i32
        %add3A_157 = arith.constant 1 : i32
        %add3A_158 = arith.addi %mul3A_156, %add3A_157 : i32
        %dma_wait3A_159 = arith.constant 0 : i32
        %dma_wait3A_160 = tpu.memref_slice %arg6[%add3A_158, %dma_wait3A_159] : memref<157x128xi32, #tpu.memory_space<vmem>> -> memref<1x128xi32, #tpu.memory_space<vmem>>
        %dma_wait3A_161 = tpu.memref_squeeze %dma_wait3A_160 : memref<1x128xi32, #tpu.memory_space<vmem>> -> memref<128xi32, #tpu.memory_space<vmem>>
        %dma_wait3A_162 = arith.constant 0 : i32
        %dma_wait3A_163 = arith.constant 0 : i32
        %dma_wait3A_164 = tpu.memref_slice %arg4[%dma_wait3A_162, %dma_wait3A_163] : memref<10000x64xf32, #tpu.memory_space<hbm>> -> memref<10000x64xf32, #tpu.memory_space<hbm>>
        tpu.wait_indirect_dma semaphore(%arg13 : memref<!tpu.dma_semaphore, #tpu.memory_space<semaphore_mem>>) src(%dma_wait3A_164 : memref<10000x64xf32, #tpu.memory_space<hbm>>) dst(%arg9 : memref<128x64xf32, #tpu.memory_space<vmem>>)
        %dma_start3A_165 = arith.constant 0 : i32
        %dma_start3A_166 = tpu.memref_slice %arg7[%add3A_158, %dma_start3A_165] : memref<157x128xi32, #tpu.memory_space<vmem>> -> memref<1x128xi32, #tpu.memory_space<vmem>>
        %dma_start3A_167 = tpu.memref_squeeze %dma_start3A_166 : memref<1x128xi32, #tpu.memory_space<vmem>> -> memref<128xi32, #tpu.memory_space<vmem>>
        %dma_start3A_168 = arith.constant 0 : i32
        %dma_start3A_169 = arith.constant 0 : i32
        %dma_start3A_170 = tpu.memref_slice %arg20[%dma_start3A_168, %dma_start3A_169] : memref<10112x64xf32, #tpu.memory_space<vmem_shared>> -> memref<10112x64xf32, #tpu.memory_space<vmem_shared>>
        tpu.enqueue_indirect_dma source(%arg9 : memref<128x64xf32, #tpu.memory_space<vmem>>) target(%dma_start3A_170 : memref<10112x64xf32, #tpu.memory_space<vmem_shared>>) offsets(%dma_start3A_167 : memref<128xi32, #tpu.memory_space<vmem>>) semaphore(%arg17 : memref<!tpu.dma_semaphore, #tpu.memory_space<semaphore_mem>>) {add = true}
        %add3A_171 = arith.constant 4 : i32
        %add3A_172 = arith.addi %add3A_158, %add3A_171 : i32
        %lt3A_173 = arith.constant 156 : i32
        %lt3A_174 = arith.cmpi slt, %add3A_172, %lt3A_173 : i32
        %convert_element_type3A_175 = arith.extui %lt3A_174 : i1 to i32
        %cond3A_176 = arith.constant 0 : i32
        %cond3A_177 = arith.cmpi ne, %convert_element_type3A_175, %cond3A_176 : i32
        scf.if %cond3A_177 {
          %dma_wait3A_225 = arith.constant 0 : i32
          %dma_wait3A_226 = tpu.memref_slice %arg7[%add3A_158, %dma_wait3A_225] : memref<157x128xi32, #tpu.memory_space<vmem>> -> memref<1x128xi32, #tpu.memory_space<vmem>>
          %dma_wait3A_227 = tpu.memref_squeeze %dma_wait3A_226 : memref<1x128xi32, #tpu.memory_space<vmem>> -> memref<128xi32, #tpu.memory_space<vmem>>
          %dma_wait3A_228 = arith.constant 0 : i32
          %dma_wait3A_229 = arith.constant 0 : i32
          %dma_wait3A_230 = tpu.memref_slice %arg20[%dma_wait3A_228, %dma_wait3A_229] : memref<10112x64xf32, #tpu.memory_space<vmem_shared>> -> memref<10112x64xf32, #tpu.memory_space<vmem_shared>>
          tpu.wait_indirect_dma semaphore(%arg17 : memref<!tpu.dma_semaphore, #tpu.memory_space<semaphore_mem>>) src(%arg9 : memref<128x64xf32, #tpu.memory_space<vmem>>) dst(%dma_wait3A_230 : memref<10112x64xf32, #tpu.memory_space<vmem_shared>>)
          %add3A_231 = arith.constant 4 : i32
          %add3A_232 = arith.addi %add3A_158, %add3A_231 : i32
          %dma_start3A_233 = arith.constant 0 : i32
          %dma_start3A_234 = tpu.memref_slice %arg6[%add3A_232, %dma_start3A_233] : memref<157x128xi32, #tpu.memory_space<vmem>> -> memref<1x128xi32, #tpu.memory_space<vmem>>
          %dma_start3A_235 = tpu.memref_squeeze %dma_start3A_234 : memref<1x128xi32, #tpu.memory_space<vmem>> -> memref<128xi32, #tpu.memory_space<vmem>>
          %dma_start3A_236 = arith.constant 0 : i32
          %dma_start3A_237 = arith.constant 0 : i32
          %dma_start3A_238 = tpu.memref_slice %arg4[%dma_start3A_236, %dma_start3A_237] : memref<10000x64xf32, #tpu.memory_space<hbm>> -> memref<10000x64xf32, #tpu.memory_space<hbm>>
          tpu.enqueue_indirect_dma source(%dma_start3A_238 : memref<10000x64xf32, #tpu.memory_space<hbm>>) target(%arg9 : memref<128x64xf32, #tpu.memory_space<vmem>>) offsets(%dma_start3A_235 : memref<128xi32, #tpu.memory_space<vmem>>) semaphore(%arg13 : memref<!tpu.dma_semaphore, #tpu.memory_space<semaphore_mem>>)
        } else {
        }
        %mul3A_178 = arith.constant 4 : i32
        %mul3A_179 = arith.muli %mul3A_178, %scan3A_130 : i32
        %add3A_180 = arith.constant 2 : i32
        %add3A_181 = arith.addi %mul3A_179, %add3A_180 : i32
        %dma_wait3A_182 = arith.constant 0 : i32
        %dma_wait3A_183 = tpu.memref_slice %arg6[%add3A_181, %dma_wait3A_182] : memref<157x128xi32, #tpu.memory_space<vmem>> -> memref<1x128xi32, #tpu.memory_space<vmem>>
        %dma_wait3A_184 = tpu.memref_squeeze %dma_wait3A_183 : memref<1x128xi32, #tpu.memory_space<vmem>> -> memref<128xi32, #tpu.memory_space<vmem>>
        %dma_wait3A_185 = arith.constant 0 : i32
        %dma_wait3A_186 = arith.constant 0 : i32
        %dma_wait3A_187 = tpu.memref_slice %arg4[%dma_wait3A_185, %dma_wait3A_186] : memref<10000x64xf32, #tpu.memory_space<hbm>> -> memref<10000x64xf32, #tpu.memory_space<hbm>>
        tpu.wait_indirect_dma semaphore(%arg14 : memref<!tpu.dma_semaphore, #tpu.memory_space<semaphore_mem>>) src(%dma_wait3A_187 : memref<10000x64xf32, #tpu.memory_space<hbm>>) dst(%arg10 : memref<128x64xf32, #tpu.memory_space<vmem>>)
        %dma_start3A_188 = arith.constant 0 : i32
        %dma_start3A_189 = tpu.memref_slice %arg7[%add3A_181, %dma_start3A_188] : memref<157x128xi32, #tpu.memory_space<vmem>> -> memref<1x128xi32, #tpu.memory_space<vmem>>
        %dma_start3A_190 = tpu.memref_squeeze %dma_start3A_189 : memref<1x128xi32, #tpu.memory_space<vmem>> -> memref<128xi32, #tpu.memory_space<vmem>>
        %dma_start3A_191 = arith.constant 0 : i32
        %dma_start3A_192 = arith.constant 0 : i32
        %dma_start3A_193 = tpu.memref_slice %arg20[%dma_start3A_191, %dma_start3A_192] : memref<10112x64xf32, #tpu.memory_space<vmem_shared>> -> memref<10112x64xf32, #tpu.memory_space<vmem_shared>>
        tpu.enqueue_indirect_dma source(%arg10 : memref<128x64xf32, #tpu.memory_space<vmem>>) target(%dma_start3A_193 : memref<10112x64xf32, #tpu.memory_space<vmem_shared>>) offsets(%dma_start3A_190 : memref<128xi32, #tpu.memory_space<vmem>>) semaphore(%arg18 : memref<!tpu.dma_semaphore, #tpu.memory_space<semaphore_mem>>) {add = true}
        %add3A_194 = arith.constant 4 : i32
        %add3A_195 = arith.addi %add3A_181, %add3A_194 : i32
        %lt3A_196 = arith.constant 156 : i32
        %lt3A_197 = arith.cmpi slt, %add3A_195, %lt3A_196 : i32
        %convert_element_type3A_198 = arith.extui %lt3A_197 : i1 to i32
        %cond3A_199 = arith.constant 0 : i32
        %cond3A_200 = arith.cmpi ne, %convert_element_type3A_198, %cond3A_199 : i32
        scf.if %cond3A_200 {
          %dma_wait3A_225 = arith.constant 0 : i32
          %dma_wait3A_226 = tpu.memref_slice %arg7[%add3A_181, %dma_wait3A_225] : memref<157x128xi32, #tpu.memory_space<vmem>> -> memref<1x128xi32, #tpu.memory_space<vmem>>
          %dma_wait3A_227 = tpu.memref_squeeze %dma_wait3A_226 : memref<1x128xi32, #tpu.memory_space<vmem>> -> memref<128xi32, #tpu.memory_space<vmem>>
          %dma_wait3A_228 = arith.constant 0 : i32
          %dma_wait3A_229 = arith.constant 0 : i32
          %dma_wait3A_230 = tpu.memref_slice %arg20[%dma_wait3A_228, %dma_wait3A_229] : memref<10112x64xf32, #tpu.memory_space<vmem_shared>> -> memref<10112x64xf32, #tpu.memory_space<vmem_shared>>
          tpu.wait_indirect_dma semaphore(%arg18 : memref<!tpu.dma_semaphore, #tpu.memory_space<semaphore_mem>>) src(%arg10 : memref<128x64xf32, #tpu.memory_space<vmem>>) dst(%dma_wait3A_230 : memref<10112x64xf32, #tpu.memory_space<vmem_shared>>)
          %add3A_231 = arith.constant 4 : i32
          %add3A_232 = arith.addi %add3A_181, %add3A_231 : i32
          %dma_start3A_233 = arith.constant 0 : i32
          %dma_start3A_234 = tpu.memref_slice %arg6[%add3A_232, %dma_start3A_233] : memref<157x128xi32, #tpu.memory_space<vmem>> -> memref<1x128xi32, #tpu.memory_space<vmem>>
          %dma_start3A_235 = tpu.memref_squeeze %dma_start3A_234 : memref<1x128xi32, #tpu.memory_space<vmem>> -> memref<128xi32, #tpu.memory_space<vmem>>
          %dma_start3A_236 = arith.constant 0 : i32
          %dma_start3A_237 = arith.constant 0 : i32
          %dma_start3A_238 = tpu.memref_slice %arg4[%dma_start3A_236, %dma_start3A_237] : memref<10000x64xf32, #tpu.memory_space<hbm>> -> memref<10000x64xf32, #tpu.memory_space<hbm>>
          tpu.enqueue_indirect_dma source(%dma_start3A_238 : memref<10000x64xf32, #tpu.memory_space<hbm>>) target(%arg10 : memref<128x64xf32, #tpu.memory_space<vmem>>) offsets(%dma_start3A_235 : memref<128xi32, #tpu.memory_space<vmem>>) semaphore(%arg14 : memref<!tpu.dma_semaphore, #tpu.memory_space<semaphore_mem>>)
        } else {
        }
        %mul3A_201 = arith.constant 4 : i32
        %mul3A_202 = arith.muli %mul3A_201, %scan3A_130 : i32
        %add3A_203 = arith.constant 3 : i32
        %add3A_204 = arith.addi %mul3A_202, %add3A_203 : i32
        %dma_wait3A_205 = arith.constant 0 : i32
        %dma_wait3A_206 = tpu.memref_slice %arg6[%add3A_204, %dma_wait3A_205] : memref<157x128xi32, #tpu.memory_space<vmem>> -> memref<1x128xi32, #tpu.memory_space<vmem>>
        %dma_wait3A_207 = tpu.memref_squeeze %dma_wait3A_206 : memref<1x128xi32, #tpu.memory_space<vmem>> -> memref<128xi32, #tpu.memory_space<vmem>>
        %dma_wait3A_208 = arith.constant 0 : i32
        %dma_wait3A_209 = arith.constant 0 : i32
        %dma_wait3A_210 = tpu.memref_slice %arg4[%dma_wait3A_208, %dma_wait3A_209] : memref<10000x64xf32, #tpu.memory_space<hbm>> -> memref<10000x64xf32, #tpu.memory_space<hbm>>
        tpu.wait_indirect_dma semaphore(%arg15 : memref<!tpu.dma_semaphore, #tpu.memory_space<semaphore_mem>>) src(%dma_wait3A_210 : memref<10000x64xf32, #tpu.memory_space<hbm>>) dst(%arg11 : memref<128x64xf32, #tpu.memory_space<vmem>>)
        %dma_start3A_211 = arith.constant 0 : i32
        %dma_start3A_212 = tpu.memref_slice %arg7[%add3A_204, %dma_start3A_211] : memref<157x128xi32, #tpu.memory_space<vmem>> -> memref<1x128xi32, #tpu.memory_space<vmem>>
        %dma_start3A_213 = tpu.memref_squeeze %dma_start3A_212 : memref<1x128xi32, #tpu.memory_space<vmem>> -> memref<128xi32, #tpu.memory_space<vmem>>
        %dma_start3A_214 = arith.constant 0 : i32
        %dma_start3A_215 = arith.constant 0 : i32
        %dma_start3A_216 = tpu.memref_slice %arg20[%dma_start3A_214, %dma_start3A_215] : memref<10112x64xf32, #tpu.memory_space<vmem_shared>> -> memref<10112x64xf32, #tpu.memory_space<vmem_shared>>
        tpu.enqueue_indirect_dma source(%arg11 : memref<128x64xf32, #tpu.memory_space<vmem>>) target(%dma_start3A_216 : memref<10112x64xf32, #tpu.memory_space<vmem_shared>>) offsets(%dma_start3A_213 : memref<128xi32, #tpu.memory_space<vmem>>) semaphore(%arg19 : memref<!tpu.dma_semaphore, #tpu.memory_space<semaphore_mem>>) {add = true}
        %add3A_217 = arith.constant 4 : i32
        %add3A_218 = arith.addi %add3A_204, %add3A_217 : i32
        %lt3A_219 = arith.constant 156 : i32
        %lt3A_220 = arith.cmpi slt, %add3A_218, %lt3A_219 : i32
        %convert_element_type3A_221 = arith.extui %lt3A_220 : i1 to i32
        %cond3A_222 = arith.constant 0 : i32
        %cond3A_223 = arith.cmpi ne, %convert_element_type3A_221, %cond3A_222 : i32
        scf.if %cond3A_223 {
          %dma_wait3A_225 = arith.constant 0 : i32
          %dma_wait3A_226 = tpu.memref_slice %arg7[%add3A_204, %dma_wait3A_225] : memref<157x128xi32, #tpu.memory_space<vmem>> -> memref<1x128xi32, #tpu.memory_space<vmem>>
          %dma_wait3A_227 = tpu.memref_squeeze %dma_wait3A_226 : memref<1x128xi32, #tpu.memory_space<vmem>> -> memref<128xi32, #tpu.memory_space<vmem>>
          %dma_wait3A_228 = arith.constant 0 : i32
          %dma_wait3A_229 = arith.constant 0 : i32
          %dma_wait3A_230 = tpu.memref_slice %arg20[%dma_wait3A_228, %dma_wait3A_229] : memref<10112x64xf32, #tpu.memory_space<vmem_shared>> -> memref<10112x64xf32, #tpu.memory_space<vmem_shared>>
          tpu.wait_indirect_dma semaphore(%arg19 : memref<!tpu.dma_semaphore, #tpu.memory_space<semaphore_mem>>) src(%arg11 : memref<128x64xf32, #tpu.memory_space<vmem>>) dst(%dma_wait3A_230 : memref<10112x64xf32, #tpu.memory_space<vmem_shared>>)
          %add3A_231 = arith.constant 4 : i32
          %add3A_232 = arith.addi %add3A_204, %add3A_231 : i32
          %dma_start3A_233 = arith.constant 0 : i32
          %dma_start3A_234 = tpu.memref_slice %arg6[%add3A_232, %dma_start3A_233] : memref<157x128xi32, #tpu.memory_space<vmem>> -> memref<1x128xi32, #tpu.memory_space<vmem>>
          %dma_start3A_235 = tpu.memref_squeeze %dma_start3A_234 : memref<1x128xi32, #tpu.memory_space<vmem>> -> memref<128xi32, #tpu.memory_space<vmem>>
          %dma_start3A_236 = arith.constant 0 : i32
          %dma_start3A_237 = arith.constant 0 : i32
          %dma_start3A_238 = tpu.memref_slice %arg4[%dma_start3A_236, %dma_start3A_237] : memref<10000x64xf32, #tpu.memory_space<hbm>> -> memref<10000x64xf32, #tpu.memory_space<hbm>>
          tpu.enqueue_indirect_dma source(%dma_start3A_238 : memref<10000x64xf32, #tpu.memory_space<hbm>>) target(%arg11 : memref<128x64xf32, #tpu.memory_space<vmem>>) offsets(%dma_start3A_235 : memref<128xi32, #tpu.memory_space<vmem>>) semaphore(%arg15 : memref<!tpu.dma_semaphore, #tpu.memory_space<semaphore_mem>>)
        } else {
        }
        %scan3A_224 = arith.constant 0 : i32
        scf.yield %scan3A_224 : i32
      }
      %scan3A_97 = arith.constant 39 : i32
      %dma_wait3A = arith.constant 152 : i32
      %dma_wait3A_98 = arith.constant 0 : i32
      %dma_wait3A_99 = tpu.memref_slice %arg7[%dma_wait3A, %dma_wait3A_98] : memref<157x128xi32, #tpu.memory_space<vmem>> -> memref<1x128xi32, #tpu.memory_space<vmem>>
      %dma_wait3A_100 = tpu.memref_squeeze %dma_wait3A_99 : memref<1x128xi32, #tpu.memory_space<vmem>> -> memref<128xi32, #tpu.memory_space<vmem>>
      %dma_wait3A_101 = arith.constant 0 : i32
      %dma_wait3A_102 = arith.constant 0 : i32
      %dma_wait3A_103 = tpu.memref_slice %arg20[%dma_wait3A_101, %dma_wait3A_102] : memref<10112x64xf32, #tpu.memory_space<vmem_shared>> -> memref<10112x64xf32, #tpu.memory_space<vmem_shared>>
      tpu.wait_indirect_dma semaphore(%arg16 : memref<!tpu.dma_semaphore, #tpu.memory_space<semaphore_mem>>) src(%arg8 : memref<128x64xf32, #tpu.memory_space<vmem>>) dst(%dma_wait3A_103 : memref<10112x64xf32, #tpu.memory_space<vmem_shared>>)
      %dma_wait3A_104 = arith.constant 153 : i32
      %dma_wait3A_105 = arith.constant 0 : i32
      %dma_wait3A_106 = tpu.memref_slice %arg7[%dma_wait3A_104, %dma_wait3A_105] : memref<157x128xi32, #tpu.memory_space<vmem>> -> memref<1x128xi32, #tpu.memory_space<vmem>>
      %dma_wait3A_107 = tpu.memref_squeeze %dma_wait3A_106 : memref<1x128xi32, #tpu.memory_space<vmem>> -> memref<128xi32, #tpu.memory_space<vmem>>
      %dma_wait3A_108 = arith.constant 0 : i32
      %dma_wait3A_109 = arith.constant 0 : i32
      %dma_wait3A_110 = tpu.memref_slice %arg20[%dma_wait3A_108, %dma_wait3A_109] : memref<10112x64xf32, #tpu.memory_space<vmem_shared>> -> memref<10112x64xf32, #tpu.memory_space<vmem_shared>>
      tpu.wait_indirect_dma semaphore(%arg17 : memref<!tpu.dma_semaphore, #tpu.memory_space<semaphore_mem>>) src(%arg9 : memref<128x64xf32, #tpu.memory_space<vmem>>) dst(%dma_wait3A_110 : memref<10112x64xf32, #tpu.memory_space<vmem_shared>>)
      %dma_wait3A_111 = arith.constant 154 : i32
      %dma_wait3A_112 = arith.constant 0 : i32
      %dma_wait3A_113 = tpu.memref_slice %arg7[%dma_wait3A_111, %dma_wait3A_112] : memref<157x128xi32, #tpu.memory_space<vmem>> -> memref<1x128xi32, #tpu.memory_space<vmem>>
      %dma_wait3A_114 = tpu.memref_squeeze %dma_wait3A_113 : memref<1x128xi32, #tpu.memory_space<vmem>> -> memref<128xi32, #tpu.memory_space<vmem>>
      %dma_wait3A_115 = arith.constant 0 : i32
      %dma_wait3A_116 = arith.constant 0 : i32
      %dma_wait3A_117 = tpu.memref_slice %arg20[%dma_wait3A_115, %dma_wait3A_116] : memref<10112x64xf32, #tpu.memory_space<vmem_shared>> -> memref<10112x64xf32, #tpu.memory_space<vmem_shared>>
      tpu.wait_indirect_dma semaphore(%arg18 : memref<!tpu.dma_semaphore, #tpu.memory_space<semaphore_mem>>) src(%arg10 : memref<128x64xf32, #tpu.memory_space<vmem>>) dst(%dma_wait3A_117 : memref<10112x64xf32, #tpu.memory_space<vmem_shared>>)
      %dma_wait3A_118 = arith.constant 155 : i32
      %dma_wait3A_119 = arith.constant 0 : i32
      %dma_wait3A_120 = tpu.memref_slice %arg7[%dma_wait3A_118, %dma_wait3A_119] : memref<157x128xi32, #tpu.memory_space<vmem>> -> memref<1x128xi32, #tpu.memory_space<vmem>>
      %dma_wait3A_121 = tpu.memref_squeeze %dma_wait3A_120 : memref<1x128xi32, #tpu.memory_space<vmem>> -> memref<128xi32, #tpu.memory_space<vmem>>
      %dma_wait3A_122 = arith.constant 0 : i32
      %dma_wait3A_123 = arith.constant 0 : i32
      %dma_wait3A_124 = tpu.memref_slice %arg20[%dma_wait3A_122, %dma_wait3A_123] : memref<10112x64xf32, #tpu.memory_space<vmem_shared>> -> memref<10112x64xf32, #tpu.memory_space<vmem_shared>>
      tpu.wait_indirect_dma semaphore(%arg19 : memref<!tpu.dma_semaphore, #tpu.memory_space<semaphore_mem>>) src(%arg11 : memref<128x64xf32, #tpu.memory_space<vmem>>) dst(%dma_wait3A_124 : memref<10112x64xf32, #tpu.memory_space<vmem_shared>>)
      %lt3A_125 = arith.constant 4 : i32
      %lt3A_126 = arith.cmpi slt, %arg1, %lt3A_125 : i32
      %convert_element_type3A_127 = arith.extui %lt3A_126 : i1 to i32
      %cond3A_128 = arith.constant 0 : i32
      %cond3A_129 = arith.cmpi ne, %convert_element_type3A_127, %cond3A_128 : i32
      scf.if %cond3A_129 {
        %dma_start3A_130 = arith.constant 156 : i32
        %dma_start3A_131 = arith.constant 0 : i32
        %dma_start3A_132 = tpu.memref_slice %arg6[%dma_start3A_130, %dma_start3A_131] : memref<157x128xi32, #tpu.memory_space<vmem>> -> memref<1x128xi32, #tpu.memory_space<vmem>>
        %dma_start3A_133 = tpu.memref_squeeze %dma_start3A_132 : memref<1x128xi32, #tpu.memory_space<vmem>> -> memref<128xi32, #tpu.memory_space<vmem>>
        %dma_start3A_134 = arith.constant 0 : i32
        %dma_start3A_135 = arith.constant 0 : i32
        %dma_start3A_136 = tpu.memref_slice %arg4[%dma_start3A_134, %dma_start3A_135] : memref<10000x64xf32, #tpu.memory_space<hbm>> -> memref<10000x64xf32, #tpu.memory_space<hbm>>
        tpu.enqueue_indirect_dma source(%dma_start3A_136 : memref<10000x64xf32, #tpu.memory_space<hbm>>) target(%arg8 : memref<128x64xf32, #tpu.memory_space<vmem>>) offsets(%dma_start3A_133 : memref<128xi32, #tpu.memory_space<vmem>>) semaphore(%arg12 : memref<!tpu.dma_semaphore, #tpu.memory_space<semaphore_mem>>)
        %dma_wait3A_137 = arith.constant 156 : i32
        %dma_wait3A_138 = arith.constant 0 : i32
        %dma_wait3A_139 = tpu.memref_slice %arg6[%dma_wait3A_137, %dma_wait3A_138] : memref<157x128xi32, #tpu.memory_space<vmem>> -> memref<1x128xi32, #tpu.memory_space<vmem>>
        %dma_wait3A_140 = tpu.memref_squeeze %dma_wait3A_139 : memref<1x128xi32, #tpu.memory_space<vmem>> -> memref<128xi32, #tpu.memory_space<vmem>>
        %dma_wait3A_141 = arith.constant 0 : i32
        %dma_wait3A_142 = arith.constant 0 : i32
        %dma_wait3A_143 = tpu.memref_slice %arg4[%dma_wait3A_141, %dma_wait3A_142] : memref<10000x64xf32, #tpu.memory_space<hbm>> -> memref<10000x64xf32, #tpu.memory_space<hbm>>
        tpu.wait_indirect_dma semaphore(%arg12 : memref<!tpu.dma_semaphore, #tpu.memory_space<semaphore_mem>>) src(%dma_wait3A_143 : memref<10000x64xf32, #tpu.memory_space<hbm>>) dst(%arg8 : memref<128x64xf32, #tpu.memory_space<vmem>>)
        %run_scoped3A_144 = arith.constant 156 : i32
        "tpu.region"() ({
          %run_scoped3A_145 = tpu.sem_alloc : memref<!tpu.dma_semaphore, #tpu.memory_space<semaphore_mem>>
          %dma_start3A_146 = arith.constant 0 : i32
          %dma_start3A_147 = tpu.memref_slice %arg7[%run_scoped3A_144, %dma_start3A_146] : memref<157x128xi32, #tpu.memory_space<vmem>> -> memref<1x128xi32, #tpu.memory_space<vmem>>
          %dma_start3A_148 = tpu.memref_squeeze %dma_start3A_147 : memref<1x128xi32, #tpu.memory_space<vmem>> -> memref<128xi32, #tpu.memory_space<vmem>>
          %dma_start3A_149 = arith.constant 0 : i32
          %dma_start3A_150 = arith.constant 0 : i32
          %dma_start3A_151 = tpu.memref_slice %arg20[%dma_start3A_149, %dma_start3A_150] : memref<10112x64xf32, #tpu.memory_space<vmem_shared>> -> memref<10112x64xf32, #tpu.memory_space<vmem_shared>>
          tpu.enqueue_indirect_dma source(%arg8 : memref<128x64xf32, #tpu.memory_space<vmem>>) target(%dma_start3A_151 : memref<10112x64xf32, #tpu.memory_space<vmem_shared>>) offsets(%dma_start3A_148 : memref<128xi32, #tpu.memory_space<vmem>>) semaphore(%run_scoped3A_145 : memref<!tpu.dma_semaphore, #tpu.memory_space<semaphore_mem>>) {add = true}
          %dma_wait3A_152 = arith.constant 0 : i32
          %dma_wait3A_153 = tpu.memref_slice %arg7[%run_scoped3A_144, %dma_wait3A_152] : memref<157x128xi32, #tpu.memory_space<vmem>> -> memref<1x128xi32, #tpu.memory_space<vmem>>
          %dma_wait3A_154 = tpu.memref_squeeze %dma_wait3A_153 : memref<1x128xi32, #tpu.memory_space<vmem>> -> memref<128xi32, #tpu.memory_space<vmem>>
          %dma_wait3A_155 = arith.constant 0 : i32
          %dma_wait3A_156 = arith.constant 0 : i32
          %dma_wait3A_157 = tpu.memref_slice %arg20[%dma_wait3A_155, %dma_wait3A_156] : memref<10112x64xf32, #tpu.memory_space<vmem_shared>> -> memref<10112x64xf32, #tpu.memory_space<vmem_shared>>
          tpu.wait_indirect_dma semaphore(%run_scoped3A_145 : memref<!tpu.dma_semaphore, #tpu.memory_space<semaphore_mem>>) src(%arg8 : memref<128x64xf32, #tpu.memory_space<vmem>>) dst(%dma_wait3A_157 : memref<10112x64xf32, #tpu.memory_space<vmem_shared>>)
          tpu.yield
        }) : () -> ()
      } else {
      }
    } else {
    }
    %barrier3A_43 = arith.constant 0 : index
    tpu.barrier barrier_id(%barrier3A_43)
    %add3A_44 = arith.constant 0 : i32
    %add3A_45 = arith.addi %mul3A_0, %add3A_44 : i32
    %add3A_46 = arith.constant 0 : i32
    %add3A_47 = arith.addi %mul3A_0, %add3A_46 : i32
    "tpu.region"() ({
      %run_scoped3A_64 = tpu.sem_alloc : memref<!tpu.dma_semaphore, #tpu.memory_space<semaphore_mem>>
      %dma_start3A = arith.constant 0 : i32
      %dma_start3A_65 = arith.constant 0 : i32
      %dma_start3A_66 = tpu.memref_slice %arg5[%arg0, %dma_start3A, %dma_start3A_65] : memref<2x10112x64xf32, #tpu.memory_space<hbm>> -> memref<1x10112x64xf32, #tpu.memory_space<hbm>>
      %dma_start3A_67 = tpu.memref_squeeze %dma_start3A_66 : memref<1x10112x64xf32, #tpu.memory_space<hbm>> -> memref<10112x64xf32, #tpu.memory_space<hbm>>
      %dma_start3A_68 = arith.constant 0 : i32
      %dma_start3A_69 = tpu.memref_slice %dma_start3A_67[%add3A_47, %dma_start3A_68] : memref<10112x64xf32, #tpu.memory_space<hbm>> -> memref<128x64xf32, #tpu.memory_space<hbm>>
      %dma_start3A_70 = arith.constant 0 : i32
      %dma_start3A_71 = tpu.memref_slice %arg20[%add3A_45, %dma_start3A_70] : memref<10112x64xf32, #tpu.memory_space<vmem_shared>> -> memref<128x64xf32, #tpu.memory_space<vmem_shared>>
      tpu.enqueue_dma source(%dma_start3A_71 : memref<128x64xf32, #tpu.memory_space<vmem_shared>>) target(%dma_start3A_69 : memref<128x64xf32, #tpu.memory_space<hbm>>) target_semaphore(%run_scoped3A_64 : memref<!tpu.dma_semaphore, #tpu.memory_space<semaphore_mem>>)
      %dma_wait3A = arith.constant 0 : i32
      %dma_wait3A_72 = arith.constant 0 : i32
      %dma_wait3A_73 = tpu.memref_slice %arg5[%arg0, %dma_wait3A, %dma_wait3A_72] : memref<2x10112x64xf32, #tpu.memory_space<hbm>> -> memref<1x10112x64xf32, #tpu.memory_space<hbm>>
      %dma_wait3A_74 = tpu.memref_squeeze %dma_wait3A_73 : memref<1x10112x64xf32, #tpu.memory_space<hbm>> -> memref<10112x64xf32, #tpu.memory_space<hbm>>
      %dma_wait3A_75 = arith.constant 0 : i32
      %dma_wait3A_76 = tpu.memref_slice %dma_wait3A_74[%add3A_47, %dma_wait3A_75] : memref<10112x64xf32, #tpu.memory_space<hbm>> -> memref<128x64xf32, #tpu.memory_space<hbm>>
      %dma_wait3A_77 = arith.constant 0 : i32
      %dma_wait3A_78 = tpu.memref_slice %arg20[%add3A_45, %dma_wait3A_77] : memref<10112x64xf32, #tpu.memory_space<vmem_shared>> -> memref<128x64xf32, #tpu.memory_space<vmem_shared>>
      tpu.wait_dma2 semaphore(%run_scoped3A_64 : memref<!tpu.dma_semaphore, #tpu.memory_space<semaphore_mem>>) src(%dma_wait3A_78 : memref<128x64xf32, #tpu.memory_space<vmem_shared>>) dst(%dma_wait3A_76 : memref<128x64xf32, #tpu.memory_space<hbm>>)
      tpu.yield
    }) : () -> ()
    %add3A_48 = arith.constant 128 : i32
    %add3A_49 = arith.addi %mul3A_0, %add3A_48 : i32
    %add3A_50 = arith.constant 128 : i32
    %add3A_51 = arith.addi %mul3A_0, %add3A_50 : i32
    "tpu.region"() ({
      %run_scoped3A_64 = tpu.sem_alloc : memref<!tpu.dma_semaphore, #tpu.memory_space<semaphore_mem>>
      %dma_start3A = arith.constant 0 : i32
      %dma_start3A_65 = arith.constant 0 : i32
      %dma_start3A_66 = tpu.memref_slice %arg5[%arg0, %dma_start3A, %dma_start3A_65] : memref<2x10112x64xf32, #tpu.memory_space<hbm>> -> memref<1x10112x64xf32, #tpu.memory_space<hbm>>
      %dma_start3A_67 = tpu.memref_squeeze %dma_start3A_66 : memref<1x10112x64xf32, #tpu.memory_space<hbm>> -> memref<10112x64xf32, #tpu.memory_space<hbm>>
      %dma_start3A_68 = arith.constant 0 : i32
      %dma_start3A_69 = tpu.memref_slice %dma_start3A_67[%add3A_51, %dma_start3A_68] : memref<10112x64xf32, #tpu.memory_space<hbm>> -> memref<128x64xf32, #tpu.memory_space<hbm>>
      %dma_start3A_70 = arith.constant 0 : i32
      %dma_start3A_71 = tpu.memref_slice %arg20[%add3A_49, %dma_start3A_70] : memref<10112x64xf32, #tpu.memory_space<vmem_shared>> -> memref<128x64xf32, #tpu.memory_space<vmem_shared>>
      tpu.enqueue_dma source(%dma_start3A_71 : memref<128x64xf32, #tpu.memory_space<vmem_shared>>) target(%dma_start3A_69 : memref<128x64xf32, #tpu.memory_space<hbm>>) target_semaphore(%run_scoped3A_64 : memref<!tpu.dma_semaphore, #tpu.memory_space<semaphore_mem>>)
      %dma_wait3A = arith.constant 0 : i32
      %dma_wait3A_72 = arith.constant 0 : i32
      %dma_wait3A_73 = tpu.memref_slice %arg5[%arg0, %dma_wait3A, %dma_wait3A_72] : memref<2x10112x64xf32, #tpu.memory_space<hbm>> -> memref<1x10112x64xf32, #tpu.memory_space<hbm>>
      %dma_wait3A_74 = tpu.memref_squeeze %dma_wait3A_73 : memref<1x10112x64xf32, #tpu.memory_space<hbm>> -> memref<10112x64xf32, #tpu.memory_space<hbm>>
      %dma_wait3A_75 = arith.constant 0 : i32
      %dma_wait3A_76 = tpu.memref_slice %dma_wait3A_74[%add3A_51, %dma_wait3A_75] : memref<10112x64xf32, #tpu.memory_space<hbm>> -> memref<128x64xf32, #tpu.memory_space<hbm>>
      %dma_wait3A_77 = arith.constant 0 : i32
      %dma_wait3A_78 = tpu.memref_slice %arg20[%add3A_49, %dma_wait3A_77] : memref<10112x64xf32, #tpu.memory_space<vmem_shared>> -> memref<128x64xf32, #tpu.memory_space<vmem_shared>>
      tpu.wait_dma2 semaphore(%run_scoped3A_64 : memref<!tpu.dma_semaphore, #tpu.memory_space<semaphore_mem>>) src(%dma_wait3A_78 : memref<128x64xf32, #tpu.memory_space<vmem_shared>>) dst(%dma_wait3A_76 : memref<128x64xf32, #tpu.memory_space<hbm>>)
      tpu.yield
    }) : () -> ()
    %add3A_52 = arith.constant 256 : i32
    %add3A_53 = arith.addi %mul3A_0, %add3A_52 : i32
    %add3A_54 = arith.constant 256 : i32
    %add3A_55 = arith.addi %mul3A_0, %add3A_54 : i32
    "tpu.region"() ({
      %run_scoped3A_64 = tpu.sem_alloc : memref<!tpu.dma_semaphore, #tpu.memory_space<semaphore_mem>>
      %dma_start3A = arith.constant 0 : i32
      %dma_start3A_65 = arith.constant 0 : i32
      %dma_start3A_66 = tpu.memref_slice %arg5[%arg0, %dma_start3A, %dma_start3A_65] : memref<2x10112x64xf32, #tpu.memory_space<hbm>> -> memref<1x10112x64xf32, #tpu.memory_space<hbm>>
      %dma_start3A_67 = tpu.memref_squeeze %dma_start3A_66 : memref<1x10112x64xf32, #tpu.memory_space<hbm>> -> memref<10112x64xf32, #tpu.memory_space<hbm>>
      %dma_start3A_68 = arith.constant 0 : i32
      %dma_start3A_69 = tpu.memref_slice %dma_start3A_67[%add3A_55, %dma_start3A_68] : memref<10112x64xf32, #tpu.memory_space<hbm>> -> memref<128x64xf32, #tpu.memory_space<hbm>>
      %dma_start3A_70 = arith.constant 0 : i32
      %dma_start3A_71 = tpu.memref_slice %arg20[%add3A_53, %dma_start3A_70] : memref<10112x64xf32, #tpu.memory_space<vmem_shared>> -> memref<128x64xf32, #tpu.memory_space<vmem_shared>>
      tpu.enqueue_dma source(%dma_start3A_71 : memref<128x64xf32, #tpu.memory_space<vmem_shared>>) target(%dma_start3A_69 : memref<128x64xf32, #tpu.memory_space<hbm>>) target_semaphore(%run_scoped3A_64 : memref<!tpu.dma_semaphore, #tpu.memory_space<semaphore_mem>>)
      %dma_wait3A = arith.constant 0 : i32
      %dma_wait3A_72 = arith.constant 0 : i32
      %dma_wait3A_73 = tpu.memref_slice %arg5[%arg0, %dma_wait3A, %dma_wait3A_72] : memref<2x10112x64xf32, #tpu.memory_space<hbm>> -> memref<1x10112x64xf32, #tpu.memory_space<hbm>>
      %dma_wait3A_74 = tpu.memref_squeeze %dma_wait3A_73 : memref<1x10112x64xf32, #tpu.memory_space<hbm>> -> memref<10112x64xf32, #tpu.memory_space<hbm>>
      %dma_wait3A_75 = arith.constant 0 : i32
      %dma_wait3A_76 = tpu.memref_slice %dma_wait3A_74[%add3A_55, %dma_wait3A_75] : memref<10112x64xf32, #tpu.memory_space<hbm>> -> memref<128x64xf32, #tpu.memory_space<hbm>>
      %dma_wait3A_77 = arith.constant 0 : i32
      %dma_wait3A_78 = tpu.memref_slice %arg20[%add3A_53, %dma_wait3A_77] : memref<10112x64xf32, #tpu.memory_space<vmem_shared>> -> memref<128x64xf32, #tpu.memory_space<vmem_shared>>
      tpu.wait_dma2 semaphore(%run_scoped3A_64 : memref<!tpu.dma_semaphore, #tpu.memory_space<semaphore_mem>>) src(%dma_wait3A_78 : memref<128x64xf32, #tpu.memory_space<vmem_shared>>) dst(%dma_wait3A_76 : memref<128x64xf32, #tpu.memory_space<hbm>>)
      tpu.yield
    }) : () -> ()
    %add3A_56 = arith.constant 384 : i32
    %add3A_57 = arith.addi %mul3A_0, %add3A_56 : i32
    %add3A_58 = arith.constant 384 : i32
    %add3A_59 = arith.addi %mul3A_0, %add3A_58 : i32
    "tpu.region"() ({
      %run_scoped3A_64 = tpu.sem_alloc : memref<!tpu.dma_semaphore, #tpu.memory_space<semaphore_mem>>
      %dma_start3A = arith.constant 0 : i32
      %dma_start3A_65 = arith.constant 0 : i32
      %dma_start3A_66 = tpu.memref_slice %arg5[%arg0, %dma_start3A, %dma_start3A_65] : memref<2x10112x64xf32, #tpu.memory_space<hbm>> -> memref<1x10112x64xf32, #tpu.memory_space<hbm>>
      %dma_start3A_67 = tpu.memref_squeeze %dma_start3A_66 : memref<1x10112x64xf32, #tpu.memory_space<hbm>> -> memref<10112x64xf32, #tpu.memory_space<hbm>>
      %dma_start3A_68 = arith.constant 0 : i32
      %dma_start3A_69 = tpu.memref_slice %dma_start3A_67[%add3A_59, %dma_start3A_68] : memref<10112x64xf32, #tpu.memory_space<hbm>> -> memref<128x64xf32, #tpu.memory_space<hbm>>
      %dma_start3A_70 = arith.constant 0 : i32
      %dma_start3A_71 = tpu.memref_slice %arg20[%add3A_57, %dma_start3A_70] : memref<10112x64xf32, #tpu.memory_space<vmem_shared>> -> memref<128x64xf32, #tpu.memory_space<vmem_shared>>
      tpu.enqueue_dma source(%dma_start3A_71 : memref<128x64xf32, #tpu.memory_space<vmem_shared>>) target(%dma_start3A_69 : memref<128x64xf32, #tpu.memory_space<hbm>>) target_semaphore(%run_scoped3A_64 : memref<!tpu.dma_semaphore, #tpu.memory_space<semaphore_mem>>)
      %dma_wait3A = arith.constant 0 : i32
      %dma_wait3A_72 = arith.constant 0 : i32
      %dma_wait3A_73 = tpu.memref_slice %arg5[%arg0, %dma_wait3A, %dma_wait3A_72] : memref<2x10112x64xf32, #tpu.memory_space<hbm>> -> memref<1x10112x64xf32, #tpu.memory_space<hbm>>
      %dma_wait3A_74 = tpu.memref_squeeze %dma_wait3A_73 : memref<1x10112x64xf32, #tpu.memory_space<hbm>> -> memref<10112x64xf32, #tpu.memory_space<hbm>>
      %dma_wait3A_75 = arith.constant 0 : i32
      %dma_wait3A_76 = tpu.memref_slice %dma_wait3A_74[%add3A_59, %dma_wait3A_75] : memref<10112x64xf32, #tpu.memory_space<hbm>> -> memref<128x64xf32, #tpu.memory_space<hbm>>
      %dma_wait3A_77 = arith.constant 0 : i32
      %dma_wait3A_78 = tpu.memref_slice %arg20[%add3A_57, %dma_wait3A_77] : memref<10112x64xf32, #tpu.memory_space<vmem_shared>> -> memref<128x64xf32, #tpu.memory_space<vmem_shared>>
      tpu.wait_dma2 semaphore(%run_scoped3A_64 : memref<!tpu.dma_semaphore, #tpu.memory_space<semaphore_mem>>) src(%dma_wait3A_78 : memref<128x64xf32, #tpu.memory_space<vmem_shared>>) dst(%dma_wait3A_76 : memref<128x64xf32, #tpu.memory_space<hbm>>)
      tpu.yield
    }) : () -> ()
    %add3A_60 = arith.constant 512 : i32
    %add3A_61 = arith.addi %mul3A_0, %add3A_60 : i32
    %add3A_62 = arith.constant 512 : i32
    %add3A_63 = arith.addi %mul3A_0, %add3A_62 : i32
    "tpu.region"() ({
      %run_scoped3A_64 = tpu.sem_alloc : memref<!tpu.dma_semaphore, #tpu.memory_space<semaphore_mem>>
      %dma_start3A = arith.constant 0 : i32
      %dma_start3A_65 = arith.constant 0 : i32
      %dma_start3A_66 = tpu.memref_slice %arg5[%arg0, %dma_start3A, %dma_start3A_65] : memref<2x10112x64xf32, #tpu.memory_space<hbm>> -> memref<1x10112x64xf32, #tpu.memory_space<hbm>>
      %dma_start3A_67 = tpu.memref_squeeze %dma_start3A_66 : memref<1x10112x64xf32, #tpu.memory_space<hbm>> -> memref<10112x64xf32, #tpu.memory_space<hbm>>
      %dma_start3A_68 = arith.constant 0 : i32
      %dma_start3A_69 = tpu.memref_slice %dma_start3A_67[%add3A_63, %dma_start3A_68] : memref<10112x64xf32, #tpu.memory_space<hbm>> -> memref<120x64xf32, #tpu.memory_space<hbm>>
      %dma_start3A_70 = arith.constant 0 : i32
      %dma_start3A_71 = tpu.memref_slice %arg20[%add3A_61, %dma_start3A_70] : memref<10112x64xf32, #tpu.memory_space<vmem_shared>> -> memref<120x64xf32, #tpu.memory_space<vmem_shared>>
      tpu.enqueue_dma source(%dma_start3A_71 : memref<120x64xf32, #tpu.memory_space<vmem_shared>>) target(%dma_start3A_69 : memref<120x64xf32, #tpu.memory_space<hbm>>) target_semaphore(%run_scoped3A_64 : memref<!tpu.dma_semaphore, #tpu.memory_space<semaphore_mem>>)
      %dma_wait3A = arith.constant 0 : i32
      %dma_wait3A_72 = arith.constant 0 : i32
      %dma_wait3A_73 = tpu.memref_slice %arg5[%arg0, %dma_wait3A, %dma_wait3A_72] : memref<2x10112x64xf32, #tpu.memory_space<hbm>> -> memref<1x10112x64xf32, #tpu.memory_space<hbm>>
      %dma_wait3A_74 = tpu.memref_squeeze %dma_wait3A_73 : memref<1x10112x64xf32, #tpu.memory_space<hbm>> -> memref<10112x64xf32, #tpu.memory_space<hbm>>
      %dma_wait3A_75 = arith.constant 0 : i32
      %dma_wait3A_76 = tpu.memref_slice %dma_wait3A_74[%add3A_63, %dma_wait3A_75] : memref<10112x64xf32, #tpu.memory_space<hbm>> -> memref<120x64xf32, #tpu.memory_space<hbm>>
      %dma_wait3A_77 = arith.constant 0 : i32
      %dma_wait3A_78 = tpu.memref_slice %arg20[%add3A_61, %dma_wait3A_77] : memref<10112x64xf32, #tpu.memory_space<vmem_shared>> -> memref<120x64xf32, #tpu.memory_space<vmem_shared>>
      tpu.wait_dma2 semaphore(%run_scoped3A_64 : memref<!tpu.dma_semaphore, #tpu.memory_space<semaphore_mem>>) src(%dma_wait3A_78 : memref<120x64xf32, #tpu.memory_space<vmem_shared>>) dst(%dma_wait3A_76 : memref<120x64xf32, #tpu.memory_space<hbm>>)
      tpu.yield
    }) : () -> ()
    return
  }
}

#map = affine_map<(d0, d1) -> (0, 0, 0)>
module attributes {stable_mosaic.version = 14 : i64} {
  func.func @_deg_kernel(%arg0: i32, %arg1: i32, %arg2: memref<2x2500x128xi32, #tpu.memory_space<hbm>>, %arg3: memref<2x10112x16xf32, #tpu.memory_space<hbm>>, %arg4: memref<79x128xi32, #tpu.memory_space<vmem>>, %arg5: memref<128x16xf32, #tpu.memory_space<vmem>>, %arg6: memref<128x16xf32, #tpu.memory_space<vmem>>, %arg7: memref<!tpu.dma_semaphore, #tpu.memory_space<semaphore_mem>>, %arg8: memref<!tpu.dma_semaphore, #tpu.memory_space<semaphore_mem>>, %arg9: memref<!tpu.dma_semaphore, #tpu.memory_space<semaphore_mem>>, %arg10: memref<!tpu.dma_semaphore, #tpu.memory_space<semaphore_mem>>, %arg11: memref<10112x16xf32, #tpu.memory_space<vmem_shared>>) attributes {dimension_semantics = [#tpu.dimension_semantics<core_parallel>, #tpu.dimension_semantics<subcore_parallel>], iteration_bounds = array<i64: 2, 16>, scalar_prefetch = 0 : i64, scratch_operands = 8 : i64, tpu.core_type = #tpu.core_type<sc_vector_subcore>, window_params = [{transform_indices = #map}, {transform_indices = #map}]} {
    %mul3A = arith.constant 2 : i32
    %mul3A_0 = arith.muli %arg1, %mul3A : i32
    %add3A = arith.addi %mul3A_0, %arg0 : i32
    %mul3A_1 = arith.constant 632 : i32
    %mul3A_2 = arith.muli %arg1, %mul3A_1 : i32
    %broadcast_in_dim3A = arith.constant 1.000000e+00 : f32
    %broadcast_in_dim3A_3 = vector.broadcast %broadcast_in_dim3A : f32 to vector<16xf32>
    %scan3A = arith.constant 0 : i32
    %scan3A_4 = arith.constant 0 : i32
    %scan3A_5 = arith.constant 128 : i32
    %scan3A_6 = arith.addi %scan3A_4, %scan3A_5 : i32
    %scan3A_7 = arith.constant 1 : i32
    %scan3A_8 = scf.for %scan3A_97 = %scan3A_4 to %scan3A_6 step %scan3A_7 iter_args(%scan3A_98 = %scan3A) -> (i32)  : i32 {
      %swap3A = arith.index_cast %scan3A_97 : i32 to index
      %swap3A_99 = arith.constant 0 : index
      %swap3A_100 = tpu.vector_load %arg5[%swap3A, %swap3A_99] {strides = array<i32>} : memref<128x16xf32, #tpu.memory_space<vmem>>, vector<1x16xf32>,
      %swap3A_101 = vector.shape_cast %swap3A_100 : vector<1x16xf32> to vector<16xf32>
      %swap3A_102 = vector.shape_cast %broadcast_in_dim3A_3 : vector<16xf32> to vector<1x16xf32>
      tpu.vector_store %arg5[%swap3A, %swap3A_99], %swap3A_102 {strides = array<i32>} : memref<128x16xf32, #tpu.memory_space<vmem>>, vector<1x16xf32>,
      %scan3A_103 = arith.constant 0 : i32
      scf.yield %scan3A_103 : i32
    }
    %scan3A_9 = arith.constant 128 : i32
    %broadcast_in_dim3A_10 = arith.constant 0.000000e+00 : f32
    %broadcast_in_dim3A_11 = vector.broadcast %broadcast_in_dim3A_10 : f32 to vector<16xf32>
    %scan3A_12 = arith.constant 0 : i32
    %scan3A_13 = arith.constant 0 : i32
    %scan3A_14 = arith.constant 128 : i32
    %scan3A_15 = arith.addi %scan3A_13, %scan3A_14 : i32
    %scan3A_16 = arith.constant 1 : i32
    %scan3A_17 = scf.for %scan3A_97 = %scan3A_13 to %scan3A_15 step %scan3A_16 iter_args(%scan3A_98 = %scan3A_12) -> (i32)  : i32 {
      %swap3A = arith.index_cast %scan3A_97 : i32 to index
      %swap3A_99 = arith.constant 0 : index
      %swap3A_100 = tpu.vector_load %arg6[%swap3A, %swap3A_99] {strides = array<i32>} : memref<128x16xf32, #tpu.memory_space<vmem>>, vector<1x16xf32>,
      %swap3A_101 = vector.shape_cast %swap3A_100 : vector<1x16xf32> to vector<16xf32>
      %swap3A_102 = vector.shape_cast %broadcast_in_dim3A_11 : vector<16xf32> to vector<1x16xf32>
      tpu.vector_store %arg6[%swap3A, %swap3A_99], %swap3A_102 {strides = array<i32>} : memref<128x16xf32, #tpu.memory_space<vmem>>, vector<1x16xf32>,
      %scan3A_103 = arith.constant 0 : i32
      scf.yield %scan3A_103 : i32
    }
    %scan3A_18 = arith.constant 128 : i32
    %add3A_19 = arith.constant 0 : i32
    %add3A_20 = arith.addi %mul3A_2, %add3A_19 : i32
    "tpu.region"() ({
      %run_scoped3A_97 = tpu.sem_alloc : memref<!tpu.dma_semaphore, #tpu.memory_space<semaphore_mem>>
      %dma_start3A_98 = arith.constant 0 : i32
      %dma_start3A_99 = tpu.memref_slice %arg11[%add3A_20, %dma_start3A_98] : memref<10112x16xf32, #tpu.memory_space<vmem_shared>> -> memref<128x16xf32, #tpu.memory_space<vmem_shared>>
      %dma_start3A_100 = arith.constant 0 : i32
      %dma_start3A_101 = tpu.memref_slice %arg11[%add3A_20, %dma_start3A_100] : memref<10112x16xf32, #tpu.memory_space<vmem_shared>> -> memref<128x16xf32, #tpu.memory_space<vmem_shared>>
      tpu.enqueue_dma source(%arg6 : memref<128x16xf32, #tpu.memory_space<vmem>>) target(%dma_start3A_101 : memref<128x16xf32, #tpu.memory_space<vmem_shared>>) target_semaphore(%run_scoped3A_97 : memref<!tpu.dma_semaphore, #tpu.memory_space<semaphore_mem>>)
      %dma_wait3A = arith.constant 0 : i32
      %dma_wait3A_102 = tpu.memref_slice %arg11[%add3A_20, %dma_wait3A] : memref<10112x16xf32, #tpu.memory_space<vmem_shared>> -> memref<128x16xf32, #tpu.memory_space<vmem_shared>>
      %dma_wait3A_103 = arith.constant 0 : i32
      %dma_wait3A_104 = tpu.memref_slice %arg11[%add3A_20, %dma_wait3A_103] : memref<10112x16xf32, #tpu.memory_space<vmem_shared>> -> memref<128x16xf32, #tpu.memory_space<vmem_shared>>
      tpu.wait_dma2 semaphore(%run_scoped3A_97 : memref<!tpu.dma_semaphore, #tpu.memory_space<semaphore_mem>>) src(%arg6 : memref<128x16xf32, #tpu.memory_space<vmem>>) dst(%dma_wait3A_104 : memref<128x16xf32, #tpu.memory_space<vmem_shared>>)
      tpu.yield
    }) : () -> ()
    %add3A_21 = arith.constant 128 : i32
    %add3A_22 = arith.addi %mul3A_2, %add3A_21 : i32
    "tpu.region"() ({
      %run_scoped3A_97 = tpu.sem_alloc : memref<!tpu.dma_semaphore, #tpu.memory_space<semaphore_mem>>
      %dma_start3A_98 = arith.constant 0 : i32
      %dma_start3A_99 = tpu.memref_slice %arg11[%add3A_22, %dma_start3A_98] : memref<10112x16xf32, #tpu.memory_space<vmem_shared>> -> memref<128x16xf32, #tpu.memory_space<vmem_shared>>
      %dma_start3A_100 = arith.constant 0 : i32
      %dma_start3A_101 = tpu.memref_slice %arg11[%add3A_22, %dma_start3A_100] : memref<10112x16xf32, #tpu.memory_space<vmem_shared>> -> memref<128x16xf32, #tpu.memory_space<vmem_shared>>
      tpu.enqueue_dma source(%arg6 : memref<128x16xf32, #tpu.memory_space<vmem>>) target(%dma_start3A_101 : memref<128x16xf32, #tpu.memory_space<vmem_shared>>) target_semaphore(%run_scoped3A_97 : memref<!tpu.dma_semaphore, #tpu.memory_space<semaphore_mem>>)
      %dma_wait3A = arith.constant 0 : i32
      %dma_wait3A_102 = tpu.memref_slice %arg11[%add3A_22, %dma_wait3A] : memref<10112x16xf32, #tpu.memory_space<vmem_shared>> -> memref<128x16xf32, #tpu.memory_space<vmem_shared>>
      %dma_wait3A_103 = arith.constant 0 : i32
      %dma_wait3A_104 = tpu.memref_slice %arg11[%add3A_22, %dma_wait3A_103] : memref<10112x16xf32, #tpu.memory_space<vmem_shared>> -> memref<128x16xf32, #tpu.memory_space<vmem_shared>>
      tpu.wait_dma2 semaphore(%run_scoped3A_97 : memref<!tpu.dma_semaphore, #tpu.memory_space<semaphore_mem>>) src(%arg6 : memref<128x16xf32, #tpu.memory_space<vmem>>) dst(%dma_wait3A_104 : memref<128x16xf32, #tpu.memory_space<vmem_shared>>)
      tpu.yield
    }) : () -> ()
    %add3A_23 = arith.constant 256 : i32
    %add3A_24 = arith.addi %mul3A_2, %add3A_23 : i32
    "tpu.region"() ({
      %run_scoped3A_97 = tpu.sem_alloc : memref<!tpu.dma_semaphore, #tpu.memory_space<semaphore_mem>>
      %dma_start3A_98 = arith.constant 0 : i32
      %dma_start3A_99 = tpu.memref_slice %arg11[%add3A_24, %dma_start3A_98] : memref<10112x16xf32, #tpu.memory_space<vmem_shared>> -> memref<128x16xf32, #tpu.memory_space<vmem_shared>>
      %dma_start3A_100 = arith.constant 0 : i32
      %dma_start3A_101 = tpu.memref_slice %arg11[%add3A_24, %dma_start3A_100] : memref<10112x16xf32, #tpu.memory_space<vmem_shared>> -> memref<128x16xf32, #tpu.memory_space<vmem_shared>>
      tpu.enqueue_dma source(%arg6 : memref<128x16xf32, #tpu.memory_space<vmem>>) target(%dma_start3A_101 : memref<128x16xf32, #tpu.memory_space<vmem_shared>>) target_semaphore(%run_scoped3A_97 : memref<!tpu.dma_semaphore, #tpu.memory_space<semaphore_mem>>)
      %dma_wait3A = arith.constant 0 : i32
      %dma_wait3A_102 = tpu.memref_slice %arg11[%add3A_24, %dma_wait3A] : memref<10112x16xf32, #tpu.memory_space<vmem_shared>> -> memref<128x16xf32, #tpu.memory_space<vmem_shared>>
      %dma_wait3A_103 = arith.constant 0 : i32
      %dma_wait3A_104 = tpu.memref_slice %arg11[%add3A_24, %dma_wait3A_103] : memref<10112x16xf32, #tpu.memory_space<vmem_shared>> -> memref<128x16xf32, #tpu.memory_space<vmem_shared>>
      tpu.wait_dma2 semaphore(%run_scoped3A_97 : memref<!tpu.dma_semaphore, #tpu.memory_space<semaphore_mem>>) src(%arg6 : memref<128x16xf32, #tpu.memory_space<vmem>>) dst(%dma_wait3A_104 : memref<128x16xf32, #tpu.memory_space<vmem_shared>>)
      tpu.yield
    }) : () -> ()
    %add3A_25 = arith.constant 384 : i32
    %add3A_26 = arith.addi %mul3A_2, %add3A_25 : i32
    "tpu.region"() ({
      %run_scoped3A_97 = tpu.sem_alloc : memref<!tpu.dma_semaphore, #tpu.memory_space<semaphore_mem>>
      %dma_start3A_98 = arith.constant 0 : i32
      %dma_start3A_99 = tpu.memref_slice %arg11[%add3A_26, %dma_start3A_98] : memref<10112x16xf32, #tpu.memory_space<vmem_shared>> -> memref<128x16xf32, #tpu.memory_space<vmem_shared>>
      %dma_start3A_100 = arith.constant 0 : i32
      %dma_start3A_101 = tpu.memref_slice %arg11[%add3A_26, %dma_start3A_100] : memref<10112x16xf32, #tpu.memory_space<vmem_shared>> -> memref<128x16xf32, #tpu.memory_space<vmem_shared>>
      tpu.enqueue_dma source(%arg6 : memref<128x16xf32, #tpu.memory_space<vmem>>) target(%dma_start3A_101 : memref<128x16xf32, #tpu.memory_space<vmem_shared>>) target_semaphore(%run_scoped3A_97 : memref<!tpu.dma_semaphore, #tpu.memory_space<semaphore_mem>>)
      %dma_wait3A = arith.constant 0 : i32
      %dma_wait3A_102 = tpu.memref_slice %arg11[%add3A_26, %dma_wait3A] : memref<10112x16xf32, #tpu.memory_space<vmem_shared>> -> memref<128x16xf32, #tpu.memory_space<vmem_shared>>
      %dma_wait3A_103 = arith.constant 0 : i32
      %dma_wait3A_104 = tpu.memref_slice %arg11[%add3A_26, %dma_wait3A_103] : memref<10112x16xf32, #tpu.memory_space<vmem_shared>> -> memref<128x16xf32, #tpu.memory_space<vmem_shared>>
      tpu.wait_dma2 semaphore(%run_scoped3A_97 : memref<!tpu.dma_semaphore, #tpu.memory_space<semaphore_mem>>) src(%arg6 : memref<128x16xf32, #tpu.memory_space<vmem>>) dst(%dma_wait3A_104 : memref<128x16xf32, #tpu.memory_space<vmem_shared>>)
      tpu.yield
    }) : () -> ()
    %add3A_27 = arith.constant 512 : i32
    %add3A_28 = arith.addi %mul3A_2, %add3A_27 : i32
    "tpu.region"() ({
      %run_scoped3A_97 = tpu.sem_alloc : memref<!tpu.dma_semaphore, #tpu.memory_space<semaphore_mem>>
      %dma_start3A_98 = arith.constant 0 : i32
      %dma_start3A_99 = arith.constant 0 : i32
      %dma_start3A_100 = tpu.memref_slice %arg6[%dma_start3A_98, %dma_start3A_99] : memref<128x16xf32, #tpu.memory_space<vmem>> -> memref<120x16xf32, #tpu.memory_space<vmem>>
      %dma_start3A_101 = arith.constant 0 : i32
      %dma_start3A_102 = tpu.memref_slice %arg11[%add3A_28, %dma_start3A_101] : memref<10112x16xf32, #tpu.memory_space<vmem_shared>> -> memref<120x16xf32, #tpu.memory_space<vmem_shared>>
      %dma_start3A_103 = arith.constant 0 : i32
      %dma_start3A_104 = tpu.memref_slice %arg11[%add3A_28, %dma_start3A_103] : memref<10112x16xf32, #tpu.memory_space<vmem_shared>> -> memref<120x16xf32, #tpu.memory_space<vmem_shared>>
      %dma_start3A_105 = arith.constant 0 : i32
      %dma_start3A_106 = arith.constant 0 : i32
      %dma_start3A_107 = tpu.memref_slice %arg6[%dma_start3A_105, %dma_start3A_106] : memref<128x16xf32, #tpu.memory_space<vmem>> -> memref<120x16xf32, #tpu.memory_space<vmem>>
      tpu.enqueue_dma source(%dma_start3A_107 : memref<120x16xf32, #tpu.memory_space<vmem>>) target(%dma_start3A_104 : memref<120x16xf32, #tpu.memory_space<vmem_shared>>) target_semaphore(%run_scoped3A_97 : memref<!tpu.dma_semaphore, #tpu.memory_space<semaphore_mem>>)
      %dma_wait3A = arith.constant 0 : i32
      %dma_wait3A_108 = arith.constant 0 : i32
      %dma_wait3A_109 = tpu.memref_slice %arg6[%dma_wait3A, %dma_wait3A_108] : memref<128x16xf32, #tpu.memory_space<vmem>> -> memref<120x16xf32, #tpu.memory_space<vmem>>
      %dma_wait3A_110 = arith.constant 0 : i32
      %dma_wait3A_111 = tpu.memref_slice %arg11[%add3A_28, %dma_wait3A_110] : memref<10112x16xf32, #tpu.memory_space<vmem_shared>> -> memref<120x16xf32, #tpu.memory_space<vmem_shared>>
      %dma_wait3A_112 = arith.constant 0 : i32
      %dma_wait3A_113 = tpu.memref_slice %arg11[%add3A_28, %dma_wait3A_112] : memref<10112x16xf32, #tpu.memory_space<vmem_shared>> -> memref<120x16xf32, #tpu.memory_space<vmem_shared>>
      %dma_wait3A_114 = arith.constant 0 : i32
      %dma_wait3A_115 = arith.constant 0 : i32
      %dma_wait3A_116 = tpu.memref_slice %arg6[%dma_wait3A_114, %dma_wait3A_115] : memref<128x16xf32, #tpu.memory_space<vmem>> -> memref<120x16xf32, #tpu.memory_space<vmem>>
      tpu.wait_dma2 semaphore(%run_scoped3A_97 : memref<!tpu.dma_semaphore, #tpu.memory_space<semaphore_mem>>) src(%dma_wait3A_116 : memref<120x16xf32, #tpu.memory_space<vmem>>) dst(%dma_wait3A_113 : memref<120x16xf32, #tpu.memory_space<vmem_shared>>)
      tpu.yield
    }) : () -> ()
    %barrier3A = arith.constant 0 : index
    tpu.barrier barrier_id(%barrier3A)
    %mul3A_29 = arith.constant 78 : i32
    %mul3A_30 = arith.muli %add3A, %mul3A_29 : i32
    %min3A = arith.constant 4 : i32
    %min3A_31 = arith.minsi %add3A, %min3A : i32
    %add3A_32 = arith.addi %mul3A_30, %min3A_31 : i32
    %run_scoped3A = arith.constant 1 : i32
    "tpu.region"() ({
      %run_scoped3A_97 = tpu.sem_alloc : memref<!tpu.dma_semaphore, #tpu.memory_space<semaphore_mem>>
      %dma_start3A_98 = arith.constant 0 : i32
      %dma_start3A_99 = arith.constant 0 : i32
      %dma_start3A_100 = tpu.memref_slice %arg4[%dma_start3A_98, %dma_start3A_99] : memref<79x128xi32, #tpu.memory_space<vmem>> -> memref<78x128xi32, #tpu.memory_space<vmem>>
      %dma_start3A_101 = arith.constant 0 : i32
      %dma_start3A_102 = tpu.memref_slice %arg2[%run_scoped3A, %add3A_32, %dma_start3A_101] : memref<2x2500x128xi32, #tpu.memory_space<hbm>> -> memref<1x78x128xi32, #tpu.memory_space<hbm>>
      %dma_start3A_103 = tpu.memref_squeeze %dma_start3A_102 : memref<1x78x128xi32, #tpu.memory_space<hbm>> -> memref<78x128xi32, #tpu.memory_space<hbm>>
      %dma_start3A_104 = arith.constant 0 : i32
      %dma_start3A_105 = arith.constant 0 : i32
      %dma_start3A_106 = tpu.memref_slice %arg4[%dma_start3A_104, %dma_start3A_105] : memref<79x128xi32, #tpu.memory_space<vmem>> -> memref<78x128xi32, #tpu.memory_space<vmem>>
      %dma_start3A_107 = arith.constant 0 : i32
      %dma_start3A_108 = tpu.memref_slice %arg2[%run_scoped3A, %add3A_32, %dma_start3A_107] : memref<2x2500x128xi32, #tpu.memory_space<hbm>> -> memref<1x78x128xi32, #tpu.memory_space<hbm>>
      %dma_start3A_109 = tpu.memref_squeeze %dma_start3A_108 : memref<1x78x128xi32, #tpu.memory_space<hbm>> -> memref<78x128xi32, #tpu.memory_space<hbm>>
      tpu.enqueue_dma source(%dma_start3A_109 : memref<78x128xi32, #tpu.memory_space<hbm>>) target(%dma_start3A_106 : memref<78x128xi32, #tpu.memory_space<vmem>>) target_semaphore(%run_scoped3A_97 : memref<!tpu.dma_semaphore, #tpu.memory_space<semaphore_mem>>)
      %dma_wait3A = arith.constant 0 : i32
      %dma_wait3A_110 = arith.constant 0 : i32
      %dma_wait3A_111 = tpu.memref_slice %arg4[%dma_wait3A, %dma_wait3A_110] : memref<79x128xi32, #tpu.memory_space<vmem>> -> memref<78x128xi32, #tpu.memory_space<vmem>>
      %dma_wait3A_112 = arith.constant 0 : i32
      %dma_wait3A_113 = tpu.memref_slice %arg2[%run_scoped3A, %add3A_32, %dma_wait3A_112] : memref<2x2500x128xi32, #tpu.memory_space<hbm>> -> memref<1x78x128xi32, #tpu.memory_space<hbm>>
      %dma_wait3A_114 = tpu.memref_squeeze %dma_wait3A_113 : memref<1x78x128xi32, #tpu.memory_space<hbm>> -> memref<78x128xi32, #tpu.memory_space<hbm>>
      %dma_wait3A_115 = arith.constant 0 : i32
      %dma_wait3A_116 = arith.constant 0 : i32
      %dma_wait3A_117 = tpu.memref_slice %arg4[%dma_wait3A_115, %dma_wait3A_116] : memref<79x128xi32, #tpu.memory_space<vmem>> -> memref<78x128xi32, #tpu.memory_space<vmem>>
      %dma_wait3A_118 = arith.constant 0 : i32
      %dma_wait3A_119 = tpu.memref_slice %arg2[%run_scoped3A, %add3A_32, %dma_wait3A_118] : memref<2x2500x128xi32, #tpu.memory_space<hbm>> -> memref<1x78x128xi32, #tpu.memory_space<hbm>>
      %dma_wait3A_120 = tpu.memref_squeeze %dma_wait3A_119 : memref<1x78x128xi32, #tpu.memory_space<hbm>> -> memref<78x128xi32, #tpu.memory_space<hbm>>
      tpu.wait_dma2 semaphore(%run_scoped3A_97 : memref<!tpu.dma_semaphore, #tpu.memory_space<semaphore_mem>>) src(%dma_wait3A_120 : memref<78x128xi32, #tpu.memory_space<hbm>>) dst(%dma_wait3A_117 : memref<78x128xi32, #tpu.memory_space<vmem>>)
      tpu.yield
    }) : () -> ()
    %lt3A = arith.constant 4 : i32
    %lt3A_33 = arith.cmpi slt, %add3A, %lt3A : i32
    %convert_element_type3A = arith.extui %lt3A_33 : i1 to i32
    %cond3A = arith.constant 0 : i32
    %cond3A_34 = arith.cmpi ne, %convert_element_type3A, %cond3A : i32
    scf.if %cond3A_34 {
      %add3A_97 = arith.constant 78 : i32
      %add3A_98 = arith.addi %add3A_32, %add3A_97 : i32
      %run_scoped3A_99 = arith.constant 1 : i32
      "tpu.region"() ({
        %run_scoped3A_100 = tpu.sem_alloc : memref<!tpu.dma_semaphore, #tpu.memory_space<semaphore_mem>>
        %dma_start3A_101 = arith.constant 78 : i32
        %dma_start3A_102 = arith.constant 0 : i32
        %dma_start3A_103 = tpu.memref_slice %arg4[%dma_start3A_101, %dma_start3A_102] : memref<79x128xi32, #tpu.memory_space<vmem>> -> memref<1x128xi32, #tpu.memory_space<vmem>>
        %dma_start3A_104 = arith.constant 0 : i32
        %dma_start3A_105 = tpu.memref_slice %arg2[%run_scoped3A_99, %add3A_98, %dma_start3A_104] : memref<2x2500x128xi32, #tpu.memory_space<hbm>> -> memref<1x1x128xi32, #tpu.memory_space<hbm>>
        %dma_start3A_106 = tpu.memref_squeeze %dma_start3A_105 : memref<1x1x128xi32, #tpu.memory_space<hbm>> -> memref<1x128xi32, #tpu.memory_space<hbm>>
        %dma_start3A_107 = arith.constant 78 : i32
        %dma_start3A_108 = arith.constant 0 : i32
        %dma_start3A_109 = tpu.memref_slice %arg4[%dma_start3A_107, %dma_start3A_108] : memref<79x128xi32, #tpu.memory_space<vmem>> -> memref<1x128xi32, #tpu.memory_space<vmem>>
        %dma_start3A_110 = arith.constant 0 : i32
        %dma_start3A_111 = tpu.memref_slice %arg2[%run_scoped3A_99, %add3A_98, %dma_start3A_110] : memref<2x2500x128xi32, #tpu.memory_space<hbm>> -> memref<1x1x128xi32, #tpu.memory_space<hbm>>
        %dma_start3A_112 = tpu.memref_squeeze %dma_start3A_111 : memref<1x1x128xi32, #tpu.memory_space<hbm>> -> memref<1x128xi32, #tpu.memory_space<hbm>>
        tpu.enqueue_dma source(%dma_start3A_112 : memref<1x128xi32, #tpu.memory_space<hbm>>) target(%dma_start3A_109 : memref<1x128xi32, #tpu.memory_space<vmem>>) target_semaphore(%run_scoped3A_100 : memref<!tpu.dma_semaphore, #tpu.memory_space<semaphore_mem>>)
        %dma_wait3A = arith.constant 78 : i32
        %dma_wait3A_113 = arith.constant 0 : i32
        %dma_wait3A_114 = tpu.memref_slice %arg4[%dma_wait3A, %dma_wait3A_113] : memref<79x128xi32, #tpu.memory_space<vmem>> -> memref<1x128xi32, #tpu.memory_space<vmem>>
        %dma_wait3A_115 = arith.constant 0 : i32
        %dma_wait3A_116 = tpu.memref_slice %arg2[%run_scoped3A_99, %add3A_98, %dma_wait3A_115] : memref<2x2500x128xi32, #tpu.memory_space<hbm>> -> memref<1x1x128xi32, #tpu.memory_space<hbm>>
        %dma_wait3A_117 = tpu.memref_squeeze %dma_wait3A_116 : memref<1x1x128xi32, #tpu.memory_space<hbm>> -> memref<1x128xi32, #tpu.memory_space<hbm>>
        %dma_wait3A_118 = arith.constant 78 : i32
        %dma_wait3A_119 = arith.constant 0 : i32
        %dma_wait3A_120 = tpu.memref_slice %arg4[%dma_wait3A_118, %dma_wait3A_119] : memref<79x128xi32, #tpu.memory_space<vmem>> -> memref<1x128xi32, #tpu.memory_space<vmem>>
        %dma_wait3A_121 = arith.constant 0 : i32
        %dma_wait3A_122 = tpu.memref_slice %arg2[%run_scoped3A_99, %add3A_98, %dma_wait3A_121] : memref<2x2500x128xi32, #tpu.memory_space<hbm>> -> memref<1x1x128xi32, #tpu.memory_space<hbm>>
        %dma_wait3A_123 = tpu.memref_squeeze %dma_wait3A_122 : memref<1x1x128xi32, #tpu.memory_space<hbm>> -> memref<1x128xi32, #tpu.memory_space<hbm>>
        tpu.wait_dma2 semaphore(%run_scoped3A_100 : memref<!tpu.dma_semaphore, #tpu.memory_space<semaphore_mem>>) src(%dma_wait3A_123 : memref<1x128xi32, #tpu.memory_space<hbm>>) dst(%dma_wait3A_120 : memref<1x128xi32, #tpu.memory_space<vmem>>)
        tpu.yield
      }) : () -> ()
    } else {
    }
    %dma_start3A = arith.constant 0 : i32
    %dma_start3A_35 = arith.constant 0 : i32
    %dma_start3A_36 = tpu.memref_slice %arg4[%dma_start3A, %dma_start3A_35] : memref<79x128xi32, #tpu.memory_space<vmem>> -> memref<1x128xi32, #tpu.memory_space<vmem>>
    %dma_start3A_37 = tpu.memref_squeeze %dma_start3A_36 : memref<1x128xi32, #tpu.memory_space<vmem>> -> memref<128xi32, #tpu.memory_space<vmem>>
    %dma_start3A_38 = arith.constant 0 : i32
    %dma_start3A_39 = arith.constant 0 : i32
    %dma_start3A_40 = tpu.memref_slice %arg11[%dma_start3A_38, %dma_start3A_39] : memref<10112x16xf32, #tpu.memory_space<vmem_shared>> -> memref<10112x16xf32, #tpu.memory_space<vmem_shared>>
    tpu.enqueue_indirect_dma source(%arg5 : memref<128x16xf32, #tpu.memory_space<vmem>>) target(%dma_start3A_40 : memref<10112x16xf32, #tpu.memory_space<vmem_shared>>) offsets(%dma_start3A_37 : memref<128xi32, #tpu.memory_space<vmem>>) semaphore(%arg7 : memref<!tpu.dma_semaphore, #tpu.memory_space<semaphore_mem>>) {add = true}
    %dma_start3A_41 = arith.constant 1 : i32
    %dma_start3A_42 = arith.constant 0 : i32
    %dma_start3A_43 = tpu.memref_slice %arg4[%dma_start3A_41, %dma_start3A_42] : memref<79x128xi32, #tpu.memory_space<vmem>> -> memref<1x128xi32, #tpu.memory_space<vmem>>
    %dma_start3A_44 = tpu.memref_squeeze %dma_start3A_43 : memref<1x128xi32, #tpu.memory_space<vmem>> -> memref<128xi32, #tpu.memory_space<vmem>>
    %dma_start3A_45 = arith.constant 0 : i32
    %dma_start3A_46 = arith.constant 0 : i32
    %dma_start3A_47 = tpu.memref_slice %arg11[%dma_start3A_45, %dma_start3A_46] : memref<10112x16xf32, #tpu.memory_space<vmem_shared>> -> memref<10112x16xf32, #tpu.memory_space<vmem_shared>>
    tpu.enqueue_indirect_dma source(%arg5 : memref<128x16xf32, #tpu.memory_space<vmem>>) target(%dma_start3A_47 : memref<10112x16xf32, #tpu.memory_space<vmem_shared>>) offsets(%dma_start3A_44 : memref<128xi32, #tpu.memory_space<vmem>>) semaphore(%arg8 : memref<!tpu.dma_semaphore, #tpu.memory_space<semaphore_mem>>) {add = true}
    %dma_start3A_48 = arith.constant 2 : i32
    %dma_start3A_49 = arith.constant 0 : i32
    %dma_start3A_50 = tpu.memref_slice %arg4[%dma_start3A_48, %dma_start3A_49] : memref<79x128xi32, #tpu.memory_space<vmem>> -> memref<1x128xi32, #tpu.memory_space<vmem>>
    %dma_start3A_51 = tpu.memref_squeeze %dma_start3A_50 : memref<1x128xi32, #tpu.memory_space<vmem>> -> memref<128xi32, #tpu.memory_space<vmem>>
    %dma_start3A_52 = arith.constant 0 : i32
    %dma_start3A_53 = arith.constant 0 : i32
    %dma_start3A_54 = tpu.memref_slice %arg11[%dma_start3A_52, %dma_start3A_53] : memref<10112x16xf32, #tpu.memory_space<vmem_shared>> -> memref<10112x16xf32, #tpu.memory_space<vmem_shared>>
    tpu.enqueue_indirect_dma source(%arg5 : memref<128x16xf32, #tpu.memory_space<vmem>>) target(%dma_start3A_54 : memref<10112x16xf32, #tpu.memory_space<vmem_shared>>) offsets(%dma_start3A_51 : memref<128xi32, #tpu.memory_space<vmem>>) semaphore(%arg9 : memref<!tpu.dma_semaphore, #tpu.memory_space<semaphore_mem>>) {add = true}
    %dma_start3A_55 = arith.constant 3 : i32
    %dma_start3A_56 = arith.constant 0 : i32
    %dma_start3A_57 = tpu.memref_slice %arg4[%dma_start3A_55, %dma_start3A_56] : memref<79x128xi32, #tpu.memory_space<vmem>> -> memref<1x128xi32, #tpu.memory_space<vmem>>
    %dma_start3A_58 = tpu.memref_squeeze %dma_start3A_57 : memref<1x128xi32, #tpu.memory_space<vmem>> -> memref<128xi32, #tpu.memory_space<vmem>>
    %dma_start3A_59 = arith.constant 0 : i32
    %dma_start3A_60 = arith.constant 0 : i32
    %dma_start3A_61 = tpu.memref_slice %arg11[%dma_start3A_59, %dma_start3A_60] : memref<10112x16xf32, #tpu.memory_space<vmem_shared>> -> memref<10112x16xf32, #tpu.memory_space<vmem_shared>>
    tpu.enqueue_indirect_dma source(%arg5 : memref<128x16xf32, #tpu.memory_space<vmem>>) target(%dma_start3A_61 : memref<10112x16xf32, #tpu.memory_space<vmem_shared>>) offsets(%dma_start3A_58 : memref<128xi32, #tpu.memory_space<vmem>>) semaphore(%arg10 : memref<!tpu.dma_semaphore, #tpu.memory_space<semaphore_mem>>) {add = true}
    %scan3A_62 = arith.constant 0 : i32
    %scan3A_63 = arith.constant 0 : i32
    %scan3A_64 = arith.constant 19 : i32
    %scan3A_65 = arith.addi %scan3A_63, %scan3A_64 : i32
    %scan3A_66 = arith.constant 1 : i32
    %scan3A_67 = scf.for %scan3A_97 = %scan3A_63 to %scan3A_65 step %scan3A_66 iter_args(%scan3A_98 = %scan3A_62) -> (i32)  : i32 {
      %mul3A_99 = arith.constant 4 : i32
      %mul3A_100 = arith.muli %mul3A_99, %scan3A_97 : i32
      %add3A_101 = arith.constant 0 : i32
      %add3A_102 = arith.addi %mul3A_100, %add3A_101 : i32
      %dma_wait3A = arith.constant 0 : i32
      %dma_wait3A_103 = tpu.memref_slice %arg4[%add3A_102, %dma_wait3A] : memref<79x128xi32, #tpu.memory_space<vmem>> -> memref<1x128xi32, #tpu.memory_space<vmem>>
      %dma_wait3A_104 = tpu.memref_squeeze %dma_wait3A_103 : memref<1x128xi32, #tpu.memory_space<vmem>> -> memref<128xi32, #tpu.memory_space<vmem>>
      %dma_wait3A_105 = arith.constant 0 : i32
      %dma_wait3A_106 = arith.constant 0 : i32
      %dma_wait3A_107 = tpu.memref_slice %arg11[%dma_wait3A_105, %dma_wait3A_106] : memref<10112x16xf32, #tpu.memory_space<vmem_shared>> -> memref<10112x16xf32, #tpu.memory_space<vmem_shared>>
      tpu.wait_indirect_dma semaphore(%arg7 : memref<!tpu.dma_semaphore, #tpu.memory_space<semaphore_mem>>) src(%arg5 : memref<128x16xf32, #tpu.memory_space<vmem>>) dst(%dma_wait3A_107 : memref<10112x16xf32, #tpu.memory_space<vmem_shared>>)
      %add3A_108 = arith.constant 4 : i32
      %add3A_109 = arith.addi %add3A_102, %add3A_108 : i32
      %lt3A_110 = arith.constant 76 : i32
      %lt3A_111 = arith.cmpi slt, %add3A_109, %lt3A_110 : i32
      %convert_element_type3A_112 = arith.extui %lt3A_111 : i1 to i32
      %cond3A_113 = arith.constant 0 : i32
      %cond3A_114 = arith.cmpi ne, %convert_element_type3A_112, %cond3A_113 : i32
      scf.if %cond3A_114 {
        %add3A_167 = arith.constant 4 : i32
        %add3A_168 = arith.addi %add3A_102, %add3A_167 : i32
        %dma_start3A_169 = arith.constant 0 : i32
        %dma_start3A_170 = tpu.memref_slice %arg4[%add3A_168, %dma_start3A_169] : memref<79x128xi32, #tpu.memory_space<vmem>> -> memref<1x128xi32, #tpu.memory_space<vmem>>
        %dma_start3A_171 = tpu.memref_squeeze %dma_start3A_170 : memref<1x128xi32, #tpu.memory_space<vmem>> -> memref<128xi32, #tpu.memory_space<vmem>>
        %dma_start3A_172 = arith.constant 0 : i32
        %dma_start3A_173 = arith.constant 0 : i32
        %dma_start3A_174 = tpu.memref_slice %arg11[%dma_start3A_172, %dma_start3A_173] : memref<10112x16xf32, #tpu.memory_space<vmem_shared>> -> memref<10112x16xf32, #tpu.memory_space<vmem_shared>>
        tpu.enqueue_indirect_dma source(%arg5 : memref<128x16xf32, #tpu.memory_space<vmem>>) target(%dma_start3A_174 : memref<10112x16xf32, #tpu.memory_space<vmem_shared>>) offsets(%dma_start3A_171 : memref<128xi32, #tpu.memory_space<vmem>>) semaphore(%arg7 : memref<!tpu.dma_semaphore, #tpu.memory_space<semaphore_mem>>) {add = true}
      } else {
      }
      %mul3A_115 = arith.constant 4 : i32
      %mul3A_116 = arith.muli %mul3A_115, %scan3A_97 : i32
      %add3A_117 = arith.constant 1 : i32
      %add3A_118 = arith.addi %mul3A_116, %add3A_117 : i32
      %dma_wait3A_119 = arith.constant 0 : i32
      %dma_wait3A_120 = tpu.memref_slice %arg4[%add3A_118, %dma_wait3A_119] : memref<79x128xi32, #tpu.memory_space<vmem>> -> memref<1x128xi32, #tpu.memory_space<vmem>>
      %dma_wait3A_121 = tpu.memref_squeeze %dma_wait3A_120 : memref<1x128xi32, #tpu.memory_space<vmem>> -> memref<128xi32, #tpu.memory_space<vmem>>
      %dma_wait3A_122 = arith.constant 0 : i32
      %dma_wait3A_123 = arith.constant 0 : i32
      %dma_wait3A_124 = tpu.memref_slice %arg11[%dma_wait3A_122, %dma_wait3A_123] : memref<10112x16xf32, #tpu.memory_space<vmem_shared>> -> memref<10112x16xf32, #tpu.memory_space<vmem_shared>>
      tpu.wait_indirect_dma semaphore(%arg8 : memref<!tpu.dma_semaphore, #tpu.memory_space<semaphore_mem>>) src(%arg5 : memref<128x16xf32, #tpu.memory_space<vmem>>) dst(%dma_wait3A_124 : memref<10112x16xf32, #tpu.memory_space<vmem_shared>>)
      %add3A_125 = arith.constant 4 : i32
      %add3A_126 = arith.addi %add3A_118, %add3A_125 : i32
      %lt3A_127 = arith.constant 76 : i32
      %lt3A_128 = arith.cmpi slt, %add3A_126, %lt3A_127 : i32
      %convert_element_type3A_129 = arith.extui %lt3A_128 : i1 to i32
      %cond3A_130 = arith.constant 0 : i32
      %cond3A_131 = arith.cmpi ne, %convert_element_type3A_129, %cond3A_130 : i32
      scf.if %cond3A_131 {
        %add3A_167 = arith.constant 4 : i32
        %add3A_168 = arith.addi %add3A_118, %add3A_167 : i32
        %dma_start3A_169 = arith.constant 0 : i32
        %dma_start3A_170 = tpu.memref_slice %arg4[%add3A_168, %dma_start3A_169] : memref<79x128xi32, #tpu.memory_space<vmem>> -> memref<1x128xi32, #tpu.memory_space<vmem>>
        %dma_start3A_171 = tpu.memref_squeeze %dma_start3A_170 : memref<1x128xi32, #tpu.memory_space<vmem>> -> memref<128xi32, #tpu.memory_space<vmem>>
        %dma_start3A_172 = arith.constant 0 : i32
        %dma_start3A_173 = arith.constant 0 : i32
        %dma_start3A_174 = tpu.memref_slice %arg11[%dma_start3A_172, %dma_start3A_173] : memref<10112x16xf32, #tpu.memory_space<vmem_shared>> -> memref<10112x16xf32, #tpu.memory_space<vmem_shared>>
        tpu.enqueue_indirect_dma source(%arg5 : memref<128x16xf32, #tpu.memory_space<vmem>>) target(%dma_start3A_174 : memref<10112x16xf32, #tpu.memory_space<vmem_shared>>) offsets(%dma_start3A_171 : memref<128xi32, #tpu.memory_space<vmem>>) semaphore(%arg8 : memref<!tpu.dma_semaphore, #tpu.memory_space<semaphore_mem>>) {add = true}
      } else {
      }
      %mul3A_132 = arith.constant 4 : i32
      %mul3A_133 = arith.muli %mul3A_132, %scan3A_97 : i32
      %add3A_134 = arith.constant 2 : i32
      %add3A_135 = arith.addi %mul3A_133, %add3A_134 : i32
      %dma_wait3A_136 = arith.constant 0 : i32
      %dma_wait3A_137 = tpu.memref_slice %arg4[%add3A_135, %dma_wait3A_136] : memref<79x128xi32, #tpu.memory_space<vmem>> -> memref<1x128xi32, #tpu.memory_space<vmem>>
      %dma_wait3A_138 = tpu.memref_squeeze %dma_wait3A_137 : memref<1x128xi32, #tpu.memory_space<vmem>> -> memref<128xi32, #tpu.memory_space<vmem>>
      %dma_wait3A_139 = arith.constant 0 : i32
      %dma_wait3A_140 = arith.constant 0 : i32
      %dma_wait3A_141 = tpu.memref_slice %arg11[%dma_wait3A_139, %dma_wait3A_140] : memref<10112x16xf32, #tpu.memory_space<vmem_shared>> -> memref<10112x16xf32, #tpu.memory_space<vmem_shared>>
      tpu.wait_indirect_dma semaphore(%arg9 : memref<!tpu.dma_semaphore, #tpu.memory_space<semaphore_mem>>) src(%arg5 : memref<128x16xf32, #tpu.memory_space<vmem>>) dst(%dma_wait3A_141 : memref<10112x16xf32, #tpu.memory_space<vmem_shared>>)
      %add3A_142 = arith.constant 4 : i32
      %add3A_143 = arith.addi %add3A_135, %add3A_142 : i32
      %lt3A_144 = arith.constant 76 : i32
      %lt3A_145 = arith.cmpi slt, %add3A_143, %lt3A_144 : i32
      %convert_element_type3A_146 = arith.extui %lt3A_145 : i1 to i32
      %cond3A_147 = arith.constant 0 : i32
      %cond3A_148 = arith.cmpi ne, %convert_element_type3A_146, %cond3A_147 : i32
      scf.if %cond3A_148 {
        %add3A_167 = arith.constant 4 : i32
        %add3A_168 = arith.addi %add3A_135, %add3A_167 : i32
        %dma_start3A_169 = arith.constant 0 : i32
        %dma_start3A_170 = tpu.memref_slice %arg4[%add3A_168, %dma_start3A_169] : memref<79x128xi32, #tpu.memory_space<vmem>> -> memref<1x128xi32, #tpu.memory_space<vmem>>
        %dma_start3A_171 = tpu.memref_squeeze %dma_start3A_170 : memref<1x128xi32, #tpu.memory_space<vmem>> -> memref<128xi32, #tpu.memory_space<vmem>>
        %dma_start3A_172 = arith.constant 0 : i32
        %dma_start3A_173 = arith.constant 0 : i32
        %dma_start3A_174 = tpu.memref_slice %arg11[%dma_start3A_172, %dma_start3A_173] : memref<10112x16xf32, #tpu.memory_space<vmem_shared>> -> memref<10112x16xf32, #tpu.memory_space<vmem_shared>>
        tpu.enqueue_indirect_dma source(%arg5 : memref<128x16xf32, #tpu.memory_space<vmem>>) target(%dma_start3A_174 : memref<10112x16xf32, #tpu.memory_space<vmem_shared>>) offsets(%dma_start3A_171 : memref<128xi32, #tpu.memory_space<vmem>>) semaphore(%arg9 : memref<!tpu.dma_semaphore, #tpu.memory_space<semaphore_mem>>) {add = true}
      } else {
      }
      %mul3A_149 = arith.constant 4 : i32
      %mul3A_150 = arith.muli %mul3A_149, %scan3A_97 : i32
      %add3A_151 = arith.constant 3 : i32
      %add3A_152 = arith.addi %mul3A_150, %add3A_151 : i32
      %dma_wait3A_153 = arith.constant 0 : i32
      %dma_wait3A_154 = tpu.memref_slice %arg4[%add3A_152, %dma_wait3A_153] : memref<79x128xi32, #tpu.memory_space<vmem>> -> memref<1x128xi32, #tpu.memory_space<vmem>>
      %dma_wait3A_155 = tpu.memref_squeeze %dma_wait3A_154 : memref<1x128xi32, #tpu.memory_space<vmem>> -> memref<128xi32, #tpu.memory_space<vmem>>
      %dma_wait3A_156 = arith.constant 0 : i32
      %dma_wait3A_157 = arith.constant 0 : i32
      %dma_wait3A_158 = tpu.memref_slice %arg11[%dma_wait3A_156, %dma_wait3A_157] : memref<10112x16xf32, #tpu.memory_space<vmem_shared>> -> memref<10112x16xf32, #tpu.memory_space<vmem_shared>>
      tpu.wait_indirect_dma semaphore(%arg10 : memref<!tpu.dma_semaphore, #tpu.memory_space<semaphore_mem>>) src(%arg5 : memref<128x16xf32, #tpu.memory_space<vmem>>) dst(%dma_wait3A_158 : memref<10112x16xf32, #tpu.memory_space<vmem_shared>>)
      %add3A_159 = arith.constant 4 : i32
      %add3A_160 = arith.addi %add3A_152, %add3A_159 : i32
      %lt3A_161 = arith.constant 76 : i32
      %lt3A_162 = arith.cmpi slt, %add3A_160, %lt3A_161 : i32
      %convert_element_type3A_163 = arith.extui %lt3A_162 : i1 to i32
      %cond3A_164 = arith.constant 0 : i32
      %cond3A_165 = arith.cmpi ne, %convert_element_type3A_163, %cond3A_164 : i32
      scf.if %cond3A_165 {
        %add3A_167 = arith.constant 4 : i32
        %add3A_168 = arith.addi %add3A_152, %add3A_167 : i32
        %dma_start3A_169 = arith.constant 0 : i32
        %dma_start3A_170 = tpu.memref_slice %arg4[%add3A_168, %dma_start3A_169] : memref<79x128xi32, #tpu.memory_space<vmem>> -> memref<1x128xi32, #tpu.memory_space<vmem>>
        %dma_start3A_171 = tpu.memref_squeeze %dma_start3A_170 : memref<1x128xi32, #tpu.memory_space<vmem>> -> memref<128xi32, #tpu.memory_space<vmem>>
        %dma_start3A_172 = arith.constant 0 : i32
        %dma_start3A_173 = arith.constant 0 : i32
        %dma_start3A_174 = tpu.memref_slice %arg11[%dma_start3A_172, %dma_start3A_173] : memref<10112x16xf32, #tpu.memory_space<vmem_shared>> -> memref<10112x16xf32, #tpu.memory_space<vmem_shared>>
        tpu.enqueue_indirect_dma source(%arg5 : memref<128x16xf32, #tpu.memory_space<vmem>>) target(%dma_start3A_174 : memref<10112x16xf32, #tpu.memory_space<vmem_shared>>) offsets(%dma_start3A_171 : memref<128xi32, #tpu.memory_space<vmem>>) semaphore(%arg10 : memref<!tpu.dma_semaphore, #tpu.memory_space<semaphore_mem>>) {add = true}
      } else {
      }
      %scan3A_166 = arith.constant 0 : i32
      scf.yield %scan3A_166 : i32
    }
    %scan3A_68 = arith.constant 19 : i32
    %run_scoped3A_69 = arith.constant 76 : i32
    "tpu.region"() ({
      %run_scoped3A_97 = tpu.sem_alloc : memref<!tpu.dma_semaphore, #tpu.memory_space<semaphore_mem>>
      %dma_start3A_98 = arith.constant 0 : i32
      %dma_start3A_99 = tpu.memref_slice %arg4[%run_scoped3A_69, %dma_start3A_98] : memref<79x128xi32, #tpu.memory_space<vmem>> -> memref<1x128xi32, #tpu.memory_space<vmem>>
      %dma_start3A_100 = tpu.memref_squeeze %dma_start3A_99 : memref<1x128xi32, #tpu.memory_space<vmem>> -> memref<128xi32, #tpu.memory_space<vmem>>
      %dma_start3A_101 = arith.constant 0 : i32
      %dma_start3A_102 = arith.constant 0 : i32
      %dma_start3A_103 = tpu.memref_slice %arg11[%dma_start3A_101, %dma_start3A_102] : memref<10112x16xf32, #tpu.memory_space<vmem_shared>> -> memref<10112x16xf32, #tpu.memory_space<vmem_shared>>
      tpu.enqueue_indirect_dma source(%arg5 : memref<128x16xf32, #tpu.memory_space<vmem>>) target(%dma_start3A_103 : memref<10112x16xf32, #tpu.memory_space<vmem_shared>>) offsets(%dma_start3A_100 : memref<128xi32, #tpu.memory_space<vmem>>) semaphore(%run_scoped3A_97 : memref<!tpu.dma_semaphore, #tpu.memory_space<semaphore_mem>>) {add = true}
      %dma_wait3A = arith.constant 0 : i32
      %dma_wait3A_104 = tpu.memref_slice %arg4[%run_scoped3A_69, %dma_wait3A] : memref<79x128xi32, #tpu.memory_space<vmem>> -> memref<1x128xi32, #tpu.memory_space<vmem>>
      %dma_wait3A_105 = tpu.memref_squeeze %dma_wait3A_104 : memref<1x128xi32, #tpu.memory_space<vmem>> -> memref<128xi32, #tpu.memory_space<vmem>>
      %dma_wait3A_106 = arith.constant 0 : i32
      %dma_wait3A_107 = arith.constant 0 : i32
      %dma_wait3A_108 = tpu.memref_slice %arg11[%dma_wait3A_106, %dma_wait3A_107] : memref<10112x16xf32, #tpu.memory_space<vmem_shared>> -> memref<10112x16xf32, #tpu.memory_space<vmem_shared>>
      tpu.wait_indirect_dma semaphore(%run_scoped3A_97 : memref<!tpu.dma_semaphore, #tpu.memory_space<semaphore_mem>>) src(%arg5 : memref<128x16xf32, #tpu.memory_space<vmem>>) dst(%dma_wait3A_108 : memref<10112x16xf32, #tpu.memory_space<vmem_shared>>)
      tpu.yield
    }) : () -> ()
    %run_scoped3A_70 = arith.constant 77 : i32
    "tpu.region"() ({
      %run_scoped3A_97 = tpu.sem_alloc : memref<!tpu.dma_semaphore, #tpu.memory_space<semaphore_mem>>
      %dma_start3A_98 = arith.constant 0 : i32
      %dma_start3A_99 = tpu.memref_slice %arg4[%run_scoped3A_70, %dma_start3A_98] : memref<79x128xi32, #tpu.memory_space<vmem>> -> memref<1x128xi32, #tpu.memory_space<vmem>>
      %dma_start3A_100 = tpu.memref_squeeze %dma_start3A_99 : memref<1x128xi32, #tpu.memory_space<vmem>> -> memref<128xi32, #tpu.memory_space<vmem>>
      %dma_start3A_101 = arith.constant 0 : i32
      %dma_start3A_102 = arith.constant 0 : i32
      %dma_start3A_103 = tpu.memref_slice %arg11[%dma_start3A_101, %dma_start3A_102] : memref<10112x16xf32, #tpu.memory_space<vmem_shared>> -> memref<10112x16xf32, #tpu.memory_space<vmem_shared>>
      tpu.enqueue_indirect_dma source(%arg5 : memref<128x16xf32, #tpu.memory_space<vmem>>) target(%dma_start3A_103 : memref<10112x16xf32, #tpu.memory_space<vmem_shared>>) offsets(%dma_start3A_100 : memref<128xi32, #tpu.memory_space<vmem>>) semaphore(%run_scoped3A_97 : memref<!tpu.dma_semaphore, #tpu.memory_space<semaphore_mem>>) {add = true}
      %dma_wait3A = arith.constant 0 : i32
      %dma_wait3A_104 = tpu.memref_slice %arg4[%run_scoped3A_70, %dma_wait3A] : memref<79x128xi32, #tpu.memory_space<vmem>> -> memref<1x128xi32, #tpu.memory_space<vmem>>
      %dma_wait3A_105 = tpu.memref_squeeze %dma_wait3A_104 : memref<1x128xi32, #tpu.memory_space<vmem>> -> memref<128xi32, #tpu.memory_space<vmem>>
      %dma_wait3A_106 = arith.constant 0 : i32
      %dma_wait3A_107 = arith.constant 0 : i32
      %dma_wait3A_108 = tpu.memref_slice %arg11[%dma_wait3A_106, %dma_wait3A_107] : memref<10112x16xf32, #tpu.memory_space<vmem_shared>> -> memref<10112x16xf32, #tpu.memory_space<vmem_shared>>
      tpu.wait_indirect_dma semaphore(%run_scoped3A_97 : memref<!tpu.dma_semaphore, #tpu.memory_space<semaphore_mem>>) src(%arg5 : memref<128x16xf32, #tpu.memory_space<vmem>>) dst(%dma_wait3A_108 : memref<10112x16xf32, #tpu.memory_space<vmem_shared>>)
      tpu.yield
    }) : () -> ()
    %lt3A_71 = arith.constant 4 : i32
    %lt3A_72 = arith.cmpi slt, %add3A, %lt3A_71 : i32
    %convert_element_type3A_73 = arith.extui %lt3A_72 : i1 to i32
    %cond3A_74 = arith.constant 0 : i32
    %cond3A_75 = arith.cmpi ne, %convert_element_type3A_73, %cond3A_74 : i32
    scf.if %cond3A_75 {
      %run_scoped3A_97 = arith.constant 78 : i32
      "tpu.region"() ({
        %run_scoped3A_98 = tpu.sem_alloc : memref<!tpu.dma_semaphore, #tpu.memory_space<semaphore_mem>>
        %dma_start3A_99 = arith.constant 0 : i32
        %dma_start3A_100 = tpu.memref_slice %arg4[%run_scoped3A_97, %dma_start3A_99] : memref<79x128xi32, #tpu.memory_space<vmem>> -> memref<1x128xi32, #tpu.memory_space<vmem>>
        %dma_start3A_101 = tpu.memref_squeeze %dma_start3A_100 : memref<1x128xi32, #tpu.memory_space<vmem>> -> memref<128xi32, #tpu.memory_space<vmem>>
        %dma_start3A_102 = arith.constant 0 : i32
        %dma_start3A_103 = arith.constant 0 : i32
        %dma_start3A_104 = tpu.memref_slice %arg11[%dma_start3A_102, %dma_start3A_103] : memref<10112x16xf32, #tpu.memory_space<vmem_shared>> -> memref<10112x16xf32, #tpu.memory_space<vmem_shared>>
        tpu.enqueue_indirect_dma source(%arg5 : memref<128x16xf32, #tpu.memory_space<vmem>>) target(%dma_start3A_104 : memref<10112x16xf32, #tpu.memory_space<vmem_shared>>) offsets(%dma_start3A_101 : memref<128xi32, #tpu.memory_space<vmem>>) semaphore(%run_scoped3A_98 : memref<!tpu.dma_semaphore, #tpu.memory_space<semaphore_mem>>) {add = true}
        %dma_wait3A = arith.constant 0 : i32
        %dma_wait3A_105 = tpu.memref_slice %arg4[%run_scoped3A_97, %dma_wait3A] : memref<79x128xi32, #tpu.memory_space<vmem>> -> memref<1x128xi32, #tpu.memory_space<vmem>>
        %dma_wait3A_106 = tpu.memref_squeeze %dma_wait3A_105 : memref<1x128xi32, #tpu.memory_space<vmem>> -> memref<128xi32, #tpu.memory_space<vmem>>
        %dma_wait3A_107 = arith.constant 0 : i32
        %dma_wait3A_108 = arith.constant 0 : i32
        %dma_wait3A_109 = tpu.memref_slice %arg11[%dma_wait3A_107, %dma_wait3A_108] : memref<10112x16xf32, #tpu.memory_space<vmem_shared>> -> memref<10112x16xf32, #tpu.memory_space<vmem_shared>>
        tpu.wait_indirect_dma semaphore(%run_scoped3A_98 : memref<!tpu.dma_semaphore, #tpu.memory_space<semaphore_mem>>) src(%arg5 : memref<128x16xf32, #tpu.memory_space<vmem>>) dst(%dma_wait3A_109 : memref<10112x16xf32, #tpu.memory_space<vmem_shared>>)
        tpu.yield
      }) : () -> ()
    } else {
    }
    %barrier3A_76 = arith.constant 0 : index
    tpu.barrier barrier_id(%barrier3A_76)
    %add3A_77 = arith.constant 0 : i32
    %add3A_78 = arith.addi %mul3A_2, %add3A_77 : i32
    %add3A_79 = arith.constant 0 : i32
    %add3A_80 = arith.addi %mul3A_2, %add3A_79 : i32
    "tpu.region"() ({
      %run_scoped3A_97 = tpu.sem_alloc : memref<!tpu.dma_semaphore, #tpu.memory_space<semaphore_mem>>
      %dma_start3A_98 = arith.constant 0 : i32
      %dma_start3A_99 = arith.constant 0 : i32
      %dma_start3A_100 = tpu.memref_slice %arg3[%arg0, %dma_start3A_98, %dma_start3A_99] : memref<2x10112x16xf32, #tpu.memory_space<hbm>> -> memref<1x10112x16xf32, #tpu.memory_space<hbm>>
      %dma_start3A_101 = tpu.memref_squeeze %dma_start3A_100 : memref<1x10112x16xf32, #tpu.memory_space<hbm>> -> memref<10112x16xf32, #tpu.memory_space<hbm>>
      %dma_start3A_102 = arith.constant 0 : i32
      %dma_start3A_103 = tpu.memref_slice %dma_start3A_101[%add3A_80, %dma_start3A_102] : memref<10112x16xf32, #tpu.memory_space<hbm>> -> memref<128x16xf32, #tpu.memory_space<hbm>>
      %dma_start3A_104 = arith.constant 0 : i32
      %dma_start3A_105 = tpu.memref_slice %arg11[%add3A_78, %dma_start3A_104] : memref<10112x16xf32, #tpu.memory_space<vmem_shared>> -> memref<128x16xf32, #tpu.memory_space<vmem_shared>>
      tpu.enqueue_dma source(%dma_start3A_105 : memref<128x16xf32, #tpu.memory_space<vmem_shared>>) target(%dma_start3A_103 : memref<128x16xf32, #tpu.memory_space<hbm>>) target_semaphore(%run_scoped3A_97 : memref<!tpu.dma_semaphore, #tpu.memory_space<semaphore_mem>>)
      %dma_wait3A = arith.constant 0 : i32
      %dma_wait3A_106 = arith.constant 0 : i32
      %dma_wait3A_107 = tpu.memref_slice %arg3[%arg0, %dma_wait3A, %dma_wait3A_106] : memref<2x10112x16xf32, #tpu.memory_space<hbm>> -> memref<1x10112x16xf32, #tpu.memory_space<hbm>>
      %dma_wait3A_108 = tpu.memref_squeeze %dma_wait3A_107 : memref<1x10112x16xf32, #tpu.memory_space<hbm>> -> memref<10112x16xf32, #tpu.memory_space<hbm>>
      %dma_wait3A_109 = arith.constant 0 : i32
      %dma_wait3A_110 = tpu.memref_slice %dma_wait3A_108[%add3A_80, %dma_wait3A_109] : memref<10112x16xf32, #tpu.memory_space<hbm>> -> memref<128x16xf32, #tpu.memory_space<hbm>>
      %dma_wait3A_111 = arith.constant 0 : i32
      %dma_wait3A_112 = tpu.memref_slice %arg11[%add3A_78, %dma_wait3A_111] : memref<10112x16xf32, #tpu.memory_space<vmem_shared>> -> memref<128x16xf32, #tpu.memory_space<vmem_shared>>
      tpu.wait_dma2 semaphore(%run_scoped3A_97 : memref<!tpu.dma_semaphore, #tpu.memory_space<semaphore_mem>>) src(%dma_wait3A_112 : memref<128x16xf32, #tpu.memory_space<vmem_shared>>) dst(%dma_wait3A_110 : memref<128x16xf32, #tpu.memory_space<hbm>>)
      tpu.yield
    }) : () -> ()
    %add3A_81 = arith.constant 128 : i32
    %add3A_82 = arith.addi %mul3A_2, %add3A_81 : i32
    %add3A_83 = arith.constant 128 : i32
    %add3A_84 = arith.addi %mul3A_2, %add3A_83 : i32
    "tpu.region"() ({
      %run_scoped3A_97 = tpu.sem_alloc : memref<!tpu.dma_semaphore, #tpu.memory_space<semaphore_mem>>
      %dma_start3A_98 = arith.constant 0 : i32
      %dma_start3A_99 = arith.constant 0 : i32
      %dma_start3A_100 = tpu.memref_slice %arg3[%arg0, %dma_start3A_98, %dma_start3A_99] : memref<2x10112x16xf32, #tpu.memory_space<hbm>> -> memref<1x10112x16xf32, #tpu.memory_space<hbm>>
      %dma_start3A_101 = tpu.memref_squeeze %dma_start3A_100 : memref<1x10112x16xf32, #tpu.memory_space<hbm>> -> memref<10112x16xf32, #tpu.memory_space<hbm>>
      %dma_start3A_102 = arith.constant 0 : i32
      %dma_start3A_103 = tpu.memref_slice %dma_start3A_101[%add3A_84, %dma_start3A_102] : memref<10112x16xf32, #tpu.memory_space<hbm>> -> memref<128x16xf32, #tpu.memory_space<hbm>>
      %dma_start3A_104 = arith.constant 0 : i32
      %dma_start3A_105 = tpu.memref_slice %arg11[%add3A_82, %dma_start3A_104] : memref<10112x16xf32, #tpu.memory_space<vmem_shared>> -> memref<128x16xf32, #tpu.memory_space<vmem_shared>>
      tpu.enqueue_dma source(%dma_start3A_105 : memref<128x16xf32, #tpu.memory_space<vmem_shared>>) target(%dma_start3A_103 : memref<128x16xf32, #tpu.memory_space<hbm>>) target_semaphore(%run_scoped3A_97 : memref<!tpu.dma_semaphore, #tpu.memory_space<semaphore_mem>>)
      %dma_wait3A = arith.constant 0 : i32
      %dma_wait3A_106 = arith.constant 0 : i32
      %dma_wait3A_107 = tpu.memref_slice %arg3[%arg0, %dma_wait3A, %dma_wait3A_106] : memref<2x10112x16xf32, #tpu.memory_space<hbm>> -> memref<1x10112x16xf32, #tpu.memory_space<hbm>>
      %dma_wait3A_108 = tpu.memref_squeeze %dma_wait3A_107 : memref<1x10112x16xf32, #tpu.memory_space<hbm>> -> memref<10112x16xf32, #tpu.memory_space<hbm>>
      %dma_wait3A_109 = arith.constant 0 : i32
      %dma_wait3A_110 = tpu.memref_slice %dma_wait3A_108[%add3A_84, %dma_wait3A_109] : memref<10112x16xf32, #tpu.memory_space<hbm>> -> memref<128x16xf32, #tpu.memory_space<hbm>>
      %dma_wait3A_111 = arith.constant 0 : i32
      %dma_wait3A_112 = tpu.memref_slice %arg11[%add3A_82, %dma_wait3A_111] : memref<10112x16xf32, #tpu.memory_space<vmem_shared>> -> memref<128x16xf32, #tpu.memory_space<vmem_shared>>
      tpu.wait_dma2 semaphore(%run_scoped3A_97 : memref<!tpu.dma_semaphore, #tpu.memory_space<semaphore_mem>>) src(%dma_wait3A_112 : memref<128x16xf32, #tpu.memory_space<vmem_shared>>) dst(%dma_wait3A_110 : memref<128x16xf32, #tpu.memory_space<hbm>>)
      tpu.yield
    }) : () -> ()
    %add3A_85 = arith.constant 256 : i32
    %add3A_86 = arith.addi %mul3A_2, %add3A_85 : i32
    %add3A_87 = arith.constant 256 : i32
    %add3A_88 = arith.addi %mul3A_2, %add3A_87 : i32
    "tpu.region"() ({
      %run_scoped3A_97 = tpu.sem_alloc : memref<!tpu.dma_semaphore, #tpu.memory_space<semaphore_mem>>
      %dma_start3A_98 = arith.constant 0 : i32
      %dma_start3A_99 = arith.constant 0 : i32
      %dma_start3A_100 = tpu.memref_slice %arg3[%arg0, %dma_start3A_98, %dma_start3A_99] : memref<2x10112x16xf32, #tpu.memory_space<hbm>> -> memref<1x10112x16xf32, #tpu.memory_space<hbm>>
      %dma_start3A_101 = tpu.memref_squeeze %dma_start3A_100 : memref<1x10112x16xf32, #tpu.memory_space<hbm>> -> memref<10112x16xf32, #tpu.memory_space<hbm>>
      %dma_start3A_102 = arith.constant 0 : i32
      %dma_start3A_103 = tpu.memref_slice %dma_start3A_101[%add3A_88, %dma_start3A_102] : memref<10112x16xf32, #tpu.memory_space<hbm>> -> memref<128x16xf32, #tpu.memory_space<hbm>>
      %dma_start3A_104 = arith.constant 0 : i32
      %dma_start3A_105 = tpu.memref_slice %arg11[%add3A_86, %dma_start3A_104] : memref<10112x16xf32, #tpu.memory_space<vmem_shared>> -> memref<128x16xf32, #tpu.memory_space<vmem_shared>>
      tpu.enqueue_dma source(%dma_start3A_105 : memref<128x16xf32, #tpu.memory_space<vmem_shared>>) target(%dma_start3A_103 : memref<128x16xf32, #tpu.memory_space<hbm>>) target_semaphore(%run_scoped3A_97 : memref<!tpu.dma_semaphore, #tpu.memory_space<semaphore_mem>>)
      %dma_wait3A = arith.constant 0 : i32
      %dma_wait3A_106 = arith.constant 0 : i32
      %dma_wait3A_107 = tpu.memref_slice %arg3[%arg0, %dma_wait3A, %dma_wait3A_106] : memref<2x10112x16xf32, #tpu.memory_space<hbm>> -> memref<1x10112x16xf32, #tpu.memory_space<hbm>>
      %dma_wait3A_108 = tpu.memref_squeeze %dma_wait3A_107 : memref<1x10112x16xf32, #tpu.memory_space<hbm>> -> memref<10112x16xf32, #tpu.memory_space<hbm>>
      %dma_wait3A_109 = arith.constant 0 : i32
      %dma_wait3A_110 = tpu.memref_slice %dma_wait3A_108[%add3A_88, %dma_wait3A_109] : memref<10112x16xf32, #tpu.memory_space<hbm>> -> memref<128x16xf32, #tpu.memory_space<hbm>>
      %dma_wait3A_111 = arith.constant 0 : i32
      %dma_wait3A_112 = tpu.memref_slice %arg11[%add3A_86, %dma_wait3A_111] : memref<10112x16xf32, #tpu.memory_space<vmem_shared>> -> memref<128x16xf32, #tpu.memory_space<vmem_shared>>
      tpu.wait_dma2 semaphore(%run_scoped3A_97 : memref<!tpu.dma_semaphore, #tpu.memory_space<semaphore_mem>>) src(%dma_wait3A_112 : memref<128x16xf32, #tpu.memory_space<vmem_shared>>) dst(%dma_wait3A_110 : memref<128x16xf32, #tpu.memory_space<hbm>>)
      tpu.yield
    }) : () -> ()
    %add3A_89 = arith.constant 384 : i32
    %add3A_90 = arith.addi %mul3A_2, %add3A_89 : i32
    %add3A_91 = arith.constant 384 : i32
    %add3A_92 = arith.addi %mul3A_2, %add3A_91 : i32
    "tpu.region"() ({
      %run_scoped3A_97 = tpu.sem_alloc : memref<!tpu.dma_semaphore, #tpu.memory_space<semaphore_mem>>
      %dma_start3A_98 = arith.constant 0 : i32
      %dma_start3A_99 = arith.constant 0 : i32
      %dma_start3A_100 = tpu.memref_slice %arg3[%arg0, %dma_start3A_98, %dma_start3A_99] : memref<2x10112x16xf32, #tpu.memory_space<hbm>> -> memref<1x10112x16xf32, #tpu.memory_space<hbm>>
      %dma_start3A_101 = tpu.memref_squeeze %dma_start3A_100 : memref<1x10112x16xf32, #tpu.memory_space<hbm>> -> memref<10112x16xf32, #tpu.memory_space<hbm>>
      %dma_start3A_102 = arith.constant 0 : i32
      %dma_start3A_103 = tpu.memref_slice %dma_start3A_101[%add3A_92, %dma_start3A_102] : memref<10112x16xf32, #tpu.memory_space<hbm>> -> memref<128x16xf32, #tpu.memory_space<hbm>>
      %dma_start3A_104 = arith.constant 0 : i32
      %dma_start3A_105 = tpu.memref_slice %arg11[%add3A_90, %dma_start3A_104] : memref<10112x16xf32, #tpu.memory_space<vmem_shared>> -> memref<128x16xf32, #tpu.memory_space<vmem_shared>>
      tpu.enqueue_dma source(%dma_start3A_105 : memref<128x16xf32, #tpu.memory_space<vmem_shared>>) target(%dma_start3A_103 : memref<128x16xf32, #tpu.memory_space<hbm>>) target_semaphore(%run_scoped3A_97 : memref<!tpu.dma_semaphore, #tpu.memory_space<semaphore_mem>>)
      %dma_wait3A = arith.constant 0 : i32
      %dma_wait3A_106 = arith.constant 0 : i32
      %dma_wait3A_107 = tpu.memref_slice %arg3[%arg0, %dma_wait3A, %dma_wait3A_106] : memref<2x10112x16xf32, #tpu.memory_space<hbm>> -> memref<1x10112x16xf32, #tpu.memory_space<hbm>>
      %dma_wait3A_108 = tpu.memref_squeeze %dma_wait3A_107 : memref<1x10112x16xf32, #tpu.memory_space<hbm>> -> memref<10112x16xf32, #tpu.memory_space<hbm>>
      %dma_wait3A_109 = arith.constant 0 : i32
      %dma_wait3A_110 = tpu.memref_slice %dma_wait3A_108[%add3A_92, %dma_wait3A_109] : memref<10112x16xf32, #tpu.memory_space<hbm>> -> memref<128x16xf32, #tpu.memory_space<hbm>>
      %dma_wait3A_111 = arith.constant 0 : i32
      %dma_wait3A_112 = tpu.memref_slice %arg11[%add3A_90, %dma_wait3A_111] : memref<10112x16xf32, #tpu.memory_space<vmem_shared>> -> memref<128x16xf32, #tpu.memory_space<vmem_shared>>
      tpu.wait_dma2 semaphore(%run_scoped3A_97 : memref<!tpu.dma_semaphore, #tpu.memory_space<semaphore_mem>>) src(%dma_wait3A_112 : memref<128x16xf32, #tpu.memory_space<vmem_shared>>) dst(%dma_wait3A_110 : memref<128x16xf32, #tpu.memory_space<hbm>>)
      tpu.yield
    }) : () -> ()
    %add3A_93 = arith.constant 512 : i32
    %add3A_94 = arith.addi %mul3A_2, %add3A_93 : i32
    %add3A_95 = arith.constant 512 : i32
    %add3A_96 = arith.addi %mul3A_2, %add3A_95 : i32
    "tpu.region"() ({
      %run_scoped3A_97 = tpu.sem_alloc : memref<!tpu.dma_semaphore, #tpu.memory_space<semaphore_mem>>
      %dma_start3A_98 = arith.constant 0 : i32
      %dma_start3A_99 = arith.constant 0 : i32
      %dma_start3A_100 = tpu.memref_slice %arg3[%arg0, %dma_start3A_98, %dma_start3A_99] : memref<2x10112x16xf32, #tpu.memory_space<hbm>> -> memref<1x10112x16xf32, #tpu.memory_space<hbm>>
      %dma_start3A_101 = tpu.memref_squeeze %dma_start3A_100 : memref<1x10112x16xf32, #tpu.memory_space<hbm>> -> memref<10112x16xf32, #tpu.memory_space<hbm>>
      %dma_start3A_102 = arith.constant 0 : i32
      %dma_start3A_103 = tpu.memref_slice %dma_start3A_101[%add3A_96, %dma_start3A_102] : memref<10112x16xf32, #tpu.memory_space<hbm>> -> memref<120x16xf32, #tpu.memory_space<hbm>>
      %dma_start3A_104 = arith.constant 0 : i32
      %dma_start3A_105 = tpu.memref_slice %arg11[%add3A_94, %dma_start3A_104] : memref<10112x16xf32, #tpu.memory_space<vmem_shared>> -> memref<120x16xf32, #tpu.memory_space<vmem_shared>>
      tpu.enqueue_dma source(%dma_start3A_105 : memref<120x16xf32, #tpu.memory_space<vmem_shared>>) target(%dma_start3A_103 : memref<120x16xf32, #tpu.memory_space<hbm>>) target_semaphore(%run_scoped3A_97 : memref<!tpu.dma_semaphore, #tpu.memory_space<semaphore_mem>>)
      %dma_wait3A = arith.constant 0 : i32
      %dma_wait3A_106 = arith.constant 0 : i32
      %dma_wait3A_107 = tpu.memref_slice %arg3[%arg0, %dma_wait3A, %dma_wait3A_106] : memref<2x10112x16xf32, #tpu.memory_space<hbm>> -> memref<1x10112x16xf32, #tpu.memory_space<hbm>>
      %dma_wait3A_108 = tpu.memref_squeeze %dma_wait3A_107 : memref<1x10112x16xf32, #tpu.memory_space<hbm>> -> memref<10112x16xf32, #tpu.memory_space<hbm>>
      %dma_wait3A_109 = arith.constant 0 : i32
      %dma_wait3A_110 = tpu.memref_slice %dma_wait3A_108[%add3A_96, %dma_wait3A_109] : memref<10112x16xf32, #tpu.memory_space<hbm>> -> memref<120x16xf32, #tpu.memory_space<hbm>>
      %dma_wait3A_111 = arith.constant 0 : i32
      %dma_wait3A_112 = tpu.memref_slice %arg11[%add3A_94, %dma_wait3A_111] : memref<10112x16xf32, #tpu.memory_space<vmem_shared>> -> memref<120x16xf32, #tpu.memory_space<vmem_shared>>
      tpu.wait_dma2 semaphore(%run_scoped3A_97 : memref<!tpu.dma_semaphore, #tpu.memory_space<semaphore_mem>>) src(%dma_wait3A_112 : memref<120x16xf32, #tpu.memory_space<vmem_shared>>) dst(%dma_wait3A_110 : memref<120x16xf32, #tpu.memory_space<hbm>>)
      tpu.yield
    }) : () -> ()
    return
  }
}

#map = affine_map<(d0, d1) -> (0, 0, 0)>
#map1 = affine_map<(d0, d1) -> (0, 0)>
module attributes {stable_mosaic.version = 14 : i64} {
  func.func @_msg16_kernel(%arg0: i32, %arg1: i32, %arg2: memref<2x2500x128xi32, #tpu.memory_space<hbm>>, %arg3: memref<10000x16xf32, #tpu.memory_space<hbm>>, %arg4: memref<2x10112x16xf32, #tpu.memory_space<hbm>>, %arg5: memref<79x128xi32, #tpu.memory_space<vmem>>, %arg6: memref<79x128xi32, #tpu.memory_space<vmem>>, %arg7: memref<128x16xf32, #tpu.memory_space<vmem>>, %arg8: memref<128x16xf32, #tpu.memory_space<vmem>>, %arg9: memref<128x16xf32, #tpu.memory_space<vmem>>, %arg10: memref<128x16xf32, #tpu.memory_space<vmem>>, %arg11: memref<!tpu.dma_semaphore, #tpu.memory_space<semaphore_mem>>, %arg12: memref<!tpu.dma_semaphore, #tpu.memory_space<semaphore_mem>>, %arg13: memref<!tpu.dma_semaphore, #tpu.memory_space<semaphore_mem>>, %arg14: memref<!tpu.dma_semaphore, #tpu.memory_space<semaphore_mem>>, %arg15: memref<!tpu.dma_semaphore, #tpu.memory_space<semaphore_mem>>, %arg16: memref<!tpu.dma_semaphore, #tpu.memory_space<semaphore_mem>>, %arg17: memref<!tpu.dma_semaphore, #tpu.memory_space<semaphore_mem>>, %arg18: memref<!tpu.dma_semaphore, #tpu.memory_space<semaphore_mem>>, %arg19: memref<10112x16xf32, #tpu.memory_space<vmem_shared>>, %arg20: memref<10000x16xf32, #tpu.memory_space<vmem_shared>>) attributes {dimension_semantics = [#tpu.dimension_semantics<core_parallel>, #tpu.dimension_semantics<subcore_parallel>], iteration_bounds = array<i64: 2, 16>, scalar_prefetch = 0 : i64, scratch_operands = 16 : i64, tpu.core_type = #tpu.core_type<sc_vector_subcore>, window_params = [{transform_indices = #map}, {transform_indices = #map1}, {transform_indices = #map}]} {
    %mul3A = arith.constant 2 : i32
    %mul3A_0 = arith.muli %arg1, %mul3A : i32
    %add3A = arith.addi %mul3A_0, %arg0 : i32
    %mul3A_1 = arith.constant 632 : i32
    %mul3A_2 = arith.muli %arg1, %mul3A_1 : i32
    %broadcast_in_dim3A = arith.constant 0.000000e+00 : f32
    %broadcast_in_dim3A_3 = vector.broadcast %broadcast_in_dim3A : f32 to vector<16xf32>
    %scan3A = arith.constant 0 : i32
    %scan3A_4 = arith.constant 0 : i32
    %scan3A_5 = arith.constant 128 : i32
    %scan3A_6 = arith.addi %scan3A_4, %scan3A_5 : i32
    %scan3A_7 = arith.constant 1 : i32
    %scan3A_8 = scf.for %scan3A_202 = %scan3A_4 to %scan3A_6 step %scan3A_7 iter_args(%scan3A_203 = %scan3A) -> (i32)  : i32 {
      %swap3A = arith.index_cast %scan3A_202 : i32 to index
      %swap3A_204 = arith.constant 0 : index
      %swap3A_205 = tpu.vector_load %arg7[%swap3A, %swap3A_204] {strides = array<i32>} : memref<128x16xf32, #tpu.memory_space<vmem>>, vector<1x16xf32>,
      %swap3A_206 = vector.shape_cast %swap3A_205 : vector<1x16xf32> to vector<16xf32>
      %swap3A_207 = vector.shape_cast %broadcast_in_dim3A_3 : vector<16xf32> to vector<1x16xf32>
      tpu.vector_store %arg7[%swap3A, %swap3A_204], %swap3A_207 {strides = array<i32>} : memref<128x16xf32, #tpu.memory_space<vmem>>, vector<1x16xf32>,
      %scan3A_208 = arith.constant 0 : i32
      scf.yield %scan3A_208 : i32
    }
    %scan3A_9 = arith.constant 128 : i32
    %add3A_10 = arith.constant 0 : i32
    %add3A_11 = arith.addi %mul3A_2, %add3A_10 : i32
    "tpu.region"() ({
      %run_scoped3A_202 = tpu.sem_alloc : memref<!tpu.dma_semaphore, #tpu.memory_space<semaphore_mem>>
      %dma_start3A_203 = arith.constant 0 : i32
      %dma_start3A_204 = tpu.memref_slice %arg19[%add3A_11, %dma_start3A_203] : memref<10112x16xf32, #tpu.memory_space<vmem_shared>> -> memref<128x16xf32, #tpu.memory_space<vmem_shared>>
      %dma_start3A_205 = arith.constant 0 : i32
      %dma_start3A_206 = tpu.memref_slice %arg19[%add3A_11, %dma_start3A_205] : memref<10112x16xf32, #tpu.memory_space<vmem_shared>> -> memref<128x16xf32, #tpu.memory_space<vmem_shared>>
      tpu.enqueue_dma source(%arg7 : memref<128x16xf32, #tpu.memory_space<vmem>>) target(%dma_start3A_206 : memref<128x16xf32, #tpu.memory_space<vmem_shared>>) target_semaphore(%run_scoped3A_202 : memref<!tpu.dma_semaphore, #tpu.memory_space<semaphore_mem>>)
      %dma_wait3A_207 = arith.constant 0 : i32
      %dma_wait3A_208 = tpu.memref_slice %arg19[%add3A_11, %dma_wait3A_207] : memref<10112x16xf32, #tpu.memory_space<vmem_shared>> -> memref<128x16xf32, #tpu.memory_space<vmem_shared>>
      %dma_wait3A_209 = arith.constant 0 : i32
      %dma_wait3A_210 = tpu.memref_slice %arg19[%add3A_11, %dma_wait3A_209] : memref<10112x16xf32, #tpu.memory_space<vmem_shared>> -> memref<128x16xf32, #tpu.memory_space<vmem_shared>>
      tpu.wait_dma2 semaphore(%run_scoped3A_202 : memref<!tpu.dma_semaphore, #tpu.memory_space<semaphore_mem>>) src(%arg7 : memref<128x16xf32, #tpu.memory_space<vmem>>) dst(%dma_wait3A_210 : memref<128x16xf32, #tpu.memory_space<vmem_shared>>)
      tpu.yield
    }) : () -> ()
    %add3A_12 = arith.constant 128 : i32
    %add3A_13 = arith.addi %mul3A_2, %add3A_12 : i32
    "tpu.region"() ({
      %run_scoped3A_202 = tpu.sem_alloc : memref<!tpu.dma_semaphore, #tpu.memory_space<semaphore_mem>>
      %dma_start3A_203 = arith.constant 0 : i32
      %dma_start3A_204 = tpu.memref_slice %arg19[%add3A_13, %dma_start3A_203] : memref<10112x16xf32, #tpu.memory_space<vmem_shared>> -> memref<128x16xf32, #tpu.memory_space<vmem_shared>>
      %dma_start3A_205 = arith.constant 0 : i32
      %dma_start3A_206 = tpu.memref_slice %arg19[%add3A_13, %dma_start3A_205] : memref<10112x16xf32, #tpu.memory_space<vmem_shared>> -> memref<128x16xf32, #tpu.memory_space<vmem_shared>>
      tpu.enqueue_dma source(%arg7 : memref<128x16xf32, #tpu.memory_space<vmem>>) target(%dma_start3A_206 : memref<128x16xf32, #tpu.memory_space<vmem_shared>>) target_semaphore(%run_scoped3A_202 : memref<!tpu.dma_semaphore, #tpu.memory_space<semaphore_mem>>)
      %dma_wait3A_207 = arith.constant 0 : i32
      %dma_wait3A_208 = tpu.memref_slice %arg19[%add3A_13, %dma_wait3A_207] : memref<10112x16xf32, #tpu.memory_space<vmem_shared>> -> memref<128x16xf32, #tpu.memory_space<vmem_shared>>
      %dma_wait3A_209 = arith.constant 0 : i32
      %dma_wait3A_210 = tpu.memref_slice %arg19[%add3A_13, %dma_wait3A_209] : memref<10112x16xf32, #tpu.memory_space<vmem_shared>> -> memref<128x16xf32, #tpu.memory_space<vmem_shared>>
      tpu.wait_dma2 semaphore(%run_scoped3A_202 : memref<!tpu.dma_semaphore, #tpu.memory_space<semaphore_mem>>) src(%arg7 : memref<128x16xf32, #tpu.memory_space<vmem>>) dst(%dma_wait3A_210 : memref<128x16xf32, #tpu.memory_space<vmem_shared>>)
      tpu.yield
    }) : () -> ()
    %add3A_14 = arith.constant 256 : i32
    %add3A_15 = arith.addi %mul3A_2, %add3A_14 : i32
    "tpu.region"() ({
      %run_scoped3A_202 = tpu.sem_alloc : memref<!tpu.dma_semaphore, #tpu.memory_space<semaphore_mem>>
      %dma_start3A_203 = arith.constant 0 : i32
      %dma_start3A_204 = tpu.memref_slice %arg19[%add3A_15, %dma_start3A_203] : memref<10112x16xf32, #tpu.memory_space<vmem_shared>> -> memref<128x16xf32, #tpu.memory_space<vmem_shared>>
      %dma_start3A_205 = arith.constant 0 : i32
      %dma_start3A_206 = tpu.memref_slice %arg19[%add3A_15, %dma_start3A_205] : memref<10112x16xf32, #tpu.memory_space<vmem_shared>> -> memref<128x16xf32, #tpu.memory_space<vmem_shared>>
      tpu.enqueue_dma source(%arg7 : memref<128x16xf32, #tpu.memory_space<vmem>>) target(%dma_start3A_206 : memref<128x16xf32, #tpu.memory_space<vmem_shared>>) target_semaphore(%run_scoped3A_202 : memref<!tpu.dma_semaphore, #tpu.memory_space<semaphore_mem>>)
      %dma_wait3A_207 = arith.constant 0 : i32
      %dma_wait3A_208 = tpu.memref_slice %arg19[%add3A_15, %dma_wait3A_207] : memref<10112x16xf32, #tpu.memory_space<vmem_shared>> -> memref<128x16xf32, #tpu.memory_space<vmem_shared>>
      %dma_wait3A_209 = arith.constant 0 : i32
      %dma_wait3A_210 = tpu.memref_slice %arg19[%add3A_15, %dma_wait3A_209] : memref<10112x16xf32, #tpu.memory_space<vmem_shared>> -> memref<128x16xf32, #tpu.memory_space<vmem_shared>>
      tpu.wait_dma2 semaphore(%run_scoped3A_202 : memref<!tpu.dma_semaphore, #tpu.memory_space<semaphore_mem>>) src(%arg7 : memref<128x16xf32, #tpu.memory_space<vmem>>) dst(%dma_wait3A_210 : memref<128x16xf32, #tpu.memory_space<vmem_shared>>)
      tpu.yield
    }) : () -> ()
    %add3A_16 = arith.constant 384 : i32
    %add3A_17 = arith.addi %mul3A_2, %add3A_16 : i32
    "tpu.region"() ({
      %run_scoped3A_202 = tpu.sem_alloc : memref<!tpu.dma_semaphore, #tpu.memory_space<semaphore_mem>>
      %dma_start3A_203 = arith.constant 0 : i32
      %dma_start3A_204 = tpu.memref_slice %arg19[%add3A_17, %dma_start3A_203] : memref<10112x16xf32, #tpu.memory_space<vmem_shared>> -> memref<128x16xf32, #tpu.memory_space<vmem_shared>>
      %dma_start3A_205 = arith.constant 0 : i32
      %dma_start3A_206 = tpu.memref_slice %arg19[%add3A_17, %dma_start3A_205] : memref<10112x16xf32, #tpu.memory_space<vmem_shared>> -> memref<128x16xf32, #tpu.memory_space<vmem_shared>>
      tpu.enqueue_dma source(%arg7 : memref<128x16xf32, #tpu.memory_space<vmem>>) target(%dma_start3A_206 : memref<128x16xf32, #tpu.memory_space<vmem_shared>>) target_semaphore(%run_scoped3A_202 : memref<!tpu.dma_semaphore, #tpu.memory_space<semaphore_mem>>)
      %dma_wait3A_207 = arith.constant 0 : i32
      %dma_wait3A_208 = tpu.memref_slice %arg19[%add3A_17, %dma_wait3A_207] : memref<10112x16xf32, #tpu.memory_space<vmem_shared>> -> memref<128x16xf32, #tpu.memory_space<vmem_shared>>
      %dma_wait3A_209 = arith.constant 0 : i32
      %dma_wait3A_210 = tpu.memref_slice %arg19[%add3A_17, %dma_wait3A_209] : memref<10112x16xf32, #tpu.memory_space<vmem_shared>> -> memref<128x16xf32, #tpu.memory_space<vmem_shared>>
      tpu.wait_dma2 semaphore(%run_scoped3A_202 : memref<!tpu.dma_semaphore, #tpu.memory_space<semaphore_mem>>) src(%arg7 : memref<128x16xf32, #tpu.memory_space<vmem>>) dst(%dma_wait3A_210 : memref<128x16xf32, #tpu.memory_space<vmem_shared>>)
      tpu.yield
    }) : () -> ()
    %add3A_18 = arith.constant 512 : i32
    %add3A_19 = arith.addi %mul3A_2, %add3A_18 : i32
    "tpu.region"() ({
      %run_scoped3A_202 = tpu.sem_alloc : memref<!tpu.dma_semaphore, #tpu.memory_space<semaphore_mem>>
      %dma_start3A_203 = arith.constant 0 : i32
      %dma_start3A_204 = arith.constant 0 : i32
      %dma_start3A_205 = tpu.memref_slice %arg7[%dma_start3A_203, %dma_start3A_204] : memref<128x16xf32, #tpu.memory_space<vmem>> -> memref<120x16xf32, #tpu.memory_space<vmem>>
      %dma_start3A_206 = arith.constant 0 : i32
      %dma_start3A_207 = tpu.memref_slice %arg19[%add3A_19, %dma_start3A_206] : memref<10112x16xf32, #tpu.memory_space<vmem_shared>> -> memref<120x16xf32, #tpu.memory_space<vmem_shared>>
      %dma_start3A_208 = arith.constant 0 : i32
      %dma_start3A_209 = tpu.memref_slice %arg19[%add3A_19, %dma_start3A_208] : memref<10112x16xf32, #tpu.memory_space<vmem_shared>> -> memref<120x16xf32, #tpu.memory_space<vmem_shared>>
      %dma_start3A_210 = arith.constant 0 : i32
      %dma_start3A_211 = arith.constant 0 : i32
      %dma_start3A_212 = tpu.memref_slice %arg7[%dma_start3A_210, %dma_start3A_211] : memref<128x16xf32, #tpu.memory_space<vmem>> -> memref<120x16xf32, #tpu.memory_space<vmem>>
      tpu.enqueue_dma source(%dma_start3A_212 : memref<120x16xf32, #tpu.memory_space<vmem>>) target(%dma_start3A_209 : memref<120x16xf32, #tpu.memory_space<vmem_shared>>) target_semaphore(%run_scoped3A_202 : memref<!tpu.dma_semaphore, #tpu.memory_space<semaphore_mem>>)
      %dma_wait3A_213 = arith.constant 0 : i32
      %dma_wait3A_214 = arith.constant 0 : i32
      %dma_wait3A_215 = tpu.memref_slice %arg7[%dma_wait3A_213, %dma_wait3A_214] : memref<128x16xf32, #tpu.memory_space<vmem>> -> memref<120x16xf32, #tpu.memory_space<vmem>>
      %dma_wait3A_216 = arith.constant 0 : i32
      %dma_wait3A_217 = tpu.memref_slice %arg19[%add3A_19, %dma_wait3A_216] : memref<10112x16xf32, #tpu.memory_space<vmem_shared>> -> memref<120x16xf32, #tpu.memory_space<vmem_shared>>
      %dma_wait3A_218 = arith.constant 0 : i32
      %dma_wait3A_219 = tpu.memref_slice %arg19[%add3A_19, %dma_wait3A_218] : memref<10112x16xf32, #tpu.memory_space<vmem_shared>> -> memref<120x16xf32, #tpu.memory_space<vmem_shared>>
      %dma_wait3A_220 = arith.constant 0 : i32
      %dma_wait3A_221 = arith.constant 0 : i32
      %dma_wait3A_222 = tpu.memref_slice %arg7[%dma_wait3A_220, %dma_wait3A_221] : memref<128x16xf32, #tpu.memory_space<vmem>> -> memref<120x16xf32, #tpu.memory_space<vmem>>
      tpu.wait_dma2 semaphore(%run_scoped3A_202 : memref<!tpu.dma_semaphore, #tpu.memory_space<semaphore_mem>>) src(%dma_wait3A_222 : memref<120x16xf32, #tpu.memory_space<vmem>>) dst(%dma_wait3A_219 : memref<120x16xf32, #tpu.memory_space<vmem_shared>>)
      tpu.yield
    }) : () -> ()
    %add3A_20 = arith.constant 0 : i32
    %add3A_21 = arith.addi %mul3A_2, %add3A_20 : i32
    %add3A_22 = arith.constant 128 : i32
    %add3A_23 = arith.addi %add3A_21, %add3A_22 : i32
    %le3A = arith.constant 10000 : i32
    %le3A_24 = arith.cmpi sle, %add3A_23, %le3A : i32
    %convert_element_type3A = arith.extui %le3A_24 : i1 to i32
    %cond3A = arith.constant 0 : i32
    %cond3A_25 = arith.cmpi ne, %convert_element_type3A, %cond3A : i32
    scf.if %cond3A_25 {
      "tpu.region"() ({
        %run_scoped3A_202 = tpu.sem_alloc : memref<!tpu.dma_semaphore, #tpu.memory_space<semaphore_mem>>
        %dma_start3A_203 = arith.constant 0 : i32
        %dma_start3A_204 = tpu.memref_slice %arg20[%add3A_21, %dma_start3A_203] : memref<10000x16xf32, #tpu.memory_space<vmem_shared>> -> memref<128x16xf32, #tpu.memory_space<vmem_shared>>
        %dma_start3A_205 = arith.constant 0 : i32
        %dma_start3A_206 = tpu.memref_slice %arg3[%add3A_21, %dma_start3A_205] : memref<10000x16xf32, #tpu.memory_space<hbm>> -> memref<128x16xf32, #tpu.memory_space<hbm>>
        tpu.enqueue_dma source(%dma_start3A_206 : memref<128x16xf32, #tpu.memory_space<hbm>>) target(%dma_start3A_204 : memref<128x16xf32, #tpu.memory_space<vmem_shared>>) target_semaphore(%run_scoped3A_202 : memref<!tpu.dma_semaphore, #tpu.memory_space<semaphore_mem>>)
        %dma_wait3A_207 = arith.constant 0 : i32
        %dma_wait3A_208 = tpu.memref_slice %arg20[%add3A_21, %dma_wait3A_207] : memref<10000x16xf32, #tpu.memory_space<vmem_shared>> -> memref<128x16xf32, #tpu.memory_space<vmem_shared>>
        %dma_wait3A_209 = arith.constant 0 : i32
        %dma_wait3A_210 = tpu.memref_slice %arg3[%add3A_21, %dma_wait3A_209] : memref<10000x16xf32, #tpu.memory_space<hbm>> -> memref<128x16xf32, #tpu.memory_space<hbm>>
        tpu.wait_dma2 semaphore(%run_scoped3A_202 : memref<!tpu.dma_semaphore, #tpu.memory_space<semaphore_mem>>) src(%dma_wait3A_210 : memref<128x16xf32, #tpu.memory_space<hbm>>) dst(%dma_wait3A_208 : memref<128x16xf32, #tpu.memory_space<vmem_shared>>)
        tpu.yield
      }) : () -> ()
    } else {
    }
    %add3A_26 = arith.constant 128 : i32
    %add3A_27 = arith.addi %mul3A_2, %add3A_26 : i32
    %add3A_28 = arith.constant 128 : i32
    %add3A_29 = arith.addi %add3A_27, %add3A_28 : i32
    %le3A_30 = arith.constant 10000 : i32
    %le3A_31 = arith.cmpi sle, %add3A_29, %le3A_30 : i32
    %convert_element_type3A_32 = arith.extui %le3A_31 : i1 to i32
    %cond3A_33 = arith.constant 0 : i32
    %cond3A_34 = arith.cmpi ne, %convert_element_type3A_32, %cond3A_33 : i32
    scf.if %cond3A_34 {
      "tpu.region"() ({
        %run_scoped3A_202 = tpu.sem_alloc : memref<!tpu.dma_semaphore, #tpu.memory_space<semaphore_mem>>
        %dma_start3A_203 = arith.constant 0 : i32
        %dma_start3A_204 = tpu.memref_slice %arg20[%add3A_27, %dma_start3A_203] : memref<10000x16xf32, #tpu.memory_space<vmem_shared>> -> memref<128x16xf32, #tpu.memory_space<vmem_shared>>
        %dma_start3A_205 = arith.constant 0 : i32
        %dma_start3A_206 = tpu.memref_slice %arg3[%add3A_27, %dma_start3A_205] : memref<10000x16xf32, #tpu.memory_space<hbm>> -> memref<128x16xf32, #tpu.memory_space<hbm>>
        tpu.enqueue_dma source(%dma_start3A_206 : memref<128x16xf32, #tpu.memory_space<hbm>>) target(%dma_start3A_204 : memref<128x16xf32, #tpu.memory_space<vmem_shared>>) target_semaphore(%run_scoped3A_202 : memref<!tpu.dma_semaphore, #tpu.memory_space<semaphore_mem>>)
        %dma_wait3A_207 = arith.constant 0 : i32
        %dma_wait3A_208 = tpu.memref_slice %arg20[%add3A_27, %dma_wait3A_207] : memref<10000x16xf32, #tpu.memory_space<vmem_shared>> -> memref<128x16xf32, #tpu.memory_space<vmem_shared>>
        %dma_wait3A_209 = arith.constant 0 : i32
        %dma_wait3A_210 = tpu.memref_slice %arg3[%add3A_27, %dma_wait3A_209] : memref<10000x16xf32, #tpu.memory_space<hbm>> -> memref<128x16xf32, #tpu.memory_space<hbm>>
        tpu.wait_dma2 semaphore(%run_scoped3A_202 : memref<!tpu.dma_semaphore, #tpu.memory_space<semaphore_mem>>) src(%dma_wait3A_210 : memref<128x16xf32, #tpu.memory_space<hbm>>) dst(%dma_wait3A_208 : memref<128x16xf32, #tpu.memory_space<vmem_shared>>)
        tpu.yield
      }) : () -> ()
    } else {
    }
    %add3A_35 = arith.constant 256 : i32
    %add3A_36 = arith.addi %mul3A_2, %add3A_35 : i32
    %add3A_37 = arith.constant 128 : i32
    %add3A_38 = arith.addi %add3A_36, %add3A_37 : i32
    %le3A_39 = arith.constant 10000 : i32
    %le3A_40 = arith.cmpi sle, %add3A_38, %le3A_39 : i32
    %convert_element_type3A_41 = arith.extui %le3A_40 : i1 to i32
    %cond3A_42 = arith.constant 0 : i32
    %cond3A_43 = arith.cmpi ne, %convert_element_type3A_41, %cond3A_42 : i32
    scf.if %cond3A_43 {
      "tpu.region"() ({
        %run_scoped3A_202 = tpu.sem_alloc : memref<!tpu.dma_semaphore, #tpu.memory_space<semaphore_mem>>
        %dma_start3A_203 = arith.constant 0 : i32
        %dma_start3A_204 = tpu.memref_slice %arg20[%add3A_36, %dma_start3A_203] : memref<10000x16xf32, #tpu.memory_space<vmem_shared>> -> memref<128x16xf32, #tpu.memory_space<vmem_shared>>
        %dma_start3A_205 = arith.constant 0 : i32
        %dma_start3A_206 = tpu.memref_slice %arg3[%add3A_36, %dma_start3A_205] : memref<10000x16xf32, #tpu.memory_space<hbm>> -> memref<128x16xf32, #tpu.memory_space<hbm>>
        tpu.enqueue_dma source(%dma_start3A_206 : memref<128x16xf32, #tpu.memory_space<hbm>>) target(%dma_start3A_204 : memref<128x16xf32, #tpu.memory_space<vmem_shared>>) target_semaphore(%run_scoped3A_202 : memref<!tpu.dma_semaphore, #tpu.memory_space<semaphore_mem>>)
        %dma_wait3A_207 = arith.constant 0 : i32
        %dma_wait3A_208 = tpu.memref_slice %arg20[%add3A_36, %dma_wait3A_207] : memref<10000x16xf32, #tpu.memory_space<vmem_shared>> -> memref<128x16xf32, #tpu.memory_space<vmem_shared>>
        %dma_wait3A_209 = arith.constant 0 : i32
        %dma_wait3A_210 = tpu.memref_slice %arg3[%add3A_36, %dma_wait3A_209] : memref<10000x16xf32, #tpu.memory_space<hbm>> -> memref<128x16xf32, #tpu.memory_space<hbm>>
        tpu.wait_dma2 semaphore(%run_scoped3A_202 : memref<!tpu.dma_semaphore, #tpu.memory_space<semaphore_mem>>) src(%dma_wait3A_210 : memref<128x16xf32, #tpu.memory_space<hbm>>) dst(%dma_wait3A_208 : memref<128x16xf32, #tpu.memory_space<vmem_shared>>)
        tpu.yield
      }) : () -> ()
    } else {
    }
    %add3A_44 = arith.constant 384 : i32
    %add3A_45 = arith.addi %mul3A_2, %add3A_44 : i32
    %add3A_46 = arith.constant 128 : i32
    %add3A_47 = arith.addi %add3A_45, %add3A_46 : i32
    %le3A_48 = arith.constant 10000 : i32
    %le3A_49 = arith.cmpi sle, %add3A_47, %le3A_48 : i32
    %convert_element_type3A_50 = arith.extui %le3A_49 : i1 to i32
    %cond3A_51 = arith.constant 0 : i32
    %cond3A_52 = arith.cmpi ne, %convert_element_type3A_50, %cond3A_51 : i32
    scf.if %cond3A_52 {
      "tpu.region"() ({
        %run_scoped3A_202 = tpu.sem_alloc : memref<!tpu.dma_semaphore, #tpu.memory_space<semaphore_mem>>
        %dma_start3A_203 = arith.constant 0 : i32
        %dma_start3A_204 = tpu.memref_slice %arg20[%add3A_45, %dma_start3A_203] : memref<10000x16xf32, #tpu.memory_space<vmem_shared>> -> memref<128x16xf32, #tpu.memory_space<vmem_shared>>
        %dma_start3A_205 = arith.constant 0 : i32
        %dma_start3A_206 = tpu.memref_slice %arg3[%add3A_45, %dma_start3A_205] : memref<10000x16xf32, #tpu.memory_space<hbm>> -> memref<128x16xf32, #tpu.memory_space<hbm>>
        tpu.enqueue_dma source(%dma_start3A_206 : memref<128x16xf32, #tpu.memory_space<hbm>>) target(%dma_start3A_204 : memref<128x16xf32, #tpu.memory_space<vmem_shared>>) target_semaphore(%run_scoped3A_202 : memref<!tpu.dma_semaphore, #tpu.memory_space<semaphore_mem>>)
        %dma_wait3A_207 = arith.constant 0 : i32
        %dma_wait3A_208 = tpu.memref_slice %arg20[%add3A_45, %dma_wait3A_207] : memref<10000x16xf32, #tpu.memory_space<vmem_shared>> -> memref<128x16xf32, #tpu.memory_space<vmem_shared>>
        %dma_wait3A_209 = arith.constant 0 : i32
        %dma_wait3A_210 = tpu.memref_slice %arg3[%add3A_45, %dma_wait3A_209] : memref<10000x16xf32, #tpu.memory_space<hbm>> -> memref<128x16xf32, #tpu.memory_space<hbm>>
        tpu.wait_dma2 semaphore(%run_scoped3A_202 : memref<!tpu.dma_semaphore, #tpu.memory_space<semaphore_mem>>) src(%dma_wait3A_210 : memref<128x16xf32, #tpu.memory_space<hbm>>) dst(%dma_wait3A_208 : memref<128x16xf32, #tpu.memory_space<vmem_shared>>)
        tpu.yield
      }) : () -> ()
    } else {
    }
    %add3A_53 = arith.constant 512 : i32
    %add3A_54 = arith.addi %mul3A_2, %add3A_53 : i32
    %add3A_55 = arith.constant 120 : i32
    %add3A_56 = arith.addi %add3A_54, %add3A_55 : i32
    %le3A_57 = arith.constant 10000 : i32
    %le3A_58 = arith.cmpi sle, %add3A_56, %le3A_57 : i32
    %convert_element_type3A_59 = arith.extui %le3A_58 : i1 to i32
    %cond3A_60 = arith.constant 0 : i32
    %cond3A_61 = arith.cmpi ne, %convert_element_type3A_59, %cond3A_60 : i32
    scf.if %cond3A_61 {
      %add3A_202 = arith.constant 512 : i32
      %add3A_203 = arith.addi %mul3A_2, %add3A_202 : i32
      %add3A_204 = arith.constant 512 : i32
      %add3A_205 = arith.addi %mul3A_2, %add3A_204 : i32
      "tpu.region"() ({
        %run_scoped3A_206 = tpu.sem_alloc : memref<!tpu.dma_semaphore, #tpu.memory_space<semaphore_mem>>
        %dma_start3A_207 = arith.constant 0 : i32
        %dma_start3A_208 = tpu.memref_slice %arg20[%add3A_205, %dma_start3A_207] : memref<10000x16xf32, #tpu.memory_space<vmem_shared>> -> memref<120x16xf32, #tpu.memory_space<vmem_shared>>
        %dma_start3A_209 = arith.constant 0 : i32
        %dma_start3A_210 = tpu.memref_slice %arg3[%add3A_203, %dma_start3A_209] : memref<10000x16xf32, #tpu.memory_space<hbm>> -> memref<120x16xf32, #tpu.memory_space<hbm>>
        tpu.enqueue_dma source(%dma_start3A_210 : memref<120x16xf32, #tpu.memory_space<hbm>>) target(%dma_start3A_208 : memref<120x16xf32, #tpu.memory_space<vmem_shared>>) target_semaphore(%run_scoped3A_206 : memref<!tpu.dma_semaphore, #tpu.memory_space<semaphore_mem>>)
        %dma_wait3A_211 = arith.constant 0 : i32
        %dma_wait3A_212 = tpu.memref_slice %arg20[%add3A_205, %dma_wait3A_211] : memref<10000x16xf32, #tpu.memory_space<vmem_shared>> -> memref<120x16xf32, #tpu.memory_space<vmem_shared>>
        %dma_wait3A_213 = arith.constant 0 : i32
        %dma_wait3A_214 = tpu.memref_slice %arg3[%add3A_203, %dma_wait3A_213] : memref<10000x16xf32, #tpu.memory_space<hbm>> -> memref<120x16xf32, #tpu.memory_space<hbm>>
        tpu.wait_dma2 semaphore(%run_scoped3A_206 : memref<!tpu.dma_semaphore, #tpu.memory_space<semaphore_mem>>) src(%dma_wait3A_214 : memref<120x16xf32, #tpu.memory_space<hbm>>) dst(%dma_wait3A_212 : memref<120x16xf32, #tpu.memory_space<vmem_shared>>)
        tpu.yield
      }) : () -> ()
    } else {
    }
    %eq3A = arith.constant 15 : i32
    %eq3A_62 = arith.cmpi eq, %arg1, %eq3A : i32
    %convert_element_type3A_63 = arith.extui %eq3A_62 : i1 to i32
    %cond3A_64 = arith.constant 0 : i32
    %cond3A_65 = arith.cmpi ne, %convert_element_type3A_63, %cond3A_64 : i32
    scf.if %cond3A_65 {
      "tpu.region"() ({
        %run_scoped3A_202 = tpu.sem_alloc : memref<!tpu.dma_semaphore, #tpu.memory_space<semaphore_mem>>
        %dma_start3A_203 = arith.constant 9984 : i32
        %dma_start3A_204 = arith.constant 0 : i32
        %dma_start3A_205 = tpu.memref_slice %arg20[%dma_start3A_203, %dma_start3A_204] : memref<10000x16xf32, #tpu.memory_space<vmem_shared>> -> memref<16x16xf32, #tpu.memory_space<vmem_shared>>
        %dma_start3A_206 = arith.constant 9984 : i32
        %dma_start3A_207 = arith.constant 0 : i32
        %dma_start3A_208 = tpu.memref_slice %arg3[%dma_start3A_206, %dma_start3A_207] : memref<10000x16xf32, #tpu.memory_space<hbm>> -> memref<16x16xf32, #tpu.memory_space<hbm>>
        tpu.enqueue_dma source(%dma_start3A_208 : memref<16x16xf32, #tpu.memory_space<hbm>>) target(%dma_start3A_205 : memref<16x16xf32, #tpu.memory_space<vmem_shared>>) target_semaphore(%run_scoped3A_202 : memref<!tpu.dma_semaphore, #tpu.memory_space<semaphore_mem>>)
        %dma_wait3A_209 = arith.constant 9984 : i32
        %dma_wait3A_210 = arith.constant 0 : i32
        %dma_wait3A_211 = tpu.memref_slice %arg20[%dma_wait3A_209, %dma_wait3A_210] : memref<10000x16xf32, #tpu.memory_space<vmem_shared>> -> memref<16x16xf32, #tpu.memory_space<vmem_shared>>
        %dma_wait3A_212 = arith.constant 9984 : i32
        %dma_wait3A_213 = arith.constant 0 : i32
        %dma_wait3A_214 = tpu.memref_slice %arg3[%dma_wait3A_212, %dma_wait3A_213] : memref<10000x16xf32, #tpu.memory_space<hbm>> -> memref<16x16xf32, #tpu.memory_space<hbm>>
        tpu.wait_dma2 semaphore(%run_scoped3A_202 : memref<!tpu.dma_semaphore, #tpu.memory_space<semaphore_mem>>) src(%dma_wait3A_214 : memref<16x16xf32, #tpu.memory_space<hbm>>) dst(%dma_wait3A_211 : memref<16x16xf32, #tpu.memory_space<vmem_shared>>)
        tpu.yield
      }) : () -> ()
    } else {
    }
    %barrier3A = arith.constant 0 : index
    tpu.barrier barrier_id(%barrier3A)
    %mul3A_66 = arith.constant 78 : i32
    %mul3A_67 = arith.muli %add3A, %mul3A_66 : i32
    %min3A = arith.constant 4 : i32
    %min3A_68 = arith.minsi %add3A, %min3A : i32
    %add3A_69 = arith.addi %mul3A_67, %min3A_68 : i32
    %run_scoped3A = arith.constant 0 : i32
    "tpu.region"() ({
      %run_scoped3A_202 = tpu.sem_alloc : memref<!tpu.dma_semaphore, #tpu.memory_space<semaphore_mem>>
      %dma_start3A_203 = arith.constant 0 : i32
      %dma_start3A_204 = arith.constant 0 : i32
      %dma_start3A_205 = tpu.memref_slice %arg5[%dma_start3A_203, %dma_start3A_204] : memref<79x128xi32, #tpu.memory_space<vmem>> -> memref<78x128xi32, #tpu.memory_space<vmem>>
      %dma_start3A_206 = arith.constant 0 : i32
      %dma_start3A_207 = tpu.memref_slice %arg2[%run_scoped3A, %add3A_69, %dma_start3A_206] : memref<2x2500x128xi32, #tpu.memory_space<hbm>> -> memref<1x78x128xi32, #tpu.memory_space<hbm>>
      %dma_start3A_208 = tpu.memref_squeeze %dma_start3A_207 : memref<1x78x128xi32, #tpu.memory_space<hbm>> -> memref<78x128xi32, #tpu.memory_space<hbm>>
      %dma_start3A_209 = arith.constant 0 : i32
      %dma_start3A_210 = arith.constant 0 : i32
      %dma_start3A_211 = tpu.memref_slice %arg5[%dma_start3A_209, %dma_start3A_210] : memref<79x128xi32, #tpu.memory_space<vmem>> -> memref<78x128xi32, #tpu.memory_space<vmem>>
      %dma_start3A_212 = arith.constant 0 : i32
      %dma_start3A_213 = tpu.memref_slice %arg2[%run_scoped3A, %add3A_69, %dma_start3A_212] : memref<2x2500x128xi32, #tpu.memory_space<hbm>> -> memref<1x78x128xi32, #tpu.memory_space<hbm>>
      %dma_start3A_214 = tpu.memref_squeeze %dma_start3A_213 : memref<1x78x128xi32, #tpu.memory_space<hbm>> -> memref<78x128xi32, #tpu.memory_space<hbm>>
      tpu.enqueue_dma source(%dma_start3A_214 : memref<78x128xi32, #tpu.memory_space<hbm>>) target(%dma_start3A_211 : memref<78x128xi32, #tpu.memory_space<vmem>>) target_semaphore(%run_scoped3A_202 : memref<!tpu.dma_semaphore, #tpu.memory_space<semaphore_mem>>)
      %dma_wait3A_215 = arith.constant 0 : i32
      %dma_wait3A_216 = arith.constant 0 : i32
      %dma_wait3A_217 = tpu.memref_slice %arg5[%dma_wait3A_215, %dma_wait3A_216] : memref<79x128xi32, #tpu.memory_space<vmem>> -> memref<78x128xi32, #tpu.memory_space<vmem>>
      %dma_wait3A_218 = arith.constant 0 : i32
      %dma_wait3A_219 = tpu.memref_slice %arg2[%run_scoped3A, %add3A_69, %dma_wait3A_218] : memref<2x2500x128xi32, #tpu.memory_space<hbm>> -> memref<1x78x128xi32, #tpu.memory_space<hbm>>
      %dma_wait3A_220 = tpu.memref_squeeze %dma_wait3A_219 : memref<1x78x128xi32, #tpu.memory_space<hbm>> -> memref<78x128xi32, #tpu.memory_space<hbm>>
      %dma_wait3A_221 = arith.constant 0 : i32
      %dma_wait3A_222 = arith.constant 0 : i32
      %dma_wait3A_223 = tpu.memref_slice %arg5[%dma_wait3A_221, %dma_wait3A_222] : memref<79x128xi32, #tpu.memory_space<vmem>> -> memref<78x128xi32, #tpu.memory_space<vmem>>
      %dma_wait3A_224 = arith.constant 0 : i32
      %dma_wait3A_225 = tpu.memref_slice %arg2[%run_scoped3A, %add3A_69, %dma_wait3A_224] : memref<2x2500x128xi32, #tpu.memory_space<hbm>> -> memref<1x78x128xi32, #tpu.memory_space<hbm>>
      %dma_wait3A_226 = tpu.memref_squeeze %dma_wait3A_225 : memref<1x78x128xi32, #tpu.memory_space<hbm>> -> memref<78x128xi32, #tpu.memory_space<hbm>>
      tpu.wait_dma2 semaphore(%run_scoped3A_202 : memref<!tpu.dma_semaphore, #tpu.memory_space<semaphore_mem>>) src(%dma_wait3A_226 : memref<78x128xi32, #tpu.memory_space<hbm>>) dst(%dma_wait3A_223 : memref<78x128xi32, #tpu.memory_space<vmem>>)
      tpu.yield
    }) : () -> ()
    %lt3A = arith.constant 4 : i32
    %lt3A_70 = arith.cmpi slt, %add3A, %lt3A : i32
    %convert_element_type3A_71 = arith.extui %lt3A_70 : i1 to i32
    %cond3A_72 = arith.constant 0 : i32
    %cond3A_73 = arith.cmpi ne, %convert_element_type3A_71, %cond3A_72 : i32
    scf.if %cond3A_73 {
      %add3A_202 = arith.constant 78 : i32
      %add3A_203 = arith.addi %add3A_69, %add3A_202 : i32
      %run_scoped3A_204 = arith.constant 0 : i32
      "tpu.region"() ({
        %run_scoped3A_205 = tpu.sem_alloc : memref<!tpu.dma_semaphore, #tpu.memory_space<semaphore_mem>>
        %dma_start3A_206 = arith.constant 78 : i32
        %dma_start3A_207 = arith.constant 0 : i32
        %dma_start3A_208 = tpu.memref_slice %arg5[%dma_start3A_206, %dma_start3A_207] : memref<79x128xi32, #tpu.memory_space<vmem>> -> memref<1x128xi32, #tpu.memory_space<vmem>>
        %dma_start3A_209 = arith.constant 0 : i32
        %dma_start3A_210 = tpu.memref_slice %arg2[%run_scoped3A_204, %add3A_203, %dma_start3A_209] : memref<2x2500x128xi32, #tpu.memory_space<hbm>> -> memref<1x1x128xi32, #tpu.memory_space<hbm>>
        %dma_start3A_211 = tpu.memref_squeeze %dma_start3A_210 : memref<1x1x128xi32, #tpu.memory_space<hbm>> -> memref<1x128xi32, #tpu.memory_space<hbm>>
        %dma_start3A_212 = arith.constant 78 : i32
        %dma_start3A_213 = arith.constant 0 : i32
        %dma_start3A_214 = tpu.memref_slice %arg5[%dma_start3A_212, %dma_start3A_213] : memref<79x128xi32, #tpu.memory_space<vmem>> -> memref<1x128xi32, #tpu.memory_space<vmem>>
        %dma_start3A_215 = arith.constant 0 : i32
        %dma_start3A_216 = tpu.memref_slice %arg2[%run_scoped3A_204, %add3A_203, %dma_start3A_215] : memref<2x2500x128xi32, #tpu.memory_space<hbm>> -> memref<1x1x128xi32, #tpu.memory_space<hbm>>
        %dma_start3A_217 = tpu.memref_squeeze %dma_start3A_216 : memref<1x1x128xi32, #tpu.memory_space<hbm>> -> memref<1x128xi32, #tpu.memory_space<hbm>>
        tpu.enqueue_dma source(%dma_start3A_217 : memref<1x128xi32, #tpu.memory_space<hbm>>) target(%dma_start3A_214 : memref<1x128xi32, #tpu.memory_space<vmem>>) target_semaphore(%run_scoped3A_205 : memref<!tpu.dma_semaphore, #tpu.memory_space<semaphore_mem>>)
        %dma_wait3A_218 = arith.constant 78 : i32
        %dma_wait3A_219 = arith.constant 0 : i32
        %dma_wait3A_220 = tpu.memref_slice %arg5[%dma_wait3A_218, %dma_wait3A_219] : memref<79x128xi32, #tpu.memory_space<vmem>> -> memref<1x128xi32, #tpu.memory_space<vmem>>
        %dma_wait3A_221 = arith.constant 0 : i32
        %dma_wait3A_222 = tpu.memref_slice %arg2[%run_scoped3A_204, %add3A_203, %dma_wait3A_221] : memref<2x2500x128xi32, #tpu.memory_space<hbm>> -> memref<1x1x128xi32, #tpu.memory_space<hbm>>
        %dma_wait3A_223 = tpu.memref_squeeze %dma_wait3A_222 : memref<1x1x128xi32, #tpu.memory_space<hbm>> -> memref<1x128xi32, #tpu.memory_space<hbm>>
        %dma_wait3A_224 = arith.constant 78 : i32
        %dma_wait3A_225 = arith.constant 0 : i32
        %dma_wait3A_226 = tpu.memref_slice %arg5[%dma_wait3A_224, %dma_wait3A_225] : memref<79x128xi32, #tpu.memory_space<vmem>> -> memref<1x128xi32, #tpu.memory_space<vmem>>
        %dma_wait3A_227 = arith.constant 0 : i32
        %dma_wait3A_228 = tpu.memref_slice %arg2[%run_scoped3A_204, %add3A_203, %dma_wait3A_227] : memref<2x2500x128xi32, #tpu.memory_space<hbm>> -> memref<1x1x128xi32, #tpu.memory_space<hbm>>
        %dma_wait3A_229 = tpu.memref_squeeze %dma_wait3A_228 : memref<1x1x128xi32, #tpu.memory_space<hbm>> -> memref<1x128xi32, #tpu.memory_space<hbm>>
        tpu.wait_dma2 semaphore(%run_scoped3A_205 : memref<!tpu.dma_semaphore, #tpu.memory_space<semaphore_mem>>) src(%dma_wait3A_229 : memref<1x128xi32, #tpu.memory_space<hbm>>) dst(%dma_wait3A_226 : memref<1x128xi32, #tpu.memory_space<vmem>>)
        tpu.yield
      }) : () -> ()
    } else {
    }
    %mul3A_74 = arith.constant 78 : i32
    %mul3A_75 = arith.muli %add3A, %mul3A_74 : i32
    %min3A_76 = arith.constant 4 : i32
    %min3A_77 = arith.minsi %add3A, %min3A_76 : i32
    %add3A_78 = arith.addi %mul3A_75, %min3A_77 : i32
    %run_scoped3A_79 = arith.constant 1 : i32
    "tpu.region"() ({
      %run_scoped3A_202 = tpu.sem_alloc : memref<!tpu.dma_semaphore, #tpu.memory_space<semaphore_mem>>
      %dma_start3A_203 = arith.constant 0 : i32
      %dma_start3A_204 = arith.constant 0 : i32
      %dma_start3A_205 = tpu.memref_slice %arg6[%dma_start3A_203, %dma_start3A_204] : memref<79x128xi32, #tpu.memory_space<vmem>> -> memref<78x128xi32, #tpu.memory_space<vmem>>
      %dma_start3A_206 = arith.constant 0 : i32
      %dma_start3A_207 = tpu.memref_slice %arg2[%run_scoped3A_79, %add3A_78, %dma_start3A_206] : memref<2x2500x128xi32, #tpu.memory_space<hbm>> -> memref<1x78x128xi32, #tpu.memory_space<hbm>>
      %dma_start3A_208 = tpu.memref_squeeze %dma_start3A_207 : memref<1x78x128xi32, #tpu.memory_space<hbm>> -> memref<78x128xi32, #tpu.memory_space<hbm>>
      %dma_start3A_209 = arith.constant 0 : i32
      %dma_start3A_210 = arith.constant 0 : i32
      %dma_start3A_211 = tpu.memref_slice %arg6[%dma_start3A_209, %dma_start3A_210] : memref<79x128xi32, #tpu.memory_space<vmem>> -> memref<78x128xi32, #tpu.memory_space<vmem>>
      %dma_start3A_212 = arith.constant 0 : i32
      %dma_start3A_213 = tpu.memref_slice %arg2[%run_scoped3A_79, %add3A_78, %dma_start3A_212] : memref<2x2500x128xi32, #tpu.memory_space<hbm>> -> memref<1x78x128xi32, #tpu.memory_space<hbm>>
      %dma_start3A_214 = tpu.memref_squeeze %dma_start3A_213 : memref<1x78x128xi32, #tpu.memory_space<hbm>> -> memref<78x128xi32, #tpu.memory_space<hbm>>
      tpu.enqueue_dma source(%dma_start3A_214 : memref<78x128xi32, #tpu.memory_space<hbm>>) target(%dma_start3A_211 : memref<78x128xi32, #tpu.memory_space<vmem>>) target_semaphore(%run_scoped3A_202 : memref<!tpu.dma_semaphore, #tpu.memory_space<semaphore_mem>>)
      %dma_wait3A_215 = arith.constant 0 : i32
      %dma_wait3A_216 = arith.constant 0 : i32
      %dma_wait3A_217 = tpu.memref_slice %arg6[%dma_wait3A_215, %dma_wait3A_216] : memref<79x128xi32, #tpu.memory_space<vmem>> -> memref<78x128xi32, #tpu.memory_space<vmem>>
      %dma_wait3A_218 = arith.constant 0 : i32
      %dma_wait3A_219 = tpu.memref_slice %arg2[%run_scoped3A_79, %add3A_78, %dma_wait3A_218] : memref<2x2500x128xi32, #tpu.memory_space<hbm>> -> memref<1x78x128xi32, #tpu.memory_space<hbm>>
      %dma_wait3A_220 = tpu.memref_squeeze %dma_wait3A_219 : memref<1x78x128xi32, #tpu.memory_space<hbm>> -> memref<78x128xi32, #tpu.memory_space<hbm>>
      %dma_wait3A_221 = arith.constant 0 : i32
      %dma_wait3A_222 = arith.constant 0 : i32
      %dma_wait3A_223 = tpu.memref_slice %arg6[%dma_wait3A_221, %dma_wait3A_222] : memref<79x128xi32, #tpu.memory_space<vmem>> -> memref<78x128xi32, #tpu.memory_space<vmem>>
      %dma_wait3A_224 = arith.constant 0 : i32
      %dma_wait3A_225 = tpu.memref_slice %arg2[%run_scoped3A_79, %add3A_78, %dma_wait3A_224] : memref<2x2500x128xi32, #tpu.memory_space<hbm>> -> memref<1x78x128xi32, #tpu.memory_space<hbm>>
      %dma_wait3A_226 = tpu.memref_squeeze %dma_wait3A_225 : memref<1x78x128xi32, #tpu.memory_space<hbm>> -> memref<78x128xi32, #tpu.memory_space<hbm>>
      tpu.wait_dma2 semaphore(%run_scoped3A_202 : memref<!tpu.dma_semaphore, #tpu.memory_space<semaphore_mem>>) src(%dma_wait3A_226 : memref<78x128xi32, #tpu.memory_space<hbm>>) dst(%dma_wait3A_223 : memref<78x128xi32, #tpu.memory_space<vmem>>)
      tpu.yield
    }) : () -> ()
    %lt3A_80 = arith.constant 4 : i32
    %lt3A_81 = arith.cmpi slt, %add3A, %lt3A_80 : i32
    %convert_element_type3A_82 = arith.extui %lt3A_81 : i1 to i32
    %cond3A_83 = arith.constant 0 : i32
    %cond3A_84 = arith.cmpi ne, %convert_element_type3A_82, %cond3A_83 : i32
    scf.if %cond3A_84 {
      %add3A_202 = arith.constant 78 : i32
      %add3A_203 = arith.addi %add3A_78, %add3A_202 : i32
      %run_scoped3A_204 = arith.constant 1 : i32
      "tpu.region"() ({
        %run_scoped3A_205 = tpu.sem_alloc : memref<!tpu.dma_semaphore, #tpu.memory_space<semaphore_mem>>
        %dma_start3A_206 = arith.constant 78 : i32
        %dma_start3A_207 = arith.constant 0 : i32
        %dma_start3A_208 = tpu.memref_slice %arg6[%dma_start3A_206, %dma_start3A_207] : memref<79x128xi32, #tpu.memory_space<vmem>> -> memref<1x128xi32, #tpu.memory_space<vmem>>
        %dma_start3A_209 = arith.constant 0 : i32
        %dma_start3A_210 = tpu.memref_slice %arg2[%run_scoped3A_204, %add3A_203, %dma_start3A_209] : memref<2x2500x128xi32, #tpu.memory_space<hbm>> -> memref<1x1x128xi32, #tpu.memory_space<hbm>>
        %dma_start3A_211 = tpu.memref_squeeze %dma_start3A_210 : memref<1x1x128xi32, #tpu.memory_space<hbm>> -> memref<1x128xi32, #tpu.memory_space<hbm>>
        %dma_start3A_212 = arith.constant 78 : i32
        %dma_start3A_213 = arith.constant 0 : i32
        %dma_start3A_214 = tpu.memref_slice %arg6[%dma_start3A_212, %dma_start3A_213] : memref<79x128xi32, #tpu.memory_space<vmem>> -> memref<1x128xi32, #tpu.memory_space<vmem>>
        %dma_start3A_215 = arith.constant 0 : i32
        %dma_start3A_216 = tpu.memref_slice %arg2[%run_scoped3A_204, %add3A_203, %dma_start3A_215] : memref<2x2500x128xi32, #tpu.memory_space<hbm>> -> memref<1x1x128xi32, #tpu.memory_space<hbm>>
        %dma_start3A_217 = tpu.memref_squeeze %dma_start3A_216 : memref<1x1x128xi32, #tpu.memory_space<hbm>> -> memref<1x128xi32, #tpu.memory_space<hbm>>
        tpu.enqueue_dma source(%dma_start3A_217 : memref<1x128xi32, #tpu.memory_space<hbm>>) target(%dma_start3A_214 : memref<1x128xi32, #tpu.memory_space<vmem>>) target_semaphore(%run_scoped3A_205 : memref<!tpu.dma_semaphore, #tpu.memory_space<semaphore_mem>>)
        %dma_wait3A_218 = arith.constant 78 : i32
        %dma_wait3A_219 = arith.constant 0 : i32
        %dma_wait3A_220 = tpu.memref_slice %arg6[%dma_wait3A_218, %dma_wait3A_219] : memref<79x128xi32, #tpu.memory_space<vmem>> -> memref<1x128xi32, #tpu.memory_space<vmem>>
        %dma_wait3A_221 = arith.constant 0 : i32
        %dma_wait3A_222 = tpu.memref_slice %arg2[%run_scoped3A_204, %add3A_203, %dma_wait3A_221] : memref<2x2500x128xi32, #tpu.memory_space<hbm>> -> memref<1x1x128xi32, #tpu.memory_space<hbm>>
        %dma_wait3A_223 = tpu.memref_squeeze %dma_wait3A_222 : memref<1x1x128xi32, #tpu.memory_space<hbm>> -> memref<1x128xi32, #tpu.memory_space<hbm>>
        %dma_wait3A_224 = arith.constant 78 : i32
        %dma_wait3A_225 = arith.constant 0 : i32
        %dma_wait3A_226 = tpu.memref_slice %arg6[%dma_wait3A_224, %dma_wait3A_225] : memref<79x128xi32, #tpu.memory_space<vmem>> -> memref<1x128xi32, #tpu.memory_space<vmem>>
        %dma_wait3A_227 = arith.constant 0 : i32
        %dma_wait3A_228 = tpu.memref_slice %arg2[%run_scoped3A_204, %add3A_203, %dma_wait3A_227] : memref<2x2500x128xi32, #tpu.memory_space<hbm>> -> memref<1x1x128xi32, #tpu.memory_space<hbm>>
        %dma_wait3A_229 = tpu.memref_squeeze %dma_wait3A_228 : memref<1x1x128xi32, #tpu.memory_space<hbm>> -> memref<1x128xi32, #tpu.memory_space<hbm>>
        tpu.wait_dma2 semaphore(%run_scoped3A_205 : memref<!tpu.dma_semaphore, #tpu.memory_space<semaphore_mem>>) src(%dma_wait3A_229 : memref<1x128xi32, #tpu.memory_space<hbm>>) dst(%dma_wait3A_226 : memref<1x128xi32, #tpu.memory_space<vmem>>)
        tpu.yield
      }) : () -> ()
    } else {
    }
    %dma_start3A = arith.constant 0 : i32
    %dma_start3A_85 = arith.constant 0 : i32
    %dma_start3A_86 = tpu.memref_slice %arg5[%dma_start3A, %dma_start3A_85] : memref<79x128xi32, #tpu.memory_space<vmem>> -> memref<1x128xi32, #tpu.memory_space<vmem>>
    %dma_start3A_87 = tpu.memref_squeeze %dma_start3A_86 : memref<1x128xi32, #tpu.memory_space<vmem>> -> memref<128xi32, #tpu.memory_space<vmem>>
    %dma_start3A_88 = arith.constant 0 : i32
    %dma_start3A_89 = arith.constant 0 : i32
    %dma_start3A_90 = tpu.memref_slice %arg20[%dma_start3A_88, %dma_start3A_89] : memref<10000x16xf32, #tpu.memory_space<vmem_shared>> -> memref<10000x16xf32, #tpu.memory_space<vmem_shared>>
    tpu.enqueue_indirect_dma source(%dma_start3A_90 : memref<10000x16xf32, #tpu.memory_space<vmem_shared>>) target(%arg7 : memref<128x16xf32, #tpu.memory_space<vmem>>) offsets(%dma_start3A_87 : memref<128xi32, #tpu.memory_space<vmem>>) semaphore(%arg11 : memref<!tpu.dma_semaphore, #tpu.memory_space<semaphore_mem>>)
    %dma_start3A_91 = arith.constant 1 : i32
    %dma_start3A_92 = arith.constant 0 : i32
    %dma_start3A_93 = tpu.memref_slice %arg5[%dma_start3A_91, %dma_start3A_92] : memref<79x128xi32, #tpu.memory_space<vmem>> -> memref<1x128xi32, #tpu.memory_space<vmem>>
    %dma_start3A_94 = tpu.memref_squeeze %dma_start3A_93 : memref<1x128xi32, #tpu.memory_space<vmem>> -> memref<128xi32, #tpu.memory_space<vmem>>
    %dma_start3A_95 = arith.constant 0 : i32
    %dma_start3A_96 = arith.constant 0 : i32
    %dma_start3A_97 = tpu.memref_slice %arg20[%dma_start3A_95, %dma_start3A_96] : memref<10000x16xf32, #tpu.memory_space<vmem_shared>> -> memref<10000x16xf32, #tpu.memory_space<vmem_shared>>
    tpu.enqueue_indirect_dma source(%dma_start3A_97 : memref<10000x16xf32, #tpu.memory_space<vmem_shared>>) target(%arg8 : memref<128x16xf32, #tpu.memory_space<vmem>>) offsets(%dma_start3A_94 : memref<128xi32, #tpu.memory_space<vmem>>) semaphore(%arg12 : memref<!tpu.dma_semaphore, #tpu.memory_space<semaphore_mem>>)
    %dma_start3A_98 = arith.constant 2 : i32
    %dma_start3A_99 = arith.constant 0 : i32
    %dma_start3A_100 = tpu.memref_slice %arg5[%dma_start3A_98, %dma_start3A_99] : memref<79x128xi32, #tpu.memory_space<vmem>> -> memref<1x128xi32, #tpu.memory_space<vmem>>
    %dma_start3A_101 = tpu.memref_squeeze %dma_start3A_100 : memref<1x128xi32, #tpu.memory_space<vmem>> -> memref<128xi32, #tpu.memory_space<vmem>>
    %dma_start3A_102 = arith.constant 0 : i32
    %dma_start3A_103 = arith.constant 0 : i32
    %dma_start3A_104 = tpu.memref_slice %arg20[%dma_start3A_102, %dma_start3A_103] : memref<10000x16xf32, #tpu.memory_space<vmem_shared>> -> memref<10000x16xf32, #tpu.memory_space<vmem_shared>>
    tpu.enqueue_indirect_dma source(%dma_start3A_104 : memref<10000x16xf32, #tpu.memory_space<vmem_shared>>) target(%arg9 : memref<128x16xf32, #tpu.memory_space<vmem>>) offsets(%dma_start3A_101 : memref<128xi32, #tpu.memory_space<vmem>>) semaphore(%arg13 : memref<!tpu.dma_semaphore, #tpu.memory_space<semaphore_mem>>)
    %dma_start3A_105 = arith.constant 3 : i32
    %dma_start3A_106 = arith.constant 0 : i32
    %dma_start3A_107 = tpu.memref_slice %arg5[%dma_start3A_105, %dma_start3A_106] : memref<79x128xi32, #tpu.memory_space<vmem>> -> memref<1x128xi32, #tpu.memory_space<vmem>>
    %dma_start3A_108 = tpu.memref_squeeze %dma_start3A_107 : memref<1x128xi32, #tpu.memory_space<vmem>> -> memref<128xi32, #tpu.memory_space<vmem>>
    %dma_start3A_109 = arith.constant 0 : i32
    %dma_start3A_110 = arith.constant 0 : i32
    %dma_start3A_111 = tpu.memref_slice %arg20[%dma_start3A_109, %dma_start3A_110] : memref<10000x16xf32, #tpu.memory_space<vmem_shared>> -> memref<10000x16xf32, #tpu.memory_space<vmem_shared>>
    tpu.enqueue_indirect_dma source(%dma_start3A_111 : memref<10000x16xf32, #tpu.memory_space<vmem_shared>>) target(%arg10 : memref<128x16xf32, #tpu.memory_space<vmem>>) offsets(%dma_start3A_108 : memref<128xi32, #tpu.memory_space<vmem>>) semaphore(%arg14 : memref<!tpu.dma_semaphore, #tpu.memory_space<semaphore_mem>>)
    %scan3A_112 = arith.constant 0 : i32
    %scan3A_113 = arith.constant 0 : i32
    %scan3A_114 = arith.constant 19 : i32
    %scan3A_115 = arith.addi %scan3A_113, %scan3A_114 : i32
    %scan3A_116 = arith.constant 1 : i32
    %scan3A_117 = scf.for %scan3A_202 = %scan3A_113 to %scan3A_115 step %scan3A_116 iter_args(%scan3A_203 = %scan3A_112) -> (i32)  : i32 {
      %mul3A_204 = arith.constant 4 : i32
      %mul3A_205 = arith.muli %mul3A_204, %scan3A_202 : i32
      %add3A_206 = arith.constant 0 : i32
      %add3A_207 = arith.addi %mul3A_205, %add3A_206 : i32
      %dma_wait3A_208 = arith.constant 0 : i32
      %dma_wait3A_209 = tpu.memref_slice %arg5[%add3A_207, %dma_wait3A_208] : memref<79x128xi32, #tpu.memory_space<vmem>> -> memref<1x128xi32, #tpu.memory_space<vmem>>
      %dma_wait3A_210 = tpu.memref_squeeze %dma_wait3A_209 : memref<1x128xi32, #tpu.memory_space<vmem>> -> memref<128xi32, #tpu.memory_space<vmem>>
      %dma_wait3A_211 = arith.constant 0 : i32
      %dma_wait3A_212 = arith.constant 0 : i32
      %dma_wait3A_213 = tpu.memref_slice %arg20[%dma_wait3A_211, %dma_wait3A_212] : memref<10000x16xf32, #tpu.memory_space<vmem_shared>> -> memref<10000x16xf32, #tpu.memory_space<vmem_shared>>
      tpu.wait_indirect_dma semaphore(%arg11 : memref<!tpu.dma_semaphore, #tpu.memory_space<semaphore_mem>>) src(%dma_wait3A_213 : memref<10000x16xf32, #tpu.memory_space<vmem_shared>>) dst(%arg7 : memref<128x16xf32, #tpu.memory_space<vmem>>)
      %dma_start3A_214 = arith.constant 0 : i32
      %dma_start3A_215 = tpu.memref_slice %arg6[%add3A_207, %dma_start3A_214] : memref<79x128xi32, #tpu.memory_space<vmem>> -> memref<1x128xi32, #tpu.memory_space<vmem>>
      %dma_start3A_216 = tpu.memref_squeeze %dma_start3A_215 : memref<1x128xi32, #tpu.memory_space<vmem>> -> memref<128xi32, #tpu.memory_space<vmem>>
      %dma_start3A_217 = arith.constant 0 : i32
      %dma_start3A_218 = arith.constant 0 : i32
      %dma_start3A_219 = tpu.memref_slice %arg19[%dma_start3A_217, %dma_start3A_218] : memref<10112x16xf32, #tpu.memory_space<vmem_shared>> -> memref<10112x16xf32, #tpu.memory_space<vmem_shared>>
      tpu.enqueue_indirect_dma source(%arg7 : memref<128x16xf32, #tpu.memory_space<vmem>>) target(%dma_start3A_219 : memref<10112x16xf32, #tpu.memory_space<vmem_shared>>) offsets(%dma_start3A_216 : memref<128xi32, #tpu.memory_space<vmem>>) semaphore(%arg15 : memref<!tpu.dma_semaphore, #tpu.memory_space<semaphore_mem>>) {add = true}
      %add3A_220 = arith.constant 4 : i32
      %add3A_221 = arith.addi %add3A_207, %add3A_220 : i32
      %lt3A_222 = arith.constant 76 : i32
      %lt3A_223 = arith.cmpi slt, %add3A_221, %lt3A_222 : i32
      %convert_element_type3A_224 = arith.extui %lt3A_223 : i1 to i32
      %cond3A_225 = arith.constant 0 : i32
      %cond3A_226 = arith.cmpi ne, %convert_element_type3A_224, %cond3A_225 : i32
      scf.if %cond3A_226 {
        %dma_wait3A_297 = arith.constant 0 : i32
        %dma_wait3A_298 = tpu.memref_slice %arg6[%add3A_207, %dma_wait3A_297] : memref<79x128xi32, #tpu.memory_space<vmem>> -> memref<1x128xi32, #tpu.memory_space<vmem>>
        %dma_wait3A_299 = tpu.memref_squeeze %dma_wait3A_298 : memref<1x128xi32, #tpu.memory_space<vmem>> -> memref<128xi32, #tpu.memory_space<vmem>>
        %dma_wait3A_300 = arith.constant 0 : i32
        %dma_wait3A_301 = arith.constant 0 : i32
        %dma_wait3A_302 = tpu.memref_slice %arg19[%dma_wait3A_300, %dma_wait3A_301] : memref<10112x16xf32, #tpu.memory_space<vmem_shared>> -> memref<10112x16xf32, #tpu.memory_space<vmem_shared>>
        tpu.wait_indirect_dma semaphore(%arg15 : memref<!tpu.dma_semaphore, #tpu.memory_space<semaphore_mem>>) src(%arg7 : memref<128x16xf32, #tpu.memory_space<vmem>>) dst(%dma_wait3A_302 : memref<10112x16xf32, #tpu.memory_space<vmem_shared>>)
        %add3A_303 = arith.constant 4 : i32
        %add3A_304 = arith.addi %add3A_207, %add3A_303 : i32
        %dma_start3A_305 = arith.constant 0 : i32
        %dma_start3A_306 = tpu.memref_slice %arg5[%add3A_304, %dma_start3A_305] : memref<79x128xi32, #tpu.memory_space<vmem>> -> memref<1x128xi32, #tpu.memory_space<vmem>>
        %dma_start3A_307 = tpu.memref_squeeze %dma_start3A_306 : memref<1x128xi32, #tpu.memory_space<vmem>> -> memref<128xi32, #tpu.memory_space<vmem>>
        %dma_start3A_308 = arith.constant 0 : i32
        %dma_start3A_309 = arith.constant 0 : i32
        %dma_start3A_310 = tpu.memref_slice %arg20[%dma_start3A_308, %dma_start3A_309] : memref<10000x16xf32, #tpu.memory_space<vmem_shared>> -> memref<10000x16xf32, #tpu.memory_space<vmem_shared>>
        tpu.enqueue_indirect_dma source(%dma_start3A_310 : memref<10000x16xf32, #tpu.memory_space<vmem_shared>>) target(%arg7 : memref<128x16xf32, #tpu.memory_space<vmem>>) offsets(%dma_start3A_307 : memref<128xi32, #tpu.memory_space<vmem>>) semaphore(%arg11 : memref<!tpu.dma_semaphore, #tpu.memory_space<semaphore_mem>>)
      } else {
      }
      %mul3A_227 = arith.constant 4 : i32
      %mul3A_228 = arith.muli %mul3A_227, %scan3A_202 : i32
      %add3A_229 = arith.constant 1 : i32
      %add3A_230 = arith.addi %mul3A_228, %add3A_229 : i32
      %dma_wait3A_231 = arith.constant 0 : i32
      %dma_wait3A_232 = tpu.memref_slice %arg5[%add3A_230, %dma_wait3A_231] : memref<79x128xi32, #tpu.memory_space<vmem>> -> memref<1x128xi32, #tpu.memory_space<vmem>>
      %dma_wait3A_233 = tpu.memref_squeeze %dma_wait3A_232 : memref<1x128xi32, #tpu.memory_space<vmem>> -> memref<128xi32, #tpu.memory_space<vmem>>
      %dma_wait3A_234 = arith.constant 0 : i32
      %dma_wait3A_235 = arith.constant 0 : i32
      %dma_wait3A_236 = tpu.memref_slice %arg20[%dma_wait3A_234, %dma_wait3A_235] : memref<10000x16xf32, #tpu.memory_space<vmem_shared>> -> memref<10000x16xf32, #tpu.memory_space<vmem_shared>>
      tpu.wait_indirect_dma semaphore(%arg12 : memref<!tpu.dma_semaphore, #tpu.memory_space<semaphore_mem>>) src(%dma_wait3A_236 : memref<10000x16xf32, #tpu.memory_space<vmem_shared>>) dst(%arg8 : memref<128x16xf32, #tpu.memory_space<vmem>>)
      %dma_start3A_237 = arith.constant 0 : i32
      %dma_start3A_238 = tpu.memref_slice %arg6[%add3A_230, %dma_start3A_237] : memref<79x128xi32, #tpu.memory_space<vmem>> -> memref<1x128xi32, #tpu.memory_space<vmem>>
      %dma_start3A_239 = tpu.memref_squeeze %dma_start3A_238 : memref<1x128xi32, #tpu.memory_space<vmem>> -> memref<128xi32, #tpu.memory_space<vmem>>
      %dma_start3A_240 = arith.constant 0 : i32
      %dma_start3A_241 = arith.constant 0 : i32
      %dma_start3A_242 = tpu.memref_slice %arg19[%dma_start3A_240, %dma_start3A_241] : memref<10112x16xf32, #tpu.memory_space<vmem_shared>> -> memref<10112x16xf32, #tpu.memory_space<vmem_shared>>
      tpu.enqueue_indirect_dma source(%arg8 : memref<128x16xf32, #tpu.memory_space<vmem>>) target(%dma_start3A_242 : memref<10112x16xf32, #tpu.memory_space<vmem_shared>>) offsets(%dma_start3A_239 : memref<128xi32, #tpu.memory_space<vmem>>) semaphore(%arg16 : memref<!tpu.dma_semaphore, #tpu.memory_space<semaphore_mem>>) {add = true}
      %add3A_243 = arith.constant 4 : i32
      %add3A_244 = arith.addi %add3A_230, %add3A_243 : i32
      %lt3A_245 = arith.constant 76 : i32
      %lt3A_246 = arith.cmpi slt, %add3A_244, %lt3A_245 : i32
      %convert_element_type3A_247 = arith.extui %lt3A_246 : i1 to i32
      %cond3A_248 = arith.constant 0 : i32
      %cond3A_249 = arith.cmpi ne, %convert_element_type3A_247, %cond3A_248 : i32
      scf.if %cond3A_249 {
        %dma_wait3A_297 = arith.constant 0 : i32
        %dma_wait3A_298 = tpu.memref_slice %arg6[%add3A_230, %dma_wait3A_297] : memref<79x128xi32, #tpu.memory_space<vmem>> -> memref<1x128xi32, #tpu.memory_space<vmem>>
        %dma_wait3A_299 = tpu.memref_squeeze %dma_wait3A_298 : memref<1x128xi32, #tpu.memory_space<vmem>> -> memref<128xi32, #tpu.memory_space<vmem>>
        %dma_wait3A_300 = arith.constant 0 : i32
        %dma_wait3A_301 = arith.constant 0 : i32
        %dma_wait3A_302 = tpu.memref_slice %arg19[%dma_wait3A_300, %dma_wait3A_301] : memref<10112x16xf32, #tpu.memory_space<vmem_shared>> -> memref<10112x16xf32, #tpu.memory_space<vmem_shared>>
        tpu.wait_indirect_dma semaphore(%arg16 : memref<!tpu.dma_semaphore, #tpu.memory_space<semaphore_mem>>) src(%arg8 : memref<128x16xf32, #tpu.memory_space<vmem>>) dst(%dma_wait3A_302 : memref<10112x16xf32, #tpu.memory_space<vmem_shared>>)
        %add3A_303 = arith.constant 4 : i32
        %add3A_304 = arith.addi %add3A_230, %add3A_303 : i32
        %dma_start3A_305 = arith.constant 0 : i32
        %dma_start3A_306 = tpu.memref_slice %arg5[%add3A_304, %dma_start3A_305] : memref<79x128xi32, #tpu.memory_space<vmem>> -> memref<1x128xi32, #tpu.memory_space<vmem>>
        %dma_start3A_307 = tpu.memref_squeeze %dma_start3A_306 : memref<1x128xi32, #tpu.memory_space<vmem>> -> memref<128xi32, #tpu.memory_space<vmem>>
        %dma_start3A_308 = arith.constant 0 : i32
        %dma_start3A_309 = arith.constant 0 : i32
        %dma_start3A_310 = tpu.memref_slice %arg20[%dma_start3A_308, %dma_start3A_309] : memref<10000x16xf32, #tpu.memory_space<vmem_shared>> -> memref<10000x16xf32, #tpu.memory_space<vmem_shared>>
        tpu.enqueue_indirect_dma source(%dma_start3A_310 : memref<10000x16xf32, #tpu.memory_space<vmem_shared>>) target(%arg8 : memref<128x16xf32, #tpu.memory_space<vmem>>) offsets(%dma_start3A_307 : memref<128xi32, #tpu.memory_space<vmem>>) semaphore(%arg12 : memref<!tpu.dma_semaphore, #tpu.memory_space<semaphore_mem>>)
      } else {
      }
      %mul3A_250 = arith.constant 4 : i32
      %mul3A_251 = arith.muli %mul3A_250, %scan3A_202 : i32
      %add3A_252 = arith.constant 2 : i32
      %add3A_253 = arith.addi %mul3A_251, %add3A_252 : i32
      %dma_wait3A_254 = arith.constant 0 : i32
      %dma_wait3A_255 = tpu.memref_slice %arg5[%add3A_253, %dma_wait3A_254] : memref<79x128xi32, #tpu.memory_space<vmem>> -> memref<1x128xi32, #tpu.memory_space<vmem>>
      %dma_wait3A_256 = tpu.memref_squeeze %dma_wait3A_255 : memref<1x128xi32, #tpu.memory_space<vmem>> -> memref<128xi32, #tpu.memory_space<vmem>>
      %dma_wait3A_257 = arith.constant 0 : i32
      %dma_wait3A_258 = arith.constant 0 : i32
      %dma_wait3A_259 = tpu.memref_slice %arg20[%dma_wait3A_257, %dma_wait3A_258] : memref<10000x16xf32, #tpu.memory_space<vmem_shared>> -> memref<10000x16xf32, #tpu.memory_space<vmem_shared>>
      tpu.wait_indirect_dma semaphore(%arg13 : memref<!tpu.dma_semaphore, #tpu.memory_space<semaphore_mem>>) src(%dma_wait3A_259 : memref<10000x16xf32, #tpu.memory_space<vmem_shared>>) dst(%arg9 : memref<128x16xf32, #tpu.memory_space<vmem>>)
      %dma_start3A_260 = arith.constant 0 : i32
      %dma_start3A_261 = tpu.memref_slice %arg6[%add3A_253, %dma_start3A_260] : memref<79x128xi32, #tpu.memory_space<vmem>> -> memref<1x128xi32, #tpu.memory_space<vmem>>
      %dma_start3A_262 = tpu.memref_squeeze %dma_start3A_261 : memref<1x128xi32, #tpu.memory_space<vmem>> -> memref<128xi32, #tpu.memory_space<vmem>>
      %dma_start3A_263 = arith.constant 0 : i32
      %dma_start3A_264 = arith.constant 0 : i32
      %dma_start3A_265 = tpu.memref_slice %arg19[%dma_start3A_263, %dma_start3A_264] : memref<10112x16xf32, #tpu.memory_space<vmem_shared>> -> memref<10112x16xf32, #tpu.memory_space<vmem_shared>>
      tpu.enqueue_indirect_dma source(%arg9 : memref<128x16xf32, #tpu.memory_space<vmem>>) target(%dma_start3A_265 : memref<10112x16xf32, #tpu.memory_space<vmem_shared>>) offsets(%dma_start3A_262 : memref<128xi32, #tpu.memory_space<vmem>>) semaphore(%arg17 : memref<!tpu.dma_semaphore, #tpu.memory_space<semaphore_mem>>) {add = true}
      %add3A_266 = arith.constant 4 : i32
      %add3A_267 = arith.addi %add3A_253, %add3A_266 : i32
      %lt3A_268 = arith.constant 76 : i32
      %lt3A_269 = arith.cmpi slt, %add3A_267, %lt3A_268 : i32
      %convert_element_type3A_270 = arith.extui %lt3A_269 : i1 to i32
      %cond3A_271 = arith.constant 0 : i32
      %cond3A_272 = arith.cmpi ne, %convert_element_type3A_270, %cond3A_271 : i32
      scf.if %cond3A_272 {
        %dma_wait3A_297 = arith.constant 0 : i32
        %dma_wait3A_298 = tpu.memref_slice %arg6[%add3A_253, %dma_wait3A_297] : memref<79x128xi32, #tpu.memory_space<vmem>> -> memref<1x128xi32, #tpu.memory_space<vmem>>
        %dma_wait3A_299 = tpu.memref_squeeze %dma_wait3A_298 : memref<1x128xi32, #tpu.memory_space<vmem>> -> memref<128xi32, #tpu.memory_space<vmem>>
        %dma_wait3A_300 = arith.constant 0 : i32
        %dma_wait3A_301 = arith.constant 0 : i32
        %dma_wait3A_302 = tpu.memref_slice %arg19[%dma_wait3A_300, %dma_wait3A_301] : memref<10112x16xf32, #tpu.memory_space<vmem_shared>> -> memref<10112x16xf32, #tpu.memory_space<vmem_shared>>
        tpu.wait_indirect_dma semaphore(%arg17 : memref<!tpu.dma_semaphore, #tpu.memory_space<semaphore_mem>>) src(%arg9 : memref<128x16xf32, #tpu.memory_space<vmem>>) dst(%dma_wait3A_302 : memref<10112x16xf32, #tpu.memory_space<vmem_shared>>)
        %add3A_303 = arith.constant 4 : i32
        %add3A_304 = arith.addi %add3A_253, %add3A_303 : i32
        %dma_start3A_305 = arith.constant 0 : i32
        %dma_start3A_306 = tpu.memref_slice %arg5[%add3A_304, %dma_start3A_305] : memref<79x128xi32, #tpu.memory_space<vmem>> -> memref<1x128xi32, #tpu.memory_space<vmem>>
        %dma_start3A_307 = tpu.memref_squeeze %dma_start3A_306 : memref<1x128xi32, #tpu.memory_space<vmem>> -> memref<128xi32, #tpu.memory_space<vmem>>
        %dma_start3A_308 = arith.constant 0 : i32
        %dma_start3A_309 = arith.constant 0 : i32
        %dma_start3A_310 = tpu.memref_slice %arg20[%dma_start3A_308, %dma_start3A_309] : memref<10000x16xf32, #tpu.memory_space<vmem_shared>> -> memref<10000x16xf32, #tpu.memory_space<vmem_shared>>
        tpu.enqueue_indirect_dma source(%dma_start3A_310 : memref<10000x16xf32, #tpu.memory_space<vmem_shared>>) target(%arg9 : memref<128x16xf32, #tpu.memory_space<vmem>>) offsets(%dma_start3A_307 : memref<128xi32, #tpu.memory_space<vmem>>) semaphore(%arg13 : memref<!tpu.dma_semaphore, #tpu.memory_space<semaphore_mem>>)
      } else {
      }
      %mul3A_273 = arith.constant 4 : i32
      %mul3A_274 = arith.muli %mul3A_273, %scan3A_202 : i32
      %add3A_275 = arith.constant 3 : i32
      %add3A_276 = arith.addi %mul3A_274, %add3A_275 : i32
      %dma_wait3A_277 = arith.constant 0 : i32
      %dma_wait3A_278 = tpu.memref_slice %arg5[%add3A_276, %dma_wait3A_277] : memref<79x128xi32, #tpu.memory_space<vmem>> -> memref<1x128xi32, #tpu.memory_space<vmem>>
      %dma_wait3A_279 = tpu.memref_squeeze %dma_wait3A_278 : memref<1x128xi32, #tpu.memory_space<vmem>> -> memref<128xi32, #tpu.memory_space<vmem>>
      %dma_wait3A_280 = arith.constant 0 : i32
      %dma_wait3A_281 = arith.constant 0 : i32
      %dma_wait3A_282 = tpu.memref_slice %arg20[%dma_wait3A_280, %dma_wait3A_281] : memref<10000x16xf32, #tpu.memory_space<vmem_shared>> -> memref<10000x16xf32, #tpu.memory_space<vmem_shared>>
      tpu.wait_indirect_dma semaphore(%arg14 : memref<!tpu.dma_semaphore, #tpu.memory_space<semaphore_mem>>) src(%dma_wait3A_282 : memref<10000x16xf32, #tpu.memory_space<vmem_shared>>) dst(%arg10 : memref<128x16xf32, #tpu.memory_space<vmem>>)
      %dma_start3A_283 = arith.constant 0 : i32
      %dma_start3A_284 = tpu.memref_slice %arg6[%add3A_276, %dma_start3A_283] : memref<79x128xi32, #tpu.memory_space<vmem>> -> memref<1x128xi32, #tpu.memory_space<vmem>>
      %dma_start3A_285 = tpu.memref_squeeze %dma_start3A_284 : memref<1x128xi32, #tpu.memory_space<vmem>> -> memref<128xi32, #tpu.memory_space<vmem>>
      %dma_start3A_286 = arith.constant 0 : i32
      %dma_start3A_287 = arith.constant 0 : i32
      %dma_start3A_288 = tpu.memref_slice %arg19[%dma_start3A_286, %dma_start3A_287] : memref<10112x16xf32, #tpu.memory_space<vmem_shared>> -> memref<10112x16xf32, #tpu.memory_space<vmem_shared>>
      tpu.enqueue_indirect_dma source(%arg10 : memref<128x16xf32, #tpu.memory_space<vmem>>) target(%dma_start3A_288 : memref<10112x16xf32, #tpu.memory_space<vmem_shared>>) offsets(%dma_start3A_285 : memref<128xi32, #tpu.memory_space<vmem>>) semaphore(%arg18 : memref<!tpu.dma_semaphore, #tpu.memory_space<semaphore_mem>>) {add = true}
      %add3A_289 = arith.constant 4 : i32
      %add3A_290 = arith.addi %add3A_276, %add3A_289 : i32
      %lt3A_291 = arith.constant 76 : i32
      %lt3A_292 = arith.cmpi slt, %add3A_290, %lt3A_291 : i32
      %convert_element_type3A_293 = arith.extui %lt3A_292 : i1 to i32
      %cond3A_294 = arith.constant 0 : i32
      %cond3A_295 = arith.cmpi ne, %convert_element_type3A_293, %cond3A_294 : i32
      scf.if %cond3A_295 {
        %dma_wait3A_297 = arith.constant 0 : i32
        %dma_wait3A_298 = tpu.memref_slice %arg6[%add3A_276, %dma_wait3A_297] : memref<79x128xi32, #tpu.memory_space<vmem>> -> memref<1x128xi32, #tpu.memory_space<vmem>>
        %dma_wait3A_299 = tpu.memref_squeeze %dma_wait3A_298 : memref<1x128xi32, #tpu.memory_space<vmem>> -> memref<128xi32, #tpu.memory_space<vmem>>
        %dma_wait3A_300 = arith.constant 0 : i32
        %dma_wait3A_301 = arith.constant 0 : i32
        %dma_wait3A_302 = tpu.memref_slice %arg19[%dma_wait3A_300, %dma_wait3A_301] : memref<10112x16xf32, #tpu.memory_space<vmem_shared>> -> memref<10112x16xf32, #tpu.memory_space<vmem_shared>>
        tpu.wait_indirect_dma semaphore(%arg18 : memref<!tpu.dma_semaphore, #tpu.memory_space<semaphore_mem>>) src(%arg10 : memref<128x16xf32, #tpu.memory_space<vmem>>) dst(%dma_wait3A_302 : memref<10112x16xf32, #tpu.memory_space<vmem_shared>>)
        %add3A_303 = arith.constant 4 : i32
        %add3A_304 = arith.addi %add3A_276, %add3A_303 : i32
        %dma_start3A_305 = arith.constant 0 : i32
        %dma_start3A_306 = tpu.memref_slice %arg5[%add3A_304, %dma_start3A_305] : memref<79x128xi32, #tpu.memory_space<vmem>> -> memref<1x128xi32, #tpu.memory_space<vmem>>
        %dma_start3A_307 = tpu.memref_squeeze %dma_start3A_306 : memref<1x128xi32, #tpu.memory_space<vmem>> -> memref<128xi32, #tpu.memory_space<vmem>>
        %dma_start3A_308 = arith.constant 0 : i32
        %dma_start3A_309 = arith.constant 0 : i32
        %dma_start3A_310 = tpu.memref_slice %arg20[%dma_start3A_308, %dma_start3A_309] : memref<10000x16xf32, #tpu.memory_space<vmem_shared>> -> memref<10000x16xf32, #tpu.memory_space<vmem_shared>>
        tpu.enqueue_indirect_dma source(%dma_start3A_310 : memref<10000x16xf32, #tpu.memory_space<vmem_shared>>) target(%arg10 : memref<128x16xf32, #tpu.memory_space<vmem>>) offsets(%dma_start3A_307 : memref<128xi32, #tpu.memory_space<vmem>>) semaphore(%arg14 : memref<!tpu.dma_semaphore, #tpu.memory_space<semaphore_mem>>)
      } else {
      }
      %scan3A_296 = arith.constant 0 : i32
      scf.yield %scan3A_296 : i32
    }
    %scan3A_118 = arith.constant 19 : i32
    %dma_wait3A = arith.constant 72 : i32
    %dma_wait3A_119 = arith.constant 0 : i32
    %dma_wait3A_120 = tpu.memref_slice %arg6[%dma_wait3A, %dma_wait3A_119] : memref<79x128xi32, #tpu.memory_space<vmem>> -> memref<1x128xi32, #tpu.memory_space<vmem>>
    %dma_wait3A_121 = tpu.memref_squeeze %dma_wait3A_120 : memref<1x128xi32, #tpu.memory_space<vmem>> -> memref<128xi32, #tpu.memory_space<vmem>>
    %dma_wait3A_122 = arith.constant 0 : i32
    %dma_wait3A_123 = arith.constant 0 : i32
    %dma_wait3A_124 = tpu.memref_slice %arg19[%dma_wait3A_122, %dma_wait3A_123] : memref<10112x16xf32, #tpu.memory_space<vmem_shared>> -> memref<10112x16xf32, #tpu.memory_space<vmem_shared>>
    tpu.wait_indirect_dma semaphore(%arg15 : memref<!tpu.dma_semaphore, #tpu.memory_space<semaphore_mem>>) src(%arg7 : memref<128x16xf32, #tpu.memory_space<vmem>>) dst(%dma_wait3A_124 : memref<10112x16xf32, #tpu.memory_space<vmem_shared>>)
    %dma_wait3A_125 = arith.constant 73 : i32
    %dma_wait3A_126 = arith.constant 0 : i32
    %dma_wait3A_127 = tpu.memref_slice %arg6[%dma_wait3A_125, %dma_wait3A_126] : memref<79x128xi32, #tpu.memory_space<vmem>> -> memref<1x128xi32, #tpu.memory_space<vmem>>
    %dma_wait3A_128 = tpu.memref_squeeze %dma_wait3A_127 : memref<1x128xi32, #tpu.memory_space<vmem>> -> memref<128xi32, #tpu.memory_space<vmem>>
    %dma_wait3A_129 = arith.constant 0 : i32
    %dma_wait3A_130 = arith.constant 0 : i32
    %dma_wait3A_131 = tpu.memref_slice %arg19[%dma_wait3A_129, %dma_wait3A_130] : memref<10112x16xf32, #tpu.memory_space<vmem_shared>> -> memref<10112x16xf32, #tpu.memory_space<vmem_shared>>
    tpu.wait_indirect_dma semaphore(%arg16 : memref<!tpu.dma_semaphore, #tpu.memory_space<semaphore_mem>>) src(%arg8 : memref<128x16xf32, #tpu.memory_space<vmem>>) dst(%dma_wait3A_131 : memref<10112x16xf32, #tpu.memory_space<vmem_shared>>)
    %dma_wait3A_132 = arith.constant 74 : i32
    %dma_wait3A_133 = arith.constant 0 : i32
    %dma_wait3A_134 = tpu.memref_slice %arg6[%dma_wait3A_132, %dma_wait3A_133] : memref<79x128xi32, #tpu.memory_space<vmem>> -> memref<1x128xi32, #tpu.memory_space<vmem>>
    %dma_wait3A_135 = tpu.memref_squeeze %dma_wait3A_134 : memref<1x128xi32, #tpu.memory_space<vmem>> -> memref<128xi32, #tpu.memory_space<vmem>>
    %dma_wait3A_136 = arith.constant 0 : i32
    %dma_wait3A_137 = arith.constant 0 : i32
    %dma_wait3A_138 = tpu.memref_slice %arg19[%dma_wait3A_136, %dma_wait3A_137] : memref<10112x16xf32, #tpu.memory_space<vmem_shared>> -> memref<10112x16xf32, #tpu.memory_space<vmem_shared>>
    tpu.wait_indirect_dma semaphore(%arg17 : memref<!tpu.dma_semaphore, #tpu.memory_space<semaphore_mem>>) src(%arg9 : memref<128x16xf32, #tpu.memory_space<vmem>>) dst(%dma_wait3A_138 : memref<10112x16xf32, #tpu.memory_space<vmem_shared>>)
    %dma_wait3A_139 = arith.constant 75 : i32
    %dma_wait3A_140 = arith.constant 0 : i32
    %dma_wait3A_141 = tpu.memref_slice %arg6[%dma_wait3A_139, %dma_wait3A_140] : memref<79x128xi32, #tpu.memory_space<vmem>> -> memref<1x128xi32, #tpu.memory_space<vmem>>
    %dma_wait3A_142 = tpu.memref_squeeze %dma_wait3A_141 : memref<1x128xi32, #tpu.memory_space<vmem>> -> memref<128xi32, #tpu.memory_space<vmem>>
    %dma_wait3A_143 = arith.constant 0 : i32
    %dma_wait3A_144 = arith.constant 0 : i32
    %dma_wait3A_145 = tpu.memref_slice %arg19[%dma_wait3A_143, %dma_wait3A_144] : memref<10112x16xf32, #tpu.memory_space<vmem_shared>> -> memref<10112x16xf32, #tpu.memory_space<vmem_shared>>
    tpu.wait_indirect_dma semaphore(%arg18 : memref<!tpu.dma_semaphore, #tpu.memory_space<semaphore_mem>>) src(%arg10 : memref<128x16xf32, #tpu.memory_space<vmem>>) dst(%dma_wait3A_145 : memref<10112x16xf32, #tpu.memory_space<vmem_shared>>)
    %dma_start3A_146 = arith.constant 76 : i32
    %dma_start3A_147 = arith.constant 0 : i32
    %dma_start3A_148 = tpu.memref_slice %arg5[%dma_start3A_146, %dma_start3A_147] : memref<79x128xi32, #tpu.memory_space<vmem>> -> memref<1x128xi32, #tpu.memory_space<vmem>>
    %dma_start3A_149 = tpu.memref_squeeze %dma_start3A_148 : memref<1x128xi32, #tpu.memory_space<vmem>> -> memref<128xi32, #tpu.memory_space<vmem>>
    %dma_start3A_150 = arith.constant 0 : i32
    %dma_start3A_151 = arith.constant 0 : i32
    %dma_start3A_152 = tpu.memref_slice %arg20[%dma_start3A_150, %dma_start3A_151] : memref<10000x16xf32, #tpu.memory_space<vmem_shared>> -> memref<10000x16xf32, #tpu.memory_space<vmem_shared>>
    tpu.enqueue_indirect_dma source(%dma_start3A_152 : memref<10000x16xf32, #tpu.memory_space<vmem_shared>>) target(%arg7 : memref<128x16xf32, #tpu.memory_space<vmem>>) offsets(%dma_start3A_149 : memref<128xi32, #tpu.memory_space<vmem>>) semaphore(%arg11 : memref<!tpu.dma_semaphore, #tpu.memory_space<semaphore_mem>>)
    %dma_wait3A_153 = arith.constant 76 : i32
    %dma_wait3A_154 = arith.constant 0 : i32
    %dma_wait3A_155 = tpu.memref_slice %arg5[%dma_wait3A_153, %dma_wait3A_154] : memref<79x128xi32, #tpu.memory_space<vmem>> -> memref<1x128xi32, #tpu.memory_space<vmem>>
    %dma_wait3A_156 = tpu.memref_squeeze %dma_wait3A_155 : memref<1x128xi32, #tpu.memory_space<vmem>> -> memref<128xi32, #tpu.memory_space<vmem>>
    %dma_wait3A_157 = arith.constant 0 : i32
    %dma_wait3A_158 = arith.constant 0 : i32
    %dma_wait3A_159 = tpu.memref_slice %arg20[%dma_wait3A_157, %dma_wait3A_158] : memref<10000x16xf32, #tpu.memory_space<vmem_shared>> -> memref<10000x16xf32, #tpu.memory_space<vmem_shared>>
    tpu.wait_indirect_dma semaphore(%arg11 : memref<!tpu.dma_semaphore, #tpu.memory_space<semaphore_mem>>) src(%dma_wait3A_159 : memref<10000x16xf32, #tpu.memory_space<vmem_shared>>) dst(%arg7 : memref<128x16xf32, #tpu.memory_space<vmem>>)
    %run_scoped3A_160 = arith.constant 76 : i32
    "tpu.region"() ({
      %run_scoped3A_202 = tpu.sem_alloc : memref<!tpu.dma_semaphore, #tpu.memory_space<semaphore_mem>>
      %dma_start3A_203 = arith.constant 0 : i32
      %dma_start3A_204 = tpu.memref_slice %arg6[%run_scoped3A_160, %dma_start3A_203] : memref<79x128xi32, #tpu.memory_space<vmem>> -> memref<1x128xi32, #tpu.memory_space<vmem>>
      %dma_start3A_205 = tpu.memref_squeeze %dma_start3A_204 : memref<1x128xi32, #tpu.memory_space<vmem>> -> memref<128xi32, #tpu.memory_space<vmem>>
      %dma_start3A_206 = arith.constant 0 : i32
      %dma_start3A_207 = arith.constant 0 : i32
      %dma_start3A_208 = tpu.memref_slice %arg19[%dma_start3A_206, %dma_start3A_207] : memref<10112x16xf32, #tpu.memory_space<vmem_shared>> -> memref<10112x16xf32, #tpu.memory_space<vmem_shared>>
      tpu.enqueue_indirect_dma source(%arg7 : memref<128x16xf32, #tpu.memory_space<vmem>>) target(%dma_start3A_208 : memref<10112x16xf32, #tpu.memory_space<vmem_shared>>) offsets(%dma_start3A_205 : memref<128xi32, #tpu.memory_space<vmem>>) semaphore(%run_scoped3A_202 : memref<!tpu.dma_semaphore, #tpu.memory_space<semaphore_mem>>) {add = true}
      %dma_wait3A_209 = arith.constant 0 : i32
      %dma_wait3A_210 = tpu.memref_slice %arg6[%run_scoped3A_160, %dma_wait3A_209] : memref<79x128xi32, #tpu.memory_space<vmem>> -> memref<1x128xi32, #tpu.memory_space<vmem>>
      %dma_wait3A_211 = tpu.memref_squeeze %dma_wait3A_210 : memref<1x128xi32, #tpu.memory_space<vmem>> -> memref<128xi32, #tpu.memory_space<vmem>>
      %dma_wait3A_212 = arith.constant 0 : i32
      %dma_wait3A_213 = arith.constant 0 : i32
      %dma_wait3A_214 = tpu.memref_slice %arg19[%dma_wait3A_212, %dma_wait3A_213] : memref<10112x16xf32, #tpu.memory_space<vmem_shared>> -> memref<10112x16xf32, #tpu.memory_space<vmem_shared>>
      tpu.wait_indirect_dma semaphore(%run_scoped3A_202 : memref<!tpu.dma_semaphore, #tpu.memory_space<semaphore_mem>>) src(%arg7 : memref<128x16xf32, #tpu.memory_space<vmem>>) dst(%dma_wait3A_214 : memref<10112x16xf32, #tpu.memory_space<vmem_shared>>)
      tpu.yield
    }) : () -> ()
    %dma_start3A_161 = arith.constant 77 : i32
    %dma_start3A_162 = arith.constant 0 : i32
    %dma_start3A_163 = tpu.memref_slice %arg5[%dma_start3A_161, %dma_start3A_162] : memref<79x128xi32, #tpu.memory_space<vmem>> -> memref<1x128xi32, #tpu.memory_space<vmem>>
    %dma_start3A_164 = tpu.memref_squeeze %dma_start3A_163 : memref<1x128xi32, #tpu.memory_space<vmem>> -> memref<128xi32, #tpu.memory_space<vmem>>
    %dma_start3A_165 = arith.constant 0 : i32
    %dma_start3A_166 = arith.constant 0 : i32
    %dma_start3A_167 = tpu.memref_slice %arg20[%dma_start3A_165, %dma_start3A_166] : memref<10000x16xf32, #tpu.memory_space<vmem_shared>> -> memref<10000x16xf32, #tpu.memory_space<vmem_shared>>
    tpu.enqueue_indirect_dma source(%dma_start3A_167 : memref<10000x16xf32, #tpu.memory_space<vmem_shared>>) target(%arg7 : memref<128x16xf32, #tpu.memory_space<vmem>>) offsets(%dma_start3A_164 : memref<128xi32, #tpu.memory_space<vmem>>) semaphore(%arg11 : memref<!tpu.dma_semaphore, #tpu.memory_space<semaphore_mem>>)
    %dma_wait3A_168 = arith.constant 77 : i32
    %dma_wait3A_169 = arith.constant 0 : i32
    %dma_wait3A_170 = tpu.memref_slice %arg5[%dma_wait3A_168, %dma_wait3A_169] : memref<79x128xi32, #tpu.memory_space<vmem>> -> memref<1x128xi32, #tpu.memory_space<vmem>>
    %dma_wait3A_171 = tpu.memref_squeeze %dma_wait3A_170 : memref<1x128xi32, #tpu.memory_space<vmem>> -> memref<128xi32, #tpu.memory_space<vmem>>
    %dma_wait3A_172 = arith.constant 0 : i32
    %dma_wait3A_173 = arith.constant 0 : i32
    %dma_wait3A_174 = tpu.memref_slice %arg20[%dma_wait3A_172, %dma_wait3A_173] : memref<10000x16xf32, #tpu.memory_space<vmem_shared>> -> memref<10000x16xf32, #tpu.memory_space<vmem_shared>>
    tpu.wait_indirect_dma semaphore(%arg11 : memref<!tpu.dma_semaphore, #tpu.memory_space<semaphore_mem>>) src(%dma_wait3A_174 : memref<10000x16xf32, #tpu.memory_space<vmem_shared>>) dst(%arg7 : memref<128x16xf32, #tpu.memory_space<vmem>>)
    %run_scoped3A_175 = arith.constant 77 : i32
    "tpu.region"() ({
      %run_scoped3A_202 = tpu.sem_alloc : memref<!tpu.dma_semaphore, #tpu.memory_space<semaphore_mem>>
      %dma_start3A_203 = arith.constant 0 : i32
      %dma_start3A_204 = tpu.memref_slice %arg6[%run_scoped3A_175, %dma_start3A_203] : memref<79x128xi32, #tpu.memory_space<vmem>> -> memref<1x128xi32, #tpu.memory_space<vmem>>
      %dma_start3A_205 = tpu.memref_squeeze %dma_start3A_204 : memref<1x128xi32, #tpu.memory_space<vmem>> -> memref<128xi32, #tpu.memory_space<vmem>>
      %dma_start3A_206 = arith.constant 0 : i32
      %dma_start3A_207 = arith.constant 0 : i32
      %dma_start3A_208 = tpu.memref_slice %arg19[%dma_start3A_206, %dma_start3A_207] : memref<10112x16xf32, #tpu.memory_space<vmem_shared>> -> memref<10112x16xf32, #tpu.memory_space<vmem_shared>>
      tpu.enqueue_indirect_dma source(%arg7 : memref<128x16xf32, #tpu.memory_space<vmem>>) target(%dma_start3A_208 : memref<10112x16xf32, #tpu.memory_space<vmem_shared>>) offsets(%dma_start3A_205 : memref<128xi32, #tpu.memory_space<vmem>>) semaphore(%run_scoped3A_202 : memref<!tpu.dma_semaphore, #tpu.memory_space<semaphore_mem>>) {add = true}
      %dma_wait3A_209 = arith.constant 0 : i32
      %dma_wait3A_210 = tpu.memref_slice %arg6[%run_scoped3A_175, %dma_wait3A_209] : memref<79x128xi32, #tpu.memory_space<vmem>> -> memref<1x128xi32, #tpu.memory_space<vmem>>
      %dma_wait3A_211 = tpu.memref_squeeze %dma_wait3A_210 : memref<1x128xi32, #tpu.memory_space<vmem>> -> memref<128xi32, #tpu.memory_space<vmem>>
      %dma_wait3A_212 = arith.constant 0 : i32
      %dma_wait3A_213 = arith.constant 0 : i32
      %dma_wait3A_214 = tpu.memref_slice %arg19[%dma_wait3A_212, %dma_wait3A_213] : memref<10112x16xf32, #tpu.memory_space<vmem_shared>> -> memref<10112x16xf32, #tpu.memory_space<vmem_shared>>
      tpu.wait_indirect_dma semaphore(%run_scoped3A_202 : memref<!tpu.dma_semaphore, #tpu.memory_space<semaphore_mem>>) src(%arg7 : memref<128x16xf32, #tpu.memory_space<vmem>>) dst(%dma_wait3A_214 : memref<10112x16xf32, #tpu.memory_space<vmem_shared>>)
      tpu.yield
    }) : () -> ()
    %lt3A_176 = arith.constant 4 : i32
    %lt3A_177 = arith.cmpi slt, %add3A, %lt3A_176 : i32
    %convert_element_type3A_178 = arith.extui %lt3A_177 : i1 to i32
    %cond3A_179 = arith.constant 0 : i32
    %cond3A_180 = arith.cmpi ne, %convert_element_type3A_178, %cond3A_179 : i32
    scf.if %cond3A_180 {
      %dma_start3A_202 = arith.constant 78 : i32
      %dma_start3A_203 = arith.constant 0 : i32
      %dma_start3A_204 = tpu.memref_slice %arg5[%dma_start3A_202, %dma_start3A_203] : memref<79x128xi32, #tpu.memory_space<vmem>> -> memref<1x128xi32, #tpu.memory_space<vmem>>
      %dma_start3A_205 = tpu.memref_squeeze %dma_start3A_204 : memref<1x128xi32, #tpu.memory_space<vmem>> -> memref<128xi32, #tpu.memory_space<vmem>>
      %dma_start3A_206 = arith.constant 0 : i32
      %dma_start3A_207 = arith.constant 0 : i32
      %dma_start3A_208 = tpu.memref_slice %arg20[%dma_start3A_206, %dma_start3A_207] : memref<10000x16xf32, #tpu.memory_space<vmem_shared>> -> memref<10000x16xf32, #tpu.memory_space<vmem_shared>>
      tpu.enqueue_indirect_dma source(%dma_start3A_208 : memref<10000x16xf32, #tpu.memory_space<vmem_shared>>) target(%arg7 : memref<128x16xf32, #tpu.memory_space<vmem>>) offsets(%dma_start3A_205 : memref<128xi32, #tpu.memory_space<vmem>>) semaphore(%arg11 : memref<!tpu.dma_semaphore, #tpu.memory_space<semaphore_mem>>)
      %dma_wait3A_209 = arith.constant 78 : i32
      %dma_wait3A_210 = arith.constant 0 : i32
      %dma_wait3A_211 = tpu.memref_slice %arg5[%dma_wait3A_209, %dma_wait3A_210] : memref<79x128xi32, #tpu.memory_space<vmem>> -> memref<1x128xi32, #tpu.memory_space<vmem>>
      %dma_wait3A_212 = tpu.memref_squeeze %dma_wait3A_211 : memref<1x128xi32, #tpu.memory_space<vmem>> -> memref<128xi32, #tpu.memory_space<vmem>>
      %dma_wait3A_213 = arith.constant 0 : i32
      %dma_wait3A_214 = arith.constant 0 : i32
      %dma_wait3A_215 = tpu.memref_slice %arg20[%dma_wait3A_213, %dma_wait3A_214] : memref<10000x16xf32, #tpu.memory_space<vmem_shared>> -> memref<10000x16xf32, #tpu.memory_space<vmem_shared>>
      tpu.wait_indirect_dma semaphore(%arg11 : memref<!tpu.dma_semaphore, #tpu.memory_space<semaphore_mem>>) src(%dma_wait3A_215 : memref<10000x16xf32, #tpu.memory_space<vmem_shared>>) dst(%arg7 : memref<128x16xf32, #tpu.memory_space<vmem>>)
      %run_scoped3A_216 = arith.constant 78 : i32
      "tpu.region"() ({
        %run_scoped3A_217 = tpu.sem_alloc : memref<!tpu.dma_semaphore, #tpu.memory_space<semaphore_mem>>
        %dma_start3A_218 = arith.constant 0 : i32
        %dma_start3A_219 = tpu.memref_slice %arg6[%run_scoped3A_216, %dma_start3A_218] : memref<79x128xi32, #tpu.memory_space<vmem>> -> memref<1x128xi32, #tpu.memory_space<vmem>>
        %dma_start3A_220 = tpu.memref_squeeze %dma_start3A_219 : memref<1x128xi32, #tpu.memory_space<vmem>> -> memref<128xi32, #tpu.memory_space<vmem>>
        %dma_start3A_221 = arith.constant 0 : i32
        %dma_start3A_222 = arith.constant 0 : i32
        %dma_start3A_223 = tpu.memref_slice %arg19[%dma_start3A_221, %dma_start3A_222] : memref<10112x16xf32, #tpu.memory_space<vmem_shared>> -> memref<10112x16xf32, #tpu.memory_space<vmem_shared>>
        tpu.enqueue_indirect_dma source(%arg7 : memref<128x16xf32, #tpu.memory_space<vmem>>) target(%dma_start3A_223 : memref<10112x16xf32, #tpu.memory_space<vmem_shared>>) offsets(%dma_start3A_220 : memref<128xi32, #tpu.memory_space<vmem>>) semaphore(%run_scoped3A_217 : memref<!tpu.dma_semaphore, #tpu.memory_space<semaphore_mem>>) {add = true}
        %dma_wait3A_224 = arith.constant 0 : i32
        %dma_wait3A_225 = tpu.memref_slice %arg6[%run_scoped3A_216, %dma_wait3A_224] : memref<79x128xi32, #tpu.memory_space<vmem>> -> memref<1x128xi32, #tpu.memory_space<vmem>>
        %dma_wait3A_226 = tpu.memref_squeeze %dma_wait3A_225 : memref<1x128xi32, #tpu.memory_space<vmem>> -> memref<128xi32, #tpu.memory_space<vmem>>
        %dma_wait3A_227 = arith.constant 0 : i32
        %dma_wait3A_228 = arith.constant 0 : i32
        %dma_wait3A_229 = tpu.memref_slice %arg19[%dma_wait3A_227, %dma_wait3A_228] : memref<10112x16xf32, #tpu.memory_space<vmem_shared>> -> memref<10112x16xf32, #tpu.memory_space<vmem_shared>>
        tpu.wait_indirect_dma semaphore(%run_scoped3A_217 : memref<!tpu.dma_semaphore, #tpu.memory_space<semaphore_mem>>) src(%arg7 : memref<128x16xf32, #tpu.memory_space<vmem>>) dst(%dma_wait3A_229 : memref<10112x16xf32, #tpu.memory_space<vmem_shared>>)
        tpu.yield
      }) : () -> ()
    } else {
    }
    %barrier3A_181 = arith.constant 0 : index
    tpu.barrier barrier_id(%barrier3A_181)
    %add3A_182 = arith.constant 0 : i32
    %add3A_183 = arith.addi %mul3A_2, %add3A_182 : i32
    %add3A_184 = arith.constant 0 : i32
    %add3A_185 = arith.addi %mul3A_2, %add3A_184 : i32
    "tpu.region"() ({
      %run_scoped3A_202 = tpu.sem_alloc : memref<!tpu.dma_semaphore, #tpu.memory_space<semaphore_mem>>
      %dma_start3A_203 = arith.constant 0 : i32
      %dma_start3A_204 = arith.constant 0 : i32
      %dma_start3A_205 = tpu.memref_slice %arg4[%arg0, %dma_start3A_203, %dma_start3A_204] : memref<2x10112x16xf32, #tpu.memory_space<hbm>> -> memref<1x10112x16xf32, #tpu.memory_space<hbm>>
      %dma_start3A_206 = tpu.memref_squeeze %dma_start3A_205 : memref<1x10112x16xf32, #tpu.memory_space<hbm>> -> memref<10112x16xf32, #tpu.memory_space<hbm>>
      %dma_start3A_207 = arith.constant 0 : i32
      %dma_start3A_208 = tpu.memref_slice %dma_start3A_206[%add3A_185, %dma_start3A_207] : memref<10112x16xf32, #tpu.memory_space<hbm>> -> memref<128x16xf32, #tpu.memory_space<hbm>>
      %dma_start3A_209 = arith.constant 0 : i32
      %dma_start3A_210 = tpu.memref_slice %arg19[%add3A_183, %dma_start3A_209] : memref<10112x16xf32, #tpu.memory_space<vmem_shared>> -> memref<128x16xf32, #tpu.memory_space<vmem_shared>>
      tpu.enqueue_dma source(%dma_start3A_210 : memref<128x16xf32, #tpu.memory_space<vmem_shared>>) target(%dma_start3A_208 : memref<128x16xf32, #tpu.memory_space<hbm>>) target_semaphore(%run_scoped3A_202 : memref<!tpu.dma_semaphore, #tpu.memory_space<semaphore_mem>>)
      %dma_wait3A_211 = arith.constant 0 : i32
      %dma_wait3A_212 = arith.constant 0 : i32
      %dma_wait3A_213 = tpu.memref_slice %arg4[%arg0, %dma_wait3A_211, %dma_wait3A_212] : memref<2x10112x16xf32, #tpu.memory_space<hbm>> -> memref<1x10112x16xf32, #tpu.memory_space<hbm>>
      %dma_wait3A_214 = tpu.memref_squeeze %dma_wait3A_213 : memref<1x10112x16xf32, #tpu.memory_space<hbm>> -> memref<10112x16xf32, #tpu.memory_space<hbm>>
      %dma_wait3A_215 = arith.constant 0 : i32
      %dma_wait3A_216 = tpu.memref_slice %dma_wait3A_214[%add3A_185, %dma_wait3A_215] : memref<10112x16xf32, #tpu.memory_space<hbm>> -> memref<128x16xf32, #tpu.memory_space<hbm>>
      %dma_wait3A_217 = arith.constant 0 : i32
      %dma_wait3A_218 = tpu.memref_slice %arg19[%add3A_183, %dma_wait3A_217] : memref<10112x16xf32, #tpu.memory_space<vmem_shared>> -> memref<128x16xf32, #tpu.memory_space<vmem_shared>>
      tpu.wait_dma2 semaphore(%run_scoped3A_202 : memref<!tpu.dma_semaphore, #tpu.memory_space<semaphore_mem>>) src(%dma_wait3A_218 : memref<128x16xf32, #tpu.memory_space<vmem_shared>>) dst(%dma_wait3A_216 : memref<128x16xf32, #tpu.memory_space<hbm>>)
      tpu.yield
    }) : () -> ()
    %add3A_186 = arith.constant 128 : i32
    %add3A_187 = arith.addi %mul3A_2, %add3A_186 : i32
    %add3A_188 = arith.constant 128 : i32
    %add3A_189 = arith.addi %mul3A_2, %add3A_188 : i32
    "tpu.region"() ({
      %run_scoped3A_202 = tpu.sem_alloc : memref<!tpu.dma_semaphore, #tpu.memory_space<semaphore_mem>>
      %dma_start3A_203 = arith.constant 0 : i32
      %dma_start3A_204 = arith.constant 0 : i32
      %dma_start3A_205 = tpu.memref_slice %arg4[%arg0, %dma_start3A_203, %dma_start3A_204] : memref<2x10112x16xf32, #tpu.memory_space<hbm>> -> memref<1x10112x16xf32, #tpu.memory_space<hbm>>
      %dma_start3A_206 = tpu.memref_squeeze %dma_start3A_205 : memref<1x10112x16xf32, #tpu.memory_space<hbm>> -> memref<10112x16xf32, #tpu.memory_space<hbm>>
      %dma_start3A_207 = arith.constant 0 : i32
      %dma_start3A_208 = tpu.memref_slice %dma_start3A_206[%add3A_189, %dma_start3A_207] : memref<10112x16xf32, #tpu.memory_space<hbm>> -> memref<128x16xf32, #tpu.memory_space<hbm>>
      %dma_start3A_209 = arith.constant 0 : i32
      %dma_start3A_210 = tpu.memref_slice %arg19[%add3A_187, %dma_start3A_209] : memref<10112x16xf32, #tpu.memory_space<vmem_shared>> -> memref<128x16xf32, #tpu.memory_space<vmem_shared>>
      tpu.enqueue_dma source(%dma_start3A_210 : memref<128x16xf32, #tpu.memory_space<vmem_shared>>) target(%dma_start3A_208 : memref<128x16xf32, #tpu.memory_space<hbm>>) target_semaphore(%run_scoped3A_202 : memref<!tpu.dma_semaphore, #tpu.memory_space<semaphore_mem>>)
      %dma_wait3A_211 = arith.constant 0 : i32
      %dma_wait3A_212 = arith.constant 0 : i32
      %dma_wait3A_213 = tpu.memref_slice %arg4[%arg0, %dma_wait3A_211, %dma_wait3A_212] : memref<2x10112x16xf32, #tpu.memory_space<hbm>> -> memref<1x10112x16xf32, #tpu.memory_space<hbm>>
      %dma_wait3A_214 = tpu.memref_squeeze %dma_wait3A_213 : memref<1x10112x16xf32, #tpu.memory_space<hbm>> -> memref<10112x16xf32, #tpu.memory_space<hbm>>
      %dma_wait3A_215 = arith.constant 0 : i32
      %dma_wait3A_216 = tpu.memref_slice %dma_wait3A_214[%add3A_189, %dma_wait3A_215] : memref<10112x16xf32, #tpu.memory_space<hbm>> -> memref<128x16xf32, #tpu.memory_space<hbm>>
      %dma_wait3A_217 = arith.constant 0 : i32
      %dma_wait3A_218 = tpu.memref_slice %arg19[%add3A_187, %dma_wait3A_217] : memref<10112x16xf32, #tpu.memory_space<vmem_shared>> -> memref<128x16xf32, #tpu.memory_space<vmem_shared>>
      tpu.wait_dma2 semaphore(%run_scoped3A_202 : memref<!tpu.dma_semaphore, #tpu.memory_space<semaphore_mem>>) src(%dma_wait3A_218 : memref<128x16xf32, #tpu.memory_space<vmem_shared>>) dst(%dma_wait3A_216 : memref<128x16xf32, #tpu.memory_space<hbm>>)
      tpu.yield
    }) : () -> ()
    %add3A_190 = arith.constant 256 : i32
    %add3A_191 = arith.addi %mul3A_2, %add3A_190 : i32
    %add3A_192 = arith.constant 256 : i32
    %add3A_193 = arith.addi %mul3A_2, %add3A_192 : i32
    "tpu.region"() ({
      %run_scoped3A_202 = tpu.sem_alloc : memref<!tpu.dma_semaphore, #tpu.memory_space<semaphore_mem>>
      %dma_start3A_203 = arith.constant 0 : i32
      %dma_start3A_204 = arith.constant 0 : i32
      %dma_start3A_205 = tpu.memref_slice %arg4[%arg0, %dma_start3A_203, %dma_start3A_204] : memref<2x10112x16xf32, #tpu.memory_space<hbm>> -> memref<1x10112x16xf32, #tpu.memory_space<hbm>>
      %dma_start3A_206 = tpu.memref_squeeze %dma_start3A_205 : memref<1x10112x16xf32, #tpu.memory_space<hbm>> -> memref<10112x16xf32, #tpu.memory_space<hbm>>
      %dma_start3A_207 = arith.constant 0 : i32
      %dma_start3A_208 = tpu.memref_slice %dma_start3A_206[%add3A_193, %dma_start3A_207] : memref<10112x16xf32, #tpu.memory_space<hbm>> -> memref<128x16xf32, #tpu.memory_space<hbm>>
      %dma_start3A_209 = arith.constant 0 : i32
      %dma_start3A_210 = tpu.memref_slice %arg19[%add3A_191, %dma_start3A_209] : memref<10112x16xf32, #tpu.memory_space<vmem_shared>> -> memref<128x16xf32, #tpu.memory_space<vmem_shared>>
      tpu.enqueue_dma source(%dma_start3A_210 : memref<128x16xf32, #tpu.memory_space<vmem_shared>>) target(%dma_start3A_208 : memref<128x16xf32, #tpu.memory_space<hbm>>) target_semaphore(%run_scoped3A_202 : memref<!tpu.dma_semaphore, #tpu.memory_space<semaphore_mem>>)
      %dma_wait3A_211 = arith.constant 0 : i32
      %dma_wait3A_212 = arith.constant 0 : i32
      %dma_wait3A_213 = tpu.memref_slice %arg4[%arg0, %dma_wait3A_211, %dma_wait3A_212] : memref<2x10112x16xf32, #tpu.memory_space<hbm>> -> memref<1x10112x16xf32, #tpu.memory_space<hbm>>
      %dma_wait3A_214 = tpu.memref_squeeze %dma_wait3A_213 : memref<1x10112x16xf32, #tpu.memory_space<hbm>> -> memref<10112x16xf32, #tpu.memory_space<hbm>>
      %dma_wait3A_215 = arith.constant 0 : i32
      %dma_wait3A_216 = tpu.memref_slice %dma_wait3A_214[%add3A_193, %dma_wait3A_215] : memref<10112x16xf32, #tpu.memory_space<hbm>> -> memref<128x16xf32, #tpu.memory_space<hbm>>
      %dma_wait3A_217 = arith.constant 0 : i32
      %dma_wait3A_218 = tpu.memref_slice %arg19[%add3A_191, %dma_wait3A_217] : memref<10112x16xf32, #tpu.memory_space<vmem_shared>> -> memref<128x16xf32, #tpu.memory_space<vmem_shared>>
      tpu.wait_dma2 semaphore(%run_scoped3A_202 : memref<!tpu.dma_semaphore, #tpu.memory_space<semaphore_mem>>) src(%dma_wait3A_218 : memref<128x16xf32, #tpu.memory_space<vmem_shared>>) dst(%dma_wait3A_216 : memref<128x16xf32, #tpu.memory_space<hbm>>)
      tpu.yield
    }) : () -> ()
    %add3A_194 = arith.constant 384 : i32
    %add3A_195 = arith.addi %mul3A_2, %add3A_194 : i32
    %add3A_196 = arith.constant 384 : i32
    %add3A_197 = arith.addi %mul3A_2, %add3A_196 : i32
    "tpu.region"() ({
      %run_scoped3A_202 = tpu.sem_alloc : memref<!tpu.dma_semaphore, #tpu.memory_space<semaphore_mem>>
      %dma_start3A_203 = arith.constant 0 : i32
      %dma_start3A_204 = arith.constant 0 : i32
      %dma_start3A_205 = tpu.memref_slice %arg4[%arg0, %dma_start3A_203, %dma_start3A_204] : memref<2x10112x16xf32, #tpu.memory_space<hbm>> -> memref<1x10112x16xf32, #tpu.memory_space<hbm>>
      %dma_start3A_206 = tpu.memref_squeeze %dma_start3A_205 : memref<1x10112x16xf32, #tpu.memory_space<hbm>> -> memref<10112x16xf32, #tpu.memory_space<hbm>>
      %dma_start3A_207 = arith.constant 0 : i32
      %dma_start3A_208 = tpu.memref_slice %dma_start3A_206[%add3A_197, %dma_start3A_207] : memref<10112x16xf32, #tpu.memory_space<hbm>> -> memref<128x16xf32, #tpu.memory_space<hbm>>
      %dma_start3A_209 = arith.constant 0 : i32
      %dma_start3A_210 = tpu.memref_slice %arg19[%add3A_195, %dma_start3A_209] : memref<10112x16xf32, #tpu.memory_space<vmem_shared>> -> memref<128x16xf32, #tpu.memory_space<vmem_shared>>
      tpu.enqueue_dma source(%dma_start3A_210 : memref<128x16xf32, #tpu.memory_space<vmem_shared>>) target(%dma_start3A_208 : memref<128x16xf32, #tpu.memory_space<hbm>>) target_semaphore(%run_scoped3A_202 : memref<!tpu.dma_semaphore, #tpu.memory_space<semaphore_mem>>)
      %dma_wait3A_211 = arith.constant 0 : i32
      %dma_wait3A_212 = arith.constant 0 : i32
      %dma_wait3A_213 = tpu.memref_slice %arg4[%arg0, %dma_wait3A_211, %dma_wait3A_212] : memref<2x10112x16xf32, #tpu.memory_space<hbm>> -> memref<1x10112x16xf32, #tpu.memory_space<hbm>>
      %dma_wait3A_214 = tpu.memref_squeeze %dma_wait3A_213 : memref<1x10112x16xf32, #tpu.memory_space<hbm>> -> memref<10112x16xf32, #tpu.memory_space<hbm>>
      %dma_wait3A_215 = arith.constant 0 : i32
      %dma_wait3A_216 = tpu.memref_slice %dma_wait3A_214[%add3A_197, %dma_wait3A_215] : memref<10112x16xf32, #tpu.memory_space<hbm>> -> memref<128x16xf32, #tpu.memory_space<hbm>>
      %dma_wait3A_217 = arith.constant 0 : i32
      %dma_wait3A_218 = tpu.memref_slice %arg19[%add3A_195, %dma_wait3A_217] : memref<10112x16xf32, #tpu.memory_space<vmem_shared>> -> memref<128x16xf32, #tpu.memory_space<vmem_shared>>
      tpu.wait_dma2 semaphore(%run_scoped3A_202 : memref<!tpu.dma_semaphore, #tpu.memory_space<semaphore_mem>>) src(%dma_wait3A_218 : memref<128x16xf32, #tpu.memory_space<vmem_shared>>) dst(%dma_wait3A_216 : memref<128x16xf32, #tpu.memory_space<hbm>>)
      tpu.yield
    }) : () -> ()
    %add3A_198 = arith.constant 512 : i32
    %add3A_199 = arith.addi %mul3A_2, %add3A_198 : i32
    %add3A_200 = arith.constant 512 : i32
    %add3A_201 = arith.addi %mul3A_2, %add3A_200 : i32
    "tpu.region"() ({
      %run_scoped3A_202 = tpu.sem_alloc : memref<!tpu.dma_semaphore, #tpu.memory_space<semaphore_mem>>
      %dma_start3A_203 = arith.constant 0 : i32
      %dma_start3A_204 = arith.constant 0 : i32
      %dma_start3A_205 = tpu.memref_slice %arg4[%arg0, %dma_start3A_203, %dma_start3A_204] : memref<2x10112x16xf32, #tpu.memory_space<hbm>> -> memref<1x10112x16xf32, #tpu.memory_space<hbm>>
      %dma_start3A_206 = tpu.memref_squeeze %dma_start3A_205 : memref<1x10112x16xf32, #tpu.memory_space<hbm>> -> memref<10112x16xf32, #tpu.memory_space<hbm>>
      %dma_start3A_207 = arith.constant 0 : i32
      %dma_start3A_208 = tpu.memref_slice %dma_start3A_206[%add3A_201, %dma_start3A_207] : memref<10112x16xf32, #tpu.memory_space<hbm>> -> memref<120x16xf32, #tpu.memory_space<hbm>>
      %dma_start3A_209 = arith.constant 0 : i32
      %dma_start3A_210 = tpu.memref_slice %arg19[%add3A_199, %dma_start3A_209] : memref<10112x16xf32, #tpu.memory_space<vmem_shared>> -> memref<120x16xf32, #tpu.memory_space<vmem_shared>>
      tpu.enqueue_dma source(%dma_start3A_210 : memref<120x16xf32, #tpu.memory_space<vmem_shared>>) target(%dma_start3A_208 : memref<120x16xf32, #tpu.memory_space<hbm>>) target_semaphore(%run_scoped3A_202 : memref<!tpu.dma_semaphore, #tpu.memory_space<semaphore_mem>>)
      %dma_wait3A_211 = arith.constant 0 : i32
      %dma_wait3A_212 = arith.constant 0 : i32
      %dma_wait3A_213 = tpu.memref_slice %arg4[%arg0, %dma_wait3A_211, %dma_wait3A_212] : memref<2x10112x16xf32, #tpu.memory_space<hbm>> -> memref<1x10112x16xf32, #tpu.memory_space<hbm>>
      %dma_wait3A_214 = tpu.memref_squeeze %dma_wait3A_213 : memref<1x10112x16xf32, #tpu.memory_space<hbm>> -> memref<10112x16xf32, #tpu.memory_space<hbm>>
      %dma_wait3A_215 = arith.constant 0 : i32
      %dma_wait3A_216 = tpu.memref_slice %dma_wait3A_214[%add3A_201, %dma_wait3A_215] : memref<10112x16xf32, #tpu.memory_space<hbm>> -> memref<120x16xf32, #tpu.memory_space<hbm>>
      %dma_wait3A_217 = arith.constant 0 : i32
      %dma_wait3A_218 = tpu.memref_slice %arg19[%add3A_199, %dma_wait3A_217] : memref<10112x16xf32, #tpu.memory_space<vmem_shared>> -> memref<120x16xf32, #tpu.memory_space<vmem_shared>>
      tpu.wait_dma2 semaphore(%run_scoped3A_202 : memref<!tpu.dma_semaphore, #tpu.memory_space<semaphore_mem>>) src(%dma_wait3A_218 : memref<120x16xf32, #tpu.memory_space<vmem_shared>>) dst(%dma_wait3A_216 : memref<120x16xf32, #tpu.memory_space<hbm>>)
      tpu.yield
    }) : () -> ()
    return
  }
}

module attributes {stable_mosaic.version = 14 : i64} {
  func.func @_tc_pre_body(%arg0: i32, %arg1: memref<2000x128xf32, #tpu.memory_space<vmem>>, %arg2: memref<128x128xf32, #tpu.memory_space<vmem>>, %arg3: memref<2x2000x16xf32, #tpu.memory_space<vmem>>, %arg4: memref<2000x64xf32, #tpu.memory_space<vmem>>, %arg5: memref<2000x64xf32, #tpu.memory_space<vmem>>) attributes {dimension_semantics = [#tpu.dimension_semantics<arbitrary>], iteration_bounds = array<i64: 5>, scalar_prefetch = 0 : i64, scratch_operands = 0 : i64, tpu.core_type = #tpu.core_type<tc>, window_params = [{transform_indices = @transform_0, window_bounds = array<i64: 2000, 128>}, {pipeline_mode = #tpu.pipeline_mode<synchronous>, transform_indices = @transform_1, window_bounds = array<i64: 128, 128>}, {transform_indices = @transform_2, window_bounds = array<i64: 2, 2000, 16>}, {transform_indices = @transform_3, window_bounds = array<i64: 2000, 64>}, {transform_indices = @transform_4, window_bounds = array<i64: 2000, 64>}]} {
    %get3A = arith.constant 0 : index
    %get3A_0 = arith.constant 0 : index
    %get3A_1 = arith.constant 0 : index
    %get3A_2 = vector.load %arg3[%get3A, %get3A_0, %get3A_1] : memref<2x2000x16xf32, #tpu.memory_space<vmem>>, vector<1x2000x1xf32>
    %get3A_3 = vector.shape_cast %get3A_2 : vector<1x2000x1xf32> to vector<2000x1xf32>
    %get3A_4 = arith.constant 1 : index
    %get3A_5 = arith.constant 0 : index
    %get3A_6 = arith.constant 0 : index
    %get3A_7 = vector.load %arg3[%get3A_4, %get3A_5, %get3A_6] : memref<2x2000x16xf32, #tpu.memory_space<vmem>>, vector<1x2000x1xf32>
    %get3A_8 = vector.shape_cast %get3A_7 : vector<1x2000x1xf32> to vector<2000x1xf32>
    %add3A = arith.addf %get3A_3, %get3A_8 : vector<2000x1xf32>
    %add3A_9 = arith.constant 1.000000e+00 : f32
    %add3A_10 = vector.broadcast %add3A_9 : f32 to vector<2000x1xf32>
    %add3A_11 = arith.addf %add3A, %add3A_10 : vector<2000x1xf32>
    %rsqrt3A = math.rsqrt %add3A_11 : vector<2000x1xf32>
    %get3A_12 = arith.constant 0 : index
    %get3A_13 = arith.constant 0 : index
    %get3A_14 = vector.load %arg1[%get3A_12, %get3A_13] : memref<2000x128xf32, #tpu.memory_space<vmem>>, vector<2000x128xf32>
    %get3A_15 = arith.constant 0 : index
    %get3A_16 = arith.constant 0 : index
    %get3A_17 = vector.load %arg2[%get3A_15, %get3A_16] : memref<128x128xf32, #tpu.memory_space<vmem>>, vector<128x128xf32>
    %dot_general3A = arith.constant dense<0.000000e+00> : vector<2000x128xf32>
    %dot_general3A_18 = tpu.matmul %get3A_14, %get3A_17, %dot_general3A {dimension_numbers = #tpu.dot_dimension_numbers<[1], [0], [0], [1], [0, 0, 1, 1], [], []>, transpose_lhs_hint = false} : vector<2000x128xf32>, vector<128x128xf32>, vector<2000x128xf32> -> vector<2000x128xf32>
    %mul3A = vector.broadcast %rsqrt3A : vector<2000x1xf32> to vector<2000x128xf32>
    %mul3A_19 = arith.mulf %mul3A, %dot_general3A_18 : vector<2000x128xf32>
    %slice3A = vector.extract_strided_slice %mul3A_19 {offsets = [0, 0], sizes = [2000, 64], strides = [1, 1]} : vector<2000x128xf32> to vector<2000x64xf32>
    %swap3A = arith.constant 0 : index
    %swap3A_20 = arith.constant 0 : index
    %swap3A_21 = vector.load %arg4[%swap3A, %swap3A_20] : memref<2000x64xf32, #tpu.memory_space<vmem>>, vector<2000x64xf32>
    tpu.vector_store %arg4[%swap3A, %swap3A_20], %slice3A {strides = array<i32>} : memref<2000x64xf32, #tpu.memory_space<vmem>>, vector<2000x64xf32>,
    %slice3A_22 = vector.extract_strided_slice %mul3A_19 {offsets = [0, 64], sizes = [2000, 64], strides = [1, 1]} : vector<2000x128xf32> to vector<2000x64xf32>
    %swap3A_23 = arith.constant 0 : index
    %swap3A_24 = arith.constant 0 : index
    %swap3A_25 = vector.load %arg5[%swap3A_23, %swap3A_24] : memref<2000x64xf32, #tpu.memory_space<vmem>>, vector<2000x64xf32>
    tpu.vector_store %arg5[%swap3A_23, %swap3A_24], %slice3A_22 {strides = array<i32>} : memref<2000x64xf32, #tpu.memory_space<vmem>>, vector<2000x64xf32>,
    return
  }
  func.func @transform_0(%arg0: i32) -> (i32, i32) {
    %c0_i32 = arith.constant 0 : i32
    %c0_i32_0 = arith.constant 0 : i32
    return %arg0, %c0_i32 : i32, i32
  }
  func.func @transform_1(%arg0: i32) -> (i32, i32) {
    %c0_i32 = arith.constant 0 : i32
    %c0_i32_0 = arith.constant 0 : i32
    %c0_i32_1 = arith.constant 0 : i32
    return %c0_i32, %c0_i32_0 : i32, i32
  }
  func.func @transform_2(%arg0: i32) -> (i32, i32, i32) {
    %c0_i32 = arith.constant 0 : i32
    %c0_i32_0 = arith.constant 0 : i32
    %c0_i32_1 = arith.constant 0 : i32
    return %c0_i32, %arg0, %c0_i32_0 : i32, i32, i32
  }
  func.func @transform_3(%arg0: i32) -> (i32, i32) {
    %c0_i32 = arith.constant 0 : i32
    %c0_i32_0 = arith.constant 0 : i32
    return %arg0, %c0_i32 : i32, i32
  }
  func.func @transform_4(%arg0: i32) -> (i32, i32) {
    %c0_i32 = arith.constant 0 : i32
    %c0_i32_0 = arith.constant 0 : i32
    return %arg0, %c0_i32 : i32, i32
  }
}

module attributes {stable_mosaic.version = 14 : i64} {
  func.func @_tc_mid_body(%arg0: i32, %arg1: memref<1x2000x64xf32, #tpu.memory_space<vmem>>, %arg2: memref<1x2000x64xf32, #tpu.memory_space<vmem>>, %arg3: memref<2000x64xf32, #tpu.memory_space<vmem>>, %arg4: memref<2000x64xf32, #tpu.memory_space<vmem>>, %arg5: memref<2x2000x16xf32, #tpu.memory_space<vmem>>, %arg6: memref<128xf32, #tpu.memory_space<vmem>>, %arg7: memref<128x2xf32, #tpu.memory_space<vmem>>, %arg8: memref<2000x16xf32, #tpu.memory_space<vmem>>) attributes {dimension_semantics = [#tpu.dimension_semantics<arbitrary>], iteration_bounds = array<i64: 5>, scalar_prefetch = 0 : i64, scratch_operands = 0 : i64, tpu.core_type = #tpu.core_type<tc>, window_params = [{transform_indices = @transform_0, window_bounds = array<i64: 1, 2000, 64>}, {transform_indices = @transform_1, window_bounds = array<i64: 1, 2000, 64>}, {transform_indices = @transform_2, window_bounds = array<i64: 2000, 64>}, {transform_indices = @transform_3, window_bounds = array<i64: 2000, 64>}, {transform_indices = @transform_4, window_bounds = array<i64: 2, 2000, 16>}, {pipeline_mode = #tpu.pipeline_mode<synchronous>, transform_indices = @transform_5, window_bounds = array<i64: 128>}, {pipeline_mode = #tpu.pipeline_mode<synchronous>, transform_indices = @transform_6, window_bounds = array<i64: 128, 2>}, {transform_indices = @transform_7, window_bounds = array<i64: 2000, 16>}]} {
    %get3A = arith.constant 0 : index
    %get3A_0 = arith.constant 0 : index
    %get3A_1 = arith.constant 0 : index
    %get3A_2 = vector.load %arg5[%get3A, %get3A_0, %get3A_1] : memref<2x2000x16xf32, #tpu.memory_space<vmem>>, vector<1x2000x1xf32>
    %get3A_3 = vector.shape_cast %get3A_2 : vector<1x2000x1xf32> to vector<2000x1xf32>
    %get3A_4 = arith.constant 1 : index
    %get3A_5 = arith.constant 0 : index
    %get3A_6 = arith.constant 0 : index
    %get3A_7 = vector.load %arg5[%get3A_4, %get3A_5, %get3A_6] : memref<2x2000x16xf32, #tpu.memory_space<vmem>>, vector<1x2000x1xf32>
    %get3A_8 = vector.shape_cast %get3A_7 : vector<1x2000x1xf32> to vector<2000x1xf32>
    %add3A = arith.addf %get3A_3, %get3A_8 : vector<2000x1xf32>
    %add3A_9 = arith.constant 1.000000e+00 : f32
    %add3A_10 = vector.broadcast %add3A_9 : f32 to vector<2000x1xf32>
    %add3A_11 = arith.addf %add3A, %add3A_10 : vector<2000x1xf32>
    %rsqrt3A = math.rsqrt %add3A_11 : vector<2000x1xf32>
    %get3A_12 = arith.constant 0 : index
    %get3A_13 = arith.constant 0 : index
    %get3A_14 = arith.constant 0 : index
    %get3A_15 = vector.load %arg1[%get3A_12, %get3A_13, %get3A_14] : memref<1x2000x64xf32, #tpu.memory_space<vmem>>, vector<1x2000x64xf32>
    %get3A_16 = vector.shape_cast %get3A_15 : vector<1x2000x64xf32> to vector<2000x64xf32>
    %get3A_17 = arith.constant 0 : index
    %get3A_18 = arith.constant 0 : index
    %get3A_19 = vector.load %arg3[%get3A_17, %get3A_18] : memref<2000x64xf32, #tpu.memory_space<vmem>>, vector<2000x64xf32>
    %add3A_20 = arith.addf %get3A_16, %get3A_19 : vector<2000x64xf32>
    %mul3A = vector.broadcast %rsqrt3A : vector<2000x1xf32> to vector<2000x64xf32>
    %mul3A_21 = arith.mulf %mul3A, %add3A_20 : vector<2000x64xf32>
    %get3A_22 = arith.constant 0 : index
    %get3A_23 = vector.load %arg6[%get3A_22] : memref<128xf32, #tpu.memory_space<vmem>>, vector<64xf32>
    %broadcast_in_dim3A = vector.shape_cast %get3A_23 : vector<64xf32> to vector<1x64xf32>
    %add3A_24 = vector.broadcast %broadcast_in_dim3A : vector<1x64xf32> to vector<2000x64xf32>
    %add3A_25 = arith.addf %mul3A_21, %add3A_24 : vector<2000x64xf32>
    %tanh3A = math.tanh %add3A_25 : vector<2000x64xf32>
    %get3A_26 = arith.constant 0 : index
    %get3A_27 = arith.constant 0 : index
    %get3A_28 = arith.constant 0 : index
    %get3A_29 = vector.load %arg2[%get3A_26, %get3A_27, %get3A_28] : memref<1x2000x64xf32, #tpu.memory_space<vmem>>, vector<1x2000x64xf32>
    %get3A_30 = vector.shape_cast %get3A_29 : vector<1x2000x64xf32> to vector<2000x64xf32>
    %get3A_31 = arith.constant 0 : index
    %get3A_32 = arith.constant 0 : index
    %get3A_33 = vector.load %arg4[%get3A_31, %get3A_32] : memref<2000x64xf32, #tpu.memory_space<vmem>>, vector<2000x64xf32>
    %add3A_34 = arith.addf %get3A_30, %get3A_33 : vector<2000x64xf32>
    %mul3A_35 = vector.broadcast %rsqrt3A : vector<2000x1xf32> to vector<2000x64xf32>
    %mul3A_36 = arith.mulf %mul3A_35, %add3A_34 : vector<2000x64xf32>
    %get3A_37 = arith.constant 64 : index
    %get3A_38 = vector.load %arg6[%get3A_37] : memref<128xf32, #tpu.memory_space<vmem>>, vector<64xf32>
    %broadcast_in_dim3A_39 = vector.shape_cast %get3A_38 : vector<64xf32> to vector<1x64xf32>
    %add3A_40 = vector.broadcast %broadcast_in_dim3A_39 : vector<1x64xf32> to vector<2000x64xf32>
    %add3A_41 = arith.addf %mul3A_36, %add3A_40 : vector<2000x64xf32>
    %tanh3A_42 = math.tanh %add3A_41 : vector<2000x64xf32>
    %get3A_43 = arith.constant 0 : index
    %get3A_44 = arith.constant 0 : index
    %get3A_45 = vector.load %arg7[%get3A_43, %get3A_44] : memref<128x2xf32, #tpu.memory_space<vmem>>, vector<64x2xf32>
    %dot_general3A = arith.constant dense<0.000000e+00> : vector<2000x2xf32>
    %dot_general3A_46 = tpu.matmul %tanh3A, %get3A_45, %dot_general3A {dimension_numbers = #tpu.dot_dimension_numbers<[1], [0], [0], [1], [0, 0, 1, 1], [], []>, transpose_lhs_hint = false} : vector<2000x64xf32>, vector<64x2xf32>, vector<2000x2xf32> -> vector<2000x2xf32>
    %get3A_47 = arith.constant 64 : index
    %get3A_48 = arith.constant 0 : index
    %get3A_49 = vector.load %arg7[%get3A_47, %get3A_48] : memref<128x2xf32, #tpu.memory_space<vmem>>, vector<64x2xf32>
    %dot_general3A_50 = arith.constant dense<0.000000e+00> : vector<2000x2xf32>
    %dot_general3A_51 = tpu.matmul %tanh3A_42, %get3A_49, %dot_general3A_50 {dimension_numbers = #tpu.dot_dimension_numbers<[1], [0], [0], [1], [0, 0, 1, 1], [], []>, transpose_lhs_hint = false} : vector<2000x64xf32>, vector<64x2xf32>, vector<2000x2xf32> -> vector<2000x2xf32>
    %add3A_52 = arith.addf %dot_general3A_46, %dot_general3A_51 : vector<2000x2xf32>
    %mul3A_53 = vector.broadcast %rsqrt3A : vector<2000x1xf32> to vector<2000x2xf32>
    %mul3A_54 = arith.mulf %mul3A_53, %add3A_52 : vector<2000x2xf32>
    %broadcast_in_dim3A_55 = arith.constant 0.000000e+00 : f32
    %broadcast_in_dim3A_56 = vector.broadcast %broadcast_in_dim3A_55 : f32 to vector<2000x14xf32>
    %concatenate3A = tpu.concatenate %mul3A_54, %broadcast_in_dim3A_56 in 1 : vector<2000x2xf32>, vector<2000x14xf32> -> vector<2000x16xf32>
    %swap3A = arith.constant 0 : index
    %swap3A_57 = arith.constant 0 : index
    %swap3A_58 = vector.load %arg8[%swap3A, %swap3A_57] : memref<2000x16xf32, #tpu.memory_space<vmem>>, vector<2000x16xf32>
    tpu.vector_store %arg8[%swap3A, %swap3A_57], %concatenate3A {strides = array<i32>} : memref<2000x16xf32, #tpu.memory_space<vmem>>, vector<2000x16xf32>,
    return
  }
  func.func @transform_0(%arg0: i32) -> (i32, i32, i32) {
    %c0_i32 = arith.constant 0 : i32
    %c0_i32_0 = arith.constant 0 : i32
    %c0_i32_1 = arith.constant 0 : i32
    return %c0_i32, %arg0, %c0_i32_0 : i32, i32, i32
  }
  func.func @transform_1(%arg0: i32) -> (i32, i32, i32) {
    %c1_i32 = arith.constant 1 : i32
    %c0_i32 = arith.constant 0 : i32
    %c0_i32_0 = arith.constant 0 : i32
    return %c1_i32, %arg0, %c0_i32 : i32, i32, i32
  }
  func.func @transform_2(%arg0: i32) -> (i32, i32) {
    %c0_i32 = arith.constant 0 : i32
    %c0_i32_0 = arith.constant 0 : i32
    return %arg0, %c0_i32 : i32, i32
  }
  func.func @transform_3(%arg0: i32) -> (i32, i32) {
    %c0_i32 = arith.constant 0 : i32
    %c0_i32_0 = arith.constant 0 : i32
    return %arg0, %c0_i32 : i32, i32
  }
  func.func @transform_4(%arg0: i32) -> (i32, i32, i32) {
    %c0_i32 = arith.constant 0 : i32
    %c0_i32_0 = arith.constant 0 : i32
    %c0_i32_1 = arith.constant 0 : i32
    return %c0_i32, %arg0, %c0_i32_0 : i32, i32, i32
  }
  func.func @transform_5(%arg0: i32) -> i32 {
    %c0_i32 = arith.constant 0 : i32
    %c0_i32_0 = arith.constant 0 : i32
    return %c0_i32 : i32
  }
  func.func @transform_6(%arg0: i32) -> (i32, i32) {
    %c0_i32 = arith.constant 0 : i32
    %c0_i32_0 = arith.constant 0 : i32
    %c0_i32_1 = arith.constant 0 : i32
    return %c0_i32, %c0_i32_0 : i32, i32
  }
  func.func @transform_7(%arg0: i32) -> (i32, i32) {
    %c0_i32 = arith.constant 0 : i32
    %c0_i32_0 = arith.constant 0 : i32
    return %arg0, %c0_i32 : i32, i32
  }
}

module attributes {stable_mosaic.version = 14 : i64} {
  func.func @_tc_post_body(%arg0: i32, %arg1: memref<1x2000x16xf32, #tpu.memory_space<vmem>>, %arg2: memref<1x2000x16xf32, #tpu.memory_space<vmem>>, %arg3: memref<2000x16xf32, #tpu.memory_space<vmem>>, %arg4: memref<2x2000x16xf32, #tpu.memory_space<vmem>>, %arg5: memref<2xf32, #tpu.memory_space<vmem>>, %arg6: memref<2x4xf32, #tpu.memory_space<vmem>>, %arg7: memref<4xf32, #tpu.memory_space<vmem>>, %arg8: memref<2000x4xf32, #tpu.memory_space<vmem>>) attributes {dimension_semantics = [#tpu.dimension_semantics<arbitrary>], iteration_bounds = array<i64: 5>, scalar_prefetch = 0 : i64, scratch_operands = 0 : i64, tpu.core_type = #tpu.core_type<tc>, window_params = [{transform_indices = @transform_0, window_bounds = array<i64: 1, 2000, 16>}, {transform_indices = @transform_1, window_bounds = array<i64: 1, 2000, 16>}, {transform_indices = @transform_2, window_bounds = array<i64: 2000, 16>}, {transform_indices = @transform_3, window_bounds = array<i64: 2, 2000, 16>}, {pipeline_mode = #tpu.pipeline_mode<synchronous>, transform_indices = @transform_4, window_bounds = array<i64: 2>}, {pipeline_mode = #tpu.pipeline_mode<synchronous>, transform_indices = @transform_5, window_bounds = array<i64: 2, 4>}, {pipeline_mode = #tpu.pipeline_mode<synchronous>, transform_indices = @transform_6, window_bounds = array<i64: 4>}, {transform_indices = @transform_7, window_bounds = array<i64: 2000, 4>}]} {
    %get3A = arith.constant 0 : index
    %get3A_0 = arith.constant 0 : index
    %get3A_1 = arith.constant 0 : index
    %get3A_2 = vector.load %arg4[%get3A, %get3A_0, %get3A_1] : memref<2x2000x16xf32, #tpu.memory_space<vmem>>, vector<1x2000x1xf32>
    %get3A_3 = vector.shape_cast %get3A_2 : vector<1x2000x1xf32> to vector<2000x1xf32>
    %get3A_4 = arith.constant 1 : index
    %get3A_5 = arith.constant 0 : index
    %get3A_6 = arith.constant 0 : index
    %get3A_7 = vector.load %arg4[%get3A_4, %get3A_5, %get3A_6] : memref<2x2000x16xf32, #tpu.memory_space<vmem>>, vector<1x2000x1xf32>
    %get3A_8 = vector.shape_cast %get3A_7 : vector<1x2000x1xf32> to vector<2000x1xf32>
    %add3A = arith.addf %get3A_3, %get3A_8 : vector<2000x1xf32>
    %add3A_9 = arith.constant 1.000000e+00 : f32
    %add3A_10 = vector.broadcast %add3A_9 : f32 to vector<2000x1xf32>
    %add3A_11 = arith.addf %add3A, %add3A_10 : vector<2000x1xf32>
    %rsqrt3A = math.rsqrt %add3A_11 : vector<2000x1xf32>
    %get3A_12 = arith.constant 0 : index
    %get3A_13 = arith.constant 0 : index
    %get3A_14 = arith.constant 0 : index
    %get3A_15 = vector.load %arg1[%get3A_12, %get3A_13, %get3A_14] : memref<1x2000x16xf32, #tpu.memory_space<vmem>>, vector<1x2000x2xf32>
    %get3A_16 = vector.shape_cast %get3A_15 : vector<1x2000x2xf32> to vector<2000x2xf32>
    %get3A_17 = arith.constant 0 : index
    %get3A_18 = arith.constant 0 : index
    %get3A_19 = arith.constant 0 : index
    %get3A_20 = vector.load %arg2[%get3A_17, %get3A_18, %get3A_19] : memref<1x2000x16xf32, #tpu.memory_space<vmem>>, vector<1x2000x2xf32>
    %get3A_21 = vector.shape_cast %get3A_20 : vector<1x2000x2xf32> to vector<2000x2xf32>
    %add3A_22 = arith.addf %get3A_16, %get3A_21 : vector<2000x2xf32>
    %get3A_23 = arith.constant 0 : index
    %get3A_24 = arith.constant 0 : index
    %get3A_25 = vector.load %arg3[%get3A_23, %get3A_24] : memref<2000x16xf32, #tpu.memory_space<vmem>>, vector<2000x2xf32>
    %add3A_26 = arith.addf %add3A_22, %get3A_25 : vector<2000x2xf32>
    %mul3A = vector.broadcast %rsqrt3A : vector<2000x1xf32> to vector<2000x2xf32>
    %mul3A_27 = arith.mulf %mul3A, %add3A_26 : vector<2000x2xf32>
    %get3A_28 = arith.constant 0 : index
    %get3A_29 = vector.load %arg5[%get3A_28] : memref<2xf32, #tpu.memory_space<vmem>>, vector<2xf32>
    %broadcast_in_dim3A = vector.shape_cast %get3A_29 : vector<2xf32> to vector<1x2xf32>
    %add3A_30 = vector.broadcast %broadcast_in_dim3A : vector<1x2xf32> to vector<2000x2xf32>
    %add3A_31 = arith.addf %mul3A_27, %add3A_30 : vector<2000x2xf32>
    %tanh3A = math.tanh %add3A_31 : vector<2000x2xf32>
    %get3A_32 = arith.constant 0 : index
    %get3A_33 = arith.constant 0 : index
    %get3A_34 = vector.load %arg6[%get3A_32, %get3A_33] : memref<2x4xf32, #tpu.memory_space<vmem>>, vector<2x4xf32>
    %dot_general3A = arith.constant dense<0.000000e+00> : vector<2000x4xf32>
    %dot_general3A_35 = tpu.matmul %tanh3A, %get3A_34, %dot_general3A {dimension_numbers = #tpu.dot_dimension_numbers<[1], [0], [0], [1], [0, 0, 1, 1], [], []>, transpose_lhs_hint = false} : vector<2000x2xf32>, vector<2x4xf32>, vector<2000x4xf32> -> vector<2000x4xf32>
    %get3A_36 = arith.constant 0 : index
    %get3A_37 = vector.load %arg7[%get3A_36] : memref<4xf32, #tpu.memory_space<vmem>>, vector<4xf32>
    %broadcast_in_dim3A_38 = vector.shape_cast %get3A_37 : vector<4xf32> to vector<1x4xf32>
    %add3A_39 = vector.broadcast %broadcast_in_dim3A_38 : vector<1x4xf32> to vector<2000x4xf32>
    %add3A_40 = arith.addf %dot_general3A_35, %add3A_39 : vector<2000x4xf32>
    %logistic3A = arith.negf %add3A_40 : vector<2000x4xf32>
    %logistic3A_41 = math.exp %logistic3A : vector<2000x4xf32>
    %logistic3A_42 = arith.constant 1.000000e+00 : f32
    %logistic3A_43 = vector.broadcast %logistic3A_42 : f32 to vector<2000x4xf32>
    %logistic3A_44 = arith.addf %logistic3A_43, %logistic3A_41 : vector<2000x4xf32>
    %logistic3A_45 = arith.divf %logistic3A_43, %logistic3A_44 : vector<2000x4xf32>
    %swap3A = arith.constant 0 : index
    %swap3A_46 = arith.constant 0 : index
    %swap3A_47 = vector.load %arg8[%swap3A, %swap3A_46] : memref<2000x4xf32, #tpu.memory_space<vmem>>, vector<2000x4xf32>
    tpu.vector_store %arg8[%swap3A, %swap3A_46], %logistic3A_45 {strides = array<i32>} : memref<2000x4xf32, #tpu.memory_space<vmem>>, vector<2000x4xf32>,
    return
  }
  func.func @transform_0(%arg0: i32) -> (i32, i32, i32) {
    %c0_i32 = arith.constant 0 : i32
    %c0_i32_0 = arith.constant 0 : i32
    %c0_i32_1 = arith.constant 0 : i32
    return %c0_i32, %arg0, %c0_i32_0 : i32, i32, i32
  }
  func.func @transform_1(%arg0: i32) -> (i32, i32, i32) {
    %c1_i32 = arith.constant 1 : i32
    %c0_i32 = arith.constant 0 : i32
    %c0_i32_0 = arith.constant 0 : i32
    return %c1_i32, %arg0, %c0_i32 : i32, i32, i32
  }
  func.func @transform_2(%arg0: i32) -> (i32, i32) {
    %c0_i32 = arith.constant 0 : i32
    %c0_i32_0 = arith.constant 0 : i32
    return %arg0, %c0_i32 : i32, i32
  }
  func.func @transform_3(%arg0: i32) -> (i32, i32, i32) {
    %c0_i32 = arith.constant 0 : i32
    %c0_i32_0 = arith.constant 0 : i32
    %c0_i32_1 = arith.constant 0 : i32
    return %c0_i32, %arg0, %c0_i32_0 : i32, i32, i32
  }
  func.func @transform_4(%arg0: i32) -> i32 {
    %c0_i32 = arith.constant 0 : i32
    %c0_i32_0 = arith.constant 0 : i32
    return %c0_i32 : i32
  }
  func.func @transform_5(%arg0: i32) -> (i32, i32) {
    %c0_i32 = arith.constant 0 : i32
    %c0_i32_0 = arith.constant 0 : i32
    %c0_i32_1 = arith.constant 0 : i32
    return %c0_i32, %c0_i32_0 : i32, i32
  }
  func.func @transform_6(%arg0: i32) -> i32 {
    %c0_i32 = arith.constant 0 : i32
    %c0_i32_0 = arith.constant 0 : i32
    return %c0_i32 : i32
  }
  func.func @transform_7(%arg0: i32) -> (i32, i32) {
    %c0_i32 = arith.constant 0 : i32
    %c0_i32_0 = arith.constant 0 : i32
    return %arg0, %c0_i32 : i32, i32
  }
}

</mosaic_0001>

<sc_bundles>
// kernel: kernel.11.cloned.1.call-start
scs
__scs_entry_jumppad:
0x0: {  	(pc) =	sbr.rel $0x88, $3  }
0x1: {  	(tag) =	ssettag $0x0;
	lr =	simm.s32 $0x1  }
0x2: {  	[smem:$0x3F99] =	sst lr;
	_ =	strace $0xD0000000  }
0x3: {  	_ = 	snop  }
0x4: {  	_ = 	snop  }
0x5: {  	_ = 	snop  }
0x6: {  	_ = 	snop  }
0x7: {  	_ = 	snop  }
__scs_overlays_trampoline_lowered:
0x8: {  	[smem:$0x3FA8] =	sst s0  }
0x9: {  	[smem:$0x3FA9] =	sst s1  }
0xa: {  	[smem:$0x3FAA] =	sst s2  }
0xb: {  	[smem:$0x3FAB] =	sst s3  }
0xc: {  	[smem:$0x3FAC] =	sst s4  }
0xd: {  	[smem:$0x3FAD] =	sst s5  }
0xe: {  	[smem:$0x3FAE] =	sst s6  }
0xf: {  	[smem:$0x3FAF] =	sst s7  }
0x10: {  	[smem:$0x3FB0] =	sst s8  }
0x11: {  	[smem:$0x3FB1] =	sst s9;
	s0 =	simm.s32 @!p0 $0x0  }
0x12: {  	s1 =	sld [smem:$0x3F97];
	s0 =	simm.s32 @p0 $0x1  }
0x13: {  	[smem:$0x3FB2] =	sst s0;
	s0 =	simm.s32 @!p1 $0x0  }
0x14: {  	s2 =	sld [smem:$0x3F96];
	s0 =	simm.s32 @p1 $0x1  }
0x15: {  	[smem:$0x3FB3] =	sst s0;
	s0 =	simm.s32 @!p2 $0x0  }
0x16: {  	s3 =	sld [smem:$0x3FDB];
	s0 =	simm.s32 @p2 $0x1  }
0x17: {  	s4 =	simm.s32 $0x1BF5;
	[smem:$0x3FB5] =	sst s0  }
0x18: {  	s0 =	sld [smem:$0x3F98];
	_ =	swait.ge [sflag:s4], $0x0  }
0x19: {  	s7 =	sld [smem:$0x3F99]  }
0x1a: {  	s8 =	sadd.s32 $0xFFFFE003, lr  }
0x1b: {  	s9 =	sadd.s32 $0xFFFFFEF7, lr;
	s5 =	simm.s32 $0xFFFFFFFF;
	p2 =	slt.u32 s8, $0xFFFFF086  }
0x1c: {  	p1 =	slt.u32 s9, $0xF7A;
	s5 =	simm.s32 @!p2 $0x0  }
0x1d: {  	s5 =	simm.s32 @p1 $0x1;
	p0 =	seq.s32 s7, s2  }
0x1e: {  	s7 =	smul.u32 @!p0 $0xF7A, s2;
	p2 =	seq.s32 @!p0 s5, $0x0  }
0x1f: {  	s9 =	smul.u32 $0xF7A, s1;
	s8 =	simm.s32 @!p0 $0x1BF5;
	p2 =	por !p2, p0  }
0x20: {  	[sflag:s8] =	ssyncset.s32 @!p0 $0xFFFFF086;
	s6 =	sadd.s32 @!p0 s3, s7;
	s7 =	simm.s32 @!p0 $0x108  }
0x21: {  	s3 =	sadd.s32 s3, s9;
	s6 =	sadd.s32 @!p0 $0x88, s6;
	s7 =	simm.s32 @p2 $0x1082  }
0x22: {  	[simem:s7], [sflag:s8] =	dma.local @!p0 [hbm:s6], $0xF7A  }
0x23: {  	s9 =	sor.u32 $0xD0000000, s2;
	s6 =	simm.s32 $0x108;
	_ =	swait.ge @!p0 [sflag:s8], $0x0  }
0x24: {  	s3 =	sadd.s32 $0x88, s3;
	s6 =	simm.s32 @!p1 $0x1082;
	[sflag:s4] =	ssyncset.s32 $0xFFFFF086  }
0x25: {  	[simem:s6], [sflag:s4] =	dma.local [hbm:s3], $0xF7A  }
0x26: {  	[smem:$0x3F99] =	sst s1;
	(tag) =	ssettag s2;
	_ =	strace s9  }
0x27: {  	s1 =	sld [smem:$0x3FA9]  }
0x28: {  	s2 =	sld [smem:$0x3FAA]  }
0x29: {  	s4 =	sld [smem:$0x3FAC]  }
0x2a: {  	p0 =	seq.s32 s5, $0x0;
	s5 =	sld [smem:$0x3FAD]  }
0x2b: {  	s6 =	sld [smem:$0x3FAE]  }
0x2c: {  	s7 =	sld [smem:$0x3FAF]  }
0x2d: {  	s3 =	simm.s32 $0x108;
	s8 =	sld [smem:$0x3FB0]  }
0x2e: {  	s3 =	simm.s32 @!p0 $0x1082;
	s9 =	sld [smem:$0x3FB1]  }
0x2f: {  	lr =	sadd.s32 s0, s3;
	s0 =	sld [smem:$0x3FA8]  }
0x30: {  	s3 =	sld [smem:$0x3FAB]  }
0x31: {  	[smem:$0x3FB4] =	sst s10  }
0x32: {  	s10 =	sld [smem:$0x3FB2];
	_ =	sdelay $0x3  }
0x33: {  	p0 =	seq.s32 s10, $0x1;
	s10 =	sld [smem:$0x3FB4];
	_ =	sdelay $0x3  }
0x34: {  	[smem:$0x3FB4] =	sst s10  }
0x35: {  	s10 =	sld [smem:$0x3FB3];
	_ =	sdelay $0x3  }
0x36: {  	p1 =	seq.s32 s10, $0x1;
	s10 =	sld [smem:$0x3FB4];
	_ =	sdelay $0x3  }
0x37: {  	[smem:$0x3FB4] =	sst s10  }
0x38: {  	s10 =	sld [smem:$0x3FB5]  }
0x39: {  	_ = 	snop;
	(pc) =	sbr.ind lr, $3  }
0x3a: {  	_ = 	snop  }
0x3b: {  	_ = 	snop  }
0x3c: {  	p2 =	seq.s32 s10, $0x1;
	s10 =	sld [smem:$0x3FB4]  }
0x3d: {  	_ =	shalt  }
0x3e: {  	_ =	shalt  }
0x3f: {  	_ =	shalt  }
0x40: {  	_ =	shalt  }
0x41: {  	_ =	shalt  }
0x42: {  	_ =	shalt  }
0x43: {  	_ =	shalt  }
0x44: {  	_ =	shalt  }
0x45: {  	_ =	shalt  }
0x46: {  	_ =	shalt  }
0x47: {  	_ =	shalt  }
0x48: {  	_ =	shalt  }
0x49: {  	_ =	shalt  }
0x4a: {  	_ =	shalt  }
0x4b: {  	_ =	shalt  }
0x4c: {  	_ =	shalt  }
0x4d: {  	_ =	shalt  }
0x4e: {  	_ =	shalt  }
0x4f: {  	_ =	shalt  }
0x50: {  	_ =	shalt  }
0x51: {  	_ =	shalt  }
0x52: {  	_ =	shalt  }
0x53: {  	_ =	shalt  }
0x54: {  	_ =	shalt  }
0x55: {  	_ =	shalt  }
0x56: {  	_ =	shalt  }
0x57: {  	_ =	shalt  }
0x58: {  	_ =	shalt  }
0x59: {  	_ =	shalt  }
0x5a: {  	_ =	shalt  }
0x5b: {  	_ =	shalt  }
0x5c: {  	_ =	shalt  }
0x5d: {  	_ =	shalt  }
0x5e: {  	_ =	shalt  }
0x5f: {  	_ =	shalt  }
0x60: {  	_ =	shalt  }
0x61: {  	_ =	shalt  }
0x62: {  	_ =	shalt  }
0x63: {  	_ =	shalt  }
0x64: {  	_ =	shalt  }
0x65: {  	_ =	shalt  }
0x66: {  	_ =	shalt  }
0x67: {  	_ =	shalt  }
0x68: {  	_ =	shalt  }
0x69: {  	_ =	shalt  }
0x6a: {  	_ =	shalt  }
0x6b: {  	_ =	shalt  }
0x6c: {  	_ =	shalt  }
0x6d: {  	_ =	shalt  }
0x6e: {  	_ =	shalt  }
0x6f: {  	_ =	shalt  }
0x70: {  	_ =	shalt  }
0x71: {  	_ =	shalt  }
0x72: {  	_ =	shalt  }
0x73: {  	_ =	shalt  }
0x74: {  	_ =	shalt  }
0x75: {  	_ =	shalt  }
0x76: {  	_ =	shalt  }
0x77: {  	_ =	shalt  }
0x78: {  	_ =	shalt  }
0x79: {  	_ =	shalt  }
0x7a: {  	_ =	shalt  }
0x7b: {  	_ =	shalt  }
0x7c: {  	_ =	shalt  }
0x7d: {  	_ =	shalt  }
0x7e: {  	_ =	shalt  }
0x7f: {  	_ =	shalt  }
0x80: {  	_ =	shalt  }
0x81: {  	_ =	shalt  }
0x82: {  	_ =	shalt  }
0x83: {  	_ =	shalt  }
0x84: {  	_ =	shalt  }
0x85: {  	_ =	shalt  }
0x86: {  	_ =	shalt  }
0x87: {  	_ =	shalt  }
.Lfunc_end0:
.L_simem_size_0:
called_computation.1_lowered:
.L_overlay_start_0:
0x88: {  	s2 =	sld [smem:$0x3FD9]  }
0x89: {  	s3 =	sld [smem:$0x3FFE];
	_ =	sdelay $0x1  }
0x8a: {  	s1 =	srdreg.scid  }
0x8b: {  	s0 =	sand.u32 $0x1, s1  }
0x8c: {  	s16 =	sshll.u32 s0, $0xA;
	s2 =	sadd.s32 s3, s2  }
0x8d: {  	s2 =	sadd.s32 s2, s16  }
0x8e: {  	[smem:$0x3FC0] =	sst s2  }
0x8f: {  	_ = 	snop  }
0x90: {  	(tm) =	ssettm $0x1  }
0x91: {  	s17 =	sld [smem:$0x3FFB];
	_ =	sdelay $0x3  }
0x92: {  	_ =	strace s17  }
0x93: {  	s2 =	sld [smem:$0x3FFC];
	_ =	sdelay $0x3  }
0x94: {  	_ =	strace s2  }
0x95: {  	s2 =	sld [smem:$0x3FFD];
	_ =	sdelay $0x3  }
0x96: {  	_ =	strace s2  }
0x97: {  	_ =	strace $0x8FFFFFFF  }
0x98: {  	s18 =	sld [smem:$0x3FDB];
	_ =	sdelay $0x1  }
0x99: {  	s19 =	simm.s32 $_scs_section_size  }
0x9a: {  	s4 =	simm.s32 $_size__tile_overlayer_lowered;
	s5 =	simm.s32 $_tile_overlayer_lowered  }
0x9b: {  	s22 =	simm.s32 $0x1BFF;
	s21 =	sshll.u32 s5, $0x1;
	s2 =	sadd.s32 s19, s18  }
0x9c: {  	s6 =	simm.s32 $0x0;
	s20 =	sshll.u32 s4, $0x1;
	s4 =	sadd.s32 s21, s2  }
0x9d: {  	[timem:s6], [sflag:s22] =	dma.local [hbm:s4], s20  }
0x9e: {  	_ =	swait.ge [sflag:s22], s20  }
0x9f: {  	s3 =	ssub.s32 $0x0, s20;
	[sflag:s22] =	ssyncset.done $0x0  }
0xa0: {  	[sflag:s22] =	ssyncadd.s32 s3;
	_ =	sdelay $0x1  }
0xa1: {  	s23 =	simm.s32 $0x1B8B  }
0xa2: {  	_ =	swait.ge [sflag:s23], $0x1  }
0xa3: {  	[sflag:s23] =	ssyncset.done $0x0  }
0xa4: {  	s25 =	simm.s32 $0x1B8E;
	s24 =	sld [smem:$0x3FFE];
	[sflag:s23] =	ssyncadd.s32 $0xFFFFFFFF  }
0xa5: {  	s26 =	simm.s32 $execute0_lowered;
	[smem:$0x3FD2] =	sst s25  }
0xa6: {  	s4 =	sshll.u32 s26, $0x1;
	_ =	strace $0x80000049;
	[dreg:$0x1] =	wrdreg $0xFFFFFFFF  }
0xa7: {  	s28 =	simm.s32 $_size_execute0_lowered;
	s2 =	sadd.s32 s2, s4;
	[dreg:$0x0] =	wrdreg $0x0  }
0xa8: {  	s4 =	sshll.u32 s28, $0x1;
	[dreg:$0x2] =	wrdreg s2  }
0xa9: {  	[dreg:$0x3] =	wrdreg s4  }
0xaa: {  	[dreg:$0x4] =	wrdreg $0xC0  }
0xab: {  	_ =	task [dreg:s6], $0x5FFFF  }
0xac: {  	[dreg:$0x1] =	wrdreg $0xFFFFFFFF  }
0xad: {  	[dreg:$0x0] =	wrdreg $0x60  }
0xae: {  	[dreg:$0x2] =	wrdreg s24  }
0xaf: {  	[dreg:$0x3] =	wrdreg $0x11D000  }
0xb0: {  	[dreg:$0x4] =	wrdreg $0x9  }
0xb1: {  	_ =	task.clear_ibuf [dreg:s6], $0x5FFFF;
	_ =	strace $0x90000049  }
0xb2: {  	s29 =	simm.s32 $0x9;
	_ =	strace $0x8000004B  }
0xb3: {  	_ =	swait.ge [sflag:s29], $0x1  }
0xb4: {  	[sflag:s29] =	ssyncadd.s32 $0xFFFFFFFF  }
0xb5: {  	_ =	strace $0x9000004B  }
0xb6: {  	_ =	sfence  }
0xb7: {  	s30 =	sld [smem:$0x0];
	_ =	sdelay $0x2  }
0xb8: {  	s31 =	sshll.u32 s1, $0xD;
	s1 =	sshrl.u32 s1, $0x2  }
0xb9: {  	s3 =	sand.u32 $0x4000, s31;
	s1 =	sadd.s32 s1, s30  }
0xba: {  	s0 =	sor.u32 s3, s0;
	s1 =	sshll.u32 s1, $0x11  }
0xbb: {  	s0 =	sor.u32 s1, s0  }
0xbc: {  	s0 =	sadd.s32 $0x8F2B, s0  }
0xbd: {  	[sflag:s0] =	ssyncadd.remote.s32 $0x1  }
0xbe: {  	_ =	sfence.sel $0xFFFF  }
0xbf: {  	[dreg:$0x0] =	wrdreg $0xFFFFFFFF;
	(pc) =	sbr.abs _section_cstart, $3  }
0xc0: {  	[dreg:$0x1] =	wrdreg $0xFFFFFFFF  }
0xc1: {  	_ =	task.clear_ibuf [dreg:s6], $0x2FFFF;
	_ =	strace $0x9FFFFFFF  }
0xc2: {  	(tm) =	ssettm $0x7FFFFFFF  }
0xc3: {  	_ =	shalt  }
tec
execute0_lowered:
.L_overlay_start_1:
0x0: {  	(tag) =	ssettag $0x1  }
0x1: {  	s0 =	rddreg [dreg:$0x0];
	s20 =	stileid.u32  }
0x2: {  	s2 =	rddreg [dreg:$0x1];
	s4 =	srdreg.scid;
	s5 =	simm.s32 $0x0  }
0x3: {  	s29 =	simm.s32 $0xFD00;
	s30 =	simm.s32 $0x1;
	s31 =	simm.s32 $0x5  }
0x4: {  	s28 =	simm.s32 $0x7;
	s1 =	smul.u32 $0x9C, s20;
	s3 =	smin.u32 s20, $0x4  }
0x5: {  	s26 =	sand.u32 $0x1, s4;
	[smem:$0x7FF] =	sst s5;
	s11 =	smul.u32 $0x9E00, s20  }
0x6: {  	s4 =	sadd.s32 $0x82400, s0;
	s5 =	sadd.s32 $0x6EA00, s0;
	p1 =	sgt.u32 s20, $0x3  }
0x7: {  	p2 =	slt.u32 s20, $0x4;
	s6 =	smul.u32 $0x13C00, s26;
	_ =	strace $0x8000004A  }
0x8: {  	s7 =	ssub.s32 $0x2, s26;
	p0 =	seq.s32 s26, $0x1;
	s1 =	sadd.s32 s3, s1  }
0x9: {  	s19 =	sshrl.u32 s7, $0x1;
	s13 =	sadd.s32 $0x2000, s11;
	s15 =	sadd.s32 $0x4000, s11  }
0xa: {  	s16 =	sadd.s32 $0x6000, s11;
	s17 =	sadd.s32 $0x8000, s11;
	s21 =	sshrl.u32 s11, $0x3  }
0xb: {  	s3 =	simm.s32 $0x6;
	s1 =	sshll.u32 s1, $0x4;
	s14 =	ssub.s32 s7, s19  }
0xc: {  	s7 =	sadd.s32 s13, s2;
	s8 =	sadd.s32 s15, s2;
	s9 =	sadd.s32 s16, s2  }
0xd: {  	s10 =	sadd.s32 s17, s2;
	s22 =	sshrl.u32 s13, $0x3;
	s23 =	sshrl.u32 s15, $0x3  }
0xe: {  	s24 =	sshrl.u32 s16, $0x3;
	s25 =	sshrl.u32 s17, $0x3;
	s16 =	simm.s32 $0x9D00  }
0xf: {  	s17 =	simm.s32 $0x9;
	s19 =	simm.s32 $0xBD00;
	s13 =	simm.s32 $0x0  }
0x10: {  	s1 =	sadd.s32 s1, s0;
	s0 =	sadd.s32 s6, s0;
	s14 =	smax.u32 s14, $0x1  }
0x11: {  	s6 =	sadd.s32 s11, s2;
	s12 =	sadd.s32 $0x2200, s1;
	[dreg:$0x6] =	wrdreg s14  }
0x12: {  	s11 =	simm.s32 $0x8;
	s18 =	sadd.s32 $0x2BC0, s1;
	[dreg:$0x3] =	wrdreg s12  }
0x13: {  	s0 =	sadd.s32 $0x95E00, s0;
	s12 =	sadd.s32 $0xBE40, s1;
	[dreg:$0x4] =	wrdreg s18  }
.Ltmp0:
0x14: {  	s1 =	sadd.s32 $0xC800, s1;
	s18 =	simm.s32 $0x80;
	(pc) =	sbr.rel .LBB2_1-.Ltmp0, $4  }
0x15: {  	s26 =	sadd.s32 s22, s0;
	s22 =	sadd.s32 s23, s0;
	s23 =	sadd.s32 s24, s0  }
0x16: {  	s24 =	sadd.s32 s25, s0;
	s25 =	simm.s32 $0x3;
	[dreg:$0x5] =	wrdreg s1  }
0x17: {  	s1 =	sadd.s32 s21, s0;
	[dreg:$0x8] =	wrdreg s26;
	s26 =	simm.s32 $0xDD00  }
0x18: {  	v0 =	vimm.f32 $0.0e+00;
	s0 =	simm.s32 $0x4;
	[dreg:$0x7] =	wrdreg s1;
	s1 =	simm.s32 $0x2  }
.LBB2_10:
0x19: {  	s15 =	simm.s32 $0x4E00  }
0x1a: {  	[tilespmem:s16], [sflag:$0x1] =	stream.indirect.gather [hbm4b:s14+s18], $0x40, s15, s18, $0xb8;
	[tilespmem:$0x1BB00] =	vst v63  }
0x1b: {  	_ =	swait.ge [sflag:s30], $0x2000  }
0x1c: {  	[sflag:s30] =	ssyncset.done $0x0  }
0x1d: {  	s21 =	simm.s32 $0x9C80;
	[sflag:s30] =	ssyncadd.s32 $0xFFFFE000  }
0x1e: {  	[spmem:s2] =	stream.indirect.scatter.add.f32 [tilespmem:s16], [sflag:$0x9], $0x40, s21, s18, $0xb8;
	[tilespmem:$0x1BB00] =	vst v63  }
0x1f: {  	_ =	swait.ge [sflag:s17], $0x2000  }
0x20: {  	[sflag:s17] =	ssyncset.done $0x0  }
0x21: {  	[sflag:s17] =	ssyncadd.s32 $0xFFFFE000  }
.LBB2_11:
0x22: {  	s14 =	stileid.u32  }
0x23: {  	[bflag:$0x0] =	sbarrier.arrive $0xFFFF;
	s14 =	sshll.u32 s14, $0x6  }
0x24: {  	s15 =	sshrl.u32 s6, $0x3;
	s20 =	rddreg [dreg:$0x7];
	s14 =	sor.u32 $0x1C09, s14  }
0x25: {  	[hbm:s20], [sflag:s14] =	dma.local [spmem:s15], $0x400  }
0x26: {  	_ =	swait.ge [sflag:s17], $0x400  }
0x27: {  	[sflag:s17] =	ssyncset.done $0x0  }
0x28: {  	s20 =	sshrl.u32 s7, $0x3;
	s21 =	rddreg [dreg:$0x8];
	[sflag:s17] =	ssyncadd.s32 $0xFFFFFC00  }
0x29: {  	[hbm:s21], [sflag:s14] =	dma.local [spmem:s20], $0x400  }
0x2a: {  	_ =	swait.ge [sflag:s17], $0x400  }
0x2b: {  	[sflag:s17] =	ssyncset.done $0x0  }
0x2c: {  	s20 =	sshrl.u32 s8, $0x3;
	[sflag:s17] =	ssyncadd.s32 $0xFFFFFC00  }
0x2d: {  	[hbm:s22], [sflag:s14] =	dma.local [spmem:s20], $0x400  }
0x2e: {  	_ =	swait.ge [sflag:s17], $0x400  }
0x2f: {  	[sflag:s17] =	ssyncset.done $0x0  }
0x30: {  	s21 =	sshrl.u32 s9, $0x3;
	[sflag:s17] =	ssyncadd.s32 $0xFFFFFC00  }
0x31: {  	[hbm:s23], [sflag:s14] =	dma.local [spmem:s21], $0x400  }
0x32: {  	_ =	swait.ge [sflag:s17], $0x400  }
0x33: {  	[sflag:s17] =	ssyncset.done $0x0  }
0x34: {  	s20 =	sshrl.u32 s10, $0x3;
	[sflag:s17] =	ssyncadd.s32 $0xFFFFFC00  }
0x35: {  	[hbm:s24], [sflag:s14] =	dma.local [spmem:s20], $0x3C0  }
0x36: {  	_ =	swait.ge [sflag:s17], $0x3C0  }
0x37: {  	s13 =	sadd.s32 $0x1, s13;
	s21 =	rddreg [dreg:$0x6]  }
0x38: {  	p3 =	sne.s32 s13, s21  }
.Ltmp1:
0x39: {  	_ = 	snop;
	(pc) =	sbr.rel @!p3 .LBB2_12-.Ltmp1, $3  }
0x3a: {  	_ =	sdelay $0x1  }
0x3b: {  	[sflag:s17] =	ssyncset.done $0x0  }
0x3c: {  	[sflag:s17] =	ssyncadd.s32 $0xFFFFFC40  }
.LBB2_1:
0x3d: {  	s15 =	simm.s32 $0x100;
	s14 =	simm.s32 $0x0  }
.LBB2_2:
0x3e: {  	p3 =	sne.s32 s15, $0x7F00;
	[tilespmem:s14+$0x9D30] =	vst v0;
	s20 =	smov.u32 s15;
	s15 =	sadd.s32 $0x100, s15  }
.Ltmp2:
0x3f: {  	[tilespmem:s14+$0x9D20] =	vst v0;
	(pc) =	sbr.rel @p3 .LBB2_2-.Ltmp2, $3  }
0x40: {  	[tilespmem:s14+$0x9D00] =	vst v0  }
0x41: {  	[tilespmem:s14+$0x9D10] =	vst v0;
	_ =	sdelay $0x1  }
0x42: {  	s14 =	sshra.s32 s20, $0x2  }
0x43: {  	[tilespmem:s14+$0x9D30] =	vst v0  }
0x44: {  	[tilespmem:s14+$0x9D20] =	vst v0  }
0x45: {  	[tilespmem:s14+$0x9D00] =	vst v0  }
0x46: {  	[tilespmem:s14+$0x9D10] =	vst v0  }
0x47: {  	[spmem:s6] =	stream.linear.scatter [tilespmem:s16], [sflag:$0x9], $0x2000, $0x38;
	[tilespmem:$0x1BB00] =	vst v63  }
0x48: {  	_ =	swait.ge [sflag:s17], $0x2000  }
0x49: {  	[sflag:s17] =	ssyncset.done $0x0  }
0x4a: {  	[sflag:s17] =	ssyncadd.s32 $0xFFFFE000  }
0x4b: {  	[spmem:s7] =	stream.linear.scatter [tilespmem:s16], [sflag:$0x9], $0x2000, $0x38;
	[tilespmem:$0x1BB00] =	vst v63  }
0x4c: {  	_ =	swait.ge [sflag:s17], $0x2000  }
0x4d: {  	[sflag:s17] =	ssyncset.done $0x0  }
0x4e: {  	[sflag:s17] =	ssyncadd.s32 $0xFFFFE000  }
0x4f: {  	[spmem:s8] =	stream.linear.scatter [tilespmem:s16], [sflag:$0x9], $0x2000, $0x38;
	[tilespmem:$0x1BB00] =	vst v63  }
0x50: {  	_ =	swait.ge [sflag:s17], $0x2000  }
0x51: {  	[sflag:s17] =	ssyncset.done $0x0  }
0x52: {  	[sflag:s17] =	ssyncadd.s32 $0xFFFFE000  }
0x53: {  	[spmem:s9] =	stream.linear.scatter [tilespmem:s16], [sflag:$0x9], $0x2000, $0x38;
	[tilespmem:$0x1BB00] =	vst v63  }
0x54: {  	_ =	swait.ge [sflag:s17], $0x2000  }
0x55: {  	[sflag:s17] =	ssyncset.done $0x0  }
0x56: {  	[sflag:s17] =	ssyncadd.s32 $0xFFFFE000  }
0x57: {  	[spmem:s10] =	stream.linear.scatter [tilespmem:s16], [sflag:$0x9], $0x1E00, $0x38;
	[tilespmem:$0x1BB00] =	vst v63  }
0x58: {  	_ =	swait.ge [sflag:s17], $0x1E00  }
0x59: {  	[sflag:s17] =	ssyncset.done $0x0  }
0x5a: {  	[sflag:s17] =	ssyncadd.s32 $0xFFFFE200  }
0x5b: {  	[bflag:$0x0] =	sbarrier.arrive $0xFFFF  }
0x5c: {  	s21 =	simm.s32 $0x0;
	s15 =	rddreg [dreg:$0x3]  }
0x5d: {  	[tilespmem:s21], [sflag:$0x9] =	stream.linear.gather [hbm4b:s15+s21], $0x4E00, $0x38;
	[tilespmem:$0x1BB00] =	vst v63  }
0x5e: {  	_ =	swait.ge [sflag:s17], $0x4E00  }
0x5f: {  	[sflag:s17] =	ssyncset.done $0x0  }
0x60: {  	s14 =	simm.s32 @p1 $0x0;
	s15 =	simm.s32 @p1 $0x4E80;
	[sflag:s17] =	ssyncadd.s32 $0xFFFFB200  }
0x61: {  	[tilespmem:s15], [sflag:$0x9] =	stream.linear.gather @p1 [hbm4b:s12+s14], $0x4E00, $0x38;
	[tilespmem:$0x1BB00] =	vst v63  }
0x62: {  	s14 =	simm.s32 @p1 $0x9  }
0x63: {  	_ =	swait.ge @p1 [sflag:s14], $0x4E00  }
0x64: {  	s15 =	simm.s32 @!p1 $0x4E00;
	[sflag:s14] =	ssyncset.done @p1 $0x0  }
0x65: {  	s20 =	rddreg [dreg:$0x4];
	[sflag:s14] =	ssyncadd.s32 @p1 $0xFFFFB200;
	s14 =	simm.s32 @!p1 $0x0  }
0x66: {  	[tilespmem:s15], [sflag:$0x9] =	stream.linear.gather @!p1 [hbm4b:s20+s14], $0x80, $0x38;
	[tilespmem:$0x1BB00] =	vst v63  }
0x67: {  	s15 =	simm.s32 @!p1 $0x9  }
0x68: {  	_ =	swait.ge @!p1 [sflag:s15], $0x80  }
0x69: {  	[sflag:s15] =	ssyncset.done @!p1 $0x0  }
0x6a: {  	s20 =	simm.s32 @!p1 $0x4E80;
	[sflag:s15] =	ssyncadd.s32 @!p1 $0xFFFFFF80  }
0x6b: {  	[tilespmem:s20], [sflag:$0x9] =	stream.linear.gather @!p1 [hbm4b:s12+s14], $0x4E00, $0x38;
	[tilespmem:$0x1BB00] =	vst v63  }
0x6c: {  	_ =	swait.ge @!p1 [sflag:s15], $0x4E00  }
0x6d: {  	s20 =	simm.s32 @!p1 $0x9C80;
	[sflag:s15] =	ssyncset.done @!p1 $0x0  }
.Ltmp3:
0x6e: {  	s21 =	rddreg [dreg:$0x5];
	[sflag:s15] =	ssyncadd.s32 @!p1 $0xFFFFB200;
	(pc) =	sbr.rel @!p0 .LBB2_4-.Ltmp3, $4  }
0x6f: {  	[tilespmem:s20], [sflag:$0x9] =	stream.linear.gather @!p1 [hbm4b:s21+s14], $0x80, $0x38;
	[tilespmem:$0x1BB00] =	vst v63  }
0x70: {  	_ =	swait.ge @!p1 [sflag:s15], $0x80  }
0x71: {  	[sflag:s15] =	ssyncset.done @!p1 $0x0  }
0x72: {  	s14 =	simm.s32 $0x0;
	[sflag:s15] =	ssyncadd.s32 @!p1 $0xFFFFFF80  }
0x73: {  	[tilespmem:s16], [sflag:$0x1] =	stream.indirect.gather [hbm4b:s5+s18], $0x40, s14, s18, $0xb8;
	[tilespmem:$0x1BB00] =	vst v63  }
0x74: {  	_ = 	snop  }
0x75: {  	[tilespmem:s19], [sflag:$0x2] =	stream.indirect.gather [hbm4b:s5+s18], $0x40, s18, s18, $0xb8;
	[tilespmem:$0x1BB00] =	vst v63  }
0x76: {  	s15 =	simm.s32 $0x100  }
0x77: {  	[tilespmem:s26], [sflag:$0x3] =	stream.indirect.gather [hbm4b:s5+s18], $0x40, s15, s18, $0xb8;
	[tilespmem:$0x1BB00] =	vst v63  }
0x78: {  	s20 =	simm.s32 $0x180  }
0x79: {  	[tilespmem:s29], [sflag:$0x4] =	stream.indirect.gather [hbm4b:s5+s18], $0x40, s20, s18, $0xb8;
	[tilespmem:$0x1BB00] =	vst v63  }
0x7a: {  	_ =	swait.ge [sflag:s30], $0x2000  }
0x7b: {  	[sflag:s30] =	ssyncset.done $0x0  }
0x7c: {  	s21 =	simm.s32 $0x4E80;
	[sflag:s30] =	ssyncadd.s32 $0xFFFFE000  }
0x7d: {  	[spmem:s2] =	stream.indirect.scatter.add.f32 [tilespmem:s16], [sflag:$0x5], $0x40, s21, s18, $0xb8;
	[tilespmem:$0x1BB00] =	vst v63  }
0x7e: {  	_ =	swait.ge [sflag:s31], $0x2000  }
0x7f: {  	[sflag:s31] =	ssyncset.done $0x0  }
0x80: {  	s15 =	simm.s32 $0x200;
	[sflag:s31] =	ssyncadd.s32 $0xFFFFE000  }
0x81: {  	[tilespmem:s16], [sflag:$0x1] =	stream.indirect.gather [hbm4b:s5+s18], $0x40, s15, s18, $0xb8;
	[tilespmem:$0x1BB00] =	vst v63  }
0x82: {  	_ =	swait.ge [sflag:s1], $0x2000  }
0x83: {  	[sflag:s1] =	ssyncset.done $0x0  }
0x84: {  	s20 =	simm.s32 $0x4F00;
	[sflag:s1] =	ssyncadd.s32 $0xFFFFE000  }
0x85: {  	[spmem:s2] =	stream.indirect.scatter.add.f32 [tilespmem:s19], [sflag:$0x6], $0x40, s20, s18, $0xb8;
	[tilespmem:$0x1BB00] =	vst v63  }
0x86: {  	_ =	swait.ge [sflag:s3], $0x2000  }
0x87: {  	[sflag:s3] =	ssyncset.done $0x0  }
0x88: {  	s21 =	simm.s32 $0x280;
	[sflag:s3] =	ssyncadd.s32 $0xFFFFE000  }
0x89: {  	[tilespmem:s19], [sflag:$0x2] =	stream.indirect.gather [hbm4b:s5+s18], $0x40, s21, s18, $0xb8;
	[tilespmem:$0x1BB00] =	vst v63  }
0x8a: {  	_ =	swait.ge [sflag:s25], $0x2000  }
0x8b: {  	[sflag:s25] =	ssyncset.done $0x0  }
0x8c: {  	s15 =	simm.s32 $0x4F80;
	[sflag:s25] =	ssyncadd.s32 $0xFFFFE000  }
0x8d: {  	[spmem:s2] =	stream.indirect.scatter.add.f32 [tilespmem:s26], [sflag:$0x7], $0x40, s15, s18, $0xb8;
	[tilespmem:$0x1BB00] =	vst v63  }
0x8e: {  	_ =	swait.ge [sflag:s28], $0x2000  }
0x8f: {  	[sflag:s28] =	ssyncset.done $0x0  }
0x90: {  	s20 =	simm.s32 $0x300;
	[sflag:s28] =	ssyncadd.s32 $0xFFFFE000  }
0x91: {  	[tilespmem:s26], [sflag:$0x3] =	stream.indirect.gather [hbm4b:s5+s18], $0x40, s20, s18, $0xb8;
	[tilespmem:$0x1BB00] =	vst v63  }
0x92: {  	_ =	swait.ge [sflag:s0], $0x2000  }
0x93: {  	[sflag:s0] =	ssyncset.done $0x0  }
0x94: {  	s21 =	simm.s32 $0x5000;
	[sflag:s0] =	ssyncadd.s32 $0xFFFFE000  }
0x95: {  	[spmem:s2] =	stream.indirect.scatter.add.f32 [tilespmem:s29], [sflag:$0x8], $0x40, s21, s18, $0xb8;
	[tilespmem:$0x1BB00] =	vst v63  }
0x96: {  	_ =	swait.ge [sflag:s11], $0x2000  }
0x97: {  	[sflag:s11] =	ssyncset.done $0x0  }
0x98: {  	s14 =	simm.s32 $0x800;
	s15 =	simm.s32 $0x380;
	[sflag:s11] =	ssyncadd.s32 $0xFFFFE000  }
.LBB2_8:
0x99: {  	[tilespmem:s29], [sflag:$0x4] =	stream.indirect.gather [hbm4b:s5+s18], $0x40, s15, s18, $0xb8;
	[tilespmem:$0x1BB00] =	vst v63  }
0x9a: {  	s15 =	smov.u32 s14  }
0x9b: {  	p3 =	sne.s32 s14, $0x12800;
	s14 =	sadd.s32 $0x800, s14;
	_ =	swait.ge [sflag:s30], $0x2000  }
0x9c: {  	s15 =	sshra.s32 s15, $0x2;
	[sflag:s30] =	ssyncset.done $0x0  }
0x9d: {  	s20 =	sadd.s32 $0x4E80, s15;
	[sflag:s30] =	ssyncadd.s32 $0xFFFFE000  }
0x9e: {  	[spmem:s2] =	stream.indirect.scatter.add.f32 [tilespmem:s16], [sflag:$0x5], $0x40, s20, s18, $0xb8;
	[tilespmem:$0x1BB00] =	vst v63  }
0x9f: {  	_ =	swait.ge [sflag:s31], $0x2000  }
0xa0: {  	[sflag:s31] =	ssyncset.done $0x0  }
0xa1: {  	s20 =	sadd.s32 $0x200, s15;
	[sflag:s31] =	ssyncadd.s32 $0xFFFFE000  }
0xa2: {  	[tilespmem:s16], [sflag:$0x1] =	stream.indirect.gather [hbm4b:s5+s18], $0x40, s20, s18, $0xb8;
	[tilespmem:$0x1BB00] =	vst v63  }
0xa3: {  	_ =	swait.ge [sflag:s1], $0x2000  }
0xa4: {  	[sflag:s1] =	ssyncset.done $0x0  }
0xa5: {  	s20 =	sadd.s32 $0x4F00, s15;
	[sflag:s1] =	ssyncadd.s32 $0xFFFFE000  }
0xa6: {  	[spmem:s2] =	stream.indirect.scatter.add.f32 [tilespmem:s19], [sflag:$0x6], $0x40, s20, s18, $0xb8;
	[tilespmem:$0x1BB00] =	vst v63  }
0xa7: {  	_ =	swait.ge [sflag:s3], $0x2000  }
0xa8: {  	[sflag:s3] =	ssyncset.done $0x0  }
0xa9: {  	s20 =	sadd.s32 $0x280, s15;
	[sflag:s3] =	ssyncadd.s32 $0xFFFFE000  }
0xaa: {  	[tilespmem:s19], [sflag:$0x2] =	stream.indirect.gather [hbm4b:s5+s18], $0x40, s20, s18, $0xb8;
	[tilespmem:$0x1BB00] =	vst v63  }
0xab: {  	_ =	swait.ge [sflag:s25], $0x2000  }
0xac: {  	[sflag:s25] =	ssyncset.done $0x0  }
0xad: {  	s20 =	sadd.s32 $0x4F80, s15;
	[sflag:s25] =	ssyncadd.s32 $0xFFFFE000  }
0xae: {  	[spmem:s2] =	stream.indirect.scatter.add.f32 [tilespmem:s26], [sflag:$0x7], $0x40, s20, s18, $0xb8;
	[tilespmem:$0x1BB00] =	vst v63  }
0xaf: {  	_ =	swait.ge [sflag:s28], $0x2000  }
0xb0: {  	[sflag:s28] =	ssyncset.done $0x0  }
0xb1: {  	s20 =	sadd.s32 $0x300, s15;
	[sflag:s28] =	ssyncadd.s32 $0xFFFFE000  }
0xb2: {  	[tilespmem:s26], [sflag:$0x3] =	stream.indirect.gather [hbm4b:s5+s18], $0x40, s20, s18, $0xb8;
	[tilespmem:$0x1BB00] =	vst v63  }
0xb3: {  	_ =	swait.ge [sflag:s0], $0x2000  }
0xb4: {  	[sflag:s0] =	ssyncset.done $0x0  }
.Ltmp4:
0xb5: {  	s20 =	sadd.s32 $0x5000, s15;
	[sflag:s0] =	ssyncadd.s32 $0xFFFFE000;
	(pc) =	sbr.rel @p3 .LBB2_8-.Ltmp4, $4  }
0xb6: {  	[spmem:s2] =	stream.indirect.scatter.add.f32 [tilespmem:s29], [sflag:$0x8], $0x40, s20, s18, $0xb8;
	[tilespmem:$0x1BB00] =	vst v63  }
0xb7: {  	_ =	swait.ge [sflag:s11], $0x2000  }
0xb8: {  	[sflag:s11] =	ssyncset.done $0x0  }
0xb9: {  	s15 =	sadd.s32 $0x380, s15;
	[sflag:s11] =	ssyncadd.s32 $0xFFFFE000  }
0xba: {  	[tilespmem:s29], [sflag:$0x4] =	stream.indirect.gather [hbm4b:s5+s18], $0x40, s15, s18, $0xb8;
	[tilespmem:$0x1BB00] =	vst v63  }
0xbb: {  	_ =	swait.ge [sflag:s30], $0x2000  }
0xbc: {  	[sflag:s30] =	ssyncset.done $0x0  }
0xbd: {  	s14 =	simm.s32 $0x9A80;
	[sflag:s30] =	ssyncadd.s32 $0xFFFFE000  }
0xbe: {  	[spmem:s2] =	stream.indirect.scatter.add.f32 [tilespmem:s16], [sflag:$0x5], $0x40, s14, s18, $0xb8;
	[tilespmem:$0x1BB00] =	vst v63  }
0xbf: {  	_ =	swait.ge [sflag:s1], $0x2000  }
0xc0: {  	[sflag:s1] =	ssyncset.done $0x0  }
0xc1: {  	s15 =	simm.s32 $0x9B00;
	[sflag:s1] =	ssyncadd.s32 $0xFFFFE000  }
0xc2: {  	[spmem:s2] =	stream.indirect.scatter.add.f32 [tilespmem:s19], [sflag:$0x6], $0x40, s15, s18, $0xb8;
	[tilespmem:$0x1BB00] =	vst v63  }
0xc3: {  	_ =	swait.ge [sflag:s25], $0x2000  }
0xc4: {  	[sflag:s25] =	ssyncset.done $0x0  }
0xc5: {  	s20 =	simm.s32 $0x9B80;
	[sflag:s25] =	ssyncadd.s32 $0xFFFFE000  }
0xc6: {  	[spmem:s2] =	stream.indirect.scatter.add.f32 [tilespmem:s26], [sflag:$0x7], $0x40, s20, s18, $0xb8;
	[tilespmem:$0x1BB00] =	vst v63  }
0xc7: {  	_ =	swait.ge [sflag:s0], $0x2000  }
0xc8: {  	[sflag:s0] =	ssyncset.done $0x0  }
0xc9: {  	s21 =	simm.s32 $0x9C00;
	[sflag:s0] =	ssyncadd.s32 $0xFFFFE000  }
0xca: {  	[spmem:s2] =	stream.indirect.scatter.add.f32 [tilespmem:s29], [sflag:$0x8], $0x40, s21, s18, $0xb8;
	[tilespmem:$0x1BB00] =	vst v63  }
0xcb: {  	_ =	swait.ge [sflag:s31], $0x2000  }
0xcc: {  	[sflag:s31] =	ssyncset.done $0x0  }
0xcd: {  	[sflag:s31] =	ssyncadd.s32 $0xFFFFE000  }
0xce: {  	_ =	swait.ge [sflag:s3], $0x2000  }
0xcf: {  	[sflag:s3] =	ssyncset.done $0x0  }
0xd0: {  	[sflag:s3] =	ssyncadd.s32 $0xFFFFE000  }
0xd1: {  	_ =	swait.ge [sflag:s28], $0x2000  }
.Ltmp5:
0xd2: {  	[sflag:s28] =	ssyncset.done $0x0;
	(pc) =	sbr.rel @p1 .LBB2_11-.Ltmp5, $4  }
.Ltmp6:
0xd3: {  	[sflag:s28] =	ssyncadd.s32 $0xFFFFE000;
	(pc) =	sbr.rel @!p1 .LBB2_10-.Ltmp6, $4  }
0xd4: {  	_ =	swait.ge [sflag:s11], $0x2000  }
0xd5: {  	[sflag:s11] =	ssyncset.done $0x0  }
0xd6: {  	s14 =	smov.u32 s5;
	[sflag:s11] =	ssyncadd.s32 $0xFFFFE000  }
0xd7: {  	_ = 	snop  }
.LBB2_4:
0xd8: {  	[tilespmem:s16], [sflag:$0x1] =	stream.indirect.gather [hbm4b:s4+s18], $0x40, s14, s18, $0xb8;
	[tilespmem:$0x1BB00] =	vst v63  }
0xd9: {  	_ = 	snop  }
0xda: {  	[tilespmem:s19], [sflag:$0x2] =	stream.indirect.gather [hbm4b:s4+s18], $0x40, s18, s18, $0xb8;
	[tilespmem:$0x1BB00] =	vst v63  }
0xdb: {  	s15 =	simm.s32 $0x100  }
0xdc: {  	[tilespmem:s26], [sflag:$0x3] =	stream.indirect.gather [hbm4b:s4+s18], $0x40, s15, s18, $0xb8;
	[tilespmem:$0x1BB00] =	vst v63  }
0xdd: {  	s20 =	simm.s32 $0x180  }
0xde: {  	[tilespmem:s29], [sflag:$0x4] =	stream.indirect.gather [hbm4b:s4+s18], $0x40, s20, s18, $0xb8;
	[tilespmem:$0x1BB00] =	vst v63  }
0xdf: {  	_ =	swait.ge [sflag:s30], $0x2000  }
0xe0: {  	[sflag:s30] =	ssyncset.done $0x0  }
0xe1: {  	s21 =	simm.s32 $0x4E80;
	[sflag:s30] =	ssyncadd.s32 $0xFFFFE000  }
0xe2: {  	[spmem:s2] =	stream.indirect.scatter.add.f32 [tilespmem:s16], [sflag:$0x5], $0x40, s21, s18, $0xb8;
	[tilespmem:$0x1BB00] =	vst v63  }
0xe3: {  	_ =	swait.ge [sflag:s31], $0x2000  }
0xe4: {  	[sflag:s31] =	ssyncset.done $0x0  }
0xe5: {  	s15 =	simm.s32 $0x200;
	[sflag:s31] =	ssyncadd.s32 $0xFFFFE000  }
0xe6: {  	[tilespmem:s16], [sflag:$0x1] =	stream.indirect.gather [hbm4b:s4+s18], $0x40, s15, s18, $0xb8;
	[tilespmem:$0x1BB00] =	vst v63  }
0xe7: {  	_ =	swait.ge [sflag:s1], $0x2000  }
0xe8: {  	[sflag:s1] =	ssyncset.done $0x0  }
0xe9: {  	s20 =	simm.s32 $0x4F00;
	[sflag:s1] =	ssyncadd.s32 $0xFFFFE000  }
0xea: {  	[spmem:s2] =	stream.indirect.scatter.add.f32 [tilespmem:s19], [sflag:$0x6], $0x40, s20, s18, $0xb8;
	[tilespmem:$0x1BB00] =	vst v63  }
0xeb: {  	_ =	swait.ge [sflag:s3], $0x2000  }
0xec: {  	[sflag:s3] =	ssyncset.done $0x0  }
0xed: {  	s21 =	simm.s32 $0x280;
	[sflag:s3] =	ssyncadd.s32 $0xFFFFE000  }
0xee: {  	[tilespmem:s19], [sflag:$0x2] =	stream.indirect.gather [hbm4b:s4+s18], $0x40, s21, s18, $0xb8;
	[tilespmem:$0x1BB00] =	vst v63  }
0xef: {  	_ =	swait.ge [sflag:s25], $0x2000  }
0xf0: {  	[sflag:s25] =	ssyncset.done $0x0  }
0xf1: {  	s15 =	simm.s32 $0x4F80;
	[sflag:s25] =	ssyncadd.s32 $0xFFFFE000  }
0xf2: {  	[spmem:s2] =	stream.indirect.scatter.add.f32 [tilespmem:s26], [sflag:$0x7], $0x40, s15, s18, $0xb8;
	[tilespmem:$0x1BB00] =	vst v63  }
0xf3: {  	_ =	swait.ge [sflag:s28], $0x2000  }
0xf4: {  	[sflag:s28] =	ssyncset.done $0x0  }
0xf5: {  	s20 =	simm.s32 $0x300;
	[sflag:s28] =	ssyncadd.s32 $0xFFFFE000  }
0xf6: {  	[tilespmem:s26], [sflag:$0x3] =	stream.indirect.gather [hbm4b:s4+s18], $0x40, s20, s18, $0xb8;
	[tilespmem:$0x1BB00] =	vst v63  }
0xf7: {  	_ =	swait.ge [sflag:s0], $0x2000  }
0xf8: {  	[sflag:s0] =	ssyncset.done $0x0  }
0xf9: {  	s21 =	simm.s32 $0x5000;
	[sflag:s0] =	ssyncadd.s32 $0xFFFFE000  }
0xfa: {  	[spmem:s2] =	stream.indirect.scatter.add.f32 [tilespmem:s29], [sflag:$0x8], $0x40, s21, s18, $0xb8;
	[tilespmem:$0x1BB00] =	vst v63  }
0xfb: {  	_ =	swait.ge [sflag:s11], $0x2000  }
0xfc: {  	[sflag:s11] =	ssyncset.done $0x0  }
0xfd: {  	s14 =	simm.s32 $0x800;
	s15 =	simm.s32 $0x380;
	[sflag:s11] =	ssyncadd.s32 $0xFFFFE000  }
.LBB2_5:
0xfe: {  	[tilespmem:s29], [sflag:$0x4] =	stream.indirect.gather [hbm4b:s4+s18], $0x40, s15, s18, $0xb8;
	[tilespmem:$0x1BB00] =	vst v63  }
0xff: {  	s15 =	smov.u32 s14  }
0x100: {  	p3 =	sne.s32 s14, $0x12800;
	s14 =	sadd.s32 $0x800, s14;
	_ =	swait.ge [sflag:s30], $0x2000  }
0x101: {  	s15 =	sshra.s32 s15, $0x2;
	[sflag:s30] =	ssyncset.done $0x0  }
0x102: {  	s20 =	sadd.s32 $0x4E80, s15;
	[sflag:s30] =	ssyncadd.s32 $0xFFFFE000  }
0x103: {  	[spmem:s2] =	stream.indirect.scatter.add.f32 [tilespmem:s16], [sflag:$0x5], $0x40, s20, s18, $0xb8;
	[tilespmem:$0x1BB00] =	vst v63  }
0x104: {  	_ =	swait.ge [sflag:s31], $0x2000  }
0x105: {  	[sflag:s31] =	ssyncset.done $0x0  }
0x106: {  	s20 =	sadd.s32 $0x200, s15;
	[sflag:s31] =	ssyncadd.s32 $0xFFFFE000  }
0x107: {  	[tilespmem:s16], [sflag:$0x1] =	stream.indirect.gather [hbm4b:s4+s18], $0x40, s20, s18, $0xb8;
	[tilespmem:$0x1BB00] =	vst v63  }
0x108: {  	_ =	swait.ge [sflag:s1], $0x2000  }
0x109: {  	[sflag:s1] =	ssyncset.done $0x0  }
0x10a: {  	s20 =	sadd.s32 $0x4F00, s15;
	[sflag:s1] =	ssyncadd.s32 $0xFFFFE000  }
0x10b: {  	[spmem:s2] =	stream.indirect.scatter.add.f32 [tilespmem:s19], [sflag:$0x6], $0x40, s20, s18, $0xb8;
	[tilespmem:$0x1BB00] =	vst v63  }
0x10c: {  	_ =	swait.ge [sflag:s3], $0x2000  }
0x10d: {  	[sflag:s3] =	ssyncset.done $0x0  }
0x10e: {  	s20 =	sadd.s32 $0x280, s15;
	[sflag:s3] =	ssyncadd.s32 $0xFFFFE000  }
0x10f: {  	[tilespmem:s19], [sflag:$0x2] =	stream.indirect.gather [hbm4b:s4+s18], $0x40, s20, s18, $0xb8;
	[tilespmem:$0x1BB00] =	vst v63  }
0x110: {  	_ =	swait.ge [sflag:s25], $0x2000  }
0x111: {  	[sflag:s25] =	ssyncset.done $0x0  }
0x112: {  	s20 =	sadd.s32 $0x4F80, s15;
	[sflag:s25] =	ssyncadd.s32 $0xFFFFE000  }
0x113: {  	[spmem:s2] =	stream.indirect.scatter.add.f32 [tilespmem:s26], [sflag:$0x7], $0x40, s20, s18, $0xb8;
	[tilespmem:$0x1BB00] =	vst v63  }
0x114: {  	_ =	swait.ge [sflag:s28], $0x2000  }
0x115: {  	[sflag:s28] =	ssyncset.done $0x0  }
0x116: {  	s20 =	sadd.s32 $0x300, s15;
	[sflag:s28] =	ssyncadd.s32 $0xFFFFE000  }
0x117: {  	[tilespmem:s26], [sflag:$0x3] =	stream.indirect.gather [hbm4b:s4+s18], $0x40, s20, s18, $0xb8;
	[tilespmem:$0x1BB00] =	vst v63  }
0x118: {  	_ =	swait.ge [sflag:s0], $0x2000  }
0x119: {  	[sflag:s0] =	ssyncset.done $0x0  }
.Ltmp7:
0x11a: {  	s20 =	sadd.s32 $0x5000, s15;
	[sflag:s0] =	ssyncadd.s32 $0xFFFFE000;
	(pc) =	sbr.rel @p3 .LBB2_5-.Ltmp7, $4  }
0x11b: {  	[spmem:s2] =	stream.indirect.scatter.add.f32 [tilespmem:s29], [sflag:$0x8], $0x40, s20, s18, $0xb8;
	[tilespmem:$0x1BB00] =	vst v63  }
0x11c: {  	_ =	swait.ge [sflag:s11], $0x2000  }
0x11d: {  	[sflag:s11] =	ssyncset.done $0x0  }
0x11e: {  	s15 =	sadd.s32 $0x380, s15;
	[sflag:s11] =	ssyncadd.s32 $0xFFFFE000  }
0x11f: {  	[tilespmem:s29], [sflag:$0x4] =	stream.indirect.gather [hbm4b:s4+s18], $0x40, s15, s18, $0xb8;
	[tilespmem:$0x1BB00] =	vst v63  }
0x120: {  	_ =	swait.ge [sflag:s30], $0x2000  }
0x121: {  	[sflag:s30] =	ssyncset.done $0x0  }
0x122: {  	s14 =	simm.s32 $0x9A80;
	[sflag:s30] =	ssyncadd.s32 $0xFFFFE000  }
0x123: {  	[spmem:s2] =	stream.indirect.scatter.add.f32 [tilespmem:s16], [sflag:$0x5], $0x40, s14, s18, $0xb8;
	[tilespmem:$0x1BB00] =	vst v63  }
0x124: {  	_ =	swait.ge [sflag:s1], $0x2000  }
0x125: {  	[sflag:s1] =	ssyncset.done $0x0  }
0x126: {  	s15 =	simm.s32 $0x9B00;
	[sflag:s1] =	ssyncadd.s32 $0xFFFFE000  }
0x127: {  	[spmem:s2] =	stream.indirect.scatter.add.f32 [tilespmem:s19], [sflag:$0x6], $0x40, s15, s18, $0xb8;
	[tilespmem:$0x1BB00] =	vst v63  }
0x128: {  	_ =	swait.ge [sflag:s25], $0x2000  }
0x129: {  	[sflag:s25] =	ssyncset.done $0x0  }
0x12a: {  	s20 =	simm.s32 $0x9B80;
	[sflag:s25] =	ssyncadd.s32 $0xFFFFE000  }
0x12b: {  	[spmem:s2] =	stream.indirect.scatter.add.f32 [tilespmem:s26], [sflag:$0x7], $0x40, s20, s18, $0xb8;
	[tilespmem:$0x1BB00] =	vst v63  }
0x12c: {  	_ =	swait.ge [sflag:s0], $0x2000  }
0x12d: {  	[sflag:s0] =	ssyncset.done $0x0  }
0x12e: {  	s21 =	simm.s32 $0x9C00;
	[sflag:s0] =	ssyncadd.s32 $0xFFFFE000  }
0x12f: {  	[spmem:s2] =	stream.indirect.scatter.add.f32 [tilespmem:s29], [sflag:$0x8], $0x40, s21, s18, $0xb8;
	[tilespmem:$0x1BB00] =	vst v63  }
0x130: {  	_ =	swait.ge [sflag:s31], $0x2000  }
0x131: {  	[sflag:s31] =	ssyncset.done $0x0  }
0x132: {  	[sflag:s31] =	ssyncadd.s32 $0xFFFFE000  }
0x133: {  	_ =	swait.ge [sflag:s3], $0x2000  }
0x134: {  	[sflag:s3] =	ssyncset.done $0x0  }
0x135: {  	[sflag:s3] =	ssyncadd.s32 $0xFFFFE000  }
0x136: {  	_ =	swait.ge [sflag:s28], $0x2000  }
.Ltmp8:
0x137: {  	[sflag:s28] =	ssyncset.done $0x0;
	(pc) =	sbr.rel @p2 .LBB2_10-.Ltmp8, $4  }
.Ltmp9:
0x138: {  	[sflag:s28] =	ssyncadd.s32 $0xFFFFE000;
	(pc) =	sbr.rel @!p2 .LBB2_11-.Ltmp9, $4  }
0x139: {  	_ =	swait.ge [sflag:s11], $0x2000  }
0x13a: {  	[sflag:s11] =	ssyncset.done $0x0  }
0x13b: {  	s14 =	smov.u32 s4;
	[sflag:s11] =	ssyncadd.s32 $0xFFFFE000  }
0x13c: {  	_ = 	snop  }
.LBB2_12:
0x13d: {  	_ =	sfence.sel $0x180000  }
0x13e: {  	[bflag:$0x0] =	sbarrier.arrive $0xFFFF  }
0x13f: {  	_ =	strace $0x9000004A  }
0x140: {  	s0 =	stileid.u32;
	[bflag:$0x2] =	sbarrier.arrive $0xFFFF  }
0x141: {  	p0 =	sne.s32 s0, $0x0;
	s0 =	rddreg [dreg:$0x2]  }
0x142: {  	s0 =	sadd.s32 @!p0 $0x100000, s0  }
0x143: {  	[sflag:s0] =	ssyncadd.tile.s32 @!p0 $0x1;
	_ =	shalt  }
.Lfunc_end2:
_tile_overlayer_lowered:
.L_overlay_start_2:
0x144: {  	(tag) =	ssettag $0x2  }
0x145: {  	s0 =	rddreg [dreg:$0x0];
	s2 =	stileid.u32  }
0x146: {  	s1 =	rddreg [dreg:$0x1];
	p0 =	sne.s32 s2, $0x0  }
0x147: {  	s3 =	rddreg [dreg:$0x2];
	[bflag:$0x3] =	sbarrier.arrive $0xFFFF;
	s2 =	simm.s32 @!p0 $0x1C09  }
0x148: {  	[timem:s3], [sflag:s2] =	dma.local @!p0 [hbm:s0], s1  }
0x149: {  	s0 =	simm.s32 @!p0 $0x9  }
0x14a: {  	_ =	swait.ge @!p0 [sflag:s0], s1  }
0x14b: {  	s1 =	ssub.s32 @!p0 $0x0, s1;
	[sflag:s0] =	ssyncset.done @!p0 $0x0  }
0x14c: {  	[sflag:s0] =	ssyncadd.s32 @!p0 s1  }
0x14d: {  	[bflag:$0x3] =	sbarrier.arrive $0xFFFF  }
0x14e: {  	_ =	shalt  }

// kernel: kernel.14.cloned.1.call-start
scs
__scs_entry_jumppad:
0x0: {  	(pc) =	sbr.rel $0x88, $3  }
0x1: {  	(tag) =	ssettag $0x0;
	lr =	simm.s32 $0x1  }
0x2: {  	[smem:$0x3F99] =	sst lr;
	_ =	strace $0xD0000000  }
0x3: {  	_ = 	snop  }
0x4: {  	_ = 	snop  }
0x5: {  	_ = 	snop  }
0x6: {  	_ = 	snop  }
0x7: {  	_ = 	snop  }
__scs_overlays_trampoline_lowered:
0x8: {  	[smem:$0x3FA8] =	sst s0  }
0x9: {  	[smem:$0x3FA9] =	sst s1  }
0xa: {  	[smem:$0x3FAA] =	sst s2  }
0xb: {  	[smem:$0x3FAB] =	sst s3  }
0xc: {  	[smem:$0x3FAC] =	sst s4  }
0xd: {  	[smem:$0x3FAD] =	sst s5  }
0xe: {  	[smem:$0x3FAE] =	sst s6  }
0xf: {  	[smem:$0x3FAF] =	sst s7  }
0x10: {  	[smem:$0x3FB0] =	sst s8  }
0x11: {  	[smem:$0x3FB1] =	sst s9;
	s0 =	simm.s32 @!p0 $0x0  }
0x12: {  	s1 =	sld [smem:$0x3F97];
	s0 =	simm.s32 @p0 $0x1  }
0x13: {  	[smem:$0x3FB2] =	sst s0;
	s0 =	simm.s32 @!p1 $0x0  }
0x14: {  	s2 =	sld [smem:$0x3F96];
	s0 =	simm.s32 @p1 $0x1  }
0x15: {  	[smem:$0x3FB3] =	sst s0;
	s0 =	simm.s32 @!p2 $0x0  }
0x16: {  	s3 =	sld [smem:$0x3FDB];
	s0 =	simm.s32 @p2 $0x1  }
0x17: {  	s4 =	simm.s32 $0x1BF5;
	[smem:$0x3FB5] =	sst s0  }
0x18: {  	s0 =	sld [smem:$0x3F98];
	_ =	swait.ge [sflag:s4], $0x0  }
0x19: {  	s7 =	sld [smem:$0x3F99]  }
0x1a: {  	s8 =	sadd.s32 $0xFFFFE003, lr  }
0x1b: {  	s9 =	sadd.s32 $0xFFFFFEF7, lr;
	s5 =	simm.s32 $0xFFFFFFFF;
	p2 =	slt.u32 s8, $0xFFFFF086  }
0x1c: {  	p1 =	slt.u32 s9, $0xF7A;
	s5 =	simm.s32 @!p2 $0x0  }
0x1d: {  	s5 =	simm.s32 @p1 $0x1;
	p0 =	seq.s32 s7, s2  }
0x1e: {  	s7 =	smul.u32 @!p0 $0xF7A, s2;
	p2 =	seq.s32 @!p0 s5, $0x0  }
0x1f: {  	s9 =	smul.u32 $0xF7A, s1;
	s8 =	simm.s32 @!p0 $0x1BF5;
	p2 =	por !p2, p0  }
0x20: {  	[sflag:s8] =	ssyncset.s32 @!p0 $0xFFFFF086;
	s6 =	sadd.s32 @!p0 s3, s7;
	s7 =	simm.s32 @!p0 $0x108  }
0x21: {  	s3 =	sadd.s32 s3, s9;
	s6 =	sadd.s32 @!p0 $0x88, s6;
	s7 =	simm.s32 @p2 $0x1082  }
0x22: {  	[simem:s7], [sflag:s8] =	dma.local @!p0 [hbm:s6], $0xF7A  }
0x23: {  	s9 =	sor.u32 $0xD0000000, s2;
	s6 =	simm.s32 $0x108;
	_ =	swait.ge @!p0 [sflag:s8], $0x0  }
0x24: {  	s3 =	sadd.s32 $0x88, s3;
	s6 =	simm.s32 @!p1 $0x1082;
	[sflag:s4] =	ssyncset.s32 $0xFFFFF086  }
0x25: {  	[simem:s6], [sflag:s4] =	dma.local [hbm:s3], $0xF7A  }
0x26: {  	[smem:$0x3F99] =	sst s1;
	(tag) =	ssettag s2;
	_ =	strace s9  }
0x27: {  	s1 =	sld [smem:$0x3FA9]  }
0x28: {  	s2 =	sld [smem:$0x3FAA]  }
0x29: {  	s4 =	sld [smem:$0x3FAC]  }
0x2a: {  	p0 =	seq.s32 s5, $0x0;
	s5 =	sld [smem:$0x3FAD]  }
0x2b: {  	s6 =	sld [smem:$0x3FAE]  }
0x2c: {  	s7 =	sld [smem:$0x3FAF]  }
0x2d: {  	s3 =	simm.s32 $0x108;
	s8 =	sld [smem:$0x3FB0]  }
0x2e: {  	s3 =	simm.s32 @!p0 $0x1082;
	s9 =	sld [smem:$0x3FB1]  }
0x2f: {  	lr =	sadd.s32 s0, s3;
	s0 =	sld [smem:$0x3FA8]  }
0x30: {  	s3 =	sld [smem:$0x3FAB]  }
0x31: {  	[smem:$0x3FB4] =	sst s10  }
0x32: {  	s10 =	sld [smem:$0x3FB2];
	_ =	sdelay $0x3  }
0x33: {  	p0 =	seq.s32 s10, $0x1;
	s10 =	sld [smem:$0x3FB4];
	_ =	sdelay $0x3  }
0x34: {  	[smem:$0x3FB4] =	sst s10  }
0x35: {  	s10 =	sld [smem:$0x3FB3];
	_ =	sdelay $0x3  }
0x36: {  	p1 =	seq.s32 s10, $0x1;
	s10 =	sld [smem:$0x3FB4];
	_ =	sdelay $0x3  }
0x37: {  	[smem:$0x3FB4] =	sst s10  }
0x38: {  	s10 =	sld [smem:$0x3FB5]  }
0x39: {  	_ = 	snop;
	(pc) =	sbr.ind lr, $3  }
0x3a: {  	_ = 	snop  }
0x3b: {  	_ = 	snop  }
0x3c: {  	p2 =	seq.s32 s10, $0x1;
	s10 =	sld [smem:$0x3FB4]  }
0x3d: {  	_ =	shalt  }
0x3e: {  	_ =	shalt  }
0x3f: {  	_ =	shalt  }
0x40: {  	_ =	shalt  }
0x41: {  	_ =	shalt  }
0x42: {  	_ =	shalt  }
0x43: {  	_ =	shalt  }
0x44: {  	_ =	shalt  }
0x45: {  	_ =	shalt  }
0x46: {  	_ =	shalt  }
0x47: {  	_ =	shalt  }
0x48: {  	_ =	shalt  }
0x49: {  	_ =	shalt  }
0x4a: {  	_ =	shalt  }
0x4b: {  	_ =	shalt  }
0x4c: {  	_ =	shalt  }
0x4d: {  	_ =	shalt  }
0x4e: {  	_ =	shalt  }
0x4f: {  	_ =	shalt  }
0x50: {  	_ =	shalt  }
0x51: {  	_ =	shalt  }
0x52: {  	_ =	shalt  }
0x53: {  	_ =	shalt  }
0x54: {  	_ =	shalt  }
0x55: {  	_ =	shalt  }
0x56: {  	_ =	shalt  }
0x57: {  	_ =	shalt  }
0x58: {  	_ =	shalt  }
0x59: {  	_ =	shalt  }
0x5a: {  	_ =	shalt  }
0x5b: {  	_ =	shalt  }
0x5c: {  	_ =	shalt  }
0x5d: {  	_ =	shalt  }
0x5e: {  	_ =	shalt  }
0x5f: {  	_ =	shalt  }
0x60: {  	_ =	shalt  }
0x61: {  	_ =	shalt  }
0x62: {  	_ =	shalt  }
0x63: {  	_ =	shalt  }
0x64: {  	_ =	shalt  }
0x65: {  	_ =	shalt  }
0x66: {  	_ =	shalt  }
0x67: {  	_ =	shalt  }
0x68: {  	_ =	shalt  }
0x69: {  	_ =	shalt  }
0x6a: {  	_ =	shalt  }
0x6b: {  	_ =	shalt  }
0x6c: {  	_ =	shalt  }
0x6d: {  	_ =	shalt  }
0x6e: {  	_ =	shalt  }
0x6f: {  	_ =	shalt  }
0x70: {  	_ =	shalt  }
0x71: {  	_ =	shalt  }
0x72: {  	_ =	shalt  }
0x73: {  	_ =	shalt  }
0x74: {  	_ =	shalt  }
0x75: {  	_ =	shalt  }
0x76: {  	_ =	shalt  }
0x77: {  	_ =	shalt  }
0x78: {  	_ =	shalt  }
0x79: {  	_ =	shalt  }
0x7a: {  	_ =	shalt  }
0x7b: {  	_ =	shalt  }
0x7c: {  	_ =	shalt  }
0x7d: {  	_ =	shalt  }
0x7e: {  	_ =	shalt  }
0x7f: {  	_ =	shalt  }
0x80: {  	_ =	shalt  }
0x81: {  	_ =	shalt  }
0x82: {  	_ =	shalt  }
0x83: {  	_ =	shalt  }
0x84: {  	_ =	shalt  }
0x85: {  	_ =	shalt  }
0x86: {  	_ =	shalt  }
0x87: {  	_ =	shalt  }
.Lfunc_end0:
.L_simem_size_0:
called_computation.2_lowered:
.L_overlay_start_0:
0x88: {  	s2 =	sld [smem:$0x3FD9]  }
0x89: {  	s3 =	sld [smem:$0x3FFE];
	_ =	sdelay $0x1  }
0x8a: {  	s1 =	srdreg.scid  }
0x8b: {  	s0 =	sand.u32 $0x1, s1  }
0x8c: {  	s16 =	sshll.u32 s0, $0xA;
	s2 =	sadd.s32 s3, s2  }
0x8d: {  	s2 =	sadd.s32 s2, s16  }
0x8e: {  	[smem:$0x3FC0] =	sst s2  }
0x8f: {  	_ = 	snop  }
0x90: {  	(tm) =	ssettm $0x1  }
0x91: {  	s17 =	sld [smem:$0x3FFB];
	_ =	sdelay $0x3  }
0x92: {  	_ =	strace s17  }
0x93: {  	s2 =	sld [smem:$0x3FFC];
	_ =	sdelay $0x3  }
0x94: {  	_ =	strace s2  }
0x95: {  	s2 =	sld [smem:$0x3FFD];
	_ =	sdelay $0x3  }
0x96: {  	_ =	strace s2  }
0x97: {  	_ =	strace $0x8FFFFFFF  }
0x98: {  	s18 =	sld [smem:$0x3FDB];
	_ =	sdelay $0x1  }
0x99: {  	s19 =	simm.s32 $_scs_section_size  }
0x9a: {  	s4 =	simm.s32 $_size__tile_overlayer_lowered;
	s5 =	simm.s32 $_tile_overlayer_lowered  }
0x9b: {  	s22 =	simm.s32 $0x1BFF;
	s21 =	sshll.u32 s5, $0x1;
	s2 =	sadd.s32 s19, s18  }
0x9c: {  	s6 =	simm.s32 $0x0;
	s20 =	sshll.u32 s4, $0x1;
	s4 =	sadd.s32 s21, s2  }
0x9d: {  	[timem:s6], [sflag:s22] =	dma.local [hbm:s4], s20  }
0x9e: {  	_ =	swait.ge [sflag:s22], s20  }
0x9f: {  	s3 =	ssub.s32 $0x0, s20;
	[sflag:s22] =	ssyncset.done $0x0  }
0xa0: {  	[sflag:s22] =	ssyncadd.s32 s3;
	_ =	sdelay $0x1  }
0xa1: {  	s23 =	simm.s32 $0x1B8B  }
0xa2: {  	_ =	swait.ge [sflag:s23], $0x1  }
0xa3: {  	[sflag:s23] =	ssyncset.done $0x0  }
0xa4: {  	s25 =	simm.s32 $0x1B8E;
	s24 =	sld [smem:$0x3FFE];
	[sflag:s23] =	ssyncadd.s32 $0xFFFFFFFF  }
0xa5: {  	s26 =	simm.s32 $execute0_lowered;
	[smem:$0x3FD2] =	sst s25  }
0xa6: {  	s4 =	sshll.u32 s26, $0x1;
	_ =	strace $0x8000004C;
	[dreg:$0x1] =	wrdreg $0xFFFFFFFF  }
0xa7: {  	s28 =	simm.s32 $_size_execute0_lowered;
	s2 =	sadd.s32 s2, s4;
	[dreg:$0x0] =	wrdreg $0x0  }
0xa8: {  	s4 =	sshll.u32 s28, $0x1;
	[dreg:$0x2] =	wrdreg s2  }
0xa9: {  	[dreg:$0x3] =	wrdreg s4  }
0xaa: {  	[dreg:$0x4] =	wrdreg $0xC0  }
0xab: {  	_ =	task [dreg:s6], $0x5FFFF  }
0xac: {  	[dreg:$0x1] =	wrdreg $0xFFFFFFFF  }
0xad: {  	[dreg:$0x0] =	wrdreg $0x60  }
0xae: {  	[dreg:$0x2] =	wrdreg s24  }
0xaf: {  	[dreg:$0x3] =	wrdreg $0x6F000  }
0xb0: {  	[dreg:$0x4] =	wrdreg $0x96800  }
0xb1: {  	[dreg:$0x5] =	wrdreg $0x9  }
0xb2: {  	_ =	task.clear_ibuf [dreg:s6], $0x6FFFF;
	_ =	strace $0x9000004C  }
0xb3: {  	s29 =	simm.s32 $0x9;
	_ =	strace $0x8000004E  }
0xb4: {  	_ =	swait.ge [sflag:s29], $0x1  }
0xb5: {  	[sflag:s29] =	ssyncadd.s32 $0xFFFFFFFF  }
0xb6: {  	_ =	strace $0x9000004E  }
0xb7: {  	_ =	sfence  }
0xb8: {  	s30 =	sld [smem:$0x0];
	_ =	sdelay $0x2  }
0xb9: {  	s31 =	sshll.u32 s1, $0xD;
	s1 =	sshrl.u32 s1, $0x2  }
0xba: {  	s3 =	sand.u32 $0x4000, s31;
	s1 =	sadd.s32 s1, s30  }
0xbb: {  	s0 =	sor.u32 s3, s0;
	s1 =	sshll.u32 s1, $0x11  }
0xbc: {  	s0 =	sor.u32 s1, s0  }
0xbd: {  	s0 =	sadd.s32 $0x8F2B, s0  }
0xbe: {  	[sflag:s0] =	ssyncadd.remote.s32 $0x1  }
0xbf: {  	_ =	sfence.sel $0xFFFF  }
0xc0: {  	[dreg:$0x0] =	wrdreg $0xFFFFFFFF;
	(pc) =	sbr.abs _section_cstart, $3  }
0xc1: {  	[dreg:$0x1] =	wrdreg $0xFFFFFFFF  }
0xc2: {  	_ =	task.clear_ibuf [dreg:s6], $0x2FFFF;
	_ =	strace $0x9FFFFFFF  }
0xc3: {  	(tm) =	ssettm $0x7FFFFFFF  }
tec
execute0_lowered:
.L_overlay_start_1:
0x0: {  	(tag) =	ssettag $0x1  }
0x1: {  	s0 =	srdreg.scid;
	s1 =	rddreg [dreg:$0x0]  }
0x2: {  	s18 =	stileid.u32;
	s2 =	rddreg [dreg:$0x1]  }
0x3: {  	s6 =	simm.s32 $0x0;
	s0 =	sand.u32 $0x1, s0;
	s3 =	sshll.u32 s18, $0x1  }
0x4: {  	[smem:$0x7FF] =	sst s6;
	s10 =	smul.u32 $0x2780, s18;
	s11 =	sadd.s32 $0x15C00, s1  }
0x5: {  	p0 =	seq.s32 s18, $0xF;
	p1 =	sgt.u32 s18, $0x1;
	s18 =	simm.s32 $0x6700  }
0x6: {  	s4 =	sor.u32 s0, s3;
	s3 =	rddreg [dreg:$0x2];
	s26 =	smul.u32 $0x4F00, s0  }
0x7: {  	_ =	strace $0x8000004D;
	s0 =	ssub.s32 $0x2, s0;
	s5 =	smul.u32 $0x4E, s4  }
0x8: {  	s4 =	smin.u32 s4, $0x4;
	s28 =	sshrl.u32 s0, $0x1;
	s13 =	sadd.s32 $0x800, s10  }
0x9: {  	s14 =	sadd.s32 $0x1000, s10;
	s15 =	sadd.s32 $0x1800, s10;
	s16 =	sadd.s32 $0x2000, s10  }
0xa: {  	s17 =	sadd.s32 s10, s3;
	s12 =	sadd.s32 s26, s1;
	s0 =	ssub.s32 s0, s28  }
0xb: {  	s6 =	sadd.s32 s13, s2;
	s7 =	sadd.s32 s14, s2;
	s8 =	sadd.s32 s15, s2  }
0xc: {  	s9 =	sadd.s32 s16, s2;
	s29 =	sadd.s32 s13, s3;
	s19 =	sshrl.u32 s13, $0x3  }
0xd: {  	s30 =	sadd.s32 s14, s3;
	s20 =	sshrl.u32 s14, $0x3;
	[dreg:$0x6] =	wrdreg s19  }
0xe: {  	s31 =	sadd.s32 s15, s3;
	s21 =	sshrl.u32 s15, $0x3;
	[dreg:$0x7] =	wrdreg s20  }
0xf: {  	s15 =	sadd.s32 s16, s3;
	s16 =	sshrl.u32 s16, $0x3;
	[dreg:$0x8] =	wrdreg s21  }
0x10: {  	s28 =	sshrl.u32 s17, $0x3;
	s4 =	sadd.s32 s4, s5;
	[dreg:$0x9] =	wrdreg s16  }
0x11: {  	s5 =	sadd.s32 s10, s2;
	s10 =	sshrl.u32 s10, $0x3;
	[dreg:$0x13] =	wrdreg s28  }
0x12: {  	s17 =	simm.s32 $0x5700;
	s19 =	sadd.s32 s11, s19;
	[dreg:$0x4] =	wrdreg s10  }
0x13: {  	s13 =	simm.s32 $0x3;
	s22 =	sadd.s32 s11, s20;
	[dreg:$0xa] =	wrdreg s19  }
0x14: {  	s14 =	simm.s32 $0x8;
	s23 =	sadd.s32 s11, s21;
	[dreg:$0xb] =	wrdreg s22  }
0x15: {  	s0 =	smax.u32 s0, $0x1;
	s29 =	sshrl.u32 s29, $0x3;
	[dreg:$0xc] =	wrdreg s23  }
0x16: {  	s30 =	sshrl.u32 s30, $0x3;
	s31 =	sshrl.u32 s31, $0x3;
	[dreg:$0x12] =	wrdreg s0  }
0x17: {  	s20 =	simm.s32 $0x5;
	s21 =	simm.s32 $0x6;
	[dreg:$0x14] =	wrdreg s29  }
0x18: {  	s4 =	sshll.u32 s4, $0x4;
	s10 =	sadd.s32 s11, s10;
	[dreg:$0x15] =	wrdreg s30  }
0x19: {  	s11 =	sadd.s32 s11, s16;
	s0 =	sadd.s32 $0x27000, s3;
	[dreg:$0x16] =	wrdreg s31  }
0x1a: {  	s16 =	simm.s32 $0x80;
	s19 =	simm.s32 $0x1;
	[dreg:$0x5] =	wrdreg s10  }
0x1b: {  	s23 =	simm.s32 $0x7;
	s4 =	sadd.s32 s4, s1;
	[dreg:$0xd] =	wrdreg s11  }
0x1c: {  	s1 =	sadd.s32 $0x1AA00, s1;
	s11 =	simm.s32 $0x9;
	s10 =	simm.s32 $0x5F00  }
0x1d: {  	[dreg:$0xe] =	wrdreg s1;
	s24 =	sadd.s32 $0x2200, s4;
	s22 =	sadd.s32 $0xBE40, s4  }
0x1e: {  	s25 =	sadd.s32 $0x26E0, s4;
	s26 =	sadd.s32 $0xC320, s4;
	[dreg:$0xf] =	wrdreg s24  }
0x1f: {  	s1 =	sshrl.u32 @p0 s0, $0x3;
	s4 =	sshrl.u32 @!p0 s15, $0x3;
	[dreg:$0x10] =	wrdreg s25  }
0x20: {  	s0 =	simm.s32 $0x4F00;
	[dreg:$0x11] =	wrdreg s26;
	s25 =	sadd.s32 $0x6EA00, s12  }
0x21: {  	v0 =	vimm.f32 $0.0e+00;
	s12 =	simm.s32 $0x2;
	s24 =	simm.s32 $0x4;
	s26 =	simm.s32 $0x0  }
.LBB2_1:
0x22: {  	s15 =	simm.s32 $0x40;
	s28 =	simm.s32 $0x0  }
.LBB2_2:
0x23: {  	p2 =	sne.s32 s15, $0x1FC0;
	[tilespmem:s28+$0x4F00] =	vst v0;
	s28 =	smov.u32 s15;
	s15 =	sadd.s32 $0x40, s15  }
.Ltmp0:
0x24: {  	(pc) =	sbr.rel @p2 .LBB2_2-.Ltmp0, $2  }
0x25: {  	_ =	sdelay $0x2  }
0x26: {  	s28 =	sshra.s32 s28, $0x2  }
0x27: {  	[tilespmem:s28+$0x4F00] =	vst v0  }
0x28: {  	[spmem:s5] =	stream.linear.scatter [tilespmem:s0], [sflag:$0x9], $0x800, $0x38;
	[tilespmem:$0xBD90] =	vst v63  }
0x29: {  	_ =	swait.ge [sflag:s11], $0x800  }
0x2a: {  	[sflag:s11] =	ssyncset.done $0x0  }
0x2b: {  	[sflag:s11] =	ssyncadd.s32 $0xFFFFF800  }
0x2c: {  	[spmem:s6] =	stream.linear.scatter [tilespmem:s0], [sflag:$0x9], $0x800, $0x38;
	[tilespmem:$0xBD90] =	vst v63  }
0x2d: {  	_ =	swait.ge [sflag:s11], $0x800  }
0x2e: {  	[sflag:s11] =	ssyncset.done $0x0  }
0x2f: {  	[sflag:s11] =	ssyncadd.s32 $0xFFFFF800  }
0x30: {  	[spmem:s7] =	stream.linear.scatter [tilespmem:s0], [sflag:$0x9], $0x800, $0x38;
	[tilespmem:$0xBD90] =	vst v63  }
0x31: {  	_ =	swait.ge [sflag:s11], $0x800  }
0x32: {  	[sflag:s11] =	ssyncset.done $0x0  }
0x33: {  	[sflag:s11] =	ssyncadd.s32 $0xFFFFF800  }
0x34: {  	[spmem:s8] =	stream.linear.scatter [tilespmem:s0], [sflag:$0x9], $0x800, $0x38;
	[tilespmem:$0xBD90] =	vst v63  }
0x35: {  	_ =	swait.ge [sflag:s11], $0x800  }
0x36: {  	[sflag:s11] =	ssyncset.done $0x0  }
0x37: {  	[sflag:s11] =	ssyncadd.s32 $0xFFFFF800  }
0x38: {  	[spmem:s9] =	stream.linear.scatter [tilespmem:s0], [sflag:$0x9], $0x780, $0x38;
	[tilespmem:$0xBD90] =	vst v63  }
0x39: {  	s15 =	stileid.u32;
	_ =	swait.ge [sflag:s11], $0x780  }
0x3a: {  	s15 =	sshll.u32 s15, $0x6;
	[sflag:s11] =	ssyncset.done $0x0;
	s28 =	rddreg [dreg:$0x5]  }
0x3b: {  	s15 =	sor.u32 $0x1C09, s15;
	s29 =	rddreg [dreg:$0x13];
	[sflag:s11] =	ssyncadd.s32 $0xFFFFF880  }
0x3c: {  	[spmem:s29], [sflag:s15] =	dma.local [hbm:s28], $0x100  }
0x3d: {  	_ =	swait.ge [sflag:s11], $0x100  }
0x3e: {  	[sflag:s11] =	ssyncset.done $0x0;
	s28 =	rddreg [dreg:$0xa]  }
0x3f: {  	s29 =	rddreg [dreg:$0x14];
	[sflag:s11] =	ssyncadd.s32 $0xFFFFFF00  }
0x40: {  	[spmem:s29], [sflag:s15] =	dma.local [hbm:s28], $0x100  }
0x41: {  	_ =	swait.ge [sflag:s11], $0x100  }
0x42: {  	[sflag:s11] =	ssyncset.done $0x0;
	s28 =	rddreg [dreg:$0xb]  }
0x43: {  	s29 =	rddreg [dreg:$0x15];
	[sflag:s11] =	ssyncadd.s32 $0xFFFFFF00  }
0x44: {  	[spmem:s29], [sflag:s15] =	dma.local [hbm:s28], $0x100  }
0x45: {  	_ =	swait.ge [sflag:s11], $0x100  }
0x46: {  	[sflag:s11] =	ssyncset.done $0x0;
	s28 =	rddreg [dreg:$0xc]  }
0x47: {  	s29 =	rddreg [dreg:$0x16];
	[sflag:s11] =	ssyncadd.s32 $0xFFFFFF00  }
0x48: {  	[spmem:s29], [sflag:s15] =	dma.local [hbm:s28], $0x100  }
0x49: {  	_ =	swait.ge [sflag:s11], $0x100  }
0x4a: {  	[sflag:s11] =	ssyncset.done $0x0  }
0x4b: {  	s28 =	rddreg [dreg:$0xe];
	[sflag:s11] =	ssyncadd.s32 $0xFFFFFF00  }
0x4c: {  	[spmem:s1], [sflag:s15] =	dma.local @p0 [hbm:s28], $0x20  }
0x4d: {  	s28 =	simm.s32 @p0 $0x9  }
0x4e: {  	_ =	swait.ge @p0 [sflag:s28], $0x20  }
0x4f: {  	[sflag:s28] =	ssyncset.done @p0 $0x0  }
0x50: {  	[sflag:s28] =	ssyncadd.s32 @p0 $0xFFFFFFE0;
	s28 =	rddreg [dreg:$0xd]  }
0x51: {  	[spmem:s4], [sflag:s15] =	dma.local @!p0 [hbm:s28], $0xF0  }
0x52: {  	s28 =	simm.s32 @!p0 $0x9  }
0x53: {  	_ =	swait.ge @!p0 [sflag:s28], $0xF0  }
0x54: {  	[sflag:s28] =	ssyncset.done @!p0 $0x0  }
0x55: {  	[sflag:s28] =	ssyncadd.s32 @!p0 $0xFFFFFF10  }
0x56: {  	[bflag:$0x0] =	sbarrier.arrive $0xFFFF  }
0x57: {  	s28 =	simm.s32 $0x0;
	s29 =	rddreg [dreg:$0xf]  }
0x58: {  	[tilespmem:s28], [sflag:$0x9] =	stream.linear.gather [hbm4b:s29+s28], $0x2700, $0x38;
	[tilespmem:$0xBD90] =	vst v63  }
0x59: {  	_ =	swait.ge [sflag:s11], $0x2700  }
0x5a: {  	[sflag:s11] =	ssyncset.done $0x0  }
0x5b: {  	s28 =	simm.s32 @p1 $0x0;
	s29 =	simm.s32 @p1 $0x2780;
	[sflag:s11] =	ssyncadd.s32 $0xFFFFD900  }
0x5c: {  	[tilespmem:s29], [sflag:$0x9] =	stream.linear.gather @p1 [hbm4b:s22+s28], $0x2700, $0x38;
	[tilespmem:$0xBD90] =	vst v63  }
0x5d: {  	s28 =	simm.s32 @p1 $0x9  }
0x5e: {  	_ =	swait.ge @p1 [sflag:s28], $0x2700  }
0x5f: {  	s29 =	simm.s32 @!p1 $0x2700;
	[sflag:s28] =	ssyncset.done @p1 $0x0  }
0x60: {  	s30 =	rddreg [dreg:$0x10];
	[sflag:s28] =	ssyncadd.s32 @p1 $0xFFFFD900;
	s28 =	simm.s32 @!p1 $0x0  }
0x61: {  	[tilespmem:s29], [sflag:$0x9] =	stream.linear.gather @!p1 [hbm4b:s30+s28], $0x80, $0x38;
	[tilespmem:$0xBD90] =	vst v63  }
0x62: {  	s29 =	simm.s32 @!p1 $0x9  }
0x63: {  	_ =	swait.ge @!p1 [sflag:s29], $0x80  }
0x64: {  	[sflag:s29] =	ssyncset.done @!p1 $0x0  }
0x65: {  	s30 =	simm.s32 @!p1 $0x2780;
	[sflag:s29] =	ssyncadd.s32 @!p1 $0xFFFFFF80  }
0x66: {  	[tilespmem:s30], [sflag:$0x9] =	stream.linear.gather @!p1 [hbm4b:s22+s28], $0x2700, $0x38;
	[tilespmem:$0xBD90] =	vst v63  }
0x67: {  	_ =	swait.ge @!p1 [sflag:s29], $0x2700  }
0x68: {  	[sflag:s29] =	ssyncset.done @!p1 $0x0  }
0x69: {  	s30 =	simm.s32 @!p1 $0x4E80;
	s31 =	rddreg [dreg:$0x11];
	[sflag:s29] =	ssyncadd.s32 @!p1 $0xFFFFD900  }
0x6a: {  	[tilespmem:s30], [sflag:$0x9] =	stream.linear.gather @!p1 [hbm4b:s31+s28], $0x80, $0x38;
	[tilespmem:$0xBD90] =	vst v63  }
0x6b: {  	_ =	swait.ge @!p1 [sflag:s29], $0x80  }
0x6c: {  	[sflag:s29] =	ssyncset.done @!p1 $0x0  }
0x6d: {  	s28 =	simm.s32 $0x0;
	[sflag:s29] =	ssyncadd.s32 @!p1 $0xFFFFFF80  }
0x6e: {  	[tilespmem:s0], [sflag:$0x1] =	stream.indirect.gather [spmem:s3], $0x10, s28, s16, $0xb8;
	[tilespmem:$0xBD90] =	vst v63  }
0x6f: {  	_ = 	snop  }
0x70: {  	[tilespmem:s17], [sflag:$0x2] =	stream.indirect.gather [spmem:s3], $0x10, s16, s16, $0xb8;
	[tilespmem:$0xBD90] =	vst v63  }
0x71: {  	s28 =	simm.s32 $0x100  }
0x72: {  	[tilespmem:s10], [sflag:$0x3] =	stream.indirect.gather [spmem:s3], $0x10, s28, s16, $0xb8;
	[tilespmem:$0xBD90] =	vst v63  }
0x73: {  	s28 =	simm.s32 $0x180  }
0x74: {  	[tilespmem:s18], [sflag:$0x4] =	stream.indirect.gather [spmem:s3], $0x10, s28, s16, $0xb8;
	[tilespmem:$0xBD90] =	vst v63  }
0x75: {  	_ =	swait.ge [sflag:s19], $0x800  }
0x76: {  	[sflag:s19] =	ssyncset.done $0x0  }
0x77: {  	s28 =	simm.s32 $0x2780;
	[sflag:s19] =	ssyncadd.s32 $0xFFFFF800  }
0x78: {  	[spmem:s2] =	stream.indirect.scatter.add.f32 [tilespmem:s0], [sflag:$0x5], $0x10, s28, s16, $0xb8;
	[tilespmem:$0xBD90] =	vst v63  }
0x79: {  	_ =	swait.ge [sflag:s20], $0x800  }
0x7a: {  	[sflag:s20] =	ssyncset.done $0x0  }
0x7b: {  	s28 =	simm.s32 $0x200;
	[sflag:s20] =	ssyncadd.s32 $0xFFFFF800  }
0x7c: {  	[tilespmem:s0], [sflag:$0x1] =	stream.indirect.gather [spmem:s3], $0x10, s28, s16, $0xb8;
	[tilespmem:$0xBD90] =	vst v63  }
0x7d: {  	_ =	swait.ge [sflag:s12], $0x800  }
0x7e: {  	[sflag:s12] =	ssyncset.done $0x0  }
0x7f: {  	s28 =	simm.s32 $0x2800;
	[sflag:s12] =	ssyncadd.s32 $0xFFFFF800  }
0x80: {  	[spmem:s2] =	stream.indirect.scatter.add.f32 [tilespmem:s17], [sflag:$0x6], $0x10, s28, s16, $0xb8;
	[tilespmem:$0xBD90] =	vst v63  }
0x81: {  	_ =	swait.ge [sflag:s21], $0x800  }
0x82: {  	[sflag:s21] =	ssyncset.done $0x0  }
0x83: {  	s28 =	simm.s32 $0x280;
	[sflag:s21] =	ssyncadd.s32 $0xFFFFF800  }
0x84: {  	[tilespmem:s17], [sflag:$0x2] =	stream.indirect.gather [spmem:s3], $0x10, s28, s16, $0xb8;
	[tilespmem:$0xBD90] =	vst v63  }
0x85: {  	_ =	swait.ge [sflag:s13], $0x800  }
0x86: {  	[sflag:s13] =	ssyncset.done $0x0  }
0x87: {  	s28 =	simm.s32 $0x2880;
	[sflag:s13] =	ssyncadd.s32 $0xFFFFF800  }
0x88: {  	[spmem:s2] =	stream.indirect.scatter.add.f32 [tilespmem:s10], [sflag:$0x7], $0x10, s28, s16, $0xb8;
	[tilespmem:$0xBD90] =	vst v63  }
0x89: {  	_ =	swait.ge [sflag:s23], $0x800  }
0x8a: {  	[sflag:s23] =	ssyncset.done $0x0  }
0x8b: {  	s28 =	simm.s32 $0x300;
	[sflag:s23] =	ssyncadd.s32 $0xFFFFF800  }
0x8c: {  	[tilespmem:s10], [sflag:$0x3] =	stream.indirect.gather [spmem:s3], $0x10, s28, s16, $0xb8;
	[tilespmem:$0xBD90] =	vst v63  }
0x8d: {  	_ =	swait.ge [sflag:s24], $0x800  }
0x8e: {  	[sflag:s24] =	ssyncset.done $0x0  }
0x8f: {  	s28 =	simm.s32 $0x2900;
	[sflag:s24] =	ssyncadd.s32 $0xFFFFF800  }
0x90: {  	[spmem:s2] =	stream.indirect.scatter.add.f32 [tilespmem:s18], [sflag:$0x8], $0x10, s28, s16, $0xb8;
	[tilespmem:$0xBD90] =	vst v63  }
0x91: {  	_ =	swait.ge [sflag:s14], $0x800  }
0x92: {  	[sflag:s14] =	ssyncset.done $0x0  }
0x93: {  	s29 =	simm.s32 $0x380;
	s28 =	simm.s32 $0x800;
	[sflag:s14] =	ssyncadd.s32 $0xFFFFF800  }
.LBB2_4:
0x94: {  	[tilespmem:s18], [sflag:$0x4] =	stream.indirect.gather [spmem:s3], $0x10, s29, s16, $0xb8;
	[tilespmem:$0xBD90] =	vst v63  }
0x95: {  	s29 =	smov.u32 s28  }
0x96: {  	p2 =	sne.s32 s28, $0x8800;
	s28 =	sadd.s32 $0x800, s28;
	_ =	swait.ge [sflag:s19], $0x800  }
0x97: {  	s29 =	sshra.s32 s29, $0x2;
	[sflag:s19] =	ssyncset.done $0x0  }
0x98: {  	s30 =	sadd.s32 $0x2780, s29;
	[sflag:s19] =	ssyncadd.s32 $0xFFFFF800  }
0x99: {  	[spmem:s2] =	stream.indirect.scatter.add.f32 [tilespmem:s0], [sflag:$0x5], $0x10, s30, s16, $0xb8;
	[tilespmem:$0xBD90] =	vst v63  }
0x9a: {  	_ =	swait.ge [sflag:s20], $0x800  }
0x9b: {  	[sflag:s20] =	ssyncset.done $0x0  }
0x9c: {  	s30 =	sadd.s32 $0x200, s29;
	[sflag:s20] =	ssyncadd.s32 $0xFFFFF800  }
0x9d: {  	[tilespmem:s0], [sflag:$0x1] =	stream.indirect.gather [spmem:s3], $0x10, s30, s16, $0xb8;
	[tilespmem:$0xBD90] =	vst v63  }
0x9e: {  	_ =	swait.ge [sflag:s12], $0x800  }
0x9f: {  	[sflag:s12] =	ssyncset.done $0x0  }
0xa0: {  	s30 =	sadd.s32 $0x2800, s29;
	[sflag:s12] =	ssyncadd.s32 $0xFFFFF800  }
0xa1: {  	[spmem:s2] =	stream.indirect.scatter.add.f32 [tilespmem:s17], [sflag:$0x6], $0x10, s30, s16, $0xb8;
	[tilespmem:$0xBD90] =	vst v63  }
0xa2: {  	_ =	swait.ge [sflag:s21], $0x800  }
0xa3: {  	[sflag:s21] =	ssyncset.done $0x0  }
0xa4: {  	s30 =	sadd.s32 $0x280, s29;
	[sflag:s21] =	ssyncadd.s32 $0xFFFFF800  }
0xa5: {  	[tilespmem:s17], [sflag:$0x2] =	stream.indirect.gather [spmem:s3], $0x10, s30, s16, $0xb8;
	[tilespmem:$0xBD90] =	vst v63  }
0xa6: {  	_ =	swait.ge [sflag:s13], $0x800  }
0xa7: {  	[sflag:s13] =	ssyncset.done $0x0  }
0xa8: {  	s30 =	sadd.s32 $0x2880, s29;
	[sflag:s13] =	ssyncadd.s32 $0xFFFFF800  }
0xa9: {  	[spmem:s2] =	stream.indirect.scatter.add.f32 [tilespmem:s10], [sflag:$0x7], $0x10, s30, s16, $0xb8;
	[tilespmem:$0xBD90] =	vst v63  }
0xaa: {  	_ =	swait.ge [sflag:s23], $0x800  }
0xab: {  	[sflag:s23] =	ssyncset.done $0x0  }
0xac: {  	s30 =	sadd.s32 $0x300, s29;
	[sflag:s23] =	ssyncadd.s32 $0xFFFFF800  }
0xad: {  	[tilespmem:s10], [sflag:$0x3] =	stream.indirect.gather [spmem:s3], $0x10, s30, s16, $0xb8;
	[tilespmem:$0xBD90] =	vst v63  }
0xae: {  	_ =	swait.ge [sflag:s24], $0x800  }
0xaf: {  	[sflag:s24] =	ssyncset.done $0x0  }
.Ltmp1:
0xb0: {  	s30 =	sadd.s32 $0x2900, s29;
	[sflag:s24] =	ssyncadd.s32 $0xFFFFF800;
	(pc) =	sbr.rel @p2 .LBB2_4-.Ltmp1, $4  }
0xb1: {  	[spmem:s2] =	stream.indirect.scatter.add.f32 [tilespmem:s18], [sflag:$0x8], $0x10, s30, s16, $0xb8;
	[tilespmem:$0xBD90] =	vst v63  }
0xb2: {  	_ =	swait.ge [sflag:s14], $0x800  }
0xb3: {  	[sflag:s14] =	ssyncset.done $0x0  }
0xb4: {  	s29 =	sadd.s32 $0x380, s29;
	[sflag:s14] =	ssyncadd.s32 $0xFFFFF800  }
0xb5: {  	[tilespmem:s18], [sflag:$0x4] =	stream.indirect.gather [spmem:s3], $0x10, s29, s16, $0xb8;
	[tilespmem:$0xBD90] =	vst v63  }
0xb6: {  	_ =	swait.ge [sflag:s19], $0x800  }
0xb7: {  	[sflag:s19] =	ssyncset.done $0x0  }
0xb8: {  	s28 =	simm.s32 $0x4B80;
	[sflag:s19] =	ssyncadd.s32 $0xFFFFF800  }
0xb9: {  	[spmem:s2] =	stream.indirect.scatter.add.f32 [tilespmem:s0], [sflag:$0x5], $0x10, s28, s16, $0xb8;
	[tilespmem:$0xBD90] =	vst v63  }
0xba: {  	_ =	swait.ge [sflag:s12], $0x800  }
0xbb: {  	[sflag:s12] =	ssyncset.done $0x0  }
0xbc: {  	s29 =	simm.s32 $0x4C00;
	[sflag:s12] =	ssyncadd.s32 $0xFFFFF800  }
0xbd: {  	[spmem:s2] =	stream.indirect.scatter.add.f32 [tilespmem:s17], [sflag:$0x6], $0x10, s29, s16, $0xb8;
	[tilespmem:$0xBD90] =	vst v63  }
0xbe: {  	_ =	swait.ge [sflag:s13], $0x800  }
0xbf: {  	[sflag:s13] =	ssyncset.done $0x0  }
0xc0: {  	s30 =	simm.s32 $0x4C80;
	[sflag:s13] =	ssyncadd.s32 $0xFFFFF800  }
0xc1: {  	[spmem:s2] =	stream.indirect.scatter.add.f32 [tilespmem:s10], [sflag:$0x7], $0x10, s30, s16, $0xb8;
	[tilespmem:$0xBD90] =	vst v63  }
0xc2: {  	_ =	swait.ge [sflag:s24], $0x800  }
0xc3: {  	[sflag:s24] =	ssyncset.done $0x0  }
0xc4: {  	s31 =	simm.s32 $0x4D00;
	[sflag:s24] =	ssyncadd.s32 $0xFFFFF800  }
0xc5: {  	[spmem:s2] =	stream.indirect.scatter.add.f32 [tilespmem:s18], [sflag:$0x8], $0x10, s31, s16, $0xb8;
	[tilespmem:$0xBD90] =	vst v63  }
0xc6: {  	_ =	swait.ge [sflag:s20], $0x800  }
0xc7: {  	[sflag:s20] =	ssyncset.done $0x0  }
0xc8: {  	[sflag:s20] =	ssyncadd.s32 $0xFFFFF800  }
0xc9: {  	_ =	swait.ge [sflag:s21], $0x800  }
0xca: {  	[sflag:s21] =	ssyncset.done $0x0  }
0xcb: {  	[sflag:s21] =	ssyncadd.s32 $0xFFFFF800  }
0xcc: {  	_ =	swait.ge [sflag:s23], $0x800  }
0xcd: {  	[sflag:s23] =	ssyncset.done $0x0  }
0xce: {  	[sflag:s23] =	ssyncadd.s32 $0xFFFFF800  }
0xcf: {  	_ =	swait.ge [sflag:s14], $0x800  }
0xd0: {  	[sflag:s14] =	ssyncset.done $0x0  }
0xd1: {  	s29 =	simm.s32 $0x2600;
	[sflag:s14] =	ssyncadd.s32 $0xFFFFF800  }
0xd2: {  	[tilespmem:s0], [sflag:$0x1] =	stream.indirect.gather [spmem:s3], $0x10, s29, s16, $0xb8;
	[tilespmem:$0xBD90] =	vst v63  }
0xd3: {  	_ =	swait.ge [sflag:s19], $0x800  }
0xd4: {  	[sflag:s19] =	ssyncset.done $0x0  }
0xd5: {  	s30 =	simm.s32 $0x4D80;
	[sflag:s19] =	ssyncadd.s32 $0xFFFFF800  }
0xd6: {  	[spmem:s2] =	stream.indirect.scatter.add.f32 [tilespmem:s0], [sflag:$0x9], $0x10, s30, s16, $0xb8;
	[tilespmem:$0xBD90] =	vst v63  }
0xd7: {  	_ =	swait.ge [sflag:s11], $0x800  }
0xd8: {  	[sflag:s11] =	ssyncset.done $0x0  }
0xd9: {  	s31 =	simm.s32 $0x2680;
	[sflag:s11] =	ssyncadd.s32 $0xFFFFF800  }
0xda: {  	[tilespmem:s0], [sflag:$0x1] =	stream.indirect.gather [spmem:s3], $0x10, s31, s16, $0xb8;
	[tilespmem:$0xBD90] =	vst v63  }
0xdb: {  	_ =	swait.ge [sflag:s19], $0x800  }
0xdc: {  	[sflag:s19] =	ssyncset.done $0x0  }
0xdd: {  	s29 =	simm.s32 $0x4E00;
	[sflag:s19] =	ssyncadd.s32 $0xFFFFF800  }
0xde: {  	[spmem:s2] =	stream.indirect.scatter.add.f32 [tilespmem:s0], [sflag:$0x9], $0x10, s29, s16, $0xb8;
	[tilespmem:$0xBD90] =	vst v63  }
0xdf: {  	_ =	swait.ge [sflag:s11], $0x800  }
0xe0: {  	s28 =	simm.s32 @!p1 $0x80;
	[sflag:s11] =	ssyncset.done $0x0  }
0xe1: {  	s30 =	simm.s32 @!p1 $0x4F00;
	s29 =	simm.s32 @!p1 $0x2700;
	[sflag:s11] =	ssyncadd.s32 $0xFFFFF800  }
0xe2: {  	[tilespmem:s30], [sflag:$0x1] =	stream.indirect.gather @!p1 [spmem:s3], $0x10, s29, s28, $0xb8;
	[tilespmem:$0xBD90] =	vst v63  }
0xe3: {  	s29 =	simm.s32 @!p1 $0x1  }
0xe4: {  	_ =	swait.ge @!p1 [sflag:s29], $0x800  }
0xe5: {  	[sflag:s29] =	ssyncset.done @!p1 $0x0  }
0xe6: {  	[sflag:s29] =	ssyncadd.s32 @!p1 $0xFFFFF800;
	s29 =	simm.s32 @!p1 $0x4E80  }
0xe7: {  	[spmem:s2] =	stream.indirect.scatter.add.f32 @!p1 [tilespmem:s30], [sflag:$0x9], $0x10, s29, s28, $0xb8;
	[tilespmem:$0xBD90] =	vst v63  }
0xe8: {  	s28 =	simm.s32 @!p1 $0x9  }
0xe9: {  	_ =	swait.ge @!p1 [sflag:s28], $0x800  }
0xea: {  	[sflag:s28] =	ssyncset.done @!p1 $0x0  }
0xeb: {  	[sflag:s28] =	ssyncadd.s32 @!p1 $0xFFFFF800  }
0xec: {  	[bflag:$0x0] =	sbarrier.arrive $0xFFFF  }
0xed: {  	s30 =	rddreg [dreg:$0x4]  }
0xee: {  	s31 =	sshrl.u32 s5, $0x3;
	s28 =	sadd.s32 s30, s25  }
0xef: {  	[hbm:s28], [sflag:s15] =	dma.local [spmem:s31], $0x100  }
0xf0: {  	_ =	swait.ge [sflag:s11], $0x100  }
0xf1: {  	[sflag:s11] =	ssyncset.done $0x0;
	s30 =	rddreg [dreg:$0x6]  }
0xf2: {  	s31 =	sshrl.u32 s6, $0x3;
	[sflag:s11] =	ssyncadd.s32 $0xFFFFFF00;
	s28 =	sadd.s32 s30, s25  }
0xf3: {  	[hbm:s28], [sflag:s15] =	dma.local [spmem:s31], $0x100  }
0xf4: {  	_ =	swait.ge [sflag:s11], $0x100  }
0xf5: {  	[sflag:s11] =	ssyncset.done $0x0;
	s30 =	rddreg [dreg:$0x7]  }
0xf6: {  	s31 =	sshrl.u32 s7, $0x3;
	[sflag:s11] =	ssyncadd.s32 $0xFFFFFF00;
	s28 =	sadd.s32 s30, s25  }
0xf7: {  	[hbm:s28], [sflag:s15] =	dma.local [spmem:s31], $0x100  }
0xf8: {  	_ =	swait.ge [sflag:s11], $0x100  }
0xf9: {  	[sflag:s11] =	ssyncset.done $0x0;
	s30 =	rddreg [dreg:$0x8]  }
0xfa: {  	s31 =	sshrl.u32 s8, $0x3;
	[sflag:s11] =	ssyncadd.s32 $0xFFFFFF00;
	s28 =	sadd.s32 s30, s25  }
0xfb: {  	[hbm:s28], [sflag:s15] =	dma.local [spmem:s31], $0x100  }
0xfc: {  	_ =	swait.ge [sflag:s11], $0x100  }
0xfd: {  	[sflag:s11] =	ssyncset.done $0x0;
	s29 =	rddreg [dreg:$0x9]  }
0xfe: {  	s30 =	sshrl.u32 s9, $0x3;
	[sflag:s11] =	ssyncadd.s32 $0xFFFFFF00;
	s28 =	sadd.s32 s29, s25  }
0xff: {  	[hbm:s28], [sflag:s15] =	dma.local [spmem:s30], $0xF0  }
0x100: {  	_ =	swait.ge [sflag:s11], $0xF0  }
0x101: {  	s26 =	sadd.s32 $0x1, s26;
	s31 =	rddreg [dreg:$0x12]  }
0x102: {  	p2 =	sne.s32 s26, s31  }
.Ltmp2:
0x103: {  	_ = 	snop;
	(pc) =	sbr.rel @p2 .LBB2_1-.Ltmp2, $3  }
0x104: {  	_ =	sdelay $0x1  }
0x105: {  	[sflag:s11] =	ssyncset.done $0x0  }
0x106: {  	[sflag:s11] =	ssyncadd.s32 $0xFFFFFF10  }
0x107: {  	_ =	sfence.sel $0x180000  }
0x108: {  	[bflag:$0x0] =	sbarrier.arrive $0xFFFF  }
0x109: {  	_ =	strace $0x9000004D  }
0x10a: {  	s0 =	stileid.u32;
	[bflag:$0x2] =	sbarrier.arrive $0xFFFF  }
0x10b: {  	p0 =	sne.s32 s0, $0x0;
	s0 =	rddreg [dreg:$0x3]  }
0x10c: {  	s0 =	sadd.s32 @!p0 $0x100000, s0  }
0x10d: {  	[sflag:s0] =	ssyncadd.tile.s32 @!p0 $0x1;
	_ =	shalt  }
.Lfunc_end2:
_tile_overlayer_lowered:
.L_overlay_start_2:
0x10e: {  	(tag) =	ssettag $0x2  }
0x10f: {  	s0 =	rddreg [dreg:$0x0];
	s2 =	stileid.u32  }
0x110: {  	s1 =	rddreg [dreg:$0x1];
	p0 =	sne.s32 s2, $0x0  }
0x111: {  	s3 =	rddreg [dreg:$0x2];
	[bflag:$0x3] =	sbarrier.arrive $0xFFFF;
	s2 =	simm.s32 @!p0 $0x1C09  }
0x112: {  	[timem:s3], [sflag:s2] =	dma.local @!p0 [hbm:s0], s1  }
0x113: {  	s0 =	simm.s32 @!p0 $0x9  }
0x114: {  	_ =	swait.ge @!p0 [sflag:s0], s1  }
0x115: {  	s1 =	ssub.s32 @!p0 $0x0, s1;
	[sflag:s0] =	ssyncset.done @!p0 $0x0  }
0x116: {  	[sflag:s0] =	ssyncadd.s32 @!p0 s1  }
0x117: {  	[bflag:$0x3] =	sbarrier.arrive $0xFFFF  }
0x118: {  	_ =	shalt  }

// kernel: kernel.8.cloned.1.call-start
scs
__scs_entry_jumppad:
0x0: {  	(pc) =	sbr.rel $0x88, $3  }
0x1: {  	(tag) =	ssettag $0x0;
	lr =	simm.s32 $0x1  }
0x2: {  	[smem:$0x3F99] =	sst lr;
	_ =	strace $0xD0000000  }
0x3: {  	_ = 	snop  }
0x4: {  	_ = 	snop  }
0x5: {  	_ = 	snop  }
0x6: {  	_ = 	snop  }
0x7: {  	_ = 	snop  }
__scs_overlays_trampoline_lowered:
0x8: {  	[smem:$0x3FA8] =	sst s0  }
0x9: {  	[smem:$0x3FA9] =	sst s1  }
0xa: {  	[smem:$0x3FAA] =	sst s2  }
0xb: {  	[smem:$0x3FAB] =	sst s3  }
0xc: {  	[smem:$0x3FAC] =	sst s4  }
0xd: {  	[smem:$0x3FAD] =	sst s5  }
0xe: {  	[smem:$0x3FAE] =	sst s6  }
0xf: {  	[smem:$0x3FAF] =	sst s7  }
0x10: {  	[smem:$0x3FB0] =	sst s8  }
0x11: {  	[smem:$0x3FB1] =	sst s9;
	s0 =	simm.s32 @!p0 $0x0  }
0x12: {  	s1 =	sld [smem:$0x3F97];
	s0 =	simm.s32 @p0 $0x1  }
0x13: {  	[smem:$0x3FB2] =	sst s0;
	s0 =	simm.s32 @!p1 $0x0  }
0x14: {  	s2 =	sld [smem:$0x3F96];
	s0 =	simm.s32 @p1 $0x1  }
0x15: {  	[smem:$0x3FB3] =	sst s0;
	s0 =	simm.s32 @!p2 $0x0  }
0x16: {  	s3 =	sld [smem:$0x3FDB];
	s0 =	simm.s32 @p2 $0x1  }
0x17: {  	s4 =	simm.s32 $0x1BF5;
	[smem:$0x3FB5] =	sst s0  }
0x18: {  	s0 =	sld [smem:$0x3F98];
	_ =	swait.ge [sflag:s4], $0x0  }
0x19: {  	s7 =	sld [smem:$0x3F99]  }
0x1a: {  	s8 =	sadd.s32 $0xFFFFE003, lr  }
0x1b: {  	s9 =	sadd.s32 $0xFFFFFEF7, lr;
	s5 =	simm.s32 $0xFFFFFFFF;
	p2 =	slt.u32 s8, $0xFFFFF086  }
0x1c: {  	p1 =	slt.u32 s9, $0xF7A;
	s5 =	simm.s32 @!p2 $0x0  }
0x1d: {  	s5 =	simm.s32 @p1 $0x1;
	p0 =	seq.s32 s7, s2  }
0x1e: {  	s7 =	smul.u32 @!p0 $0xF7A, s2;
	p2 =	seq.s32 @!p0 s5, $0x0  }
0x1f: {  	s9 =	smul.u32 $0xF7A, s1;
	s8 =	simm.s32 @!p0 $0x1BF5;
	p2 =	por !p2, p0  }
0x20: {  	[sflag:s8] =	ssyncset.s32 @!p0 $0xFFFFF086;
	s6 =	sadd.s32 @!p0 s3, s7;
	s7 =	simm.s32 @!p0 $0x108  }
0x21: {  	s3 =	sadd.s32 s3, s9;
	s6 =	sadd.s32 @!p0 $0x88, s6;
	s7 =	simm.s32 @p2 $0x1082  }
0x22: {  	[simem:s7], [sflag:s8] =	dma.local @!p0 [hbm:s6], $0xF7A  }
0x23: {  	s9 =	sor.u32 $0xD0000000, s2;
	s6 =	simm.s32 $0x108;
	_ =	swait.ge @!p0 [sflag:s8], $0x0  }
0x24: {  	s3 =	sadd.s32 $0x88, s3;
	s6 =	simm.s32 @!p1 $0x1082;
	[sflag:s4] =	ssyncset.s32 $0xFFFFF086  }
0x25: {  	[simem:s6], [sflag:s4] =	dma.local [hbm:s3], $0xF7A  }
0x26: {  	[smem:$0x3F99] =	sst s1;
	(tag) =	ssettag s2;
	_ =	strace s9  }
0x27: {  	s1 =	sld [smem:$0x3FA9]  }
0x28: {  	s2 =	sld [smem:$0x3FAA]  }
0x29: {  	s4 =	sld [smem:$0x3FAC]  }
0x2a: {  	p0 =	seq.s32 s5, $0x0;
	s5 =	sld [smem:$0x3FAD]  }
0x2b: {  	s6 =	sld [smem:$0x3FAE]  }
0x2c: {  	s7 =	sld [smem:$0x3FAF]  }
0x2d: {  	s3 =	simm.s32 $0x108;
	s8 =	sld [smem:$0x3FB0]  }
0x2e: {  	s3 =	simm.s32 @!p0 $0x1082;
	s9 =	sld [smem:$0x3FB1]  }
0x2f: {  	lr =	sadd.s32 s0, s3;
	s0 =	sld [smem:$0x3FA8]  }
0x30: {  	s3 =	sld [smem:$0x3FAB]  }
0x31: {  	[smem:$0x3FB4] =	sst s10  }
0x32: {  	s10 =	sld [smem:$0x3FB2];
	_ =	sdelay $0x3  }
0x33: {  	p0 =	seq.s32 s10, $0x1;
	s10 =	sld [smem:$0x3FB4];
	_ =	sdelay $0x3  }
0x34: {  	[smem:$0x3FB4] =	sst s10  }
0x35: {  	s10 =	sld [smem:$0x3FB3];
	_ =	sdelay $0x3  }
0x36: {  	p1 =	seq.s32 s10, $0x1;
	s10 =	sld [smem:$0x3FB4];
	_ =	sdelay $0x3  }
0x37: {  	[smem:$0x3FB4] =	sst s10  }
0x38: {  	s10 =	sld [smem:$0x3FB5]  }
0x39: {  	_ = 	snop;
	(pc) =	sbr.ind lr, $3  }
0x3a: {  	_ = 	snop  }
0x3b: {  	_ = 	snop  }
0x3c: {  	p2 =	seq.s32 s10, $0x1;
	s10 =	sld [smem:$0x3FB4]  }
0x3d: {  	_ =	shalt  }
0x3e: {  	_ =	shalt  }
0x3f: {  	_ =	shalt  }
0x40: {  	_ =	shalt  }
0x41: {  	_ =	shalt  }
0x42: {  	_ =	shalt  }
0x43: {  	_ =	shalt  }
0x44: {  	_ =	shalt  }
0x45: {  	_ =	shalt  }
0x46: {  	_ =	shalt  }
0x47: {  	_ =	shalt  }
0x48: {  	_ =	shalt  }
0x49: {  	_ =	shalt  }
0x4a: {  	_ =	shalt  }
0x4b: {  	_ =	shalt  }
0x4c: {  	_ =	shalt  }
0x4d: {  	_ =	shalt  }
0x4e: {  	_ =	shalt  }
0x4f: {  	_ =	shalt  }
0x50: {  	_ =	shalt  }
0x51: {  	_ =	shalt  }
0x52: {  	_ =	shalt  }
0x53: {  	_ =	shalt  }
0x54: {  	_ =	shalt  }
0x55: {  	_ =	shalt  }
0x56: {  	_ =	shalt  }
0x57: {  	_ =	shalt  }
0x58: {  	_ =	shalt  }
0x59: {  	_ =	shalt  }
0x5a: {  	_ =	shalt  }
0x5b: {  	_ =	shalt  }
0x5c: {  	_ =	shalt  }
0x5d: {  	_ =	shalt  }
0x5e: {  	_ =	shalt  }
0x5f: {  	_ =	shalt  }
0x60: {  	_ =	shalt  }
0x61: {  	_ =	shalt  }
0x62: {  	_ =	shalt  }
0x63: {  	_ =	shalt  }
0x64: {  	_ =	shalt  }
0x65: {  	_ =	shalt  }
0x66: {  	_ =	shalt  }
0x67: {  	_ =	shalt  }
0x68: {  	_ =	shalt  }
0x69: {  	_ =	shalt  }
0x6a: {  	_ =	shalt  }
0x6b: {  	_ =	shalt  }
0x6c: {  	_ =	shalt  }
0x6d: {  	_ =	shalt  }
0x6e: {  	_ =	shalt  }
0x6f: {  	_ =	shalt  }
0x70: {  	_ =	shalt  }
0x71: {  	_ =	shalt  }
0x72: {  	_ =	shalt  }
0x73: {  	_ =	shalt  }
0x74: {  	_ =	shalt  }
0x75: {  	_ =	shalt  }
0x76: {  	_ =	shalt  }
0x77: {  	_ =	shalt  }
0x78: {  	_ =	shalt  }
0x79: {  	_ =	shalt  }
0x7a: {  	_ =	shalt  }
0x7b: {  	_ =	shalt  }
0x7c: {  	_ =	shalt  }
0x7d: {  	_ =	shalt  }
0x7e: {  	_ =	shalt  }
0x7f: {  	_ =	shalt  }
0x80: {  	_ =	shalt  }
0x81: {  	_ =	shalt  }
0x82: {  	_ =	shalt  }
0x83: {  	_ =	shalt  }
0x84: {  	_ =	shalt  }
0x85: {  	_ =	shalt  }
0x86: {  	_ =	shalt  }
0x87: {  	_ =	shalt  }
.Lfunc_end0:
.L_simem_size_0:
called_computation_lowered:
.L_overlay_start_0:
0x88: {  	s2 =	sld [smem:$0x3FD9]  }
0x89: {  	s3 =	sld [smem:$0x3FFE];
	_ =	sdelay $0x1  }
0x8a: {  	s1 =	srdreg.scid  }
0x8b: {  	s0 =	sand.u32 $0x1, s1  }
0x8c: {  	s16 =	sshll.u32 s0, $0xA;
	s2 =	sadd.s32 s3, s2  }
0x8d: {  	s2 =	sadd.s32 s2, s16  }
0x8e: {  	[smem:$0x3FC0] =	sst s2  }
0x8f: {  	_ = 	snop  }
0x90: {  	(tm) =	ssettm $0x1  }
0x91: {  	s17 =	sld [smem:$0x3FFB];
	_ =	sdelay $0x3  }
0x92: {  	_ =	strace s17  }
0x93: {  	s2 =	sld [smem:$0x3FFC];
	_ =	sdelay $0x3  }
0x94: {  	_ =	strace s2  }
0x95: {  	s2 =	sld [smem:$0x3FFD];
	_ =	sdelay $0x3  }
0x96: {  	_ =	strace s2  }
0x97: {  	_ =	strace $0x8FFFFFFF  }
0x98: {  	s18 =	sld [smem:$0x3FDB];
	_ =	sdelay $0x1  }
0x99: {  	s19 =	simm.s32 $_scs_section_size  }
0x9a: {  	s4 =	simm.s32 $_size__tile_overlayer_lowered;
	s5 =	simm.s32 $_tile_overlayer_lowered  }
0x9b: {  	s22 =	simm.s32 $0x1BFF;
	s21 =	sshll.u32 s5, $0x1;
	s2 =	sadd.s32 s19, s18  }
0x9c: {  	s6 =	simm.s32 $0x0;
	s20 =	sshll.u32 s4, $0x1;
	s4 =	sadd.s32 s21, s2  }
0x9d: {  	[timem:s6], [sflag:s22] =	dma.local [hbm:s4], s20  }
0x9e: {  	_ =	swait.ge [sflag:s22], s20  }
0x9f: {  	s3 =	ssub.s32 $0x0, s20;
	[sflag:s22] =	ssyncset.done $0x0  }
0xa0: {  	[sflag:s22] =	ssyncadd.s32 s3;
	_ =	sdelay $0x1  }
0xa1: {  	s23 =	simm.s32 $0x1B8B  }
0xa2: {  	_ =	swait.ge [sflag:s23], $0x1  }
0xa3: {  	[sflag:s23] =	ssyncset.done $0x0  }
0xa4: {  	s25 =	simm.s32 $0x1B8E;
	s24 =	sld [smem:$0x3FFE];
	[sflag:s23] =	ssyncadd.s32 $0xFFFFFFFF  }
0xa5: {  	s26 =	simm.s32 $execute0_lowered;
	[smem:$0x3FD2] =	sst s25  }
0xa6: {  	s4 =	sshll.u32 s26, $0x1;
	_ =	strace $0x80000046;
	[dreg:$0x1] =	wrdreg $0xFFFFFFFF  }
0xa7: {  	s28 =	simm.s32 $_size_execute0_lowered;
	s2 =	sadd.s32 s2, s4;
	[dreg:$0x0] =	wrdreg $0x0  }
0xa8: {  	s4 =	sshll.u32 s28, $0x1;
	[dreg:$0x2] =	wrdreg s2  }
0xa9: {  	[dreg:$0x3] =	wrdreg s4  }
0xaa: {  	[dreg:$0x4] =	wrdreg $0xC0  }
0xab: {  	_ =	task [dreg:s6], $0x5FFFF  }
0xac: {  	[dreg:$0x1] =	wrdreg $0xFFFFFFFF  }
0xad: {  	[dreg:$0x0] =	wrdreg $0x60  }
0xae: {  	[dreg:$0x2] =	wrdreg s24  }
0xaf: {  	[dreg:$0x3] =	wrdreg $0x37800  }
0xb0: {  	[dreg:$0x4] =	wrdreg $0x9  }
0xb1: {  	_ =	task.clear_ibuf [dreg:s6], $0x5FFFF;
	_ =	strace $0x90000046  }
0xb2: {  	s29 =	simm.s32 $0x9;
	_ =	strace $0x80000048  }
0xb3: {  	_ =	swait.ge [sflag:s29], $0x1  }
0xb4: {  	[sflag:s29] =	ssyncadd.s32 $0xFFFFFFFF  }
0xb5: {  	_ =	strace $0x90000048  }
0xb6: {  	_ =	sfence  }
0xb7: {  	s30 =	sld [smem:$0x0];
	_ =	sdelay $0x2  }
0xb8: {  	s31 =	sshll.u32 s1, $0xD;
	s1 =	sshrl.u32 s1, $0x2  }
0xb9: {  	s3 =	sand.u32 $0x4000, s31;
	s1 =	sadd.s32 s1, s30  }
0xba: {  	s0 =	sor.u32 s3, s0;
	s1 =	sshll.u32 s1, $0x11  }
0xbb: {  	s0 =	sor.u32 s1, s0  }
0xbc: {  	s0 =	sadd.s32 $0x8F2B, s0  }
0xbd: {  	[sflag:s0] =	ssyncadd.remote.s32 $0x1  }
0xbe: {  	_ =	sfence.sel $0xFFFF  }
0xbf: {  	[dreg:$0x0] =	wrdreg $0xFFFFFFFF;
	(pc) =	sbr.abs _section_cstart, $3  }
0xc0: {  	[dreg:$0x1] =	wrdreg $0xFFFFFFFF  }
0xc1: {  	_ =	task.clear_ibuf [dreg:s6], $0x2FFFF;
	_ =	strace $0x9FFFFFFF  }
0xc2: {  	(tm) =	ssettm $0x7FFFFFFF  }
0xc3: {  	_ =	shalt  }
tec
execute0_lowered:
.L_overlay_start_1:
0x0: {  	(tag) =	ssettag $0x1  }
0x1: {  	s1 =	srdreg.scid  }
0x2: {  	s0 =	stileid.u32;
	s4 =	rddreg [dreg:$0x0];
	s3 =	simm.s32 $0x0  }
0x3: {  	s17 =	simm.s32 $0x180;
	s18 =	simm.s32 $0x1;
	s19 =	simm.s32 $0x2  }
0x4: {  	s28 =	simm.s32 $0x2600;
	s29 =	simm.s32 $0x2680;
	s30 =	simm.s32 $0x0  }
0x5: {  	s1 =	sand.u32 $0x1, s1;
	s2 =	sshll.u32 s0, $0x1;
	[smem:$0x7FF] =	sst s3  }
0x6: {  	s11 =	smul.u32 $0x2780, s0;
	p0 =	sgt.u32 s0, $0x1;
	s5 =	sor.u32 s1, s2  }
0x7: {  	s2 =	rddreg [dreg:$0x1];
	s26 =	smul.u32 $0x4F00, s1;
	s1 =	ssub.s32 $0x2, s1  }
0x8: {  	_ =	strace $0x80000047;
	s6 =	smul.u32 $0x4E, s5;
	s5 =	smin.u32 s5, $0x4  }
0x9: {  	s31 =	sshrl.u32 s1, $0x1;
	s13 =	sadd.s32 $0x800, s11;
	s14 =	sadd.s32 $0x1000, s11  }
0xa: {  	s15 =	sadd.s32 $0x1800, s11;
	s16 =	sadd.s32 $0x2000, s11;
	s20 =	sshrl.u32 s11, $0x3  }
0xb: {  	s12 =	sadd.s32 s26, s4;
	s1 =	ssub.s32 s1, s31;
	s7 =	sadd.s32 s15, s2  }
0xc: {  	s8 =	sadd.s32 s16, s2;
	s21 =	sshrl.u32 s13, $0x3;
	s22 =	sshrl.u32 s14, $0x3  }
0xd: {  	s23 =	sshrl.u32 s15, $0x3;
	s25 =	sshrl.u32 s16, $0x3;
	s15 =	simm.s32 $0x2780  }
0xe: {  	s16 =	simm.s32 $0x100;
	s26 =	simm.s32 $0x4;
	s5 =	sadd.s32 s5, s6  }
0xf: {  	s6 =	sadd.s32 s14, s2;
	s24 =	sadd.s32 $0x15C00, s12;
	s12 =	simm.s32 $0x2F80  }
0x10: {  	s14 =	simm.s32 $0x80;
	s5 =	sshll.u32 s5, $0x4;
	s20 =	sadd.s32 s20, s24  }
0x11: {  	s21 =	sadd.s32 s21, s24;
	s22 =	sadd.s32 s22, s24;
	s23 =	sadd.s32 s23, s24  }
0x12: {  	s24 =	sadd.s32 s25, s24;
	s25 =	simm.s32 $0x3;
	s10 =	sadd.s32 s5, s4  }
0x13: {  	s4 =	sadd.s32 s11, s2;
	s5 =	sadd.s32 s13, s2;
	s11 =	smax.u32 s1, $0x1  }
0x14: {  	v0 =	vimm.f32 $1.000000000e+00;
	v1 =	vimm.f32 $0.0e+00;
	s13 =	simm.s32 $0x5;
	s9 =	sadd.s32 $0xBE40, s10;
	s10 =	sadd.s32 $0xC320, s10  }
.LBB2_1:
0x15: {  	s1 =	simm.s32 $0x0  }
.LBB2_2:
0x16: {  	p1 =	sne.s32 s1, $0x1FC0  }
.Ltmp0:
0x17: {  	_ = 	snop;
	(pc) =	sbr.rel @p1 .LBB2_2-.Ltmp0, $3  }
0x18: {  	_ =	sdelay $0x1  }
0x19: {  	s31 =	sshra.s32 s1, $0x2  }
0x1a: {  	s1 =	sadd.s32 $0x40, s1;
	[tilespmem:s31+$0x2780] =	vst v0  }
0x1b: {  	s31 =	simm.s32 $0x40;
	s1 =	simm.s32 $0x0  }
.LBB2_4:
0x1c: {  	p1 =	sne.s32 s31, $0x1FC0;
	[tilespmem:s1+$0x2F80] =	vst v1;
	s1 =	smov.u32 s31;
	s31 =	sadd.s32 $0x40, s31  }
.Ltmp1:
0x1d: {  	(pc) =	sbr.rel @p1 .LBB2_4-.Ltmp1, $2  }
0x1e: {  	_ =	sdelay $0x2  }
0x1f: {  	s1 =	sshra.s32 s1, $0x2  }
0x20: {  	[tilespmem:s1+$0x2F80] =	vst v1  }
0x21: {  	[spmem:s4] =	stream.linear.scatter [tilespmem:s12], [sflag:$0x5], $0x800, $0x38;
	[tilespmem:$0x5F00] =	vst v63  }
0x22: {  	_ =	swait.ge [sflag:s13], $0x800  }
0x23: {  	[sflag:s13] =	ssyncset.done $0x0  }
0x24: {  	[sflag:s13] =	ssyncadd.s32 $0xFFFFF800  }
0x25: {  	[spmem:s5] =	stream.linear.scatter [tilespmem:s12], [sflag:$0x5], $0x800, $0x38;
	[tilespmem:$0x5F00] =	vst v63  }
0x26: {  	_ =	swait.ge [sflag:s13], $0x800  }
0x27: {  	[sflag:s13] =	ssyncset.done $0x0  }
0x28: {  	[sflag:s13] =	ssyncadd.s32 $0xFFFFF800  }
0x29: {  	[spmem:s6] =	stream.linear.scatter [tilespmem:s12], [sflag:$0x5], $0x800, $0x38;
	[tilespmem:$0x5F00] =	vst v63  }
0x2a: {  	_ =	swait.ge [sflag:s13], $0x800  }
0x2b: {  	[sflag:s13] =	ssyncset.done $0x0  }
0x2c: {  	[sflag:s13] =	ssyncadd.s32 $0xFFFFF800  }
0x2d: {  	[spmem:s7] =	stream.linear.scatter [tilespmem:s12], [sflag:$0x5], $0x800, $0x38;
	[tilespmem:$0x5F00] =	vst v63  }
0x2e: {  	_ =	swait.ge [sflag:s13], $0x800  }
0x2f: {  	[sflag:s13] =	ssyncset.done $0x0  }
0x30: {  	[sflag:s13] =	ssyncadd.s32 $0xFFFFF800  }
0x31: {  	[spmem:s8] =	stream.linear.scatter [tilespmem:s12], [sflag:$0x5], $0x780, $0x38;
	[tilespmem:$0x5F00] =	vst v63  }
0x32: {  	_ =	swait.ge [sflag:s13], $0x780  }
0x33: {  	[sflag:s13] =	ssyncset.done $0x0  }
0x34: {  	[sflag:s13] =	ssyncadd.s32 $0xFFFFF880  }
0x35: {  	[bflag:$0x0] =	sbarrier.arrive $0xFFFF  }
0x36: {  	[tilespmem:s3], [sflag:$0x5] =	stream.linear.gather [hbm4b:s9+s3], $0x2700, $0x38;
	[tilespmem:$0x5F00] =	vst v63  }
0x37: {  	_ =	swait.ge [sflag:s13], $0x2700  }
0x38: {  	[sflag:s13] =	ssyncset.done $0x0  }
0x39: {  	s1 =	simm.s32 @!p0 $0x0;
	s31 =	simm.s32 @!p0 $0x2700;
	[sflag:s13] =	ssyncadd.s32 $0xFFFFD900  }
0x3a: {  	[tilespmem:s31], [sflag:$0x5] =	stream.linear.gather @!p0 [hbm4b:s10+s1], $0x80, $0x38;
	[tilespmem:$0x5F00] =	vst v63  }
0x3b: {  	s1 =	simm.s32 @!p0 $0x5  }
0x3c: {  	_ =	swait.ge @!p0 [sflag:s1], $0x80  }
0x3d: {  	[sflag:s1] =	ssyncset.done @!p0 $0x0  }
0x3e: {  	[sflag:s1] =	ssyncadd.s32 @!p0 $0xFFFFFF80  }
0x3f: {  	[spmem:s2] =	stream.indirect.scatter.add.f32 [tilespmem:s15], [sflag:$0x1], $0x10, s3, s14, $0xb8;
	[tilespmem:$0x5F00] =	vst v63  }
0x40: {  	_ = 	snop  }
0x41: {  	[spmem:s2] =	stream.indirect.scatter.add.f32 [tilespmem:s15], [sflag:$0x2], $0x10, s14, s14, $0xb8;
	[tilespmem:$0x5F00] =	vst v63  }
0x42: {  	_ = 	snop  }
0x43: {  	[spmem:s2] =	stream.indirect.scatter.add.f32 [tilespmem:s15], [sflag:$0x3], $0x10, s16, s14, $0xb8;
	[tilespmem:$0x5F00] =	vst v63  }
0x44: {  	_ = 	snop  }
0x45: {  	[spmem:s2] =	stream.indirect.scatter.add.f32 [tilespmem:s15], [sflag:$0x4], $0x10, s17, s14, $0xb8;
	[tilespmem:$0x5F00] =	vst v63  }
0x46: {  	_ =	swait.ge [sflag:s18], $0x800  }
0x47: {  	[sflag:s18] =	ssyncset.done $0x0  }
0x48: {  	s0 =	simm.s32 $0x200;
	[sflag:s18] =	ssyncadd.s32 $0xFFFFF800  }
0x49: {  	[spmem:s2] =	stream.indirect.scatter.add.f32 [tilespmem:s15], [sflag:$0x1], $0x10, s0, s14, $0xb8;
	[tilespmem:$0x5F00] =	vst v63  }
0x4a: {  	_ =	swait.ge [sflag:s19], $0x800  }
0x4b: {  	[sflag:s19] =	ssyncset.done $0x0  }
0x4c: {  	s0 =	simm.s32 $0x280;
	[sflag:s19] =	ssyncadd.s32 $0xFFFFF800  }
0x4d: {  	[spmem:s2] =	stream.indirect.scatter.add.f32 [tilespmem:s15], [sflag:$0x2], $0x10, s0, s14, $0xb8;
	[tilespmem:$0x5F00] =	vst v63  }
0x4e: {  	_ =	swait.ge [sflag:s25], $0x800  }
0x4f: {  	[sflag:s25] =	ssyncset.done $0x0  }
0x50: {  	s0 =	simm.s32 $0x300;
	[sflag:s25] =	ssyncadd.s32 $0xFFFFF800  }
0x51: {  	[spmem:s2] =	stream.indirect.scatter.add.f32 [tilespmem:s15], [sflag:$0x3], $0x10, s0, s14, $0xb8;
	[tilespmem:$0x5F00] =	vst v63  }
0x52: {  	_ =	swait.ge [sflag:s26], $0x800  }
0x53: {  	[sflag:s26] =	ssyncset.done $0x0  }
0x54: {  	s31 =	simm.s32 $0xFFFF7800;
	s1 =	simm.s32 $0x380;
	[sflag:s26] =	ssyncadd.s32 $0xFFFFF800  }
.LBB2_6:
0x55: {  	[spmem:s2] =	stream.indirect.scatter.add.f32 [tilespmem:s15], [sflag:$0x4], $0x10, s1, s14, $0xb8;
	[tilespmem:$0x5F00] =	vst v63  }
0x56: {  	s1 =	smov.u32 s31  }
0x57: {  	p1 =	sne.s32 s31, $0xFFFFF800;
	s31 =	sadd.s32 $0x800, s31;
	_ =	swait.ge [sflag:s18], $0x800  }
0x58: {  	s1 =	sshra.s32 s1, $0x2;
	[sflag:s18] =	ssyncset.done $0x0  }
0x59: {  	s0 =	sadd.s32 $0x2600, s1;
	[sflag:s18] =	ssyncadd.s32 $0xFFFFF800  }
0x5a: {  	[spmem:s2] =	stream.indirect.scatter.add.f32 [tilespmem:s15], [sflag:$0x1], $0x10, s0, s14, $0xb8;
	[tilespmem:$0x5F00] =	vst v63  }
0x5b: {  	_ =	swait.ge [sflag:s19], $0x800  }
0x5c: {  	[sflag:s19] =	ssyncset.done $0x0  }
0x5d: {  	s0 =	sadd.s32 $0x2680, s1;
	[sflag:s19] =	ssyncadd.s32 $0xFFFFF800  }
0x5e: {  	[spmem:s2] =	stream.indirect.scatter.add.f32 [tilespmem:s15], [sflag:$0x2], $0x10, s0, s14, $0xb8;
	[tilespmem:$0x5F00] =	vst v63  }
0x5f: {  	_ =	swait.ge [sflag:s25], $0x800  }
0x60: {  	[sflag:s25] =	ssyncset.done $0x0  }
.Ltmp2:
0x61: {  	s0 =	sadd.s32 $0x2700, s1;
	[sflag:s25] =	ssyncadd.s32 $0xFFFFF800;
	(pc) =	sbr.rel @p1 .LBB2_6-.Ltmp2, $4  }
0x62: {  	[spmem:s2] =	stream.indirect.scatter.add.f32 [tilespmem:s15], [sflag:$0x3], $0x10, s0, s14, $0xb8;
	[tilespmem:$0x5F00] =	vst v63  }
0x63: {  	_ =	swait.ge [sflag:s26], $0x800  }
0x64: {  	[sflag:s26] =	ssyncset.done $0x0  }
0x65: {  	s1 =	sadd.s32 $0x2780, s1;
	[sflag:s26] =	ssyncadd.s32 $0xFFFFF800  }
0x66: {  	[spmem:s2] =	stream.indirect.scatter.add.f32 [tilespmem:s15], [sflag:$0x4], $0x10, s1, s14, $0xb8;
	[tilespmem:$0x5F00] =	vst v63  }
0x67: {  	_ =	swait.ge [sflag:s18], $0x800  }
0x68: {  	[sflag:s18] =	ssyncset.done $0x0  }
0x69: {  	[sflag:s18] =	ssyncadd.s32 $0xFFFFF800  }
0x6a: {  	_ =	swait.ge [sflag:s19], $0x800  }
0x6b: {  	[sflag:s19] =	ssyncset.done $0x0  }
0x6c: {  	[sflag:s19] =	ssyncadd.s32 $0xFFFFF800  }
0x6d: {  	_ =	swait.ge [sflag:s25], $0x800  }
0x6e: {  	[sflag:s25] =	ssyncset.done $0x0  }
0x6f: {  	[sflag:s25] =	ssyncadd.s32 $0xFFFFF800  }
0x70: {  	_ =	swait.ge [sflag:s26], $0x800  }
0x71: {  	[sflag:s26] =	ssyncset.done $0x0  }
0x72: {  	[sflag:s26] =	ssyncadd.s32 $0xFFFFF800  }
0x73: {  	[spmem:s2] =	stream.indirect.scatter.add.f32 [tilespmem:s15], [sflag:$0x5], $0x10, s28, s14, $0xb8;
	[tilespmem:$0x5F00] =	vst v63  }
0x74: {  	_ =	swait.ge [sflag:s13], $0x800  }
0x75: {  	[sflag:s13] =	ssyncset.done $0x0  }
0x76: {  	[sflag:s13] =	ssyncadd.s32 $0xFFFFF800  }
0x77: {  	[spmem:s2] =	stream.indirect.scatter.add.f32 [tilespmem:s15], [sflag:$0x5], $0x10, s29, s14, $0xb8;
	[tilespmem:$0x5F00] =	vst v63  }
0x78: {  	_ =	swait.ge [sflag:s13], $0x800  }
0x79: {  	s0 =	simm.s32 @!p0 $0x80;
	[sflag:s13] =	ssyncset.done $0x0  }
0x7a: {  	s1 =	simm.s32 @!p0 $0x2700;
	s31 =	simm.s32 @!p0 $0x2780;
	[sflag:s13] =	ssyncadd.s32 $0xFFFFF800  }
0x7b: {  	[spmem:s2] =	stream.indirect.scatter.add.f32 @!p0 [tilespmem:s31], [sflag:$0x5], $0x10, s1, s0, $0xb8;
	[tilespmem:$0x5F00] =	vst v63  }
0x7c: {  	s0 =	simm.s32 @!p0 $0x5  }
0x7d: {  	_ =	swait.ge @!p0 [sflag:s0], $0x800  }
0x7e: {  	s1 =	stileid.u32;
	[sflag:s0] =	ssyncset.done @!p0 $0x0  }
0x7f: {  	[sflag:s0] =	ssyncadd.s32 @!p0 $0xFFFFF800;
	s0 =	sshll.u32 s1, $0x6  }
0x80: {  	s31 =	sshrl.u32 s4, $0x3;
	[bflag:$0x0] =	sbarrier.arrive $0xFFFF;
	s0 =	sor.u32 $0x1C05, s0  }
0x81: {  	[hbm:s20], [sflag:s0] =	dma.local [spmem:s31], $0x100  }
0x82: {  	_ =	swait.ge [sflag:s13], $0x100  }
0x83: {  	[sflag:s13] =	ssyncset.done $0x0  }
0x84: {  	s31 =	sshrl.u32 s5, $0x3;
	[sflag:s13] =	ssyncadd.s32 $0xFFFFFF00  }
0x85: {  	[hbm:s21], [sflag:s0] =	dma.local [spmem:s31], $0x100  }
0x86: {  	_ =	swait.ge [sflag:s13], $0x100  }
0x87: {  	[sflag:s13] =	ssyncset.done $0x0  }
0x88: {  	s31 =	sshrl.u32 s6, $0x3;
	[sflag:s13] =	ssyncadd.s32 $0xFFFFFF00  }
0x89: {  	[hbm:s22], [sflag:s0] =	dma.local [spmem:s31], $0x100  }
0x8a: {  	_ =	swait.ge [sflag:s13], $0x100  }
0x8b: {  	[sflag:s13] =	ssyncset.done $0x0  }
0x8c: {  	s31 =	sshrl.u32 s7, $0x3;
	[sflag:s13] =	ssyncadd.s32 $0xFFFFFF00  }
0x8d: {  	[hbm:s23], [sflag:s0] =	dma.local [spmem:s31], $0x100  }
0x8e: {  	s30 =	sadd.s32 $0x1, s30;
	_ =	swait.ge [sflag:s13], $0x100  }
0x8f: {  	p1 =	sne.s32 s30, s11;
	[sflag:s13] =	ssyncset.done $0x0  }
.Ltmp3:
0x90: {  	s31 =	sshrl.u32 s8, $0x3;
	[sflag:s13] =	ssyncadd.s32 $0xFFFFFF00;
	(pc) =	sbr.rel @p1 .LBB2_1-.Ltmp3, $4  }
0x91: {  	[hbm:s24], [sflag:s0] =	dma.local [spmem:s31], $0xF0  }
0x92: {  	_ =	swait.ge [sflag:s13], $0xF0  }
0x93: {  	[sflag:s13] =	ssyncset.done $0x0  }
0x94: {  	[sflag:s13] =	ssyncadd.s32 $0xFFFFFF10  }
0x95: {  	_ =	sfence.sel $0x180000  }
0x96: {  	[bflag:$0x0] =	sbarrier.arrive $0xFFFF  }
0x97: {  	_ =	strace $0x90000047  }
0x98: {  	s0 =	stileid.u32;
	[bflag:$0x2] =	sbarrier.arrive $0xFFFF  }
0x99: {  	p0 =	sne.s32 s0, $0x0;
	s0 =	rddreg [dreg:$0x2]  }
0x9a: {  	s0 =	sadd.s32 @!p0 $0x100000, s0  }
0x9b: {  	[sflag:s0] =	ssyncadd.tile.s32 @!p0 $0x1;
	_ =	shalt  }
.Lfunc_end2:
_tile_overlayer_lowered:
.L_overlay_start_2:
0x9c: {  	(tag) =	ssettag $0x2  }
0x9d: {  	s0 =	rddreg [dreg:$0x0];
	s2 =	stileid.u32  }
0x9e: {  	s1 =	rddreg [dreg:$0x1];
	p0 =	sne.s32 s2, $0x0  }
0x9f: {  	s3 =	rddreg [dreg:$0x2];
	[bflag:$0x3] =	sbarrier.arrive $0xFFFF;
	s2 =	simm.s32 @!p0 $0x1C05  }
0xa0: {  	[timem:s3], [sflag:s2] =	dma.local @!p0 [hbm:s0], s1  }
0xa1: {  	s0 =	simm.s32 @!p0 $0x5  }
0xa2: {  	_ =	swait.ge @!p0 [sflag:s0], s1  }
0xa3: {  	s1 =	ssub.s32 @!p0 $0x0, s1;
	[sflag:s0] =	ssyncset.done @!p0 $0x0  }
0xa4: {  	[sflag:s0] =	ssyncadd.s32 @!p0 s1  }
0xa5: {  	[bflag:$0x3] =	sbarrier.arrive $0xFFFF  }
0xa6: {  	_ =	shalt  }

</sc_bundles>
